<compile_context>
chip_gen: v7x
topology: tpu7x:2x2x1
jax: 0.10.2.dev20260603
libtpu: 0.0.44.dev20260713+nightly
codegen_flags: <defaults>
</compile_context>

<pallas_src>
import functools

import jax
import jax.numpy as jnp
from jax import lax
from jax.experimental import pallas as pl
from jax.experimental.pallas import tpu as pltpu
from jax.experimental.pallas import tpu_sc as plsc

_INFO = plsc.get_sparse_core_info()
_NC = _INFO.num_cores
_NS = _INFO.num_subcores
_NW = _NC * _NS
_L = _INFO.num_lanes

_D = 2048
_R = 8
_UNROLL = 8
_BATCH = 4


def _sc_body(x_hbm, pos_hbm, out_hbm,
             x0, x1, x2, x3, p0, p1,
             is0, is1, is2, is3, os0, os1, os2, os3, ps0, ps1):
    xbufs = (x0, x1, x2, x3)
    pbufs = (p0, p1)
    isems = (is0, is1, is2, is3)
    osems = (os0, os1, os2, os3)
    psems = (ps0, ps1)

    wid = lax.axis_index("s") * _NC + lax.axis_index("c")
    seq_len = pos_hbm.shape[0]
    rows_per_worker = seq_len // _NW
    n_chunks = rows_per_worker // _R
    n_pairs = n_chunks // 2
    base = wid * rows_per_worker

    def row0(r):
        return base + r * _R

    def start_pos(r, q):
        pltpu.async_copy(
            pos_hbm.at[pl.ds(row0(r), _R), :], pbufs[q], psems[q])

    def wait_pos(r, q):
        pltpu.make_async_copy(
            pos_hbm.at[pl.ds(row0(r), _R), :], pbufs[q], psems[q]).wait()

    def start_in(r, u):
        pltpu.async_copy(
            x_hbm.at[u, pl.ds(row0(r), _R), :], xbufs[u], isems[u])

    def wait_in(r, u):
        pltpu.make_async_copy(
            x_hbm.at[u, pl.ds(row0(r), _R), :], xbufs[u], isems[u]).wait()

    def start_out(r, u):
        pltpu.async_copy(
            xbufs[u], out_hbm.at[u, pl.ds(row0(r), _R), :], osems[u])

    def wait_out(r, u):
        pltpu.make_async_copy(
            xbufs[u], out_hbm.at[u, pl.ds(row0(r), _R), :], osems[u]).wait()

    start_pos(0, 0)
    start_pos(1, 1)
    start_in(0, 0)
    start_in(0, 1)

    def pair_step(k2, _):
        for parity in range(2):
            r = 2 * k2 + parity
            q = parity
            for u in range(_BATCH):
                wait_in(r, u)
                if parity == 0 and u < 2:
                    @pl.when(k2 > 0)
                    def _():
                        wait_out(r - 1, (u + 2) % _BATCH)
                else:
                    wait_out(r if u >= 2 else r - 1, (u + 2) % _BATCH)
                if u == 0:
                    wait_pos(r, q)

                if parity == 1 and u >= 2:
                    @pl.when(k2 < n_pairs - 1)
                    def _():
                        start_in(r + 1, (u + 2) % _BATCH)
                else:
                    nr = r if u < 2 else r + 1
                    start_in(nr, (u + 2) % _BATCH)

                for rr in range(_R):
                    @plsc.parallel_loop(0, _D // _L, unroll=_UNROLL)
                    def _(j, rr=rr):
                        kk = j * _L
                        plsc.addupdate(
                            xbufs[u].at[rr, pl.ds(kk, _L)],
                            pbufs[q][rr, pl.ds(kk, _L)])
                start_out(r, u)

            @pl.when(k2 < n_pairs - 1)
            def _():
                start_pos(r + 2, q)
        return 0

    lax.fori_loop(0, n_pairs, pair_step, 0)

    wait_out(n_chunks - 1, 2)
    wait_out(n_chunks - 1, 3)


def kernel(x, pos_emb_weight):
    batch, seq_len, d_model = x.shape
    mesh = plsc.VectorSubcoreMesh(core_axis_name="c", subcore_axis_name="s")
    run = functools.partial(
        pl.kernel,
        out_type=jax.ShapeDtypeStruct(x.shape, x.dtype),
        mesh=mesh,
        scratch_types=(
            [pltpu.VMEM((_R, _D), jnp.float32)] * 4
            + [pltpu.VMEM((_R, _D), jnp.float32)] * 2
            + [pltpu.SemaphoreType.DMA] * 10
        ),
    )(_sc_body)
    return run(x, pos_emb_weight)

# --- scband reference (transcript-rebuilt; emitter-appended) ---
"""Pipeline reference for scband-position-embedding-42314017800687 (READ-ONLY COPY).

The authoritative reference and input builder live on the scoring server;
editing this copy changes nothing except your own understanding.
"""

import jax, jax.numpy as jnp
import numpy as np

D_MODEL = 2048
SEQ_LEN = 8192
BATCH = 4

def setup_inputs(seed: int = 0) -> dict:
    key = jax.random.key(seed)
    k1, k2 = jax.random.split(key)
    x = jax.random.normal(k1, (BATCH, SEQ_LEN, D_MODEL), dtype=jnp.float32)
    # nn.Embedding default init: N(0, 1)
    pos_emb_weight = jax.random.normal(k2, (SEQ_LEN, D_MODEL), dtype=jnp.float32)
    return {"x": x, "pos_emb_weight": pos_emb_weight}

def reference(x, pos_emb_weight):
    seq_len = x.shape[1]
    position_ids = jnp.arange(seq_len)
    pos = jnp.take(pos_emb_weight, position_ids, axis=0)  # (seq_len, d_model)
    out = x + pos[None, :, :]
    # dropout p=0.0 -> identity (eval-equivalent)
    return out

if __name__ == "__main__":
    import jax
    _d = setup_inputs()
    print(jax.jit(kernel)(*tuple(_d.values())))

</pallas_src>

<mosaic_0001>
#map = affine_map<(d0, d1) -> (0, 0, 0)>
#map1 = affine_map<(d0, d1) -> (0, 0)>
module attributes {stable_mosaic.version = 14 : i64} {
  func.func @_sc_body(%arg0: i32, %arg1: i32, %arg2: memref<4x8192x2048xf32, #tpu.memory_space<hbm>>, %arg3: memref<8192x2048xf32, #tpu.memory_space<hbm>>, %arg4: memref<4x8192x2048xf32, #tpu.memory_space<hbm>>, %arg5: memref<8x2048xf32, #tpu.memory_space<vmem>>, %arg6: memref<8x2048xf32, #tpu.memory_space<vmem>>, %arg7: memref<8x2048xf32, #tpu.memory_space<vmem>>, %arg8: memref<8x2048xf32, #tpu.memory_space<vmem>>, %arg9: memref<8x2048xf32, #tpu.memory_space<vmem>>, %arg10: memref<8x2048xf32, #tpu.memory_space<vmem>>, %arg11: memref<!tpu.dma_semaphore, #tpu.memory_space<semaphore_mem>>, %arg12: memref<!tpu.dma_semaphore, #tpu.memory_space<semaphore_mem>>, %arg13: memref<!tpu.dma_semaphore, #tpu.memory_space<semaphore_mem>>, %arg14: memref<!tpu.dma_semaphore, #tpu.memory_space<semaphore_mem>>, %arg15: memref<!tpu.dma_semaphore, #tpu.memory_space<semaphore_mem>>, %arg16: memref<!tpu.dma_semaphore, #tpu.memory_space<semaphore_mem>>, %arg17: memref<!tpu.dma_semaphore, #tpu.memory_space<semaphore_mem>>, %arg18: memref<!tpu.dma_semaphore, #tpu.memory_space<semaphore_mem>>, %arg19: memref<!tpu.dma_semaphore, #tpu.memory_space<semaphore_mem>>, %arg20: memref<!tpu.dma_semaphore, #tpu.memory_space<semaphore_mem>>) attributes {dimension_semantics = [#tpu.dimension_semantics<core_parallel>, #tpu.dimension_semantics<subcore_parallel>], iteration_bounds = array<i64: 2, 16>, scalar_prefetch = 0 : i64, scratch_operands = 16 : i64, tpu.core_type = #tpu.core_type<sc_vector_subcore>, window_params = [{transform_indices = #map}, {transform_indices = #map1}, {transform_indices = #map}]} {
    %mul3A = arith.constant 2 : i32
    %mul3A_0 = arith.muli %arg1, %mul3A : i32
    %add3A = arith.addi %mul3A_0, %arg0 : i32
    %mul3A_1 = arith.constant 256 : i32
    %mul3A_2 = arith.muli %add3A, %mul3A_1 : i32
    %add3A_3 = arith.constant 0 : i32
    %add3A_4 = arith.addi %mul3A_2, %add3A_3 : i32
    %dma_start3A = arith.constant 0 : i32
    %dma_start3A_5 = tpu.memref_slice %arg3[%add3A_4, %dma_start3A] : memref<8192x2048xf32, #tpu.memory_space<hbm>> -> memref<8x2048xf32, #tpu.memory_space<hbm>>
    %dma_start3A_6 = arith.constant 0 : i32
    %dma_start3A_7 = tpu.memref_slice %arg3[%add3A_4, %dma_start3A_6] : memref<8192x2048xf32, #tpu.memory_space<hbm>> -> memref<8x2048xf32, #tpu.memory_space<hbm>>
    tpu.enqueue_dma source(%dma_start3A_7 : memref<8x2048xf32, #tpu.memory_space<hbm>>) target(%arg9 : memref<8x2048xf32, #tpu.memory_space<vmem>>) target_semaphore(%arg19 : memref<!tpu.dma_semaphore, #tpu.memory_space<semaphore_mem>>)
    %add3A_8 = arith.constant 8 : i32
    %add3A_9 = arith.addi %mul3A_2, %add3A_8 : i32
    %dma_start3A_10 = arith.constant 0 : i32
    %dma_start3A_11 = tpu.memref_slice %arg3[%add3A_9, %dma_start3A_10] : memref<8192x2048xf32, #tpu.memory_space<hbm>> -> memref<8x2048xf32, #tpu.memory_space<hbm>>
    %dma_start3A_12 = arith.constant 0 : i32
    %dma_start3A_13 = tpu.memref_slice %arg3[%add3A_9, %dma_start3A_12] : memref<8192x2048xf32, #tpu.memory_space<hbm>> -> memref<8x2048xf32, #tpu.memory_space<hbm>>
    tpu.enqueue_dma source(%dma_start3A_13 : memref<8x2048xf32, #tpu.memory_space<hbm>>) target(%arg10 : memref<8x2048xf32, #tpu.memory_space<vmem>>) target_semaphore(%arg20 : memref<!tpu.dma_semaphore, #tpu.memory_space<semaphore_mem>>)
    %add3A_14 = arith.constant 0 : i32
    %add3A_15 = arith.addi %mul3A_2, %add3A_14 : i32
    %dma_start3A_16 = arith.constant 0 : i32
    %dma_start3A_17 = arith.constant 0 : i32
    %dma_start3A_18 = tpu.memref_slice %arg2[%dma_start3A_16, %add3A_15, %dma_start3A_17] : memref<4x8192x2048xf32, #tpu.memory_space<hbm>> -> memref<1x8x2048xf32, #tpu.memory_space<hbm>>
    %dma_start3A_19 = tpu.memref_squeeze %dma_start3A_18 : memref<1x8x2048xf32, #tpu.memory_space<hbm>> -> memref<8x2048xf32, #tpu.memory_space<hbm>>
    %dma_start3A_20 = arith.constant 0 : i32
    %dma_start3A_21 = tpu.memref_slice %arg2[%dma_start3A_16, %add3A_15, %dma_start3A_20] : memref<4x8192x2048xf32, #tpu.memory_space<hbm>> -> memref<1x8x2048xf32, #tpu.memory_space<hbm>>
    %dma_start3A_22 = tpu.memref_squeeze %dma_start3A_21 : memref<1x8x2048xf32, #tpu.memory_space<hbm>> -> memref<8x2048xf32, #tpu.memory_space<hbm>>
    tpu.enqueue_dma source(%dma_start3A_22 : memref<8x2048xf32, #tpu.memory_space<hbm>>) target(%arg5 : memref<8x2048xf32, #tpu.memory_space<vmem>>) target_semaphore(%arg11 : memref<!tpu.dma_semaphore, #tpu.memory_space<semaphore_mem>>)
    %add3A_23 = arith.constant 0 : i32
    %add3A_24 = arith.addi %mul3A_2, %add3A_23 : i32
    %dma_start3A_25 = arith.constant 1 : i32
    %dma_start3A_26 = arith.constant 0 : i32
    %dma_start3A_27 = tpu.memref_slice %arg2[%dma_start3A_25, %add3A_24, %dma_start3A_26] : memref<4x8192x2048xf32, #tpu.memory_space<hbm>> -> memref<1x8x2048xf32, #tpu.memory_space<hbm>>
    %dma_start3A_28 = tpu.memref_squeeze %dma_start3A_27 : memref<1x8x2048xf32, #tpu.memory_space<hbm>> -> memref<8x2048xf32, #tpu.memory_space<hbm>>
    %dma_start3A_29 = arith.constant 0 : i32
    %dma_start3A_30 = tpu.memref_slice %arg2[%dma_start3A_25, %add3A_24, %dma_start3A_29] : memref<4x8192x2048xf32, #tpu.memory_space<hbm>> -> memref<1x8x2048xf32, #tpu.memory_space<hbm>>
    %dma_start3A_31 = tpu.memref_squeeze %dma_start3A_30 : memref<1x8x2048xf32, #tpu.memory_space<hbm>> -> memref<8x2048xf32, #tpu.memory_space<hbm>>
    tpu.enqueue_dma source(%dma_start3A_31 : memref<8x2048xf32, #tpu.memory_space<hbm>>) target(%arg6 : memref<8x2048xf32, #tpu.memory_space<vmem>>) target_semaphore(%arg12 : memref<!tpu.dma_semaphore, #tpu.memory_space<semaphore_mem>>)
    %scan3A = arith.constant 0 : i32
    %scan3A_32 = arith.constant 0 : i32
    %scan3A_33 = arith.constant 16 : i32
    %scan3A_34 = arith.addi %scan3A_32, %scan3A_33 : i32
    %scan3A_35 = arith.constant 1 : i32
    %scan3A_36 = scf.for %scan3A_55 = %scan3A_32 to %scan3A_34 step %scan3A_35 iter_args(%scan3A_56 = %scan3A) -> (i32)  : i32 {
      %mul3A_57 = arith.constant 2 : i32
      %mul3A_58 = arith.muli %mul3A_57, %scan3A_55 : i32
      %add3A_59 = arith.constant 0 : i32
      %add3A_60 = arith.addi %mul3A_58, %add3A_59 : i32
      %mul3A_61 = arith.constant 8 : i32
      %mul3A_62 = arith.muli %add3A_60, %mul3A_61 : i32
      %add3A_63 = arith.addi %mul3A_2, %mul3A_62 : i32
      %dma_wait3A_64 = arith.constant 0 : i32
      %dma_wait3A_65 = arith.constant 0 : i32
      %dma_wait3A_66 = tpu.memref_slice %arg2[%dma_wait3A_64, %add3A_63, %dma_wait3A_65] : memref<4x8192x2048xf32, #tpu.memory_space<hbm>> -> memref<1x8x2048xf32, #tpu.memory_space<hbm>>
      %dma_wait3A_67 = tpu.memref_squeeze %dma_wait3A_66 : memref<1x8x2048xf32, #tpu.memory_space<hbm>> -> memref<8x2048xf32, #tpu.memory_space<hbm>>
      %dma_wait3A_68 = arith.constant 0 : i32
      %dma_wait3A_69 = tpu.memref_slice %arg2[%dma_wait3A_64, %add3A_63, %dma_wait3A_68] : memref<4x8192x2048xf32, #tpu.memory_space<hbm>> -> memref<1x8x2048xf32, #tpu.memory_space<hbm>>
      %dma_wait3A_70 = tpu.memref_squeeze %dma_wait3A_69 : memref<1x8x2048xf32, #tpu.memory_space<hbm>> -> memref<8x2048xf32, #tpu.memory_space<hbm>>
      tpu.wait_dma2 semaphore(%arg11 : memref<!tpu.dma_semaphore, #tpu.memory_space<semaphore_mem>>) src(%dma_wait3A_70 : memref<8x2048xf32, #tpu.memory_space<hbm>>) dst(%arg5 : memref<8x2048xf32, #tpu.memory_space<vmem>>)
      %gt3A = arith.constant 0 : i32
      %gt3A_71 = arith.cmpi sgt, %scan3A_55, %gt3A : i32
      %convert_element_type3A = arith.extui %gt3A_71 : i1 to i32
      %cond3A = arith.constant 0 : i32
      %cond3A_72 = arith.cmpi ne, %convert_element_type3A, %cond3A : i32
      scf.if %cond3A_72 {
        %sub3A_584 = arith.constant 1 : i32
        %sub3A_585 = arith.subi %add3A_60, %sub3A_584 : i32
        %mul3A_586 = arith.constant 8 : i32
        %mul3A_587 = arith.muli %sub3A_585, %mul3A_586 : i32
        %add3A_588 = arith.addi %mul3A_2, %mul3A_587 : i32
        %dma_wait3A_589 = arith.constant 2 : i32
        %dma_wait3A_590 = arith.constant 0 : i32
        %dma_wait3A_591 = tpu.memref_slice %arg4[%dma_wait3A_589, %add3A_588, %dma_wait3A_590] : memref<4x8192x2048xf32, #tpu.memory_space<hbm>> -> memref<1x8x2048xf32, #tpu.memory_space<hbm>>
        %dma_wait3A_592 = tpu.memref_squeeze %dma_wait3A_591 : memref<1x8x2048xf32, #tpu.memory_space<hbm>> -> memref<8x2048xf32, #tpu.memory_space<hbm>>
        %dma_wait3A_593 = arith.constant 0 : i32
        %dma_wait3A_594 = tpu.memref_slice %arg4[%dma_wait3A_589, %add3A_588, %dma_wait3A_593] : memref<4x8192x2048xf32, #tpu.memory_space<hbm>> -> memref<1x8x2048xf32, #tpu.memory_space<hbm>>
        %dma_wait3A_595 = tpu.memref_squeeze %dma_wait3A_594 : memref<1x8x2048xf32, #tpu.memory_space<hbm>> -> memref<8x2048xf32, #tpu.memory_space<hbm>>
        tpu.wait_dma2 semaphore(%arg17 : memref<!tpu.dma_semaphore, #tpu.memory_space<semaphore_mem>>) src(%arg7 : memref<8x2048xf32, #tpu.memory_space<vmem>>) dst(%dma_wait3A_595 : memref<8x2048xf32, #tpu.memory_space<hbm>>)
      } else {
      }
      %mul3A_73 = arith.constant 8 : i32
      %mul3A_74 = arith.muli %add3A_60, %mul3A_73 : i32
      %add3A_75 = arith.addi %mul3A_2, %mul3A_74 : i32
      %dma_wait3A_76 = arith.constant 0 : i32
      %dma_wait3A_77 = tpu.memref_slice %arg3[%add3A_75, %dma_wait3A_76] : memref<8192x2048xf32, #tpu.memory_space<hbm>> -> memref<8x2048xf32, #tpu.memory_space<hbm>>
      %dma_wait3A_78 = arith.constant 0 : i32
      %dma_wait3A_79 = tpu.memref_slice %arg3[%add3A_75, %dma_wait3A_78] : memref<8192x2048xf32, #tpu.memory_space<hbm>> -> memref<8x2048xf32, #tpu.memory_space<hbm>>
      tpu.wait_dma2 semaphore(%arg19 : memref<!tpu.dma_semaphore, #tpu.memory_space<semaphore_mem>>) src(%dma_wait3A_79 : memref<8x2048xf32, #tpu.memory_space<hbm>>) dst(%arg9 : memref<8x2048xf32, #tpu.memory_space<vmem>>)
      %mul3A_80 = arith.constant 8 : i32
      %mul3A_81 = arith.muli %add3A_60, %mul3A_80 : i32
      %add3A_82 = arith.addi %mul3A_2, %mul3A_81 : i32
      %dma_start3A_83 = arith.constant 2 : i32
      %dma_start3A_84 = arith.constant 0 : i32
      %dma_start3A_85 = tpu.memref_slice %arg2[%dma_start3A_83, %add3A_82, %dma_start3A_84] : memref<4x8192x2048xf32, #tpu.memory_space<hbm>> -> memref<1x8x2048xf32, #tpu.memory_space<hbm>>
      %dma_start3A_86 = tpu.memref_squeeze %dma_start3A_85 : memref<1x8x2048xf32, #tpu.memory_space<hbm>> -> memref<8x2048xf32, #tpu.memory_space<hbm>>
      %dma_start3A_87 = arith.constant 0 : i32
      %dma_start3A_88 = tpu.memref_slice %arg2[%dma_start3A_83, %add3A_82, %dma_start3A_87] : memref<4x8192x2048xf32, #tpu.memory_space<hbm>> -> memref<1x8x2048xf32, #tpu.memory_space<hbm>>
      %dma_start3A_89 = tpu.memref_squeeze %dma_start3A_88 : memref<1x8x2048xf32, #tpu.memory_space<hbm>> -> memref<8x2048xf32, #tpu.memory_space<hbm>>
      tpu.enqueue_dma source(%dma_start3A_89 : memref<8x2048xf32, #tpu.memory_space<hbm>>) target(%arg7 : memref<8x2048xf32, #tpu.memory_space<vmem>>) target_semaphore(%arg13 : memref<!tpu.dma_semaphore, #tpu.memory_space<semaphore_mem>>)
      %parallel_loop3A = arith.constant 0 : i32
      %parallel_loop3A_90 = arith.constant 128 : i32
      %parallel_loop3A_91 = arith.constant 1 : i32
      scf.for %parallel_loop3A_584 = %parallel_loop3A to %parallel_loop3A_90 step %parallel_loop3A_91  : i32 {
        %parallel_loop3A_585 = arith.constant 16 : i32
        %parallel_loop3A_586 = arith.muli %parallel_loop3A_584, %parallel_loop3A_585 : i32
        %parallel_loop3A_587 = arith.constant 0 : i32
        %parallel_loop3A_588 = arith.index_cast %parallel_loop3A_587 : i32 to index
        %parallel_loop3A_589 = arith.index_cast %parallel_loop3A_586 : i32 to index
        %parallel_loop3A_590 = tpu.vector_load %arg9[%parallel_loop3A_588, %parallel_loop3A_589] {strides = array<i32>} : memref<8x2048xf32, #tpu.memory_space<vmem>>, vector<1x16xf32>,
        %parallel_loop3A_591 = vector.shape_cast %parallel_loop3A_590 : vector<1x16xf32> to vector<16xf32>
        %parallel_loop3A_592 = arith.constant 0 : i32
        %parallel_loop3A_593 = arith.index_cast %parallel_loop3A_592 : i32 to index
        %parallel_loop3A_594 = arith.index_cast %parallel_loop3A_586 : i32 to index
        %parallel_loop3A_595 = tpu.vector_load %arg5[%parallel_loop3A_593, %parallel_loop3A_594] {strides = array<i32>} : memref<8x2048xf32, #tpu.memory_space<vmem>>, vector<1x16xf32>,
        %parallel_loop3A_596 = vector.shape_cast %parallel_loop3A_595 : vector<1x16xf32> to vector<16xf32>
        %parallel_loop3A_597 = vector.shape_cast %parallel_loop3A_591 : vector<16xf32> to vector<1x16xf32>
        tpu.vector_store %arg5[%parallel_loop3A_593, %parallel_loop3A_594], %parallel_loop3A_597 {add = true, strides = array<i32>} : memref<8x2048xf32, #tpu.memory_space<vmem>>, vector<1x16xf32>,
      } {sc.loop_unroll_factor = 8 : i64, sc.parallel_access}
      %parallel_loop3A_92 = arith.constant 0 : i32
      %parallel_loop3A_93 = arith.constant 128 : i32
      %parallel_loop3A_94 = arith.constant 1 : i32
      scf.for %parallel_loop3A_584 = %parallel_loop3A_92 to %parallel_loop3A_93 step %parallel_loop3A_94  : i32 {
        %parallel_loop3A_585 = arith.constant 16 : i32
        %parallel_loop3A_586 = arith.muli %parallel_loop3A_584, %parallel_loop3A_585 : i32
        %parallel_loop3A_587 = arith.constant 1 : i32
        %parallel_loop3A_588 = arith.index_cast %parallel_loop3A_587 : i32 to index
        %parallel_loop3A_589 = arith.index_cast %parallel_loop3A_586 : i32 to index
        %parallel_loop3A_590 = tpu.vector_load %arg9[%parallel_loop3A_588, %parallel_loop3A_589] {strides = array<i32>} : memref<8x2048xf32, #tpu.memory_space<vmem>>, vector<1x16xf32>,
        %parallel_loop3A_591 = vector.shape_cast %parallel_loop3A_590 : vector<1x16xf32> to vector<16xf32>
        %parallel_loop3A_592 = arith.constant 1 : i32
        %parallel_loop3A_593 = arith.index_cast %parallel_loop3A_592 : i32 to index
        %parallel_loop3A_594 = arith.index_cast %parallel_loop3A_586 : i32 to index
        %parallel_loop3A_595 = tpu.vector_load %arg5[%parallel_loop3A_593, %parallel_loop3A_594] {strides = array<i32>} : memref<8x2048xf32, #tpu.memory_space<vmem>>, vector<1x16xf32>,
        %parallel_loop3A_596 = vector.shape_cast %parallel_loop3A_595 : vector<1x16xf32> to vector<16xf32>
        %parallel_loop3A_597 = vector.shape_cast %parallel_loop3A_591 : vector<16xf32> to vector<1x16xf32>
        tpu.vector_store %arg5[%parallel_loop3A_593, %parallel_loop3A_594], %parallel_loop3A_597 {add = true, strides = array<i32>} : memref<8x2048xf32, #tpu.memory_space<vmem>>, vector<1x16xf32>,
      } {sc.loop_unroll_factor = 8 : i64, sc.parallel_access}
      %parallel_loop3A_95 = arith.constant 0 : i32
      %parallel_loop3A_96 = arith.constant 128 : i32
      %parallel_loop3A_97 = arith.constant 1 : i32
      scf.for %parallel_loop3A_584 = %parallel_loop3A_95 to %parallel_loop3A_96 step %parallel_loop3A_97  : i32 {
        %parallel_loop3A_585 = arith.constant 16 : i32
        %parallel_loop3A_586 = arith.muli %parallel_loop3A_584, %parallel_loop3A_585 : i32
        %parallel_loop3A_587 = arith.constant 2 : i32
        %parallel_loop3A_588 = arith.index_cast %parallel_loop3A_587 : i32 to index
        %parallel_loop3A_589 = arith.index_cast %parallel_loop3A_586 : i32 to index
        %parallel_loop3A_590 = tpu.vector_load %arg9[%parallel_loop3A_588, %parallel_loop3A_589] {strides = array<i32>} : memref<8x2048xf32, #tpu.memory_space<vmem>>, vector<1x16xf32>,
        %parallel_loop3A_591 = vector.shape_cast %parallel_loop3A_590 : vector<1x16xf32> to vector<16xf32>
        %parallel_loop3A_592 = arith.constant 2 : i32
        %parallel_loop3A_593 = arith.index_cast %parallel_loop3A_592 : i32 to index
        %parallel_loop3A_594 = arith.index_cast %parallel_loop3A_586 : i32 to index
        %parallel_loop3A_595 = tpu.vector_load %arg5[%parallel_loop3A_593, %parallel_loop3A_594] {strides = array<i32>} : memref<8x2048xf32, #tpu.memory_space<vmem>>, vector<1x16xf32>,
        %parallel_loop3A_596 = vector.shape_cast %parallel_loop3A_595 : vector<1x16xf32> to vector<16xf32>
        %parallel_loop3A_597 = vector.shape_cast %parallel_loop3A_591 : vector<16xf32> to vector<1x16xf32>
        tpu.vector_store %arg5[%parallel_loop3A_593, %parallel_loop3A_594], %parallel_loop3A_597 {add = true, strides = array<i32>} : memref<8x2048xf32, #tpu.memory_space<vmem>>, vector<1x16xf32>,
      } {sc.loop_unroll_factor = 8 : i64, sc.parallel_access}
      %parallel_loop3A_98 = arith.constant 0 : i32
      %parallel_loop3A_99 = arith.constant 128 : i32
      %parallel_loop3A_100 = arith.constant 1 : i32
      scf.for %parallel_loop3A_584 = %parallel_loop3A_98 to %parallel_loop3A_99 step %parallel_loop3A_100  : i32 {
        %parallel_loop3A_585 = arith.constant 16 : i32
        %parallel_loop3A_586 = arith.muli %parallel_loop3A_584, %parallel_loop3A_585 : i32
        %parallel_loop3A_587 = arith.constant 3 : i32
        %parallel_loop3A_588 = arith.index_cast %parallel_loop3A_587 : i32 to index
        %parallel_loop3A_589 = arith.index_cast %parallel_loop3A_586 : i32 to index
        %parallel_loop3A_590 = tpu.vector_load %arg9[%parallel_loop3A_588, %parallel_loop3A_589] {strides = array<i32>} : memref<8x2048xf32, #tpu.memory_space<vmem>>, vector<1x16xf32>,
        %parallel_loop3A_591 = vector.shape_cast %parallel_loop3A_590 : vector<1x16xf32> to vector<16xf32>
        %parallel_loop3A_592 = arith.constant 3 : i32
        %parallel_loop3A_593 = arith.index_cast %parallel_loop3A_592 : i32 to index
        %parallel_loop3A_594 = arith.index_cast %parallel_loop3A_586 : i32 to index
        %parallel_loop3A_595 = tpu.vector_load %arg5[%parallel_loop3A_593, %parallel_loop3A_594] {strides = array<i32>} : memref<8x2048xf32, #tpu.memory_space<vmem>>, vector<1x16xf32>,
        %parallel_loop3A_596 = vector.shape_cast %parallel_loop3A_595 : vector<1x16xf32> to vector<16xf32>
        %parallel_loop3A_597 = vector.shape_cast %parallel_loop3A_591 : vector<16xf32> to vector<1x16xf32>
        tpu.vector_store %arg5[%parallel_loop3A_593, %parallel_loop3A_594], %parallel_loop3A_597 {add = true, strides = array<i32>} : memref<8x2048xf32, #tpu.memory_space<vmem>>, vector<1x16xf32>,
      } {sc.loop_unroll_factor = 8 : i64, sc.parallel_access}
      %parallel_loop3A_101 = arith.constant 0 : i32
      %parallel_loop3A_102 = arith.constant 128 : i32
      %parallel_loop3A_103 = arith.constant 1 : i32
      scf.for %parallel_loop3A_584 = %parallel_loop3A_101 to %parallel_loop3A_102 step %parallel_loop3A_103  : i32 {
        %parallel_loop3A_585 = arith.constant 16 : i32
        %parallel_loop3A_586 = arith.muli %parallel_loop3A_584, %parallel_loop3A_585 : i32
        %parallel_loop3A_587 = arith.constant 4 : i32
        %parallel_loop3A_588 = arith.index_cast %parallel_loop3A_587 : i32 to index
        %parallel_loop3A_589 = arith.index_cast %parallel_loop3A_586 : i32 to index
        %parallel_loop3A_590 = tpu.vector_load %arg9[%parallel_loop3A_588, %parallel_loop3A_589] {strides = array<i32>} : memref<8x2048xf32, #tpu.memory_space<vmem>>, vector<1x16xf32>,
        %parallel_loop3A_591 = vector.shape_cast %parallel_loop3A_590 : vector<1x16xf32> to vector<16xf32>
        %parallel_loop3A_592 = arith.constant 4 : i32
        %parallel_loop3A_593 = arith.index_cast %parallel_loop3A_592 : i32 to index
        %parallel_loop3A_594 = arith.index_cast %parallel_loop3A_586 : i32 to index
        %parallel_loop3A_595 = tpu.vector_load %arg5[%parallel_loop3A_593, %parallel_loop3A_594] {strides = array<i32>} : memref<8x2048xf32, #tpu.memory_space<vmem>>, vector<1x16xf32>,
        %parallel_loop3A_596 = vector.shape_cast %parallel_loop3A_595 : vector<1x16xf32> to vector<16xf32>
        %parallel_loop3A_597 = vector.shape_cast %parallel_loop3A_591 : vector<16xf32> to vector<1x16xf32>
        tpu.vector_store %arg5[%parallel_loop3A_593, %parallel_loop3A_594], %parallel_loop3A_597 {add = true, strides = array<i32>} : memref<8x2048xf32, #tpu.memory_space<vmem>>, vector<1x16xf32>,
      } {sc.loop_unroll_factor = 8 : i64, sc.parallel_access}
      %parallel_loop3A_104 = arith.constant 0 : i32
      %parallel_loop3A_105 = arith.constant 128 : i32
      %parallel_loop3A_106 = arith.constant 1 : i32
      scf.for %parallel_loop3A_584 = %parallel_loop3A_104 to %parallel_loop3A_105 step %parallel_loop3A_106  : i32 {
        %parallel_loop3A_585 = arith.constant 16 : i32
        %parallel_loop3A_586 = arith.muli %parallel_loop3A_584, %parallel_loop3A_585 : i32
        %parallel_loop3A_587 = arith.constant 5 : i32
        %parallel_loop3A_588 = arith.index_cast %parallel_loop3A_587 : i32 to index
        %parallel_loop3A_589 = arith.index_cast %parallel_loop3A_586 : i32 to index
        %parallel_loop3A_590 = tpu.vector_load %arg9[%parallel_loop3A_588, %parallel_loop3A_589] {strides = array<i32>} : memref<8x2048xf32, #tpu.memory_space<vmem>>, vector<1x16xf32>,
        %parallel_loop3A_591 = vector.shape_cast %parallel_loop3A_590 : vector<1x16xf32> to vector<16xf32>
        %parallel_loop3A_592 = arith.constant 5 : i32
        %parallel_loop3A_593 = arith.index_cast %parallel_loop3A_592 : i32 to index
        %parallel_loop3A_594 = arith.index_cast %parallel_loop3A_586 : i32 to index
        %parallel_loop3A_595 = tpu.vector_load %arg5[%parallel_loop3A_593, %parallel_loop3A_594] {strides = array<i32>} : memref<8x2048xf32, #tpu.memory_space<vmem>>, vector<1x16xf32>,
        %parallel_loop3A_596 = vector.shape_cast %parallel_loop3A_595 : vector<1x16xf32> to vector<16xf32>
        %parallel_loop3A_597 = vector.shape_cast %parallel_loop3A_591 : vector<16xf32> to vector<1x16xf32>
        tpu.vector_store %arg5[%parallel_loop3A_593, %parallel_loop3A_594], %parallel_loop3A_597 {add = true, strides = array<i32>} : memref<8x2048xf32, #tpu.memory_space<vmem>>, vector<1x16xf32>,
      } {sc.loop_unroll_factor = 8 : i64, sc.parallel_access}
      %parallel_loop3A_107 = arith.constant 0 : i32
      %parallel_loop3A_108 = arith.constant 128 : i32
      %parallel_loop3A_109 = arith.constant 1 : i32
      scf.for %parallel_loop3A_584 = %parallel_loop3A_107 to %parallel_loop3A_108 step %parallel_loop3A_109  : i32 {
        %parallel_loop3A_585 = arith.constant 16 : i32
        %parallel_loop3A_586 = arith.muli %parallel_loop3A_584, %parallel_loop3A_585 : i32
        %parallel_loop3A_587 = arith.constant 6 : i32
        %parallel_loop3A_588 = arith.index_cast %parallel_loop3A_587 : i32 to index
        %parallel_loop3A_589 = arith.index_cast %parallel_loop3A_586 : i32 to index
        %parallel_loop3A_590 = tpu.vector_load %arg9[%parallel_loop3A_588, %parallel_loop3A_589] {strides = array<i32>} : memref<8x2048xf32, #tpu.memory_space<vmem>>, vector<1x16xf32>,
        %parallel_loop3A_591 = vector.shape_cast %parallel_loop3A_590 : vector<1x16xf32> to vector<16xf32>
        %parallel_loop3A_592 = arith.constant 6 : i32
        %parallel_loop3A_593 = arith.index_cast %parallel_loop3A_592 : i32 to index
        %parallel_loop3A_594 = arith.index_cast %parallel_loop3A_586 : i32 to index
        %parallel_loop3A_595 = tpu.vector_load %arg5[%parallel_loop3A_593, %parallel_loop3A_594] {strides = array<i32>} : memref<8x2048xf32, #tpu.memory_space<vmem>>, vector<1x16xf32>,
        %parallel_loop3A_596 = vector.shape_cast %parallel_loop3A_595 : vector<1x16xf32> to vector<16xf32>
        %parallel_loop3A_597 = vector.shape_cast %parallel_loop3A_591 : vector<16xf32> to vector<1x16xf32>
        tpu.vector_store %arg5[%parallel_loop3A_593, %parallel_loop3A_594], %parallel_loop3A_597 {add = true, strides = array<i32>} : memref<8x2048xf32, #tpu.memory_space<vmem>>, vector<1x16xf32>,
      } {sc.loop_unroll_factor = 8 : i64, sc.parallel_access}
      %parallel_loop3A_110 = arith.constant 0 : i32
      %parallel_loop3A_111 = arith.constant 128 : i32
      %parallel_loop3A_112 = arith.constant 1 : i32
      scf.for %parallel_loop3A_584 = %parallel_loop3A_110 to %parallel_loop3A_111 step %parallel_loop3A_112  : i32 {
        %parallel_loop3A_585 = arith.constant 16 : i32
        %parallel_loop3A_586 = arith.muli %parallel_loop3A_584, %parallel_loop3A_585 : i32
        %parallel_loop3A_587 = arith.constant 7 : i32
        %parallel_loop3A_588 = arith.index_cast %parallel_loop3A_587 : i32 to index
        %parallel_loop3A_589 = arith.index_cast %parallel_loop3A_586 : i32 to index
        %parallel_loop3A_590 = tpu.vector_load %arg9[%parallel_loop3A_588, %parallel_loop3A_589] {strides = array<i32>} : memref<8x2048xf32, #tpu.memory_space<vmem>>, vector<1x16xf32>,
        %parallel_loop3A_591 = vector.shape_cast %parallel_loop3A_590 : vector<1x16xf32> to vector<16xf32>
        %parallel_loop3A_592 = arith.constant 7 : i32
        %parallel_loop3A_593 = arith.index_cast %parallel_loop3A_592 : i32 to index
        %parallel_loop3A_594 = arith.index_cast %parallel_loop3A_586 : i32 to index
        %parallel_loop3A_595 = tpu.vector_load %arg5[%parallel_loop3A_593, %parallel_loop3A_594] {strides = array<i32>} : memref<8x2048xf32, #tpu.memory_space<vmem>>, vector<1x16xf32>,
        %parallel_loop3A_596 = vector.shape_cast %parallel_loop3A_595 : vector<1x16xf32> to vector<16xf32>
        %parallel_loop3A_597 = vector.shape_cast %parallel_loop3A_591 : vector<16xf32> to vector<1x16xf32>
        tpu.vector_store %arg5[%parallel_loop3A_593, %parallel_loop3A_594], %parallel_loop3A_597 {add = true, strides = array<i32>} : memref<8x2048xf32, #tpu.memory_space<vmem>>, vector<1x16xf32>,
      } {sc.loop_unroll_factor = 8 : i64, sc.parallel_access}
      %mul3A_113 = arith.constant 8 : i32
      %mul3A_114 = arith.muli %add3A_60, %mul3A_113 : i32
      %add3A_115 = arith.addi %mul3A_2, %mul3A_114 : i32
      %dma_start3A_116 = arith.constant 0 : i32
      %dma_start3A_117 = arith.constant 0 : i32
      %dma_start3A_118 = tpu.memref_slice %arg4[%dma_start3A_116, %add3A_115, %dma_start3A_117] : memref<4x8192x2048xf32, #tpu.memory_space<hbm>> -> memref<1x8x2048xf32, #tpu.memory_space<hbm>>
      %dma_start3A_119 = tpu.memref_squeeze %dma_start3A_118 : memref<1x8x2048xf32, #tpu.memory_space<hbm>> -> memref<8x2048xf32, #tpu.memory_space<hbm>>
      %dma_start3A_120 = arith.constant 0 : i32
      %dma_start3A_121 = tpu.memref_slice %arg4[%dma_start3A_116, %add3A_115, %dma_start3A_120] : memref<4x8192x2048xf32, #tpu.memory_space<hbm>> -> memref<1x8x2048xf32, #tpu.memory_space<hbm>>
      %dma_start3A_122 = tpu.memref_squeeze %dma_start3A_121 : memref<1x8x2048xf32, #tpu.memory_space<hbm>> -> memref<8x2048xf32, #tpu.memory_space<hbm>>
      tpu.enqueue_dma source(%arg5 : memref<8x2048xf32, #tpu.memory_space<vmem>>) target(%dma_start3A_122 : memref<8x2048xf32, #tpu.memory_space<hbm>>) target_semaphore(%arg15 : memref<!tpu.dma_semaphore, #tpu.memory_space<semaphore_mem>>)
      %mul3A_123 = arith.constant 8 : i32
      %mul3A_124 = arith.muli %add3A_60, %mul3A_123 : i32
      %add3A_125 = arith.addi %mul3A_2, %mul3A_124 : i32
      %dma_wait3A_126 = arith.constant 1 : i32
      %dma_wait3A_127 = arith.constant 0 : i32
      %dma_wait3A_128 = tpu.memref_slice %arg2[%dma_wait3A_126, %add3A_125, %dma_wait3A_127] : memref<4x8192x2048xf32, #tpu.memory_space<hbm>> -> memref<1x8x2048xf32, #tpu.memory_space<hbm>>
      %dma_wait3A_129 = tpu.memref_squeeze %dma_wait3A_128 : memref<1x8x2048xf32, #tpu.memory_space<hbm>> -> memref<8x2048xf32, #tpu.memory_space<hbm>>
      %dma_wait3A_130 = arith.constant 0 : i32
      %dma_wait3A_131 = tpu.memref_slice %arg2[%dma_wait3A_126, %add3A_125, %dma_wait3A_130] : memref<4x8192x2048xf32, #tpu.memory_space<hbm>> -> memref<1x8x2048xf32, #tpu.memory_space<hbm>>
      %dma_wait3A_132 = tpu.memref_squeeze %dma_wait3A_131 : memref<1x8x2048xf32, #tpu.memory_space<hbm>> -> memref<8x2048xf32, #tpu.memory_space<hbm>>
      tpu.wait_dma2 semaphore(%arg12 : memref<!tpu.dma_semaphore, #tpu.memory_space<semaphore_mem>>) src(%dma_wait3A_132 : memref<8x2048xf32, #tpu.memory_space<hbm>>) dst(%arg6 : memref<8x2048xf32, #tpu.memory_space<vmem>>)
      %gt3A_133 = arith.constant 0 : i32
      %gt3A_134 = arith.cmpi sgt, %scan3A_55, %gt3A_133 : i32
      %convert_element_type3A_135 = arith.extui %gt3A_134 : i1 to i32
      %cond3A_136 = arith.constant 0 : i32
      %cond3A_137 = arith.cmpi ne, %convert_element_type3A_135, %cond3A_136 : i32
      scf.if %cond3A_137 {
        %sub3A_584 = arith.constant 1 : i32
        %sub3A_585 = arith.subi %add3A_60, %sub3A_584 : i32
        %mul3A_586 = arith.constant 8 : i32
        %mul3A_587 = arith.muli %sub3A_585, %mul3A_586 : i32
        %add3A_588 = arith.addi %mul3A_2, %mul3A_587 : i32
        %dma_wait3A_589 = arith.constant 3 : i32
        %dma_wait3A_590 = arith.constant 0 : i32
        %dma_wait3A_591 = tpu.memref_slice %arg4[%dma_wait3A_589, %add3A_588, %dma_wait3A_590] : memref<4x8192x2048xf32, #tpu.memory_space<hbm>> -> memref<1x8x2048xf32, #tpu.memory_space<hbm>>
        %dma_wait3A_592 = tpu.memref_squeeze %dma_wait3A_591 : memref<1x8x2048xf32, #tpu.memory_space<hbm>> -> memref<8x2048xf32, #tpu.memory_space<hbm>>
        %dma_wait3A_593 = arith.constant 0 : i32
        %dma_wait3A_594 = tpu.memref_slice %arg4[%dma_wait3A_589, %add3A_588, %dma_wait3A_593] : memref<4x8192x2048xf32, #tpu.memory_space<hbm>> -> memref<1x8x2048xf32, #tpu.memory_space<hbm>>
        %dma_wait3A_595 = tpu.memref_squeeze %dma_wait3A_594 : memref<1x8x2048xf32, #tpu.memory_space<hbm>> -> memref<8x2048xf32, #tpu.memory_space<hbm>>
        tpu.wait_dma2 semaphore(%arg18 : memref<!tpu.dma_semaphore, #tpu.memory_space<semaphore_mem>>) src(%arg8 : memref<8x2048xf32, #tpu.memory_space<vmem>>) dst(%dma_wait3A_595 : memref<8x2048xf32, #tpu.memory_space<hbm>>)
      } else {
      }
      %mul3A_138 = arith.constant 8 : i32
      %mul3A_139 = arith.muli %add3A_60, %mul3A_138 : i32
      %add3A_140 = arith.addi %mul3A_2, %mul3A_139 : i32
      %dma_start3A_141 = arith.constant 3 : i32
      %dma_start3A_142 = arith.constant 0 : i32
      %dma_start3A_143 = tpu.memref_slice %arg2[%dma_start3A_141, %add3A_140, %dma_start3A_142] : memref<4x8192x2048xf32, #tpu.memory_space<hbm>> -> memref<1x8x2048xf32, #tpu.memory_space<hbm>>
      %dma_start3A_144 = tpu.memref_squeeze %dma_start3A_143 : memref<1x8x2048xf32, #tpu.memory_space<hbm>> -> memref<8x2048xf32, #tpu.memory_space<hbm>>
      %dma_start3A_145 = arith.constant 0 : i32
      %dma_start3A_146 = tpu.memref_slice %arg2[%dma_start3A_141, %add3A_140, %dma_start3A_145] : memref<4x8192x2048xf32, #tpu.memory_space<hbm>> -> memref<1x8x2048xf32, #tpu.memory_space<hbm>>
      %dma_start3A_147 = tpu.memref_squeeze %dma_start3A_146 : memref<1x8x2048xf32, #tpu.memory_space<hbm>> -> memref<8x2048xf32, #tpu.memory_space<hbm>>
      tpu.enqueue_dma source(%dma_start3A_147 : memref<8x2048xf32, #tpu.memory_space<hbm>>) target(%arg8 : memref<8x2048xf32, #tpu.memory_space<vmem>>) target_semaphore(%arg14 : memref<!tpu.dma_semaphore, #tpu.memory_space<semaphore_mem>>)
      %parallel_loop3A_148 = arith.constant 0 : i32
      %parallel_loop3A_149 = arith.constant 128 : i32
      %parallel_loop3A_150 = arith.constant 1 : i32
      scf.for %parallel_loop3A_584 = %parallel_loop3A_148 to %parallel_loop3A_149 step %parallel_loop3A_150  : i32 {
        %parallel_loop3A_585 = arith.constant 16 : i32
        %parallel_loop3A_586 = arith.muli %parallel_loop3A_584, %parallel_loop3A_585 : i32
        %parallel_loop3A_587 = arith.constant 0 : i32
        %parallel_loop3A_588 = arith.index_cast %parallel_loop3A_587 : i32 to index
        %parallel_loop3A_589 = arith.index_cast %parallel_loop3A_586 : i32 to index
        %parallel_loop3A_590 = tpu.vector_load %arg9[%parallel_loop3A_588, %parallel_loop3A_589] {strides = array<i32>} : memref<8x2048xf32, #tpu.memory_space<vmem>>, vector<1x16xf32>,
        %parallel_loop3A_591 = vector.shape_cast %parallel_loop3A_590 : vector<1x16xf32> to vector<16xf32>
        %parallel_loop3A_592 = arith.constant 0 : i32
        %parallel_loop3A_593 = arith.index_cast %parallel_loop3A_592 : i32 to index
        %parallel_loop3A_594 = arith.index_cast %parallel_loop3A_586 : i32 to index
        %parallel_loop3A_595 = tpu.vector_load %arg6[%parallel_loop3A_593, %parallel_loop3A_594] {strides = array<i32>} : memref<8x2048xf32, #tpu.memory_space<vmem>>, vector<1x16xf32>,
        %parallel_loop3A_596 = vector.shape_cast %parallel_loop3A_595 : vector<1x16xf32> to vector<16xf32>
        %parallel_loop3A_597 = vector.shape_cast %parallel_loop3A_591 : vector<16xf32> to vector<1x16xf32>
        tpu.vector_store %arg6[%parallel_loop3A_593, %parallel_loop3A_594], %parallel_loop3A_597 {add = true, strides = array<i32>} : memref<8x2048xf32, #tpu.memory_space<vmem>>, vector<1x16xf32>,
      } {sc.loop_unroll_factor = 8 : i64, sc.parallel_access}
      %parallel_loop3A_151 = arith.constant 0 : i32
      %parallel_loop3A_152 = arith.constant 128 : i32
      %parallel_loop3A_153 = arith.constant 1 : i32
      scf.for %parallel_loop3A_584 = %parallel_loop3A_151 to %parallel_loop3A_152 step %parallel_loop3A_153  : i32 {
        %parallel_loop3A_585 = arith.constant 16 : i32
        %parallel_loop3A_586 = arith.muli %parallel_loop3A_584, %parallel_loop3A_585 : i32
        %parallel_loop3A_587 = arith.constant 1 : i32
        %parallel_loop3A_588 = arith.index_cast %parallel_loop3A_587 : i32 to index
        %parallel_loop3A_589 = arith.index_cast %parallel_loop3A_586 : i32 to index
        %parallel_loop3A_590 = tpu.vector_load %arg9[%parallel_loop3A_588, %parallel_loop3A_589] {strides = array<i32>} : memref<8x2048xf32, #tpu.memory_space<vmem>>, vector<1x16xf32>,
        %parallel_loop3A_591 = vector.shape_cast %parallel_loop3A_590 : vector<1x16xf32> to vector<16xf32>
        %parallel_loop3A_592 = arith.constant 1 : i32
        %parallel_loop3A_593 = arith.index_cast %parallel_loop3A_592 : i32 to index
        %parallel_loop3A_594 = arith.index_cast %parallel_loop3A_586 : i32 to index
        %parallel_loop3A_595 = tpu.vector_load %arg6[%parallel_loop3A_593, %parallel_loop3A_594] {strides = array<i32>} : memref<8x2048xf32, #tpu.memory_space<vmem>>, vector<1x16xf32>,
        %parallel_loop3A_596 = vector.shape_cast %parallel_loop3A_595 : vector<1x16xf32> to vector<16xf32>
        %parallel_loop3A_597 = vector.shape_cast %parallel_loop3A_591 : vector<16xf32> to vector<1x16xf32>
        tpu.vector_store %arg6[%parallel_loop3A_593, %parallel_loop3A_594], %parallel_loop3A_597 {add = true, strides = array<i32>} : memref<8x2048xf32, #tpu.memory_space<vmem>>, vector<1x16xf32>,
      } {sc.loop_unroll_factor = 8 : i64, sc.parallel_access}
      %parallel_loop3A_154 = arith.constant 0 : i32
      %parallel_loop3A_155 = arith.constant 128 : i32
      %parallel_loop3A_156 = arith.constant 1 : i32
      scf.for %parallel_loop3A_584 = %parallel_loop3A_154 to %parallel_loop3A_155 step %parallel_loop3A_156  : i32 {
        %parallel_loop3A_585 = arith.constant 16 : i32
        %parallel_loop3A_586 = arith.muli %parallel_loop3A_584, %parallel_loop3A_585 : i32
        %parallel_loop3A_587 = arith.constant 2 : i32
        %parallel_loop3A_588 = arith.index_cast %parallel_loop3A_587 : i32 to index
        %parallel_loop3A_589 = arith.index_cast %parallel_loop3A_586 : i32 to index
        %parallel_loop3A_590 = tpu.vector_load %arg9[%parallel_loop3A_588, %parallel_loop3A_589] {strides = array<i32>} : memref<8x2048xf32, #tpu.memory_space<vmem>>, vector<1x16xf32>,
        %parallel_loop3A_591 = vector.shape_cast %parallel_loop3A_590 : vector<1x16xf32> to vector<16xf32>
        %parallel_loop3A_592 = arith.constant 2 : i32
        %parallel_loop3A_593 = arith.index_cast %parallel_loop3A_592 : i32 to index
        %parallel_loop3A_594 = arith.index_cast %parallel_loop3A_586 : i32 to index
        %parallel_loop3A_595 = tpu.vector_load %arg6[%parallel_loop3A_593, %parallel_loop3A_594] {strides = array<i32>} : memref<8x2048xf32, #tpu.memory_space<vmem>>, vector<1x16xf32>,
        %parallel_loop3A_596 = vector.shape_cast %parallel_loop3A_595 : vector<1x16xf32> to vector<16xf32>
        %parallel_loop3A_597 = vector.shape_cast %parallel_loop3A_591 : vector<16xf32> to vector<1x16xf32>
        tpu.vector_store %arg6[%parallel_loop3A_593, %parallel_loop3A_594], %parallel_loop3A_597 {add = true, strides = array<i32>} : memref<8x2048xf32, #tpu.memory_space<vmem>>, vector<1x16xf32>,
      } {sc.loop_unroll_factor = 8 : i64, sc.parallel_access}
      %parallel_loop3A_157 = arith.constant 0 : i32
      %parallel_loop3A_158 = arith.constant 128 : i32
      %parallel_loop3A_159 = arith.constant 1 : i32
      scf.for %parallel_loop3A_584 = %parallel_loop3A_157 to %parallel_loop3A_158 step %parallel_loop3A_159  : i32 {
        %parallel_loop3A_585 = arith.constant 16 : i32
        %parallel_loop3A_586 = arith.muli %parallel_loop3A_584, %parallel_loop3A_585 : i32
        %parallel_loop3A_587 = arith.constant 3 : i32
        %parallel_loop3A_588 = arith.index_cast %parallel_loop3A_587 : i32 to index
        %parallel_loop3A_589 = arith.index_cast %parallel_loop3A_586 : i32 to index
        %parallel_loop3A_590 = tpu.vector_load %arg9[%parallel_loop3A_588, %parallel_loop3A_589] {strides = array<i32>} : memref<8x2048xf32, #tpu.memory_space<vmem>>, vector<1x16xf32>,
        %parallel_loop3A_591 = vector.shape_cast %parallel_loop3A_590 : vector<1x16xf32> to vector<16xf32>
        %parallel_loop3A_592 = arith.constant 3 : i32
        %parallel_loop3A_593 = arith.index_cast %parallel_loop3A_592 : i32 to index
        %parallel_loop3A_594 = arith.index_cast %parallel_loop3A_586 : i32 to index
        %parallel_loop3A_595 = tpu.vector_load %arg6[%parallel_loop3A_593, %parallel_loop3A_594] {strides = array<i32>} : memref<8x2048xf32, #tpu.memory_space<vmem>>, vector<1x16xf32>,
        %parallel_loop3A_596 = vector.shape_cast %parallel_loop3A_595 : vector<1x16xf32> to vector<16xf32>
        %parallel_loop3A_597 = vector.shape_cast %parallel_loop3A_591 : vector<16xf32> to vector<1x16xf32>
        tpu.vector_store %arg6[%parallel_loop3A_593, %parallel_loop3A_594], %parallel_loop3A_597 {add = true, strides = array<i32>} : memref<8x2048xf32, #tpu.memory_space<vmem>>, vector<1x16xf32>,
      } {sc.loop_unroll_factor = 8 : i64, sc.parallel_access}
      %parallel_loop3A_160 = arith.constant 0 : i32
      %parallel_loop3A_161 = arith.constant 128 : i32
      %parallel_loop3A_162 = arith.constant 1 : i32
      scf.for %parallel_loop3A_584 = %parallel_loop3A_160 to %parallel_loop3A_161 step %parallel_loop3A_162  : i32 {
        %parallel_loop3A_585 = arith.constant 16 : i32
        %parallel_loop3A_586 = arith.muli %parallel_loop3A_584, %parallel_loop3A_585 : i32
        %parallel_loop3A_587 = arith.constant 4 : i32
        %parallel_loop3A_588 = arith.index_cast %parallel_loop3A_587 : i32 to index
        %parallel_loop3A_589 = arith.index_cast %parallel_loop3A_586 : i32 to index
        %parallel_loop3A_590 = tpu.vector_load %arg9[%parallel_loop3A_588, %parallel_loop3A_589] {strides = array<i32>} : memref<8x2048xf32, #tpu.memory_space<vmem>>, vector<1x16xf32>,
        %parallel_loop3A_591 = vector.shape_cast %parallel_loop3A_590 : vector<1x16xf32> to vector<16xf32>
        %parallel_loop3A_592 = arith.constant 4 : i32
        %parallel_loop3A_593 = arith.index_cast %parallel_loop3A_592 : i32 to index
        %parallel_loop3A_594 = arith.index_cast %parallel_loop3A_586 : i32 to index
        %parallel_loop3A_595 = tpu.vector_load %arg6[%parallel_loop3A_593, %parallel_loop3A_594] {strides = array<i32>} : memref<8x2048xf32, #tpu.memory_space<vmem>>, vector<1x16xf32>,
        %parallel_loop3A_596 = vector.shape_cast %parallel_loop3A_595 : vector<1x16xf32> to vector<16xf32>
        %parallel_loop3A_597 = vector.shape_cast %parallel_loop3A_591 : vector<16xf32> to vector<1x16xf32>
        tpu.vector_store %arg6[%parallel_loop3A_593, %parallel_loop3A_594], %parallel_loop3A_597 {add = true, strides = array<i32>} : memref<8x2048xf32, #tpu.memory_space<vmem>>, vector<1x16xf32>,
      } {sc.loop_unroll_factor = 8 : i64, sc.parallel_access}
      %parallel_loop3A_163 = arith.constant 0 : i32
      %parallel_loop3A_164 = arith.constant 128 : i32
      %parallel_loop3A_165 = arith.constant 1 : i32
      scf.for %parallel_loop3A_584 = %parallel_loop3A_163 to %parallel_loop3A_164 step %parallel_loop3A_165  : i32 {
        %parallel_loop3A_585 = arith.constant 16 : i32
        %parallel_loop3A_586 = arith.muli %parallel_loop3A_584, %parallel_loop3A_585 : i32
        %parallel_loop3A_587 = arith.constant 5 : i32
        %parallel_loop3A_588 = arith.index_cast %parallel_loop3A_587 : i32 to index
        %parallel_loop3A_589 = arith.index_cast %parallel_loop3A_586 : i32 to index
        %parallel_loop3A_590 = tpu.vector_load %arg9[%parallel_loop3A_588, %parallel_loop3A_589] {strides = array<i32>} : memref<8x2048xf32, #tpu.memory_space<vmem>>, vector<1x16xf32>,
        %parallel_loop3A_591 = vector.shape_cast %parallel_loop3A_590 : vector<1x16xf32> to vector<16xf32>
        %parallel_loop3A_592 = arith.constant 5 : i32
        %parallel_loop3A_593 = arith.index_cast %parallel_loop3A_592 : i32 to index
        %parallel_loop3A_594 = arith.index_cast %parallel_loop3A_586 : i32 to index
        %parallel_loop3A_595 = tpu.vector_load %arg6[%parallel_loop3A_593, %parallel_loop3A_594] {strides = array<i32>} : memref<8x2048xf32, #tpu.memory_space<vmem>>, vector<1x16xf32>,
        %parallel_loop3A_596 = vector.shape_cast %parallel_loop3A_595 : vector<1x16xf32> to vector<16xf32>
        %parallel_loop3A_597 = vector.shape_cast %parallel_loop3A_591 : vector<16xf32> to vector<1x16xf32>
        tpu.vector_store %arg6[%parallel_loop3A_593, %parallel_loop3A_594], %parallel_loop3A_597 {add = true, strides = array<i32>} : memref<8x2048xf32, #tpu.memory_space<vmem>>, vector<1x16xf32>,
      } {sc.loop_unroll_factor = 8 : i64, sc.parallel_access}
      %parallel_loop3A_166 = arith.constant 0 : i32
      %parallel_loop3A_167 = arith.constant 128 : i32
      %parallel_loop3A_168 = arith.constant 1 : i32
      scf.for %parallel_loop3A_584 = %parallel_loop3A_166 to %parallel_loop3A_167 step %parallel_loop3A_168  : i32 {
        %parallel_loop3A_585 = arith.constant 16 : i32
        %parallel_loop3A_586 = arith.muli %parallel_loop3A_584, %parallel_loop3A_585 : i32
        %parallel_loop3A_587 = arith.constant 6 : i32
        %parallel_loop3A_588 = arith.index_cast %parallel_loop3A_587 : i32 to index
        %parallel_loop3A_589 = arith.index_cast %parallel_loop3A_586 : i32 to index
        %parallel_loop3A_590 = tpu.vector_load %arg9[%parallel_loop3A_588, %parallel_loop3A_589] {strides = array<i32>} : memref<8x2048xf32, #tpu.memory_space<vmem>>, vector<1x16xf32>,
        %parallel_loop3A_591 = vector.shape_cast %parallel_loop3A_590 : vector<1x16xf32> to vector<16xf32>
        %parallel_loop3A_592 = arith.constant 6 : i32
        %parallel_loop3A_593 = arith.index_cast %parallel_loop3A_592 : i32 to index
        %parallel_loop3A_594 = arith.index_cast %parallel_loop3A_586 : i32 to index
        %parallel_loop3A_595 = tpu.vector_load %arg6[%parallel_loop3A_593, %parallel_loop3A_594] {strides = array<i32>} : memref<8x2048xf32, #tpu.memory_space<vmem>>, vector<1x16xf32>,
        %parallel_loop3A_596 = vector.shape_cast %parallel_loop3A_595 : vector<1x16xf32> to vector<16xf32>
        %parallel_loop3A_597 = vector.shape_cast %parallel_loop3A_591 : vector<16xf32> to vector<1x16xf32>
        tpu.vector_store %arg6[%parallel_loop3A_593, %parallel_loop3A_594], %parallel_loop3A_597 {add = true, strides = array<i32>} : memref<8x2048xf32, #tpu.memory_space<vmem>>, vector<1x16xf32>,
      } {sc.loop_unroll_factor = 8 : i64, sc.parallel_access}
      %parallel_loop3A_169 = arith.constant 0 : i32
      %parallel_loop3A_170 = arith.constant 128 : i32
      %parallel_loop3A_171 = arith.constant 1 : i32
      scf.for %parallel_loop3A_584 = %parallel_loop3A_169 to %parallel_loop3A_170 step %parallel_loop3A_171  : i32 {
        %parallel_loop3A_585 = arith.constant 16 : i32
        %parallel_loop3A_586 = arith.muli %parallel_loop3A_584, %parallel_loop3A_585 : i32
        %parallel_loop3A_587 = arith.constant 7 : i32
        %parallel_loop3A_588 = arith.index_cast %parallel_loop3A_587 : i32 to index
        %parallel_loop3A_589 = arith.index_cast %parallel_loop3A_586 : i32 to index
        %parallel_loop3A_590 = tpu.vector_load %arg9[%parallel_loop3A_588, %parallel_loop3A_589] {strides = array<i32>} : memref<8x2048xf32, #tpu.memory_space<vmem>>, vector<1x16xf32>,
        %parallel_loop3A_591 = vector.shape_cast %parallel_loop3A_590 : vector<1x16xf32> to vector<16xf32>
        %parallel_loop3A_592 = arith.constant 7 : i32
        %parallel_loop3A_593 = arith.index_cast %parallel_loop3A_592 : i32 to index
        %parallel_loop3A_594 = arith.index_cast %parallel_loop3A_586 : i32 to index
        %parallel_loop3A_595 = tpu.vector_load %arg6[%parallel_loop3A_593, %parallel_loop3A_594] {strides = array<i32>} : memref<8x2048xf32, #tpu.memory_space<vmem>>, vector<1x16xf32>,
        %parallel_loop3A_596 = vector.shape_cast %parallel_loop3A_595 : vector<1x16xf32> to vector<16xf32>
        %parallel_loop3A_597 = vector.shape_cast %parallel_loop3A_591 : vector<16xf32> to vector<1x16xf32>
        tpu.vector_store %arg6[%parallel_loop3A_593, %parallel_loop3A_594], %parallel_loop3A_597 {add = true, strides = array<i32>} : memref<8x2048xf32, #tpu.memory_space<vmem>>, vector<1x16xf32>,
      } {sc.loop_unroll_factor = 8 : i64, sc.parallel_access}
      %mul3A_172 = arith.constant 8 : i32
      %mul3A_173 = arith.muli %add3A_60, %mul3A_172 : i32
      %add3A_174 = arith.addi %mul3A_2, %mul3A_173 : i32
      %dma_start3A_175 = arith.constant 1 : i32
      %dma_start3A_176 = arith.constant 0 : i32
      %dma_start3A_177 = tpu.memref_slice %arg4[%dma_start3A_175, %add3A_174, %dma_start3A_176] : memref<4x8192x2048xf32, #tpu.memory_space<hbm>> -> memref<1x8x2048xf32, #tpu.memory_space<hbm>>
      %dma_start3A_178 = tpu.memref_squeeze %dma_start3A_177 : memref<1x8x2048xf32, #tpu.memory_space<hbm>> -> memref<8x2048xf32, #tpu.memory_space<hbm>>
      %dma_start3A_179 = arith.constant 0 : i32
      %dma_start3A_180 = tpu.memref_slice %arg4[%dma_start3A_175, %add3A_174, %dma_start3A_179] : memref<4x8192x2048xf32, #tpu.memory_space<hbm>> -> memref<1x8x2048xf32, #tpu.memory_space<hbm>>
      %dma_start3A_181 = tpu.memref_squeeze %dma_start3A_180 : memref<1x8x2048xf32, #tpu.memory_space<hbm>> -> memref<8x2048xf32, #tpu.memory_space<hbm>>
      tpu.enqueue_dma source(%arg6 : memref<8x2048xf32, #tpu.memory_space<vmem>>) target(%dma_start3A_181 : memref<8x2048xf32, #tpu.memory_space<hbm>>) target_semaphore(%arg16 : memref<!tpu.dma_semaphore, #tpu.memory_space<semaphore_mem>>)
      %mul3A_182 = arith.constant 8 : i32
      %mul3A_183 = arith.muli %add3A_60, %mul3A_182 : i32
      %add3A_184 = arith.addi %mul3A_2, %mul3A_183 : i32
      %dma_wait3A_185 = arith.constant 2 : i32
      %dma_wait3A_186 = arith.constant 0 : i32
      %dma_wait3A_187 = tpu.memref_slice %arg2[%dma_wait3A_185, %add3A_184, %dma_wait3A_186] : memref<4x8192x2048xf32, #tpu.memory_space<hbm>> -> memref<1x8x2048xf32, #tpu.memory_space<hbm>>
      %dma_wait3A_188 = tpu.memref_squeeze %dma_wait3A_187 : memref<1x8x2048xf32, #tpu.memory_space<hbm>> -> memref<8x2048xf32, #tpu.memory_space<hbm>>
      %dma_wait3A_189 = arith.constant 0 : i32
      %dma_wait3A_190 = tpu.memref_slice %arg2[%dma_wait3A_185, %add3A_184, %dma_wait3A_189] : memref<4x8192x2048xf32, #tpu.memory_space<hbm>> -> memref<1x8x2048xf32, #tpu.memory_space<hbm>>
      %dma_wait3A_191 = tpu.memref_squeeze %dma_wait3A_190 : memref<1x8x2048xf32, #tpu.memory_space<hbm>> -> memref<8x2048xf32, #tpu.memory_space<hbm>>
      tpu.wait_dma2 semaphore(%arg13 : memref<!tpu.dma_semaphore, #tpu.memory_space<semaphore_mem>>) src(%dma_wait3A_191 : memref<8x2048xf32, #tpu.memory_space<hbm>>) dst(%arg7 : memref<8x2048xf32, #tpu.memory_space<vmem>>)
      %mul3A_192 = arith.constant 8 : i32
      %mul3A_193 = arith.muli %add3A_60, %mul3A_192 : i32
      %add3A_194 = arith.addi %mul3A_2, %mul3A_193 : i32
      %dma_wait3A_195 = arith.constant 0 : i32
      %dma_wait3A_196 = arith.constant 0 : i32
      %dma_wait3A_197 = tpu.memref_slice %arg4[%dma_wait3A_195, %add3A_194, %dma_wait3A_196] : memref<4x8192x2048xf32, #tpu.memory_space<hbm>> -> memref<1x8x2048xf32, #tpu.memory_space<hbm>>
      %dma_wait3A_198 = tpu.memref_squeeze %dma_wait3A_197 : memref<1x8x2048xf32, #tpu.memory_space<hbm>> -> memref<8x2048xf32, #tpu.memory_space<hbm>>
      %dma_wait3A_199 = arith.constant 0 : i32
      %dma_wait3A_200 = tpu.memref_slice %arg4[%dma_wait3A_195, %add3A_194, %dma_wait3A_199] : memref<4x8192x2048xf32, #tpu.memory_space<hbm>> -> memref<1x8x2048xf32, #tpu.memory_space<hbm>>
      %dma_wait3A_201 = tpu.memref_squeeze %dma_wait3A_200 : memref<1x8x2048xf32, #tpu.memory_space<hbm>> -> memref<8x2048xf32, #tpu.memory_space<hbm>>
      tpu.wait_dma2 semaphore(%arg15 : memref<!tpu.dma_semaphore, #tpu.memory_space<semaphore_mem>>) src(%arg5 : memref<8x2048xf32, #tpu.memory_space<vmem>>) dst(%dma_wait3A_201 : memref<8x2048xf32, #tpu.memory_space<hbm>>)
      %add3A_202 = arith.constant 1 : i32
      %add3A_203 = arith.addi %add3A_60, %add3A_202 : i32
      %mul3A_204 = arith.constant 8 : i32
      %mul3A_205 = arith.muli %add3A_203, %mul3A_204 : i32
      %add3A_206 = arith.addi %mul3A_2, %mul3A_205 : i32
      %dma_start3A_207 = arith.constant 0 : i32
      %dma_start3A_208 = arith.constant 0 : i32
      %dma_start3A_209 = tpu.memref_slice %arg2[%dma_start3A_207, %add3A_206, %dma_start3A_208] : memref<4x8192x2048xf32, #tpu.memory_space<hbm>> -> memref<1x8x2048xf32, #tpu.memory_space<hbm>>
      %dma_start3A_210 = tpu.memref_squeeze %dma_start3A_209 : memref<1x8x2048xf32, #tpu.memory_space<hbm>> -> memref<8x2048xf32, #tpu.memory_space<hbm>>
      %dma_start3A_211 = arith.constant 0 : i32
      %dma_start3A_212 = tpu.memref_slice %arg2[%dma_start3A_207, %add3A_206, %dma_start3A_211] : memref<4x8192x2048xf32, #tpu.memory_space<hbm>> -> memref<1x8x2048xf32, #tpu.memory_space<hbm>>
      %dma_start3A_213 = tpu.memref_squeeze %dma_start3A_212 : memref<1x8x2048xf32, #tpu.memory_space<hbm>> -> memref<8x2048xf32, #tpu.memory_space<hbm>>
      tpu.enqueue_dma source(%dma_start3A_213 : memref<8x2048xf32, #tpu.memory_space<hbm>>) target(%arg5 : memref<8x2048xf32, #tpu.memory_space<vmem>>) target_semaphore(%arg11 : memref<!tpu.dma_semaphore, #tpu.memory_space<semaphore_mem>>)
      %parallel_loop3A_214 = arith.constant 0 : i32
      %parallel_loop3A_215 = arith.constant 128 : i32
      %parallel_loop3A_216 = arith.constant 1 : i32
      scf.for %parallel_loop3A_584 = %parallel_loop3A_214 to %parallel_loop3A_215 step %parallel_loop3A_216  : i32 {
        %parallel_loop3A_585 = arith.constant 16 : i32
        %parallel_loop3A_586 = arith.muli %parallel_loop3A_584, %parallel_loop3A_585 : i32
        %parallel_loop3A_587 = arith.constant 0 : i32
        %parallel_loop3A_588 = arith.index_cast %parallel_loop3A_587 : i32 to index
        %parallel_loop3A_589 = arith.index_cast %parallel_loop3A_586 : i32 to index
        %parallel_loop3A_590 = tpu.vector_load %arg9[%parallel_loop3A_588, %parallel_loop3A_589] {strides = array<i32>} : memref<8x2048xf32, #tpu.memory_space<vmem>>, vector<1x16xf32>,
        %parallel_loop3A_591 = vector.shape_cast %parallel_loop3A_590 : vector<1x16xf32> to vector<16xf32>
        %parallel_loop3A_592 = arith.constant 0 : i32
        %parallel_loop3A_593 = arith.index_cast %parallel_loop3A_592 : i32 to index
        %parallel_loop3A_594 = arith.index_cast %parallel_loop3A_586 : i32 to index
        %parallel_loop3A_595 = tpu.vector_load %arg7[%parallel_loop3A_593, %parallel_loop3A_594] {strides = array<i32>} : memref<8x2048xf32, #tpu.memory_space<vmem>>, vector<1x16xf32>,
        %parallel_loop3A_596 = vector.shape_cast %parallel_loop3A_595 : vector<1x16xf32> to vector<16xf32>
        %parallel_loop3A_597 = vector.shape_cast %parallel_loop3A_591 : vector<16xf32> to vector<1x16xf32>
        tpu.vector_store %arg7[%parallel_loop3A_593, %parallel_loop3A_594], %parallel_loop3A_597 {add = true, strides = array<i32>} : memref<8x2048xf32, #tpu.memory_space<vmem>>, vector<1x16xf32>,
      } {sc.loop_unroll_factor = 8 : i64, sc.parallel_access}
      %parallel_loop3A_217 = arith.constant 0 : i32
      %parallel_loop3A_218 = arith.constant 128 : i32
      %parallel_loop3A_219 = arith.constant 1 : i32
      scf.for %parallel_loop3A_584 = %parallel_loop3A_217 to %parallel_loop3A_218 step %parallel_loop3A_219  : i32 {
        %parallel_loop3A_585 = arith.constant 16 : i32
        %parallel_loop3A_586 = arith.muli %parallel_loop3A_584, %parallel_loop3A_585 : i32
        %parallel_loop3A_587 = arith.constant 1 : i32
        %parallel_loop3A_588 = arith.index_cast %parallel_loop3A_587 : i32 to index
        %parallel_loop3A_589 = arith.index_cast %parallel_loop3A_586 : i32 to index
        %parallel_loop3A_590 = tpu.vector_load %arg9[%parallel_loop3A_588, %parallel_loop3A_589] {strides = array<i32>} : memref<8x2048xf32, #tpu.memory_space<vmem>>, vector<1x16xf32>,
        %parallel_loop3A_591 = vector.shape_cast %parallel_loop3A_590 : vector<1x16xf32> to vector<16xf32>
        %parallel_loop3A_592 = arith.constant 1 : i32
        %parallel_loop3A_593 = arith.index_cast %parallel_loop3A_592 : i32 to index
        %parallel_loop3A_594 = arith.index_cast %parallel_loop3A_586 : i32 to index
        %parallel_loop3A_595 = tpu.vector_load %arg7[%parallel_loop3A_593, %parallel_loop3A_594] {strides = array<i32>} : memref<8x2048xf32, #tpu.memory_space<vmem>>, vector<1x16xf32>,
        %parallel_loop3A_596 = vector.shape_cast %parallel_loop3A_595 : vector<1x16xf32> to vector<16xf32>
        %parallel_loop3A_597 = vector.shape_cast %parallel_loop3A_591 : vector<16xf32> to vector<1x16xf32>
        tpu.vector_store %arg7[%parallel_loop3A_593, %parallel_loop3A_594], %parallel_loop3A_597 {add = true, strides = array<i32>} : memref<8x2048xf32, #tpu.memory_space<vmem>>, vector<1x16xf32>,
      } {sc.loop_unroll_factor = 8 : i64, sc.parallel_access}
      %parallel_loop3A_220 = arith.constant 0 : i32
      %parallel_loop3A_221 = arith.constant 128 : i32
      %parallel_loop3A_222 = arith.constant 1 : i32
      scf.for %parallel_loop3A_584 = %parallel_loop3A_220 to %parallel_loop3A_221 step %parallel_loop3A_222  : i32 {
        %parallel_loop3A_585 = arith.constant 16 : i32
        %parallel_loop3A_586 = arith.muli %parallel_loop3A_584, %parallel_loop3A_585 : i32
        %parallel_loop3A_587 = arith.constant 2 : i32
        %parallel_loop3A_588 = arith.index_cast %parallel_loop3A_587 : i32 to index
        %parallel_loop3A_589 = arith.index_cast %parallel_loop3A_586 : i32 to index
        %parallel_loop3A_590 = tpu.vector_load %arg9[%parallel_loop3A_588, %parallel_loop3A_589] {strides = array<i32>} : memref<8x2048xf32, #tpu.memory_space<vmem>>, vector<1x16xf32>,
        %parallel_loop3A_591 = vector.shape_cast %parallel_loop3A_590 : vector<1x16xf32> to vector<16xf32>
        %parallel_loop3A_592 = arith.constant 2 : i32
        %parallel_loop3A_593 = arith.index_cast %parallel_loop3A_592 : i32 to index
        %parallel_loop3A_594 = arith.index_cast %parallel_loop3A_586 : i32 to index
        %parallel_loop3A_595 = tpu.vector_load %arg7[%parallel_loop3A_593, %parallel_loop3A_594] {strides = array<i32>} : memref<8x2048xf32, #tpu.memory_space<vmem>>, vector<1x16xf32>,
        %parallel_loop3A_596 = vector.shape_cast %parallel_loop3A_595 : vector<1x16xf32> to vector<16xf32>
        %parallel_loop3A_597 = vector.shape_cast %parallel_loop3A_591 : vector<16xf32> to vector<1x16xf32>
        tpu.vector_store %arg7[%parallel_loop3A_593, %parallel_loop3A_594], %parallel_loop3A_597 {add = true, strides = array<i32>} : memref<8x2048xf32, #tpu.memory_space<vmem>>, vector<1x16xf32>,
      } {sc.loop_unroll_factor = 8 : i64, sc.parallel_access}
      %parallel_loop3A_223 = arith.constant 0 : i32
      %parallel_loop3A_224 = arith.constant 128 : i32
      %parallel_loop3A_225 = arith.constant 1 : i32
      scf.for %parallel_loop3A_584 = %parallel_loop3A_223 to %parallel_loop3A_224 step %parallel_loop3A_225  : i32 {
        %parallel_loop3A_585 = arith.constant 16 : i32
        %parallel_loop3A_586 = arith.muli %parallel_loop3A_584, %parallel_loop3A_585 : i32
        %parallel_loop3A_587 = arith.constant 3 : i32
        %parallel_loop3A_588 = arith.index_cast %parallel_loop3A_587 : i32 to index
        %parallel_loop3A_589 = arith.index_cast %parallel_loop3A_586 : i32 to index
        %parallel_loop3A_590 = tpu.vector_load %arg9[%parallel_loop3A_588, %parallel_loop3A_589] {strides = array<i32>} : memref<8x2048xf32, #tpu.memory_space<vmem>>, vector<1x16xf32>,
        %parallel_loop3A_591 = vector.shape_cast %parallel_loop3A_590 : vector<1x16xf32> to vector<16xf32>
        %parallel_loop3A_592 = arith.constant 3 : i32
        %parallel_loop3A_593 = arith.index_cast %parallel_loop3A_592 : i32 to index
        %parallel_loop3A_594 = arith.index_cast %parallel_loop3A_586 : i32 to index
        %parallel_loop3A_595 = tpu.vector_load %arg7[%parallel_loop3A_593, %parallel_loop3A_594] {strides = array<i32>} : memref<8x2048xf32, #tpu.memory_space<vmem>>, vector<1x16xf32>,
        %parallel_loop3A_596 = vector.shape_cast %parallel_loop3A_595 : vector<1x16xf32> to vector<16xf32>
        %parallel_loop3A_597 = vector.shape_cast %parallel_loop3A_591 : vector<16xf32> to vector<1x16xf32>
        tpu.vector_store %arg7[%parallel_loop3A_593, %parallel_loop3A_594], %parallel_loop3A_597 {add = true, strides = array<i32>} : memref<8x2048xf32, #tpu.memory_space<vmem>>, vector<1x16xf32>,
      } {sc.loop_unroll_factor = 8 : i64, sc.parallel_access}
      %parallel_loop3A_226 = arith.constant 0 : i32
      %parallel_loop3A_227 = arith.constant 128 : i32
      %parallel_loop3A_228 = arith.constant 1 : i32
      scf.for %parallel_loop3A_584 = %parallel_loop3A_226 to %parallel_loop3A_227 step %parallel_loop3A_228  : i32 {
        %parallel_loop3A_585 = arith.constant 16 : i32
        %parallel_loop3A_586 = arith.muli %parallel_loop3A_584, %parallel_loop3A_585 : i32
        %parallel_loop3A_587 = arith.constant 4 : i32
        %parallel_loop3A_588 = arith.index_cast %parallel_loop3A_587 : i32 to index
        %parallel_loop3A_589 = arith.index_cast %parallel_loop3A_586 : i32 to index
        %parallel_loop3A_590 = tpu.vector_load %arg9[%parallel_loop3A_588, %parallel_loop3A_589] {strides = array<i32>} : memref<8x2048xf32, #tpu.memory_space<vmem>>, vector<1x16xf32>,
        %parallel_loop3A_591 = vector.shape_cast %parallel_loop3A_590 : vector<1x16xf32> to vector<16xf32>
        %parallel_loop3A_592 = arith.constant 4 : i32
        %parallel_loop3A_593 = arith.index_cast %parallel_loop3A_592 : i32 to index
        %parallel_loop3A_594 = arith.index_cast %parallel_loop3A_586 : i32 to index
        %parallel_loop3A_595 = tpu.vector_load %arg7[%parallel_loop3A_593, %parallel_loop3A_594] {strides = array<i32>} : memref<8x2048xf32, #tpu.memory_space<vmem>>, vector<1x16xf32>,
        %parallel_loop3A_596 = vector.shape_cast %parallel_loop3A_595 : vector<1x16xf32> to vector<16xf32>
        %parallel_loop3A_597 = vector.shape_cast %parallel_loop3A_591 : vector<16xf32> to vector<1x16xf32>
        tpu.vector_store %arg7[%parallel_loop3A_593, %parallel_loop3A_594], %parallel_loop3A_597 {add = true, strides = array<i32>} : memref<8x2048xf32, #tpu.memory_space<vmem>>, vector<1x16xf32>,
      } {sc.loop_unroll_factor = 8 : i64, sc.parallel_access}
      %parallel_loop3A_229 = arith.constant 0 : i32
      %parallel_loop3A_230 = arith.constant 128 : i32
      %parallel_loop3A_231 = arith.constant 1 : i32
      scf.for %parallel_loop3A_584 = %parallel_loop3A_229 to %parallel_loop3A_230 step %parallel_loop3A_231  : i32 {
        %parallel_loop3A_585 = arith.constant 16 : i32
        %parallel_loop3A_586 = arith.muli %parallel_loop3A_584, %parallel_loop3A_585 : i32
        %parallel_loop3A_587 = arith.constant 5 : i32
        %parallel_loop3A_588 = arith.index_cast %parallel_loop3A_587 : i32 to index
        %parallel_loop3A_589 = arith.index_cast %parallel_loop3A_586 : i32 to index
        %parallel_loop3A_590 = tpu.vector_load %arg9[%parallel_loop3A_588, %parallel_loop3A_589] {strides = array<i32>} : memref<8x2048xf32, #tpu.memory_space<vmem>>, vector<1x16xf32>,
        %parallel_loop3A_591 = vector.shape_cast %parallel_loop3A_590 : vector<1x16xf32> to vector<16xf32>
        %parallel_loop3A_592 = arith.constant 5 : i32
        %parallel_loop3A_593 = arith.index_cast %parallel_loop3A_592 : i32 to index
        %parallel_loop3A_594 = arith.index_cast %parallel_loop3A_586 : i32 to index
        %parallel_loop3A_595 = tpu.vector_load %arg7[%parallel_loop3A_593, %parallel_loop3A_594] {strides = array<i32>} : memref<8x2048xf32, #tpu.memory_space<vmem>>, vector<1x16xf32>,
        %parallel_loop3A_596 = vector.shape_cast %parallel_loop3A_595 : vector<1x16xf32> to vector<16xf32>
        %parallel_loop3A_597 = vector.shape_cast %parallel_loop3A_591 : vector<16xf32> to vector<1x16xf32>
        tpu.vector_store %arg7[%parallel_loop3A_593, %parallel_loop3A_594], %parallel_loop3A_597 {add = true, strides = array<i32>} : memref<8x2048xf32, #tpu.memory_space<vmem>>, vector<1x16xf32>,
      } {sc.loop_unroll_factor = 8 : i64, sc.parallel_access}
      %parallel_loop3A_232 = arith.constant 0 : i32
      %parallel_loop3A_233 = arith.constant 128 : i32
      %parallel_loop3A_234 = arith.constant 1 : i32
      scf.for %parallel_loop3A_584 = %parallel_loop3A_232 to %parallel_loop3A_233 step %parallel_loop3A_234  : i32 {
        %parallel_loop3A_585 = arith.constant 16 : i32
        %parallel_loop3A_586 = arith.muli %parallel_loop3A_584, %parallel_loop3A_585 : i32
        %parallel_loop3A_587 = arith.constant 6 : i32
        %parallel_loop3A_588 = arith.index_cast %parallel_loop3A_587 : i32 to index
        %parallel_loop3A_589 = arith.index_cast %parallel_loop3A_586 : i32 to index
        %parallel_loop3A_590 = tpu.vector_load %arg9[%parallel_loop3A_588, %parallel_loop3A_589] {strides = array<i32>} : memref<8x2048xf32, #tpu.memory_space<vmem>>, vector<1x16xf32>,
        %parallel_loop3A_591 = vector.shape_cast %parallel_loop3A_590 : vector<1x16xf32> to vector<16xf32>
        %parallel_loop3A_592 = arith.constant 6 : i32
        %parallel_loop3A_593 = arith.index_cast %parallel_loop3A_592 : i32 to index
        %parallel_loop3A_594 = arith.index_cast %parallel_loop3A_586 : i32 to index
        %parallel_loop3A_595 = tpu.vector_load %arg7[%parallel_loop3A_593, %parallel_loop3A_594] {strides = array<i32>} : memref<8x2048xf32, #tpu.memory_space<vmem>>, vector<1x16xf32>,
        %parallel_loop3A_596 = vector.shape_cast %parallel_loop3A_595 : vector<1x16xf32> to vector<16xf32>
        %parallel_loop3A_597 = vector.shape_cast %parallel_loop3A_591 : vector<16xf32> to vector<1x16xf32>
        tpu.vector_store %arg7[%parallel_loop3A_593, %parallel_loop3A_594], %parallel_loop3A_597 {add = true, strides = array<i32>} : memref<8x2048xf32, #tpu.memory_space<vmem>>, vector<1x16xf32>,
      } {sc.loop_unroll_factor = 8 : i64, sc.parallel_access}
      %parallel_loop3A_235 = arith.constant 0 : i32
      %parallel_loop3A_236 = arith.constant 128 : i32
      %parallel_loop3A_237 = arith.constant 1 : i32
      scf.for %parallel_loop3A_584 = %parallel_loop3A_235 to %parallel_loop3A_236 step %parallel_loop3A_237  : i32 {
        %parallel_loop3A_585 = arith.constant 16 : i32
        %parallel_loop3A_586 = arith.muli %parallel_loop3A_584, %parallel_loop3A_585 : i32
        %parallel_loop3A_587 = arith.constant 7 : i32
        %parallel_loop3A_588 = arith.index_cast %parallel_loop3A_587 : i32 to index
        %parallel_loop3A_589 = arith.index_cast %parallel_loop3A_586 : i32 to index
        %parallel_loop3A_590 = tpu.vector_load %arg9[%parallel_loop3A_588, %parallel_loop3A_589] {strides = array<i32>} : memref<8x2048xf32, #tpu.memory_space<vmem>>, vector<1x16xf32>,
        %parallel_loop3A_591 = vector.shape_cast %parallel_loop3A_590 : vector<1x16xf32> to vector<16xf32>
        %parallel_loop3A_592 = arith.constant 7 : i32
        %parallel_loop3A_593 = arith.index_cast %parallel_loop3A_592 : i32 to index
        %parallel_loop3A_594 = arith.index_cast %parallel_loop3A_586 : i32 to index
        %parallel_loop3A_595 = tpu.vector_load %arg7[%parallel_loop3A_593, %parallel_loop3A_594] {strides = array<i32>} : memref<8x2048xf32, #tpu.memory_space<vmem>>, vector<1x16xf32>,
        %parallel_loop3A_596 = vector.shape_cast %parallel_loop3A_595 : vector<1x16xf32> to vector<16xf32>
        %parallel_loop3A_597 = vector.shape_cast %parallel_loop3A_591 : vector<16xf32> to vector<1x16xf32>
        tpu.vector_store %arg7[%parallel_loop3A_593, %parallel_loop3A_594], %parallel_loop3A_597 {add = true, strides = array<i32>} : memref<8x2048xf32, #tpu.memory_space<vmem>>, vector<1x16xf32>,
      } {sc.loop_unroll_factor = 8 : i64, sc.parallel_access}
      %mul3A_238 = arith.constant 8 : i32
      %mul3A_239 = arith.muli %add3A_60, %mul3A_238 : i32
      %add3A_240 = arith.addi %mul3A_2, %mul3A_239 : i32
      %dma_start3A_241 = arith.constant 2 : i32
      %dma_start3A_242 = arith.constant 0 : i32
      %dma_start3A_243 = tpu.memref_slice %arg4[%dma_start3A_241, %add3A_240, %dma_start3A_242] : memref<4x8192x2048xf32, #tpu.memory_space<hbm>> -> memref<1x8x2048xf32, #tpu.memory_space<hbm>>
      %dma_start3A_244 = tpu.memref_squeeze %dma_start3A_243 : memref<1x8x2048xf32, #tpu.memory_space<hbm>> -> memref<8x2048xf32, #tpu.memory_space<hbm>>
      %dma_start3A_245 = arith.constant 0 : i32
      %dma_start3A_246 = tpu.memref_slice %arg4[%dma_start3A_241, %add3A_240, %dma_start3A_245] : memref<4x8192x2048xf32, #tpu.memory_space<hbm>> -> memref<1x8x2048xf32, #tpu.memory_space<hbm>>
      %dma_start3A_247 = tpu.memref_squeeze %dma_start3A_246 : memref<1x8x2048xf32, #tpu.memory_space<hbm>> -> memref<8x2048xf32, #tpu.memory_space<hbm>>
      tpu.enqueue_dma source(%arg7 : memref<8x2048xf32, #tpu.memory_space<vmem>>) target(%dma_start3A_247 : memref<8x2048xf32, #tpu.memory_space<hbm>>) target_semaphore(%arg17 : memref<!tpu.dma_semaphore, #tpu.memory_space<semaphore_mem>>)
      %mul3A_248 = arith.constant 8 : i32
      %mul3A_249 = arith.muli %add3A_60, %mul3A_248 : i32
      %add3A_250 = arith.addi %mul3A_2, %mul3A_249 : i32
      %dma_wait3A_251 = arith.constant 3 : i32
      %dma_wait3A_252 = arith.constant 0 : i32
      %dma_wait3A_253 = tpu.memref_slice %arg2[%dma_wait3A_251, %add3A_250, %dma_wait3A_252] : memref<4x8192x2048xf32, #tpu.memory_space<hbm>> -> memref<1x8x2048xf32, #tpu.memory_space<hbm>>
      %dma_wait3A_254 = tpu.memref_squeeze %dma_wait3A_253 : memref<1x8x2048xf32, #tpu.memory_space<hbm>> -> memref<8x2048xf32, #tpu.memory_space<hbm>>
      %dma_wait3A_255 = arith.constant 0 : i32
      %dma_wait3A_256 = tpu.memref_slice %arg2[%dma_wait3A_251, %add3A_250, %dma_wait3A_255] : memref<4x8192x2048xf32, #tpu.memory_space<hbm>> -> memref<1x8x2048xf32, #tpu.memory_space<hbm>>
      %dma_wait3A_257 = tpu.memref_squeeze %dma_wait3A_256 : memref<1x8x2048xf32, #tpu.memory_space<hbm>> -> memref<8x2048xf32, #tpu.memory_space<hbm>>
      tpu.wait_dma2 semaphore(%arg14 : memref<!tpu.dma_semaphore, #tpu.memory_space<semaphore_mem>>) src(%dma_wait3A_257 : memref<8x2048xf32, #tpu.memory_space<hbm>>) dst(%arg8 : memref<8x2048xf32, #tpu.memory_space<vmem>>)
      %mul3A_258 = arith.constant 8 : i32
      %mul3A_259 = arith.muli %add3A_60, %mul3A_258 : i32
      %add3A_260 = arith.addi %mul3A_2, %mul3A_259 : i32
      %dma_wait3A_261 = arith.constant 1 : i32
      %dma_wait3A_262 = arith.constant 0 : i32
      %dma_wait3A_263 = tpu.memref_slice %arg4[%dma_wait3A_261, %add3A_260, %dma_wait3A_262] : memref<4x8192x2048xf32, #tpu.memory_space<hbm>> -> memref<1x8x2048xf32, #tpu.memory_space<hbm>>
      %dma_wait3A_264 = tpu.memref_squeeze %dma_wait3A_263 : memref<1x8x2048xf32, #tpu.memory_space<hbm>> -> memref<8x2048xf32, #tpu.memory_space<hbm>>
      %dma_wait3A_265 = arith.constant 0 : i32
      %dma_wait3A_266 = tpu.memref_slice %arg4[%dma_wait3A_261, %add3A_260, %dma_wait3A_265] : memref<4x8192x2048xf32, #tpu.memory_space<hbm>> -> memref<1x8x2048xf32, #tpu.memory_space<hbm>>
      %dma_wait3A_267 = tpu.memref_squeeze %dma_wait3A_266 : memref<1x8x2048xf32, #tpu.memory_space<hbm>> -> memref<8x2048xf32, #tpu.memory_space<hbm>>
      tpu.wait_dma2 semaphore(%arg16 : memref<!tpu.dma_semaphore, #tpu.memory_space<semaphore_mem>>) src(%arg6 : memref<8x2048xf32, #tpu.memory_space<vmem>>) dst(%dma_wait3A_267 : memref<8x2048xf32, #tpu.memory_space<hbm>>)
      %add3A_268 = arith.constant 1 : i32
      %add3A_269 = arith.addi %add3A_60, %add3A_268 : i32
      %mul3A_270 = arith.constant 8 : i32
      %mul3A_271 = arith.muli %add3A_269, %mul3A_270 : i32
      %add3A_272 = arith.addi %mul3A_2, %mul3A_271 : i32
      %dma_start3A_273 = arith.constant 1 : i32
      %dma_start3A_274 = arith.constant 0 : i32
      %dma_start3A_275 = tpu.memref_slice %arg2[%dma_start3A_273, %add3A_272, %dma_start3A_274] : memref<4x8192x2048xf32, #tpu.memory_space<hbm>> -> memref<1x8x2048xf32, #tpu.memory_space<hbm>>
      %dma_start3A_276 = tpu.memref_squeeze %dma_start3A_275 : memref<1x8x2048xf32, #tpu.memory_space<hbm>> -> memref<8x2048xf32, #tpu.memory_space<hbm>>
      %dma_start3A_277 = arith.constant 0 : i32
      %dma_start3A_278 = tpu.memref_slice %arg2[%dma_start3A_273, %add3A_272, %dma_start3A_277] : memref<4x8192x2048xf32, #tpu.memory_space<hbm>> -> memref<1x8x2048xf32, #tpu.memory_space<hbm>>
      %dma_start3A_279 = tpu.memref_squeeze %dma_start3A_278 : memref<1x8x2048xf32, #tpu.memory_space<hbm>> -> memref<8x2048xf32, #tpu.memory_space<hbm>>
      tpu.enqueue_dma source(%dma_start3A_279 : memref<8x2048xf32, #tpu.memory_space<hbm>>) target(%arg6 : memref<8x2048xf32, #tpu.memory_space<vmem>>) target_semaphore(%arg12 : memref<!tpu.dma_semaphore, #tpu.memory_space<semaphore_mem>>)
      %parallel_loop3A_280 = arith.constant 0 : i32
      %parallel_loop3A_281 = arith.constant 128 : i32
      %parallel_loop3A_282 = arith.constant 1 : i32
      scf.for %parallel_loop3A_584 = %parallel_loop3A_280 to %parallel_loop3A_281 step %parallel_loop3A_282  : i32 {
        %parallel_loop3A_585 = arith.constant 16 : i32
        %parallel_loop3A_586 = arith.muli %parallel_loop3A_584, %parallel_loop3A_585 : i32
        %parallel_loop3A_587 = arith.constant 0 : i32
        %parallel_loop3A_588 = arith.index_cast %parallel_loop3A_587 : i32 to index
        %parallel_loop3A_589 = arith.index_cast %parallel_loop3A_586 : i32 to index
        %parallel_loop3A_590 = tpu.vector_load %arg9[%parallel_loop3A_588, %parallel_loop3A_589] {strides = array<i32>} : memref<8x2048xf32, #tpu.memory_space<vmem>>, vector<1x16xf32>,
        %parallel_loop3A_591 = vector.shape_cast %parallel_loop3A_590 : vector<1x16xf32> to vector<16xf32>
        %parallel_loop3A_592 = arith.constant 0 : i32
        %parallel_loop3A_593 = arith.index_cast %parallel_loop3A_592 : i32 to index
        %parallel_loop3A_594 = arith.index_cast %parallel_loop3A_586 : i32 to index
        %parallel_loop3A_595 = tpu.vector_load %arg8[%parallel_loop3A_593, %parallel_loop3A_594] {strides = array<i32>} : memref<8x2048xf32, #tpu.memory_space<vmem>>, vector<1x16xf32>,
        %parallel_loop3A_596 = vector.shape_cast %parallel_loop3A_595 : vector<1x16xf32> to vector<16xf32>
        %parallel_loop3A_597 = vector.shape_cast %parallel_loop3A_591 : vector<16xf32> to vector<1x16xf32>
        tpu.vector_store %arg8[%parallel_loop3A_593, %parallel_loop3A_594], %parallel_loop3A_597 {add = true, strides = array<i32>} : memref<8x2048xf32, #tpu.memory_space<vmem>>, vector<1x16xf32>,
      } {sc.loop_unroll_factor = 8 : i64, sc.parallel_access}
      %parallel_loop3A_283 = arith.constant 0 : i32
      %parallel_loop3A_284 = arith.constant 128 : i32
      %parallel_loop3A_285 = arith.constant 1 : i32
      scf.for %parallel_loop3A_584 = %parallel_loop3A_283 to %parallel_loop3A_284 step %parallel_loop3A_285  : i32 {
        %parallel_loop3A_585 = arith.constant 16 : i32
        %parallel_loop3A_586 = arith.muli %parallel_loop3A_584, %parallel_loop3A_585 : i32
        %parallel_loop3A_587 = arith.constant 1 : i32
        %parallel_loop3A_588 = arith.index_cast %parallel_loop3A_587 : i32 to index
        %parallel_loop3A_589 = arith.index_cast %parallel_loop3A_586 : i32 to index
        %parallel_loop3A_590 = tpu.vector_load %arg9[%parallel_loop3A_588, %parallel_loop3A_589] {strides = array<i32>} : memref<8x2048xf32, #tpu.memory_space<vmem>>, vector<1x16xf32>,
        %parallel_loop3A_591 = vector.shape_cast %parallel_loop3A_590 : vector<1x16xf32> to vector<16xf32>
        %parallel_loop3A_592 = arith.constant 1 : i32
        %parallel_loop3A_593 = arith.index_cast %parallel_loop3A_592 : i32 to index
        %parallel_loop3A_594 = arith.index_cast %parallel_loop3A_586 : i32 to index
        %parallel_loop3A_595 = tpu.vector_load %arg8[%parallel_loop3A_593, %parallel_loop3A_594] {strides = array<i32>} : memref<8x2048xf32, #tpu.memory_space<vmem>>, vector<1x16xf32>,
        %parallel_loop3A_596 = vector.shape_cast %parallel_loop3A_595 : vector<1x16xf32> to vector<16xf32>
        %parallel_loop3A_597 = vector.shape_cast %parallel_loop3A_591 : vector<16xf32> to vector<1x16xf32>
        tpu.vector_store %arg8[%parallel_loop3A_593, %parallel_loop3A_594], %parallel_loop3A_597 {add = true, strides = array<i32>} : memref<8x2048xf32, #tpu.memory_space<vmem>>, vector<1x16xf32>,
      } {sc.loop_unroll_factor = 8 : i64, sc.parallel_access}
      %parallel_loop3A_286 = arith.constant 0 : i32
      %parallel_loop3A_287 = arith.constant 128 : i32
      %parallel_loop3A_288 = arith.constant 1 : i32
      scf.for %parallel_loop3A_584 = %parallel_loop3A_286 to %parallel_loop3A_287 step %parallel_loop3A_288  : i32 {
        %parallel_loop3A_585 = arith.constant 16 : i32
        %parallel_loop3A_586 = arith.muli %parallel_loop3A_584, %parallel_loop3A_585 : i32
        %parallel_loop3A_587 = arith.constant 2 : i32
        %parallel_loop3A_588 = arith.index_cast %parallel_loop3A_587 : i32 to index
        %parallel_loop3A_589 = arith.index_cast %parallel_loop3A_586 : i32 to index
        %parallel_loop3A_590 = tpu.vector_load %arg9[%parallel_loop3A_588, %parallel_loop3A_589] {strides = array<i32>} : memref<8x2048xf32, #tpu.memory_space<vmem>>, vector<1x16xf32>,
        %parallel_loop3A_591 = vector.shape_cast %parallel_loop3A_590 : vector<1x16xf32> to vector<16xf32>
        %parallel_loop3A_592 = arith.constant 2 : i32
        %parallel_loop3A_593 = arith.index_cast %parallel_loop3A_592 : i32 to index
        %parallel_loop3A_594 = arith.index_cast %parallel_loop3A_586 : i32 to index
        %parallel_loop3A_595 = tpu.vector_load %arg8[%parallel_loop3A_593, %parallel_loop3A_594] {strides = array<i32>} : memref<8x2048xf32, #tpu.memory_space<vmem>>, vector<1x16xf32>,
        %parallel_loop3A_596 = vector.shape_cast %parallel_loop3A_595 : vector<1x16xf32> to vector<16xf32>
        %parallel_loop3A_597 = vector.shape_cast %parallel_loop3A_591 : vector<16xf32> to vector<1x16xf32>
        tpu.vector_store %arg8[%parallel_loop3A_593, %parallel_loop3A_594], %parallel_loop3A_597 {add = true, strides = array<i32>} : memref<8x2048xf32, #tpu.memory_space<vmem>>, vector<1x16xf32>,
      } {sc.loop_unroll_factor = 8 : i64, sc.parallel_access}
      %parallel_loop3A_289 = arith.constant 0 : i32
      %parallel_loop3A_290 = arith.constant 128 : i32
      %parallel_loop3A_291 = arith.constant 1 : i32
      scf.for %parallel_loop3A_584 = %parallel_loop3A_289 to %parallel_loop3A_290 step %parallel_loop3A_291  : i32 {
        %parallel_loop3A_585 = arith.constant 16 : i32
        %parallel_loop3A_586 = arith.muli %parallel_loop3A_584, %parallel_loop3A_585 : i32
        %parallel_loop3A_587 = arith.constant 3 : i32
        %parallel_loop3A_588 = arith.index_cast %parallel_loop3A_587 : i32 to index
        %parallel_loop3A_589 = arith.index_cast %parallel_loop3A_586 : i32 to index
        %parallel_loop3A_590 = tpu.vector_load %arg9[%parallel_loop3A_588, %parallel_loop3A_589] {strides = array<i32>} : memref<8x2048xf32, #tpu.memory_space<vmem>>, vector<1x16xf32>,
        %parallel_loop3A_591 = vector.shape_cast %parallel_loop3A_590 : vector<1x16xf32> to vector<16xf32>
        %parallel_loop3A_592 = arith.constant 3 : i32
        %parallel_loop3A_593 = arith.index_cast %parallel_loop3A_592 : i32 to index
        %parallel_loop3A_594 = arith.index_cast %parallel_loop3A_586 : i32 to index
        %parallel_loop3A_595 = tpu.vector_load %arg8[%parallel_loop3A_593, %parallel_loop3A_594] {strides = array<i32>} : memref<8x2048xf32, #tpu.memory_space<vmem>>, vector<1x16xf32>,
        %parallel_loop3A_596 = vector.shape_cast %parallel_loop3A_595 : vector<1x16xf32> to vector<16xf32>
        %parallel_loop3A_597 = vector.shape_cast %parallel_loop3A_591 : vector<16xf32> to vector<1x16xf32>
        tpu.vector_store %arg8[%parallel_loop3A_593, %parallel_loop3A_594], %parallel_loop3A_597 {add = true, strides = array<i32>} : memref<8x2048xf32, #tpu.memory_space<vmem>>, vector<1x16xf32>,
      } {sc.loop_unroll_factor = 8 : i64, sc.parallel_access}
      %parallel_loop3A_292 = arith.constant 0 : i32
      %parallel_loop3A_293 = arith.constant 128 : i32
      %parallel_loop3A_294 = arith.constant 1 : i32
      scf.for %parallel_loop3A_584 = %parallel_loop3A_292 to %parallel_loop3A_293 step %parallel_loop3A_294  : i32 {
        %parallel_loop3A_585 = arith.constant 16 : i32
        %parallel_loop3A_586 = arith.muli %parallel_loop3A_584, %parallel_loop3A_585 : i32
        %parallel_loop3A_587 = arith.constant 4 : i32
        %parallel_loop3A_588 = arith.index_cast %parallel_loop3A_587 : i32 to index
        %parallel_loop3A_589 = arith.index_cast %parallel_loop3A_586 : i32 to index
        %parallel_loop3A_590 = tpu.vector_load %arg9[%parallel_loop3A_588, %parallel_loop3A_589] {strides = array<i32>} : memref<8x2048xf32, #tpu.memory_space<vmem>>, vector<1x16xf32>,
        %parallel_loop3A_591 = vector.shape_cast %parallel_loop3A_590 : vector<1x16xf32> to vector<16xf32>
        %parallel_loop3A_592 = arith.constant 4 : i32
        %parallel_loop3A_593 = arith.index_cast %parallel_loop3A_592 : i32 to index
        %parallel_loop3A_594 = arith.index_cast %parallel_loop3A_586 : i32 to index
        %parallel_loop3A_595 = tpu.vector_load %arg8[%parallel_loop3A_593, %parallel_loop3A_594] {strides = array<i32>} : memref<8x2048xf32, #tpu.memory_space<vmem>>, vector<1x16xf32>,
        %parallel_loop3A_596 = vector.shape_cast %parallel_loop3A_595 : vector<1x16xf32> to vector<16xf32>
        %parallel_loop3A_597 = vector.shape_cast %parallel_loop3A_591 : vector<16xf32> to vector<1x16xf32>
        tpu.vector_store %arg8[%parallel_loop3A_593, %parallel_loop3A_594], %parallel_loop3A_597 {add = true, strides = array<i32>} : memref<8x2048xf32, #tpu.memory_space<vmem>>, vector<1x16xf32>,
      } {sc.loop_unroll_factor = 8 : i64, sc.parallel_access}
      %parallel_loop3A_295 = arith.constant 0 : i32
      %parallel_loop3A_296 = arith.constant 128 : i32
      %parallel_loop3A_297 = arith.constant 1 : i32
      scf.for %parallel_loop3A_584 = %parallel_loop3A_295 to %parallel_loop3A_296 step %parallel_loop3A_297  : i32 {
        %parallel_loop3A_585 = arith.constant 16 : i32
        %parallel_loop3A_586 = arith.muli %parallel_loop3A_584, %parallel_loop3A_585 : i32
        %parallel_loop3A_587 = arith.constant 5 : i32
        %parallel_loop3A_588 = arith.index_cast %parallel_loop3A_587 : i32 to index
        %parallel_loop3A_589 = arith.index_cast %parallel_loop3A_586 : i32 to index
        %parallel_loop3A_590 = tpu.vector_load %arg9[%parallel_loop3A_588, %parallel_loop3A_589] {strides = array<i32>} : memref<8x2048xf32, #tpu.memory_space<vmem>>, vector<1x16xf32>,
        %parallel_loop3A_591 = vector.shape_cast %parallel_loop3A_590 : vector<1x16xf32> to vector<16xf32>
        %parallel_loop3A_592 = arith.constant 5 : i32
        %parallel_loop3A_593 = arith.index_cast %parallel_loop3A_592 : i32 to index
        %parallel_loop3A_594 = arith.index_cast %parallel_loop3A_586 : i32 to index
        %parallel_loop3A_595 = tpu.vector_load %arg8[%parallel_loop3A_593, %parallel_loop3A_594] {strides = array<i32>} : memref<8x2048xf32, #tpu.memory_space<vmem>>, vector<1x16xf32>,
        %parallel_loop3A_596 = vector.shape_cast %parallel_loop3A_595 : vector<1x16xf32> to vector<16xf32>
        %parallel_loop3A_597 = vector.shape_cast %parallel_loop3A_591 : vector<16xf32> to vector<1x16xf32>
        tpu.vector_store %arg8[%parallel_loop3A_593, %parallel_loop3A_594], %parallel_loop3A_597 {add = true, strides = array<i32>} : memref<8x2048xf32, #tpu.memory_space<vmem>>, vector<1x16xf32>,
      } {sc.loop_unroll_factor = 8 : i64, sc.parallel_access}
      %parallel_loop3A_298 = arith.constant 0 : i32
      %parallel_loop3A_299 = arith.constant 128 : i32
      %parallel_loop3A_300 = arith.constant 1 : i32
      scf.for %parallel_loop3A_584 = %parallel_loop3A_298 to %parallel_loop3A_299 step %parallel_loop3A_300  : i32 {
        %parallel_loop3A_585 = arith.constant 16 : i32
        %parallel_loop3A_586 = arith.muli %parallel_loop3A_584, %parallel_loop3A_585 : i32
        %parallel_loop3A_587 = arith.constant 6 : i32
        %parallel_loop3A_588 = arith.index_cast %parallel_loop3A_587 : i32 to index
        %parallel_loop3A_589 = arith.index_cast %parallel_loop3A_586 : i32 to index
        %parallel_loop3A_590 = tpu.vector_load %arg9[%parallel_loop3A_588, %parallel_loop3A_589] {strides = array<i32>} : memref<8x2048xf32, #tpu.memory_space<vmem>>, vector<1x16xf32>,
        %parallel_loop3A_591 = vector.shape_cast %parallel_loop3A_590 : vector<1x16xf32> to vector<16xf32>
        %parallel_loop3A_592 = arith.constant 6 : i32
        %parallel_loop3A_593 = arith.index_cast %parallel_loop3A_592 : i32 to index
        %parallel_loop3A_594 = arith.index_cast %parallel_loop3A_586 : i32 to index
        %parallel_loop3A_595 = tpu.vector_load %arg8[%parallel_loop3A_593, %parallel_loop3A_594] {strides = array<i32>} : memref<8x2048xf32, #tpu.memory_space<vmem>>, vector<1x16xf32>,
        %parallel_loop3A_596 = vector.shape_cast %parallel_loop3A_595 : vector<1x16xf32> to vector<16xf32>
        %parallel_loop3A_597 = vector.shape_cast %parallel_loop3A_591 : vector<16xf32> to vector<1x16xf32>
        tpu.vector_store %arg8[%parallel_loop3A_593, %parallel_loop3A_594], %parallel_loop3A_597 {add = true, strides = array<i32>} : memref<8x2048xf32, #tpu.memory_space<vmem>>, vector<1x16xf32>,
      } {sc.loop_unroll_factor = 8 : i64, sc.parallel_access}
      %parallel_loop3A_301 = arith.constant 0 : i32
      %parallel_loop3A_302 = arith.constant 128 : i32
      %parallel_loop3A_303 = arith.constant 1 : i32
      scf.for %parallel_loop3A_584 = %parallel_loop3A_301 to %parallel_loop3A_302 step %parallel_loop3A_303  : i32 {
        %parallel_loop3A_585 = arith.constant 16 : i32
        %parallel_loop3A_586 = arith.muli %parallel_loop3A_584, %parallel_loop3A_585 : i32
        %parallel_loop3A_587 = arith.constant 7 : i32
        %parallel_loop3A_588 = arith.index_cast %parallel_loop3A_587 : i32 to index
        %parallel_loop3A_589 = arith.index_cast %parallel_loop3A_586 : i32 to index
        %parallel_loop3A_590 = tpu.vector_load %arg9[%parallel_loop3A_588, %parallel_loop3A_589] {strides = array<i32>} : memref<8x2048xf32, #tpu.memory_space<vmem>>, vector<1x16xf32>,
        %parallel_loop3A_591 = vector.shape_cast %parallel_loop3A_590 : vector<1x16xf32> to vector<16xf32>
        %parallel_loop3A_592 = arith.constant 7 : i32
        %parallel_loop3A_593 = arith.index_cast %parallel_loop3A_592 : i32 to index
        %parallel_loop3A_594 = arith.index_cast %parallel_loop3A_586 : i32 to index
        %parallel_loop3A_595 = tpu.vector_load %arg8[%parallel_loop3A_593, %parallel_loop3A_594] {strides = array<i32>} : memref<8x2048xf32, #tpu.memory_space<vmem>>, vector<1x16xf32>,
        %parallel_loop3A_596 = vector.shape_cast %parallel_loop3A_595 : vector<1x16xf32> to vector<16xf32>
        %parallel_loop3A_597 = vector.shape_cast %parallel_loop3A_591 : vector<16xf32> to vector<1x16xf32>
        tpu.vector_store %arg8[%parallel_loop3A_593, %parallel_loop3A_594], %parallel_loop3A_597 {add = true, strides = array<i32>} : memref<8x2048xf32, #tpu.memory_space<vmem>>, vector<1x16xf32>,
      } {sc.loop_unroll_factor = 8 : i64, sc.parallel_access}
      %mul3A_304 = arith.constant 8 : i32
      %mul3A_305 = arith.muli %add3A_60, %mul3A_304 : i32
      %add3A_306 = arith.addi %mul3A_2, %mul3A_305 : i32
      %dma_start3A_307 = arith.constant 3 : i32
      %dma_start3A_308 = arith.constant 0 : i32
      %dma_start3A_309 = tpu.memref_slice %arg4[%dma_start3A_307, %add3A_306, %dma_start3A_308] : memref<4x8192x2048xf32, #tpu.memory_space<hbm>> -> memref<1x8x2048xf32, #tpu.memory_space<hbm>>
      %dma_start3A_310 = tpu.memref_squeeze %dma_start3A_309 : memref<1x8x2048xf32, #tpu.memory_space<hbm>> -> memref<8x2048xf32, #tpu.memory_space<hbm>>
      %dma_start3A_311 = arith.constant 0 : i32
      %dma_start3A_312 = tpu.memref_slice %arg4[%dma_start3A_307, %add3A_306, %dma_start3A_311] : memref<4x8192x2048xf32, #tpu.memory_space<hbm>> -> memref<1x8x2048xf32, #tpu.memory_space<hbm>>
      %dma_start3A_313 = tpu.memref_squeeze %dma_start3A_312 : memref<1x8x2048xf32, #tpu.memory_space<hbm>> -> memref<8x2048xf32, #tpu.memory_space<hbm>>
      tpu.enqueue_dma source(%arg8 : memref<8x2048xf32, #tpu.memory_space<vmem>>) target(%dma_start3A_313 : memref<8x2048xf32, #tpu.memory_space<hbm>>) target_semaphore(%arg18 : memref<!tpu.dma_semaphore, #tpu.memory_space<semaphore_mem>>)
      %lt3A = arith.constant 15 : i32
      %lt3A_314 = arith.cmpi slt, %scan3A_55, %lt3A : i32
      %convert_element_type3A_315 = arith.extui %lt3A_314 : i1 to i32
      %cond3A_316 = arith.constant 0 : i32
      %cond3A_317 = arith.cmpi ne, %convert_element_type3A_315, %cond3A_316 : i32
      scf.if %cond3A_317 {
        %add3A_584 = arith.constant 2 : i32
        %add3A_585 = arith.addi %add3A_60, %add3A_584 : i32
        %mul3A_586 = arith.constant 8 : i32
        %mul3A_587 = arith.muli %add3A_585, %mul3A_586 : i32
        %add3A_588 = arith.addi %mul3A_2, %mul3A_587 : i32
        %dma_start3A_589 = arith.constant 0 : i32
        %dma_start3A_590 = tpu.memref_slice %arg3[%add3A_588, %dma_start3A_589] : memref<8192x2048xf32, #tpu.memory_space<hbm>> -> memref<8x2048xf32, #tpu.memory_space<hbm>>
        %dma_start3A_591 = arith.constant 0 : i32
        %dma_start3A_592 = tpu.memref_slice %arg3[%add3A_588, %dma_start3A_591] : memref<8192x2048xf32, #tpu.memory_space<hbm>> -> memref<8x2048xf32, #tpu.memory_space<hbm>>
        tpu.enqueue_dma source(%dma_start3A_592 : memref<8x2048xf32, #tpu.memory_space<hbm>>) target(%arg9 : memref<8x2048xf32, #tpu.memory_space<vmem>>) target_semaphore(%arg19 : memref<!tpu.dma_semaphore, #tpu.memory_space<semaphore_mem>>)
      } else {
      }
      %mul3A_318 = arith.constant 2 : i32
      %mul3A_319 = arith.muli %mul3A_318, %scan3A_55 : i32
      %add3A_320 = arith.constant 1 : i32
      %add3A_321 = arith.addi %mul3A_319, %add3A_320 : i32
      %mul3A_322 = arith.constant 8 : i32
      %mul3A_323 = arith.muli %add3A_321, %mul3A_322 : i32
      %add3A_324 = arith.addi %mul3A_2, %mul3A_323 : i32
      %dma_wait3A_325 = arith.constant 0 : i32
      %dma_wait3A_326 = arith.constant 0 : i32
      %dma_wait3A_327 = tpu.memref_slice %arg2[%dma_wait3A_325, %add3A_324, %dma_wait3A_326] : memref<4x8192x2048xf32, #tpu.memory_space<hbm>> -> memref<1x8x2048xf32, #tpu.memory_space<hbm>>
      %dma_wait3A_328 = tpu.memref_squeeze %dma_wait3A_327 : memref<1x8x2048xf32, #tpu.memory_space<hbm>> -> memref<8x2048xf32, #tpu.memory_space<hbm>>
      %dma_wait3A_329 = arith.constant 0 : i32
      %dma_wait3A_330 = tpu.memref_slice %arg2[%dma_wait3A_325, %add3A_324, %dma_wait3A_329] : memref<4x8192x2048xf32, #tpu.memory_space<hbm>> -> memref<1x8x2048xf32, #tpu.memory_space<hbm>>
      %dma_wait3A_331 = tpu.memref_squeeze %dma_wait3A_330 : memref<1x8x2048xf32, #tpu.memory_space<hbm>> -> memref<8x2048xf32, #tpu.memory_space<hbm>>
      tpu.wait_dma2 semaphore(%arg11 : memref<!tpu.dma_semaphore, #tpu.memory_space<semaphore_mem>>) src(%dma_wait3A_331 : memref<8x2048xf32, #tpu.memory_space<hbm>>) dst(%arg5 : memref<8x2048xf32, #tpu.memory_space<vmem>>)
      %sub3A = arith.constant 1 : i32
      %sub3A_332 = arith.subi %add3A_321, %sub3A : i32
      %mul3A_333 = arith.constant 8 : i32
      %mul3A_334 = arith.muli %sub3A_332, %mul3A_333 : i32
      %add3A_335 = arith.addi %mul3A_2, %mul3A_334 : i32
      %dma_wait3A_336 = arith.constant 2 : i32
      %dma_wait3A_337 = arith.constant 0 : i32
      %dma_wait3A_338 = tpu.memref_slice %arg4[%dma_wait3A_336, %add3A_335, %dma_wait3A_337] : memref<4x8192x2048xf32, #tpu.memory_space<hbm>> -> memref<1x8x2048xf32, #tpu.memory_space<hbm>>
      %dma_wait3A_339 = tpu.memref_squeeze %dma_wait3A_338 : memref<1x8x2048xf32, #tpu.memory_space<hbm>> -> memref<8x2048xf32, #tpu.memory_space<hbm>>
      %dma_wait3A_340 = arith.constant 0 : i32
      %dma_wait3A_341 = tpu.memref_slice %arg4[%dma_wait3A_336, %add3A_335, %dma_wait3A_340] : memref<4x8192x2048xf32, #tpu.memory_space<hbm>> -> memref<1x8x2048xf32, #tpu.memory_space<hbm>>
      %dma_wait3A_342 = tpu.memref_squeeze %dma_wait3A_341 : memref<1x8x2048xf32, #tpu.memory_space<hbm>> -> memref<8x2048xf32, #tpu.memory_space<hbm>>
      tpu.wait_dma2 semaphore(%arg17 : memref<!tpu.dma_semaphore, #tpu.memory_space<semaphore_mem>>) src(%arg7 : memref<8x2048xf32, #tpu.memory_space<vmem>>) dst(%dma_wait3A_342 : memref<8x2048xf32, #tpu.memory_space<hbm>>)
      %mul3A_343 = arith.constant 8 : i32
      %mul3A_344 = arith.muli %add3A_321, %mul3A_343 : i32
      %add3A_345 = arith.addi %mul3A_2, %mul3A_344 : i32
      %dma_wait3A_346 = arith.constant 0 : i32
      %dma_wait3A_347 = tpu.memref_slice %arg3[%add3A_345, %dma_wait3A_346] : memref<8192x2048xf32, #tpu.memory_space<hbm>> -> memref<8x2048xf32, #tpu.memory_space<hbm>>
      %dma_wait3A_348 = arith.constant 0 : i32
      %dma_wait3A_349 = tpu.memref_slice %arg3[%add3A_345, %dma_wait3A_348] : memref<8192x2048xf32, #tpu.memory_space<hbm>> -> memref<8x2048xf32, #tpu.memory_space<hbm>>
      tpu.wait_dma2 semaphore(%arg20 : memref<!tpu.dma_semaphore, #tpu.memory_space<semaphore_mem>>) src(%dma_wait3A_349 : memref<8x2048xf32, #tpu.memory_space<hbm>>) dst(%arg10 : memref<8x2048xf32, #tpu.memory_space<vmem>>)
      %mul3A_350 = arith.constant 8 : i32
      %mul3A_351 = arith.muli %add3A_321, %mul3A_350 : i32
      %add3A_352 = arith.addi %mul3A_2, %mul3A_351 : i32
      %dma_start3A_353 = arith.constant 2 : i32
      %dma_start3A_354 = arith.constant 0 : i32
      %dma_start3A_355 = tpu.memref_slice %arg2[%dma_start3A_353, %add3A_352, %dma_start3A_354] : memref<4x8192x2048xf32, #tpu.memory_space<hbm>> -> memref<1x8x2048xf32, #tpu.memory_space<hbm>>
      %dma_start3A_356 = tpu.memref_squeeze %dma_start3A_355 : memref<1x8x2048xf32, #tpu.memory_space<hbm>> -> memref<8x2048xf32, #tpu.memory_space<hbm>>
      %dma_start3A_357 = arith.constant 0 : i32
      %dma_start3A_358 = tpu.memref_slice %arg2[%dma_start3A_353, %add3A_352, %dma_start3A_357] : memref<4x8192x2048xf32, #tpu.memory_space<hbm>> -> memref<1x8x2048xf32, #tpu.memory_space<hbm>>
      %dma_start3A_359 = tpu.memref_squeeze %dma_start3A_358 : memref<1x8x2048xf32, #tpu.memory_space<hbm>> -> memref<8x2048xf32, #tpu.memory_space<hbm>>
      tpu.enqueue_dma source(%dma_start3A_359 : memref<8x2048xf32, #tpu.memory_space<hbm>>) target(%arg7 : memref<8x2048xf32, #tpu.memory_space<vmem>>) target_semaphore(%arg13 : memref<!tpu.dma_semaphore, #tpu.memory_space<semaphore_mem>>)
      %parallel_loop3A_360 = arith.constant 0 : i32
      %parallel_loop3A_361 = arith.constant 128 : i32
      %parallel_loop3A_362 = arith.constant 1 : i32
      scf.for %parallel_loop3A_584 = %parallel_loop3A_360 to %parallel_loop3A_361 step %parallel_loop3A_362  : i32 {
        %parallel_loop3A_585 = arith.constant 16 : i32
        %parallel_loop3A_586 = arith.muli %parallel_loop3A_584, %parallel_loop3A_585 : i32
        %parallel_loop3A_587 = arith.constant 0 : i32
        %parallel_loop3A_588 = arith.index_cast %parallel_loop3A_587 : i32 to index
        %parallel_loop3A_589 = arith.index_cast %parallel_loop3A_586 : i32 to index
        %parallel_loop3A_590 = tpu.vector_load %arg10[%parallel_loop3A_588, %parallel_loop3A_589] {strides = array<i32>} : memref<8x2048xf32, #tpu.memory_space<vmem>>, vector<1x16xf32>,
        %parallel_loop3A_591 = vector.shape_cast %parallel_loop3A_590 : vector<1x16xf32> to vector<16xf32>
        %parallel_loop3A_592 = arith.constant 0 : i32
        %parallel_loop3A_593 = arith.index_cast %parallel_loop3A_592 : i32 to index
        %parallel_loop3A_594 = arith.index_cast %parallel_loop3A_586 : i32 to index
        %parallel_loop3A_595 = tpu.vector_load %arg5[%parallel_loop3A_593, %parallel_loop3A_594] {strides = array<i32>} : memref<8x2048xf32, #tpu.memory_space<vmem>>, vector<1x16xf32>,
        %parallel_loop3A_596 = vector.shape_cast %parallel_loop3A_595 : vector<1x16xf32> to vector<16xf32>
        %parallel_loop3A_597 = vector.shape_cast %parallel_loop3A_591 : vector<16xf32> to vector<1x16xf32>
        tpu.vector_store %arg5[%parallel_loop3A_593, %parallel_loop3A_594], %parallel_loop3A_597 {add = true, strides = array<i32>} : memref<8x2048xf32, #tpu.memory_space<vmem>>, vector<1x16xf32>,
      } {sc.loop_unroll_factor = 8 : i64, sc.parallel_access}
      %parallel_loop3A_363 = arith.constant 0 : i32
      %parallel_loop3A_364 = arith.constant 128 : i32
      %parallel_loop3A_365 = arith.constant 1 : i32
      scf.for %parallel_loop3A_584 = %parallel_loop3A_363 to %parallel_loop3A_364 step %parallel_loop3A_365  : i32 {
        %parallel_loop3A_585 = arith.constant 16 : i32
        %parallel_loop3A_586 = arith.muli %parallel_loop3A_584, %parallel_loop3A_585 : i32
        %parallel_loop3A_587 = arith.constant 1 : i32
        %parallel_loop3A_588 = arith.index_cast %parallel_loop3A_587 : i32 to index
        %parallel_loop3A_589 = arith.index_cast %parallel_loop3A_586 : i32 to index
        %parallel_loop3A_590 = tpu.vector_load %arg10[%parallel_loop3A_588, %parallel_loop3A_589] {strides = array<i32>} : memref<8x2048xf32, #tpu.memory_space<vmem>>, vector<1x16xf32>,
        %parallel_loop3A_591 = vector.shape_cast %parallel_loop3A_590 : vector<1x16xf32> to vector<16xf32>
        %parallel_loop3A_592 = arith.constant 1 : i32
        %parallel_loop3A_593 = arith.index_cast %parallel_loop3A_592 : i32 to index
        %parallel_loop3A_594 = arith.index_cast %parallel_loop3A_586 : i32 to index
        %parallel_loop3A_595 = tpu.vector_load %arg5[%parallel_loop3A_593, %parallel_loop3A_594] {strides = array<i32>} : memref<8x2048xf32, #tpu.memory_space<vmem>>, vector<1x16xf32>,
        %parallel_loop3A_596 = vector.shape_cast %parallel_loop3A_595 : vector<1x16xf32> to vector<16xf32>
        %parallel_loop3A_597 = vector.shape_cast %parallel_loop3A_591 : vector<16xf32> to vector<1x16xf32>
        tpu.vector_store %arg5[%parallel_loop3A_593, %parallel_loop3A_594], %parallel_loop3A_597 {add = true, strides = array<i32>} : memref<8x2048xf32, #tpu.memory_space<vmem>>, vector<1x16xf32>,
      } {sc.loop_unroll_factor = 8 : i64, sc.parallel_access}
      %parallel_loop3A_366 = arith.constant 0 : i32
      %parallel_loop3A_367 = arith.constant 128 : i32
      %parallel_loop3A_368 = arith.constant 1 : i32
      scf.for %parallel_loop3A_584 = %parallel_loop3A_366 to %parallel_loop3A_367 step %parallel_loop3A_368  : i32 {
        %parallel_loop3A_585 = arith.constant 16 : i32
        %parallel_loop3A_586 = arith.muli %parallel_loop3A_584, %parallel_loop3A_585 : i32
        %parallel_loop3A_587 = arith.constant 2 : i32
        %parallel_loop3A_588 = arith.index_cast %parallel_loop3A_587 : i32 to index
        %parallel_loop3A_589 = arith.index_cast %parallel_loop3A_586 : i32 to index
        %parallel_loop3A_590 = tpu.vector_load %arg10[%parallel_loop3A_588, %parallel_loop3A_589] {strides = array<i32>} : memref<8x2048xf32, #tpu.memory_space<vmem>>, vector<1x16xf32>,
        %parallel_loop3A_591 = vector.shape_cast %parallel_loop3A_590 : vector<1x16xf32> to vector<16xf32>
        %parallel_loop3A_592 = arith.constant 2 : i32
        %parallel_loop3A_593 = arith.index_cast %parallel_loop3A_592 : i32 to index
        %parallel_loop3A_594 = arith.index_cast %parallel_loop3A_586 : i32 to index
        %parallel_loop3A_595 = tpu.vector_load %arg5[%parallel_loop3A_593, %parallel_loop3A_594] {strides = array<i32>} : memref<8x2048xf32, #tpu.memory_space<vmem>>, vector<1x16xf32>,
        %parallel_loop3A_596 = vector.shape_cast %parallel_loop3A_595 : vector<1x16xf32> to vector<16xf32>
        %parallel_loop3A_597 = vector.shape_cast %parallel_loop3A_591 : vector<16xf32> to vector<1x16xf32>
        tpu.vector_store %arg5[%parallel_loop3A_593, %parallel_loop3A_594], %parallel_loop3A_597 {add = true, strides = array<i32>} : memref<8x2048xf32, #tpu.memory_space<vmem>>, vector<1x16xf32>,
      } {sc.loop_unroll_factor = 8 : i64, sc.parallel_access}
      %parallel_loop3A_369 = arith.constant 0 : i32
      %parallel_loop3A_370 = arith.constant 128 : i32
      %parallel_loop3A_371 = arith.constant 1 : i32
      scf.for %parallel_loop3A_584 = %parallel_loop3A_369 to %parallel_loop3A_370 step %parallel_loop3A_371  : i32 {
        %parallel_loop3A_585 = arith.constant 16 : i32
        %parallel_loop3A_586 = arith.muli %parallel_loop3A_584, %parallel_loop3A_585 : i32
        %parallel_loop3A_587 = arith.constant 3 : i32
        %parallel_loop3A_588 = arith.index_cast %parallel_loop3A_587 : i32 to index
        %parallel_loop3A_589 = arith.index_cast %parallel_loop3A_586 : i32 to index
        %parallel_loop3A_590 = tpu.vector_load %arg10[%parallel_loop3A_588, %parallel_loop3A_589] {strides = array<i32>} : memref<8x2048xf32, #tpu.memory_space<vmem>>, vector<1x16xf32>,
        %parallel_loop3A_591 = vector.shape_cast %parallel_loop3A_590 : vector<1x16xf32> to vector<16xf32>
        %parallel_loop3A_592 = arith.constant 3 : i32
        %parallel_loop3A_593 = arith.index_cast %parallel_loop3A_592 : i32 to index
        %parallel_loop3A_594 = arith.index_cast %parallel_loop3A_586 : i32 to index
        %parallel_loop3A_595 = tpu.vector_load %arg5[%parallel_loop3A_593, %parallel_loop3A_594] {strides = array<i32>} : memref<8x2048xf32, #tpu.memory_space<vmem>>, vector<1x16xf32>,
        %parallel_loop3A_596 = vector.shape_cast %parallel_loop3A_595 : vector<1x16xf32> to vector<16xf32>
        %parallel_loop3A_597 = vector.shape_cast %parallel_loop3A_591 : vector<16xf32> to vector<1x16xf32>
        tpu.vector_store %arg5[%parallel_loop3A_593, %parallel_loop3A_594], %parallel_loop3A_597 {add = true, strides = array<i32>} : memref<8x2048xf32, #tpu.memory_space<vmem>>, vector<1x16xf32>,
      } {sc.loop_unroll_factor = 8 : i64, sc.parallel_access}
      %parallel_loop3A_372 = arith.constant 0 : i32
      %parallel_loop3A_373 = arith.constant 128 : i32
      %parallel_loop3A_374 = arith.constant 1 : i32
      scf.for %parallel_loop3A_584 = %parallel_loop3A_372 to %parallel_loop3A_373 step %parallel_loop3A_374  : i32 {
        %parallel_loop3A_585 = arith.constant 16 : i32
        %parallel_loop3A_586 = arith.muli %parallel_loop3A_584, %parallel_loop3A_585 : i32
        %parallel_loop3A_587 = arith.constant 4 : i32
        %parallel_loop3A_588 = arith.index_cast %parallel_loop3A_587 : i32 to index
        %parallel_loop3A_589 = arith.index_cast %parallel_loop3A_586 : i32 to index
        %parallel_loop3A_590 = tpu.vector_load %arg10[%parallel_loop3A_588, %parallel_loop3A_589] {strides = array<i32>} : memref<8x2048xf32, #tpu.memory_space<vmem>>, vector<1x16xf32>,
        %parallel_loop3A_591 = vector.shape_cast %parallel_loop3A_590 : vector<1x16xf32> to vector<16xf32>
        %parallel_loop3A_592 = arith.constant 4 : i32
        %parallel_loop3A_593 = arith.index_cast %parallel_loop3A_592 : i32 to index
        %parallel_loop3A_594 = arith.index_cast %parallel_loop3A_586 : i32 to index
        %parallel_loop3A_595 = tpu.vector_load %arg5[%parallel_loop3A_593, %parallel_loop3A_594] {strides = array<i32>} : memref<8x2048xf32, #tpu.memory_space<vmem>>, vector<1x16xf32>,
        %parallel_loop3A_596 = vector.shape_cast %parallel_loop3A_595 : vector<1x16xf32> to vector<16xf32>
        %parallel_loop3A_597 = vector.shape_cast %parallel_loop3A_591 : vector<16xf32> to vector<1x16xf32>
        tpu.vector_store %arg5[%parallel_loop3A_593, %parallel_loop3A_594], %parallel_loop3A_597 {add = true, strides = array<i32>} : memref<8x2048xf32, #tpu.memory_space<vmem>>, vector<1x16xf32>,
      } {sc.loop_unroll_factor = 8 : i64, sc.parallel_access}
      %parallel_loop3A_375 = arith.constant 0 : i32
      %parallel_loop3A_376 = arith.constant 128 : i32
      %parallel_loop3A_377 = arith.constant 1 : i32
      scf.for %parallel_loop3A_584 = %parallel_loop3A_375 to %parallel_loop3A_376 step %parallel_loop3A_377  : i32 {
        %parallel_loop3A_585 = arith.constant 16 : i32
        %parallel_loop3A_586 = arith.muli %parallel_loop3A_584, %parallel_loop3A_585 : i32
        %parallel_loop3A_587 = arith.constant 5 : i32
        %parallel_loop3A_588 = arith.index_cast %parallel_loop3A_587 : i32 to index
        %parallel_loop3A_589 = arith.index_cast %parallel_loop3A_586 : i32 to index
        %parallel_loop3A_590 = tpu.vector_load %arg10[%parallel_loop3A_588, %parallel_loop3A_589] {strides = array<i32>} : memref<8x2048xf32, #tpu.memory_space<vmem>>, vector<1x16xf32>,
        %parallel_loop3A_591 = vector.shape_cast %parallel_loop3A_590 : vector<1x16xf32> to vector<16xf32>
        %parallel_loop3A_592 = arith.constant 5 : i32
        %parallel_loop3A_593 = arith.index_cast %parallel_loop3A_592 : i32 to index
        %parallel_loop3A_594 = arith.index_cast %parallel_loop3A_586 : i32 to index
        %parallel_loop3A_595 = tpu.vector_load %arg5[%parallel_loop3A_593, %parallel_loop3A_594] {strides = array<i32>} : memref<8x2048xf32, #tpu.memory_space<vmem>>, vector<1x16xf32>,
        %parallel_loop3A_596 = vector.shape_cast %parallel_loop3A_595 : vector<1x16xf32> to vector<16xf32>
        %parallel_loop3A_597 = vector.shape_cast %parallel_loop3A_591 : vector<16xf32> to vector<1x16xf32>
        tpu.vector_store %arg5[%parallel_loop3A_593, %parallel_loop3A_594], %parallel_loop3A_597 {add = true, strides = array<i32>} : memref<8x2048xf32, #tpu.memory_space<vmem>>, vector<1x16xf32>,
      } {sc.loop_unroll_factor = 8 : i64, sc.parallel_access}
      %parallel_loop3A_378 = arith.constant 0 : i32
      %parallel_loop3A_379 = arith.constant 128 : i32
      %parallel_loop3A_380 = arith.constant 1 : i32
      scf.for %parallel_loop3A_584 = %parallel_loop3A_378 to %parallel_loop3A_379 step %parallel_loop3A_380  : i32 {
        %parallel_loop3A_585 = arith.constant 16 : i32
        %parallel_loop3A_586 = arith.muli %parallel_loop3A_584, %parallel_loop3A_585 : i32
        %parallel_loop3A_587 = arith.constant 6 : i32
        %parallel_loop3A_588 = arith.index_cast %parallel_loop3A_587 : i32 to index
        %parallel_loop3A_589 = arith.index_cast %parallel_loop3A_586 : i32 to index
        %parallel_loop3A_590 = tpu.vector_load %arg10[%parallel_loop3A_588, %parallel_loop3A_589] {strides = array<i32>} : memref<8x2048xf32, #tpu.memory_space<vmem>>, vector<1x16xf32>,
        %parallel_loop3A_591 = vector.shape_cast %parallel_loop3A_590 : vector<1x16xf32> to vector<16xf32>
        %parallel_loop3A_592 = arith.constant 6 : i32
        %parallel_loop3A_593 = arith.index_cast %parallel_loop3A_592 : i32 to index
        %parallel_loop3A_594 = arith.index_cast %parallel_loop3A_586 : i32 to index
        %parallel_loop3A_595 = tpu.vector_load %arg5[%parallel_loop3A_593, %parallel_loop3A_594] {strides = array<i32>} : memref<8x2048xf32, #tpu.memory_space<vmem>>, vector<1x16xf32>,
        %parallel_loop3A_596 = vector.shape_cast %parallel_loop3A_595 : vector<1x16xf32> to vector<16xf32>
        %parallel_loop3A_597 = vector.shape_cast %parallel_loop3A_591 : vector<16xf32> to vector<1x16xf32>
        tpu.vector_store %arg5[%parallel_loop3A_593, %parallel_loop3A_594], %parallel_loop3A_597 {add = true, strides = array<i32>} : memref<8x2048xf32, #tpu.memory_space<vmem>>, vector<1x16xf32>,
      } {sc.loop_unroll_factor = 8 : i64, sc.parallel_access}
      %parallel_loop3A_381 = arith.constant 0 : i32
      %parallel_loop3A_382 = arith.constant 128 : i32
      %parallel_loop3A_383 = arith.constant 1 : i32
      scf.for %parallel_loop3A_584 = %parallel_loop3A_381 to %parallel_loop3A_382 step %parallel_loop3A_383  : i32 {
        %parallel_loop3A_585 = arith.constant 16 : i32
        %parallel_loop3A_586 = arith.muli %parallel_loop3A_584, %parallel_loop3A_585 : i32
        %parallel_loop3A_587 = arith.constant 7 : i32
        %parallel_loop3A_588 = arith.index_cast %parallel_loop3A_587 : i32 to index
        %parallel_loop3A_589 = arith.index_cast %parallel_loop3A_586 : i32 to index
        %parallel_loop3A_590 = tpu.vector_load %arg10[%parallel_loop3A_588, %parallel_loop3A_589] {strides = array<i32>} : memref<8x2048xf32, #tpu.memory_space<vmem>>, vector<1x16xf32>,
        %parallel_loop3A_591 = vector.shape_cast %parallel_loop3A_590 : vector<1x16xf32> to vector<16xf32>
        %parallel_loop3A_592 = arith.constant 7 : i32
        %parallel_loop3A_593 = arith.index_cast %parallel_loop3A_592 : i32 to index
        %parallel_loop3A_594 = arith.index_cast %parallel_loop3A_586 : i32 to index
        %parallel_loop3A_595 = tpu.vector_load %arg5[%parallel_loop3A_593, %parallel_loop3A_594] {strides = array<i32>} : memref<8x2048xf32, #tpu.memory_space<vmem>>, vector<1x16xf32>,
        %parallel_loop3A_596 = vector.shape_cast %parallel_loop3A_595 : vector<1x16xf32> to vector<16xf32>
        %parallel_loop3A_597 = vector.shape_cast %parallel_loop3A_591 : vector<16xf32> to vector<1x16xf32>
        tpu.vector_store %arg5[%parallel_loop3A_593, %parallel_loop3A_594], %parallel_loop3A_597 {add = true, strides = array<i32>} : memref<8x2048xf32, #tpu.memory_space<vmem>>, vector<1x16xf32>,
      } {sc.loop_unroll_factor = 8 : i64, sc.parallel_access}
      %mul3A_384 = arith.constant 8 : i32
      %mul3A_385 = arith.muli %add3A_321, %mul3A_384 : i32
      %add3A_386 = arith.addi %mul3A_2, %mul3A_385 : i32
      %dma_start3A_387 = arith.constant 0 : i32
      %dma_start3A_388 = arith.constant 0 : i32
      %dma_start3A_389 = tpu.memref_slice %arg4[%dma_start3A_387, %add3A_386, %dma_start3A_388] : memref<4x8192x2048xf32, #tpu.memory_space<hbm>> -> memref<1x8x2048xf32, #tpu.memory_space<hbm>>
      %dma_start3A_390 = tpu.memref_squeeze %dma_start3A_389 : memref<1x8x2048xf32, #tpu.memory_space<hbm>> -> memref<8x2048xf32, #tpu.memory_space<hbm>>
      %dma_start3A_391 = arith.constant 0 : i32
      %dma_start3A_392 = tpu.memref_slice %arg4[%dma_start3A_387, %add3A_386, %dma_start3A_391] : memref<4x8192x2048xf32, #tpu.memory_space<hbm>> -> memref<1x8x2048xf32, #tpu.memory_space<hbm>>
      %dma_start3A_393 = tpu.memref_squeeze %dma_start3A_392 : memref<1x8x2048xf32, #tpu.memory_space<hbm>> -> memref<8x2048xf32, #tpu.memory_space<hbm>>
      tpu.enqueue_dma source(%arg5 : memref<8x2048xf32, #tpu.memory_space<vmem>>) target(%dma_start3A_393 : memref<8x2048xf32, #tpu.memory_space<hbm>>) target_semaphore(%arg15 : memref<!tpu.dma_semaphore, #tpu.memory_space<semaphore_mem>>)
      %mul3A_394 = arith.constant 8 : i32
      %mul3A_395 = arith.muli %add3A_321, %mul3A_394 : i32
      %add3A_396 = arith.addi %mul3A_2, %mul3A_395 : i32
      %dma_wait3A_397 = arith.constant 1 : i32
      %dma_wait3A_398 = arith.constant 0 : i32
      %dma_wait3A_399 = tpu.memref_slice %arg2[%dma_wait3A_397, %add3A_396, %dma_wait3A_398] : memref<4x8192x2048xf32, #tpu.memory_space<hbm>> -> memref<1x8x2048xf32, #tpu.memory_space<hbm>>
      %dma_wait3A_400 = tpu.memref_squeeze %dma_wait3A_399 : memref<1x8x2048xf32, #tpu.memory_space<hbm>> -> memref<8x2048xf32, #tpu.memory_space<hbm>>
      %dma_wait3A_401 = arith.constant 0 : i32
      %dma_wait3A_402 = tpu.memref_slice %arg2[%dma_wait3A_397, %add3A_396, %dma_wait3A_401] : memref<4x8192x2048xf32, #tpu.memory_space<hbm>> -> memref<1x8x2048xf32, #tpu.memory_space<hbm>>
      %dma_wait3A_403 = tpu.memref_squeeze %dma_wait3A_402 : memref<1x8x2048xf32, #tpu.memory_space<hbm>> -> memref<8x2048xf32, #tpu.memory_space<hbm>>
      tpu.wait_dma2 semaphore(%arg12 : memref<!tpu.dma_semaphore, #tpu.memory_space<semaphore_mem>>) src(%dma_wait3A_403 : memref<8x2048xf32, #tpu.memory_space<hbm>>) dst(%arg6 : memref<8x2048xf32, #tpu.memory_space<vmem>>)
      %sub3A_404 = arith.constant 1 : i32
      %sub3A_405 = arith.subi %add3A_321, %sub3A_404 : i32
      %mul3A_406 = arith.constant 8 : i32
      %mul3A_407 = arith.muli %sub3A_405, %mul3A_406 : i32
      %add3A_408 = arith.addi %mul3A_2, %mul3A_407 : i32
      %dma_wait3A_409 = arith.constant 3 : i32
      %dma_wait3A_410 = arith.constant 0 : i32
      %dma_wait3A_411 = tpu.memref_slice %arg4[%dma_wait3A_409, %add3A_408, %dma_wait3A_410] : memref<4x8192x2048xf32, #tpu.memory_space<hbm>> -> memref<1x8x2048xf32, #tpu.memory_space<hbm>>
      %dma_wait3A_412 = tpu.memref_squeeze %dma_wait3A_411 : memref<1x8x2048xf32, #tpu.memory_space<hbm>> -> memref<8x2048xf32, #tpu.memory_space<hbm>>
      %dma_wait3A_413 = arith.constant 0 : i32
      %dma_wait3A_414 = tpu.memref_slice %arg4[%dma_wait3A_409, %add3A_408, %dma_wait3A_413] : memref<4x8192x2048xf32, #tpu.memory_space<hbm>> -> memref<1x8x2048xf32, #tpu.memory_space<hbm>>
      %dma_wait3A_415 = tpu.memref_squeeze %dma_wait3A_414 : memref<1x8x2048xf32, #tpu.memory_space<hbm>> -> memref<8x2048xf32, #tpu.memory_space<hbm>>
      tpu.wait_dma2 semaphore(%arg18 : memref<!tpu.dma_semaphore, #tpu.memory_space<semaphore_mem>>) src(%arg8 : memref<8x2048xf32, #tpu.memory_space<vmem>>) dst(%dma_wait3A_415 : memref<8x2048xf32, #tpu.memory_space<hbm>>)
      %mul3A_416 = arith.constant 8 : i32
      %mul3A_417 = arith.muli %add3A_321, %mul3A_416 : i32
      %add3A_418 = arith.addi %mul3A_2, %mul3A_417 : i32
      %dma_start3A_419 = arith.constant 3 : i32
      %dma_start3A_420 = arith.constant 0 : i32
      %dma_start3A_421 = tpu.memref_slice %arg2[%dma_start3A_419, %add3A_418, %dma_start3A_420] : memref<4x8192x2048xf32, #tpu.memory_space<hbm>> -> memref<1x8x2048xf32, #tpu.memory_space<hbm>>
      %dma_start3A_422 = tpu.memref_squeeze %dma_start3A_421 : memref<1x8x2048xf32, #tpu.memory_space<hbm>> -> memref<8x2048xf32, #tpu.memory_space<hbm>>
      %dma_start3A_423 = arith.constant 0 : i32
      %dma_start3A_424 = tpu.memref_slice %arg2[%dma_start3A_419, %add3A_418, %dma_start3A_423] : memref<4x8192x2048xf32, #tpu.memory_space<hbm>> -> memref<1x8x2048xf32, #tpu.memory_space<hbm>>
      %dma_start3A_425 = tpu.memref_squeeze %dma_start3A_424 : memref<1x8x2048xf32, #tpu.memory_space<hbm>> -> memref<8x2048xf32, #tpu.memory_space<hbm>>
      tpu.enqueue_dma source(%dma_start3A_425 : memref<8x2048xf32, #tpu.memory_space<hbm>>) target(%arg8 : memref<8x2048xf32, #tpu.memory_space<vmem>>) target_semaphore(%arg14 : memref<!tpu.dma_semaphore, #tpu.memory_space<semaphore_mem>>)
      %parallel_loop3A_426 = arith.constant 0 : i32
      %parallel_loop3A_427 = arith.constant 128 : i32
      %parallel_loop3A_428 = arith.constant 1 : i32
      scf.for %parallel_loop3A_584 = %parallel_loop3A_426 to %parallel_loop3A_427 step %parallel_loop3A_428  : i32 {
        %parallel_loop3A_585 = arith.constant 16 : i32
        %parallel_loop3A_586 = arith.muli %parallel_loop3A_584, %parallel_loop3A_585 : i32
        %parallel_loop3A_587 = arith.constant 0 : i32
        %parallel_loop3A_588 = arith.index_cast %parallel_loop3A_587 : i32 to index
        %parallel_loop3A_589 = arith.index_cast %parallel_loop3A_586 : i32 to index
        %parallel_loop3A_590 = tpu.vector_load %arg10[%parallel_loop3A_588, %parallel_loop3A_589] {strides = array<i32>} : memref<8x2048xf32, #tpu.memory_space<vmem>>, vector<1x16xf32>,
        %parallel_loop3A_591 = vector.shape_cast %parallel_loop3A_590 : vector<1x16xf32> to vector<16xf32>
        %parallel_loop3A_592 = arith.constant 0 : i32
        %parallel_loop3A_593 = arith.index_cast %parallel_loop3A_592 : i32 to index
        %parallel_loop3A_594 = arith.index_cast %parallel_loop3A_586 : i32 to index
        %parallel_loop3A_595 = tpu.vector_load %arg6[%parallel_loop3A_593, %parallel_loop3A_594] {strides = array<i32>} : memref<8x2048xf32, #tpu.memory_space<vmem>>, vector<1x16xf32>,
        %parallel_loop3A_596 = vector.shape_cast %parallel_loop3A_595 : vector<1x16xf32> to vector<16xf32>
        %parallel_loop3A_597 = vector.shape_cast %parallel_loop3A_591 : vector<16xf32> to vector<1x16xf32>
        tpu.vector_store %arg6[%parallel_loop3A_593, %parallel_loop3A_594], %parallel_loop3A_597 {add = true, strides = array<i32>} : memref<8x2048xf32, #tpu.memory_space<vmem>>, vector<1x16xf32>,
      } {sc.loop_unroll_factor = 8 : i64, sc.parallel_access}
      %parallel_loop3A_429 = arith.constant 0 : i32
      %parallel_loop3A_430 = arith.constant 128 : i32
      %parallel_loop3A_431 = arith.constant 1 : i32
      scf.for %parallel_loop3A_584 = %parallel_loop3A_429 to %parallel_loop3A_430 step %parallel_loop3A_431  : i32 {
        %parallel_loop3A_585 = arith.constant 16 : i32
        %parallel_loop3A_586 = arith.muli %parallel_loop3A_584, %parallel_loop3A_585 : i32
        %parallel_loop3A_587 = arith.constant 1 : i32
        %parallel_loop3A_588 = arith.index_cast %parallel_loop3A_587 : i32 to index
        %parallel_loop3A_589 = arith.index_cast %parallel_loop3A_586 : i32 to index
        %parallel_loop3A_590 = tpu.vector_load %arg10[%parallel_loop3A_588, %parallel_loop3A_589] {strides = array<i32>} : memref<8x2048xf32, #tpu.memory_space<vmem>>, vector<1x16xf32>,
        %parallel_loop3A_591 = vector.shape_cast %parallel_loop3A_590 : vector<1x16xf32> to vector<16xf32>
        %parallel_loop3A_592 = arith.constant 1 : i32
        %parallel_loop3A_593 = arith.index_cast %parallel_loop3A_592 : i32 to index
        %parallel_loop3A_594 = arith.index_cast %parallel_loop3A_586 : i32 to index
        %parallel_loop3A_595 = tpu.vector_load %arg6[%parallel_loop3A_593, %parallel_loop3A_594] {strides = array<i32>} : memref<8x2048xf32, #tpu.memory_space<vmem>>, vector<1x16xf32>,
        %parallel_loop3A_596 = vector.shape_cast %parallel_loop3A_595 : vector<1x16xf32> to vector<16xf32>
        %parallel_loop3A_597 = vector.shape_cast %parallel_loop3A_591 : vector<16xf32> to vector<1x16xf32>
        tpu.vector_store %arg6[%parallel_loop3A_593, %parallel_loop3A_594], %parallel_loop3A_597 {add = true, strides = array<i32>} : memref<8x2048xf32, #tpu.memory_space<vmem>>, vector<1x16xf32>,
      } {sc.loop_unroll_factor = 8 : i64, sc.parallel_access}
      %parallel_loop3A_432 = arith.constant 0 : i32
      %parallel_loop3A_433 = arith.constant 128 : i32
      %parallel_loop3A_434 = arith.constant 1 : i32
      scf.for %parallel_loop3A_584 = %parallel_loop3A_432 to %parallel_loop3A_433 step %parallel_loop3A_434  : i32 {
        %parallel_loop3A_585 = arith.constant 16 : i32
        %parallel_loop3A_586 = arith.muli %parallel_loop3A_584, %parallel_loop3A_585 : i32
        %parallel_loop3A_587 = arith.constant 2 : i32
        %parallel_loop3A_588 = arith.index_cast %parallel_loop3A_587 : i32 to index
        %parallel_loop3A_589 = arith.index_cast %parallel_loop3A_586 : i32 to index
        %parallel_loop3A_590 = tpu.vector_load %arg10[%parallel_loop3A_588, %parallel_loop3A_589] {strides = array<i32>} : memref<8x2048xf32, #tpu.memory_space<vmem>>, vector<1x16xf32>,
        %parallel_loop3A_591 = vector.shape_cast %parallel_loop3A_590 : vector<1x16xf32> to vector<16xf32>
        %parallel_loop3A_592 = arith.constant 2 : i32
        %parallel_loop3A_593 = arith.index_cast %parallel_loop3A_592 : i32 to index
        %parallel_loop3A_594 = arith.index_cast %parallel_loop3A_586 : i32 to index
        %parallel_loop3A_595 = tpu.vector_load %arg6[%parallel_loop3A_593, %parallel_loop3A_594] {strides = array<i32>} : memref<8x2048xf32, #tpu.memory_space<vmem>>, vector<1x16xf32>,
        %parallel_loop3A_596 = vector.shape_cast %parallel_loop3A_595 : vector<1x16xf32> to vector<16xf32>
        %parallel_loop3A_597 = vector.shape_cast %parallel_loop3A_591 : vector<16xf32> to vector<1x16xf32>
        tpu.vector_store %arg6[%parallel_loop3A_593, %parallel_loop3A_594], %parallel_loop3A_597 {add = true, strides = array<i32>} : memref<8x2048xf32, #tpu.memory_space<vmem>>, vector<1x16xf32>,
      } {sc.loop_unroll_factor = 8 : i64, sc.parallel_access}
      %parallel_loop3A_435 = arith.constant 0 : i32
      %parallel_loop3A_436 = arith.constant 128 : i32
      %parallel_loop3A_437 = arith.constant 1 : i32
      scf.for %parallel_loop3A_584 = %parallel_loop3A_435 to %parallel_loop3A_436 step %parallel_loop3A_437  : i32 {
        %parallel_loop3A_585 = arith.constant 16 : i32
        %parallel_loop3A_586 = arith.muli %parallel_loop3A_584, %parallel_loop3A_585 : i32
        %parallel_loop3A_587 = arith.constant 3 : i32
        %parallel_loop3A_588 = arith.index_cast %parallel_loop3A_587 : i32 to index
        %parallel_loop3A_589 = arith.index_cast %parallel_loop3A_586 : i32 to index
        %parallel_loop3A_590 = tpu.vector_load %arg10[%parallel_loop3A_588, %parallel_loop3A_589] {strides = array<i32>} : memref<8x2048xf32, #tpu.memory_space<vmem>>, vector<1x16xf32>,
        %parallel_loop3A_591 = vector.shape_cast %parallel_loop3A_590 : vector<1x16xf32> to vector<16xf32>
        %parallel_loop3A_592 = arith.constant 3 : i32
        %parallel_loop3A_593 = arith.index_cast %parallel_loop3A_592 : i32 to index
        %parallel_loop3A_594 = arith.index_cast %parallel_loop3A_586 : i32 to index
        %parallel_loop3A_595 = tpu.vector_load %arg6[%parallel_loop3A_593, %parallel_loop3A_594] {strides = array<i32>} : memref<8x2048xf32, #tpu.memory_space<vmem>>, vector<1x16xf32>,
        %parallel_loop3A_596 = vector.shape_cast %parallel_loop3A_595 : vector<1x16xf32> to vector<16xf32>
        %parallel_loop3A_597 = vector.shape_cast %parallel_loop3A_591 : vector<16xf32> to vector<1x16xf32>
        tpu.vector_store %arg6[%parallel_loop3A_593, %parallel_loop3A_594], %parallel_loop3A_597 {add = true, strides = array<i32>} : memref<8x2048xf32, #tpu.memory_space<vmem>>, vector<1x16xf32>,
      } {sc.loop_unroll_factor = 8 : i64, sc.parallel_access}
      %parallel_loop3A_438 = arith.constant 0 : i32
      %parallel_loop3A_439 = arith.constant 128 : i32
      %parallel_loop3A_440 = arith.constant 1 : i32
      scf.for %parallel_loop3A_584 = %parallel_loop3A_438 to %parallel_loop3A_439 step %parallel_loop3A_440  : i32 {
        %parallel_loop3A_585 = arith.constant 16 : i32
        %parallel_loop3A_586 = arith.muli %parallel_loop3A_584, %parallel_loop3A_585 : i32
        %parallel_loop3A_587 = arith.constant 4 : i32
        %parallel_loop3A_588 = arith.index_cast %parallel_loop3A_587 : i32 to index
        %parallel_loop3A_589 = arith.index_cast %parallel_loop3A_586 : i32 to index
        %parallel_loop3A_590 = tpu.vector_load %arg10[%parallel_loop3A_588, %parallel_loop3A_589] {strides = array<i32>} : memref<8x2048xf32, #tpu.memory_space<vmem>>, vector<1x16xf32>,
        %parallel_loop3A_591 = vector.shape_cast %parallel_loop3A_590 : vector<1x16xf32> to vector<16xf32>
        %parallel_loop3A_592 = arith.constant 4 : i32
        %parallel_loop3A_593 = arith.index_cast %parallel_loop3A_592 : i32 to index
        %parallel_loop3A_594 = arith.index_cast %parallel_loop3A_586 : i32 to index
        %parallel_loop3A_595 = tpu.vector_load %arg6[%parallel_loop3A_593, %parallel_loop3A_594] {strides = array<i32>} : memref<8x2048xf32, #tpu.memory_space<vmem>>, vector<1x16xf32>,
        %parallel_loop3A_596 = vector.shape_cast %parallel_loop3A_595 : vector<1x16xf32> to vector<16xf32>
        %parallel_loop3A_597 = vector.shape_cast %parallel_loop3A_591 : vector<16xf32> to vector<1x16xf32>
        tpu.vector_store %arg6[%parallel_loop3A_593, %parallel_loop3A_594], %parallel_loop3A_597 {add = true, strides = array<i32>} : memref<8x2048xf32, #tpu.memory_space<vmem>>, vector<1x16xf32>,
      } {sc.loop_unroll_factor = 8 : i64, sc.parallel_access}
      %parallel_loop3A_441 = arith.constant 0 : i32
      %parallel_loop3A_442 = arith.constant 128 : i32
      %parallel_loop3A_443 = arith.constant 1 : i32
      scf.for %parallel_loop3A_584 = %parallel_loop3A_441 to %parallel_loop3A_442 step %parallel_loop3A_443  : i32 {
        %parallel_loop3A_585 = arith.constant 16 : i32
        %parallel_loop3A_586 = arith.muli %parallel_loop3A_584, %parallel_loop3A_585 : i32
        %parallel_loop3A_587 = arith.constant 5 : i32
        %parallel_loop3A_588 = arith.index_cast %parallel_loop3A_587 : i32 to index
        %parallel_loop3A_589 = arith.index_cast %parallel_loop3A_586 : i32 to index
        %parallel_loop3A_590 = tpu.vector_load %arg10[%parallel_loop3A_588, %parallel_loop3A_589] {strides = array<i32>} : memref<8x2048xf32, #tpu.memory_space<vmem>>, vector<1x16xf32>,
        %parallel_loop3A_591 = vector.shape_cast %parallel_loop3A_590 : vector<1x16xf32> to vector<16xf32>
        %parallel_loop3A_592 = arith.constant 5 : i32
        %parallel_loop3A_593 = arith.index_cast %parallel_loop3A_592 : i32 to index
        %parallel_loop3A_594 = arith.index_cast %parallel_loop3A_586 : i32 to index
        %parallel_loop3A_595 = tpu.vector_load %arg6[%parallel_loop3A_593, %parallel_loop3A_594] {strides = array<i32>} : memref<8x2048xf32, #tpu.memory_space<vmem>>, vector<1x16xf32>,
        %parallel_loop3A_596 = vector.shape_cast %parallel_loop3A_595 : vector<1x16xf32> to vector<16xf32>
        %parallel_loop3A_597 = vector.shape_cast %parallel_loop3A_591 : vector<16xf32> to vector<1x16xf32>
        tpu.vector_store %arg6[%parallel_loop3A_593, %parallel_loop3A_594], %parallel_loop3A_597 {add = true, strides = array<i32>} : memref<8x2048xf32, #tpu.memory_space<vmem>>, vector<1x16xf32>,
      } {sc.loop_unroll_factor = 8 : i64, sc.parallel_access}
      %parallel_loop3A_444 = arith.constant 0 : i32
      %parallel_loop3A_445 = arith.constant 128 : i32
      %parallel_loop3A_446 = arith.constant 1 : i32
      scf.for %parallel_loop3A_584 = %parallel_loop3A_444 to %parallel_loop3A_445 step %parallel_loop3A_446  : i32 {
        %parallel_loop3A_585 = arith.constant 16 : i32
        %parallel_loop3A_586 = arith.muli %parallel_loop3A_584, %parallel_loop3A_585 : i32
        %parallel_loop3A_587 = arith.constant 6 : i32
        %parallel_loop3A_588 = arith.index_cast %parallel_loop3A_587 : i32 to index
        %parallel_loop3A_589 = arith.index_cast %parallel_loop3A_586 : i32 to index
        %parallel_loop3A_590 = tpu.vector_load %arg10[%parallel_loop3A_588, %parallel_loop3A_589] {strides = array<i32>} : memref<8x2048xf32, #tpu.memory_space<vmem>>, vector<1x16xf32>,
        %parallel_loop3A_591 = vector.shape_cast %parallel_loop3A_590 : vector<1x16xf32> to vector<16xf32>
        %parallel_loop3A_592 = arith.constant 6 : i32
        %parallel_loop3A_593 = arith.index_cast %parallel_loop3A_592 : i32 to index
        %parallel_loop3A_594 = arith.index_cast %parallel_loop3A_586 : i32 to index
        %parallel_loop3A_595 = tpu.vector_load %arg6[%parallel_loop3A_593, %parallel_loop3A_594] {strides = array<i32>} : memref<8x2048xf32, #tpu.memory_space<vmem>>, vector<1x16xf32>,
        %parallel_loop3A_596 = vector.shape_cast %parallel_loop3A_595 : vector<1x16xf32> to vector<16xf32>
        %parallel_loop3A_597 = vector.shape_cast %parallel_loop3A_591 : vector<16xf32> to vector<1x16xf32>
        tpu.vector_store %arg6[%parallel_loop3A_593, %parallel_loop3A_594], %parallel_loop3A_597 {add = true, strides = array<i32>} : memref<8x2048xf32, #tpu.memory_space<vmem>>, vector<1x16xf32>,
      } {sc.loop_unroll_factor = 8 : i64, sc.parallel_access}
      %parallel_loop3A_447 = arith.constant 0 : i32
      %parallel_loop3A_448 = arith.constant 128 : i32
      %parallel_loop3A_449 = arith.constant 1 : i32
      scf.for %parallel_loop3A_584 = %parallel_loop3A_447 to %parallel_loop3A_448 step %parallel_loop3A_449  : i32 {
        %parallel_loop3A_585 = arith.constant 16 : i32
        %parallel_loop3A_586 = arith.muli %parallel_loop3A_584, %parallel_loop3A_585 : i32
        %parallel_loop3A_587 = arith.constant 7 : i32
        %parallel_loop3A_588 = arith.index_cast %parallel_loop3A_587 : i32 to index
        %parallel_loop3A_589 = arith.index_cast %parallel_loop3A_586 : i32 to index
        %parallel_loop3A_590 = tpu.vector_load %arg10[%parallel_loop3A_588, %parallel_loop3A_589] {strides = array<i32>} : memref<8x2048xf32, #tpu.memory_space<vmem>>, vector<1x16xf32>,
        %parallel_loop3A_591 = vector.shape_cast %parallel_loop3A_590 : vector<1x16xf32> to vector<16xf32>
        %parallel_loop3A_592 = arith.constant 7 : i32
        %parallel_loop3A_593 = arith.index_cast %parallel_loop3A_592 : i32 to index
        %parallel_loop3A_594 = arith.index_cast %parallel_loop3A_586 : i32 to index
        %parallel_loop3A_595 = tpu.vector_load %arg6[%parallel_loop3A_593, %parallel_loop3A_594] {strides = array<i32>} : memref<8x2048xf32, #tpu.memory_space<vmem>>, vector<1x16xf32>,
        %parallel_loop3A_596 = vector.shape_cast %parallel_loop3A_595 : vector<1x16xf32> to vector<16xf32>
        %parallel_loop3A_597 = vector.shape_cast %parallel_loop3A_591 : vector<16xf32> to vector<1x16xf32>
        tpu.vector_store %arg6[%parallel_loop3A_593, %parallel_loop3A_594], %parallel_loop3A_597 {add = true, strides = array<i32>} : memref<8x2048xf32, #tpu.memory_space<vmem>>, vector<1x16xf32>,
      } {sc.loop_unroll_factor = 8 : i64, sc.parallel_access}
      %mul3A_450 = arith.constant 8 : i32
      %mul3A_451 = arith.muli %add3A_321, %mul3A_450 : i32
      %add3A_452 = arith.addi %mul3A_2, %mul3A_451 : i32
      %dma_start3A_453 = arith.constant 1 : i32
      %dma_start3A_454 = arith.constant 0 : i32
      %dma_start3A_455 = tpu.memref_slice %arg4[%dma_start3A_453, %add3A_452, %dma_start3A_454] : memref<4x8192x2048xf32, #tpu.memory_space<hbm>> -> memref<1x8x2048xf32, #tpu.memory_space<hbm>>
      %dma_start3A_456 = tpu.memref_squeeze %dma_start3A_455 : memref<1x8x2048xf32, #tpu.memory_space<hbm>> -> memref<8x2048xf32, #tpu.memory_space<hbm>>
      %dma_start3A_457 = arith.constant 0 : i32
      %dma_start3A_458 = tpu.memref_slice %arg4[%dma_start3A_453, %add3A_452, %dma_start3A_457] : memref<4x8192x2048xf32, #tpu.memory_space<hbm>> -> memref<1x8x2048xf32, #tpu.memory_space<hbm>>
      %dma_start3A_459 = tpu.memref_squeeze %dma_start3A_458 : memref<1x8x2048xf32, #tpu.memory_space<hbm>> -> memref<8x2048xf32, #tpu.memory_space<hbm>>
      tpu.enqueue_dma source(%arg6 : memref<8x2048xf32, #tpu.memory_space<vmem>>) target(%dma_start3A_459 : memref<8x2048xf32, #tpu.memory_space<hbm>>) target_semaphore(%arg16 : memref<!tpu.dma_semaphore, #tpu.memory_space<semaphore_mem>>)
      %mul3A_460 = arith.constant 8 : i32
      %mul3A_461 = arith.muli %add3A_321, %mul3A_460 : i32
      %add3A_462 = arith.addi %mul3A_2, %mul3A_461 : i32
      %dma_wait3A_463 = arith.constant 2 : i32
      %dma_wait3A_464 = arith.constant 0 : i32
      %dma_wait3A_465 = tpu.memref_slice %arg2[%dma_wait3A_463, %add3A_462, %dma_wait3A_464] : memref<4x8192x2048xf32, #tpu.memory_space<hbm>> -> memref<1x8x2048xf32, #tpu.memory_space<hbm>>
      %dma_wait3A_466 = tpu.memref_squeeze %dma_wait3A_465 : memref<1x8x2048xf32, #tpu.memory_space<hbm>> -> memref<8x2048xf32, #tpu.memory_space<hbm>>
      %dma_wait3A_467 = arith.constant 0 : i32
      %dma_wait3A_468 = tpu.memref_slice %arg2[%dma_wait3A_463, %add3A_462, %dma_wait3A_467] : memref<4x8192x2048xf32, #tpu.memory_space<hbm>> -> memref<1x8x2048xf32, #tpu.memory_space<hbm>>
      %dma_wait3A_469 = tpu.memref_squeeze %dma_wait3A_468 : memref<1x8x2048xf32, #tpu.memory_space<hbm>> -> memref<8x2048xf32, #tpu.memory_space<hbm>>
      tpu.wait_dma2 semaphore(%arg13 : memref<!tpu.dma_semaphore, #tpu.memory_space<semaphore_mem>>) src(%dma_wait3A_469 : memref<8x2048xf32, #tpu.memory_space<hbm>>) dst(%arg7 : memref<8x2048xf32, #tpu.memory_space<vmem>>)
      %mul3A_470 = arith.constant 8 : i32
      %mul3A_471 = arith.muli %add3A_321, %mul3A_470 : i32
      %add3A_472 = arith.addi %mul3A_2, %mul3A_471 : i32
      %dma_wait3A_473 = arith.constant 0 : i32
      %dma_wait3A_474 = arith.constant 0 : i32
      %dma_wait3A_475 = tpu.memref_slice %arg4[%dma_wait3A_473, %add3A_472, %dma_wait3A_474] : memref<4x8192x2048xf32, #tpu.memory_space<hbm>> -> memref<1x8x2048xf32, #tpu.memory_space<hbm>>
      %dma_wait3A_476 = tpu.memref_squeeze %dma_wait3A_475 : memref<1x8x2048xf32, #tpu.memory_space<hbm>> -> memref<8x2048xf32, #tpu.memory_space<hbm>>
      %dma_wait3A_477 = arith.constant 0 : i32
      %dma_wait3A_478 = tpu.memref_slice %arg4[%dma_wait3A_473, %add3A_472, %dma_wait3A_477] : memref<4x8192x2048xf32, #tpu.memory_space<hbm>> -> memref<1x8x2048xf32, #tpu.memory_space<hbm>>
      %dma_wait3A_479 = tpu.memref_squeeze %dma_wait3A_478 : memref<1x8x2048xf32, #tpu.memory_space<hbm>> -> memref<8x2048xf32, #tpu.memory_space<hbm>>
      tpu.wait_dma2 semaphore(%arg15 : memref<!tpu.dma_semaphore, #tpu.memory_space<semaphore_mem>>) src(%arg5 : memref<8x2048xf32, #tpu.memory_space<vmem>>) dst(%dma_wait3A_479 : memref<8x2048xf32, #tpu.memory_space<hbm>>)
      %lt3A_480 = arith.constant 15 : i32
      %lt3A_481 = arith.cmpi slt, %scan3A_55, %lt3A_480 : i32
      %convert_element_type3A_482 = arith.extui %lt3A_481 : i1 to i32
      %cond3A_483 = arith.constant 0 : i32
      %cond3A_484 = arith.cmpi ne, %convert_element_type3A_482, %cond3A_483 : i32
      scf.if %cond3A_484 {
        %add3A_584 = arith.constant 1 : i32
        %add3A_585 = arith.addi %add3A_321, %add3A_584 : i32
        %mul3A_586 = arith.constant 8 : i32
        %mul3A_587 = arith.muli %add3A_585, %mul3A_586 : i32
        %add3A_588 = arith.addi %mul3A_2, %mul3A_587 : i32
        %dma_start3A_589 = arith.constant 0 : i32
        %dma_start3A_590 = arith.constant 0 : i32
        %dma_start3A_591 = tpu.memref_slice %arg2[%dma_start3A_589, %add3A_588, %dma_start3A_590] : memref<4x8192x2048xf32, #tpu.memory_space<hbm>> -> memref<1x8x2048xf32, #tpu.memory_space<hbm>>
        %dma_start3A_592 = tpu.memref_squeeze %dma_start3A_591 : memref<1x8x2048xf32, #tpu.memory_space<hbm>> -> memref<8x2048xf32, #tpu.memory_space<hbm>>
        %dma_start3A_593 = arith.constant 0 : i32
        %dma_start3A_594 = tpu.memref_slice %arg2[%dma_start3A_589, %add3A_588, %dma_start3A_593] : memref<4x8192x2048xf32, #tpu.memory_space<hbm>> -> memref<1x8x2048xf32, #tpu.memory_space<hbm>>
        %dma_start3A_595 = tpu.memref_squeeze %dma_start3A_594 : memref<1x8x2048xf32, #tpu.memory_space<hbm>> -> memref<8x2048xf32, #tpu.memory_space<hbm>>
        tpu.enqueue_dma source(%dma_start3A_595 : memref<8x2048xf32, #tpu.memory_space<hbm>>) target(%arg5 : memref<8x2048xf32, #tpu.memory_space<vmem>>) target_semaphore(%arg11 : memref<!tpu.dma_semaphore, #tpu.memory_space<semaphore_mem>>)
      } else {
      }
      %parallel_loop3A_485 = arith.constant 0 : i32
      %parallel_loop3A_486 = arith.constant 128 : i32
      %parallel_loop3A_487 = arith.constant 1 : i32
      scf.for %parallel_loop3A_584 = %parallel_loop3A_485 to %parallel_loop3A_486 step %parallel_loop3A_487  : i32 {
        %parallel_loop3A_585 = arith.constant 16 : i32
        %parallel_loop3A_586 = arith.muli %parallel_loop3A_584, %parallel_loop3A_585 : i32
        %parallel_loop3A_587 = arith.constant 0 : i32
        %parallel_loop3A_588 = arith.index_cast %parallel_loop3A_587 : i32 to index
        %parallel_loop3A_589 = arith.index_cast %parallel_loop3A_586 : i32 to index
        %parallel_loop3A_590 = tpu.vector_load %arg10[%parallel_loop3A_588, %parallel_loop3A_589] {strides = array<i32>} : memref<8x2048xf32, #tpu.memory_space<vmem>>, vector<1x16xf32>,
        %parallel_loop3A_591 = vector.shape_cast %parallel_loop3A_590 : vector<1x16xf32> to vector<16xf32>
        %parallel_loop3A_592 = arith.constant 0 : i32
        %parallel_loop3A_593 = arith.index_cast %parallel_loop3A_592 : i32 to index
        %parallel_loop3A_594 = arith.index_cast %parallel_loop3A_586 : i32 to index
        %parallel_loop3A_595 = tpu.vector_load %arg7[%parallel_loop3A_593, %parallel_loop3A_594] {strides = array<i32>} : memref<8x2048xf32, #tpu.memory_space<vmem>>, vector<1x16xf32>,
        %parallel_loop3A_596 = vector.shape_cast %parallel_loop3A_595 : vector<1x16xf32> to vector<16xf32>
        %parallel_loop3A_597 = vector.shape_cast %parallel_loop3A_591 : vector<16xf32> to vector<1x16xf32>
        tpu.vector_store %arg7[%parallel_loop3A_593, %parallel_loop3A_594], %parallel_loop3A_597 {add = true, strides = array<i32>} : memref<8x2048xf32, #tpu.memory_space<vmem>>, vector<1x16xf32>,
      } {sc.loop_unroll_factor = 8 : i64, sc.parallel_access}
      %parallel_loop3A_488 = arith.constant 0 : i32
      %parallel_loop3A_489 = arith.constant 128 : i32
      %parallel_loop3A_490 = arith.constant 1 : i32
      scf.for %parallel_loop3A_584 = %parallel_loop3A_488 to %parallel_loop3A_489 step %parallel_loop3A_490  : i32 {
        %parallel_loop3A_585 = arith.constant 16 : i32
        %parallel_loop3A_586 = arith.muli %parallel_loop3A_584, %parallel_loop3A_585 : i32
        %parallel_loop3A_587 = arith.constant 1 : i32
        %parallel_loop3A_588 = arith.index_cast %parallel_loop3A_587 : i32 to index
        %parallel_loop3A_589 = arith.index_cast %parallel_loop3A_586 : i32 to index
        %parallel_loop3A_590 = tpu.vector_load %arg10[%parallel_loop3A_588, %parallel_loop3A_589] {strides = array<i32>} : memref<8x2048xf32, #tpu.memory_space<vmem>>, vector<1x16xf32>,
        %parallel_loop3A_591 = vector.shape_cast %parallel_loop3A_590 : vector<1x16xf32> to vector<16xf32>
        %parallel_loop3A_592 = arith.constant 1 : i32
        %parallel_loop3A_593 = arith.index_cast %parallel_loop3A_592 : i32 to index
        %parallel_loop3A_594 = arith.index_cast %parallel_loop3A_586 : i32 to index
        %parallel_loop3A_595 = tpu.vector_load %arg7[%parallel_loop3A_593, %parallel_loop3A_594] {strides = array<i32>} : memref<8x2048xf32, #tpu.memory_space<vmem>>, vector<1x16xf32>,
        %parallel_loop3A_596 = vector.shape_cast %parallel_loop3A_595 : vector<1x16xf32> to vector<16xf32>
        %parallel_loop3A_597 = vector.shape_cast %parallel_loop3A_591 : vector<16xf32> to vector<1x16xf32>
        tpu.vector_store %arg7[%parallel_loop3A_593, %parallel_loop3A_594], %parallel_loop3A_597 {add = true, strides = array<i32>} : memref<8x2048xf32, #tpu.memory_space<vmem>>, vector<1x16xf32>,
      } {sc.loop_unroll_factor = 8 : i64, sc.parallel_access}
      %parallel_loop3A_491 = arith.constant 0 : i32
      %parallel_loop3A_492 = arith.constant 128 : i32
      %parallel_loop3A_493 = arith.constant 1 : i32
      scf.for %parallel_loop3A_584 = %parallel_loop3A_491 to %parallel_loop3A_492 step %parallel_loop3A_493  : i32 {
        %parallel_loop3A_585 = arith.constant 16 : i32
        %parallel_loop3A_586 = arith.muli %parallel_loop3A_584, %parallel_loop3A_585 : i32
        %parallel_loop3A_587 = arith.constant 2 : i32
        %parallel_loop3A_588 = arith.index_cast %parallel_loop3A_587 : i32 to index
        %parallel_loop3A_589 = arith.index_cast %parallel_loop3A_586 : i32 to index
        %parallel_loop3A_590 = tpu.vector_load %arg10[%parallel_loop3A_588, %parallel_loop3A_589] {strides = array<i32>} : memref<8x2048xf32, #tpu.memory_space<vmem>>, vector<1x16xf32>,
        %parallel_loop3A_591 = vector.shape_cast %parallel_loop3A_590 : vector<1x16xf32> to vector<16xf32>
        %parallel_loop3A_592 = arith.constant 2 : i32
        %parallel_loop3A_593 = arith.index_cast %parallel_loop3A_592 : i32 to index
        %parallel_loop3A_594 = arith.index_cast %parallel_loop3A_586 : i32 to index
        %parallel_loop3A_595 = tpu.vector_load %arg7[%parallel_loop3A_593, %parallel_loop3A_594] {strides = array<i32>} : memref<8x2048xf32, #tpu.memory_space<vmem>>, vector<1x16xf32>,
        %parallel_loop3A_596 = vector.shape_cast %parallel_loop3A_595 : vector<1x16xf32> to vector<16xf32>
        %parallel_loop3A_597 = vector.shape_cast %parallel_loop3A_591 : vector<16xf32> to vector<1x16xf32>
        tpu.vector_store %arg7[%parallel_loop3A_593, %parallel_loop3A_594], %parallel_loop3A_597 {add = true, strides = array<i32>} : memref<8x2048xf32, #tpu.memory_space<vmem>>, vector<1x16xf32>,
      } {sc.loop_unroll_factor = 8 : i64, sc.parallel_access}
      %parallel_loop3A_494 = arith.constant 0 : i32
      %parallel_loop3A_495 = arith.constant 128 : i32
      %parallel_loop3A_496 = arith.constant 1 : i32
      scf.for %parallel_loop3A_584 = %parallel_loop3A_494 to %parallel_loop3A_495 step %parallel_loop3A_496  : i32 {
        %parallel_loop3A_585 = arith.constant 16 : i32
        %parallel_loop3A_586 = arith.muli %parallel_loop3A_584, %parallel_loop3A_585 : i32
        %parallel_loop3A_587 = arith.constant 3 : i32
        %parallel_loop3A_588 = arith.index_cast %parallel_loop3A_587 : i32 to index
        %parallel_loop3A_589 = arith.index_cast %parallel_loop3A_586 : i32 to index
        %parallel_loop3A_590 = tpu.vector_load %arg10[%parallel_loop3A_588, %parallel_loop3A_589] {strides = array<i32>} : memref<8x2048xf32, #tpu.memory_space<vmem>>, vector<1x16xf32>,
        %parallel_loop3A_591 = vector.shape_cast %parallel_loop3A_590 : vector<1x16xf32> to vector<16xf32>
        %parallel_loop3A_592 = arith.constant 3 : i32
        %parallel_loop3A_593 = arith.index_cast %parallel_loop3A_592 : i32 to index
        %parallel_loop3A_594 = arith.index_cast %parallel_loop3A_586 : i32 to index
        %parallel_loop3A_595 = tpu.vector_load %arg7[%parallel_loop3A_593, %parallel_loop3A_594] {strides = array<i32>} : memref<8x2048xf32, #tpu.memory_space<vmem>>, vector<1x16xf32>,
        %parallel_loop3A_596 = vector.shape_cast %parallel_loop3A_595 : vector<1x16xf32> to vector<16xf32>
        %parallel_loop3A_597 = vector.shape_cast %parallel_loop3A_591 : vector<16xf32> to vector<1x16xf32>
        tpu.vector_store %arg7[%parallel_loop3A_593, %parallel_loop3A_594], %parallel_loop3A_597 {add = true, strides = array<i32>} : memref<8x2048xf32, #tpu.memory_space<vmem>>, vector<1x16xf32>,
      } {sc.loop_unroll_factor = 8 : i64, sc.parallel_access}
      %parallel_loop3A_497 = arith.constant 0 : i32
      %parallel_loop3A_498 = arith.constant 128 : i32
      %parallel_loop3A_499 = arith.constant 1 : i32
      scf.for %parallel_loop3A_584 = %parallel_loop3A_497 to %parallel_loop3A_498 step %parallel_loop3A_499  : i32 {
        %parallel_loop3A_585 = arith.constant 16 : i32
        %parallel_loop3A_586 = arith.muli %parallel_loop3A_584, %parallel_loop3A_585 : i32
        %parallel_loop3A_587 = arith.constant 4 : i32
        %parallel_loop3A_588 = arith.index_cast %parallel_loop3A_587 : i32 to index
        %parallel_loop3A_589 = arith.index_cast %parallel_loop3A_586 : i32 to index
        %parallel_loop3A_590 = tpu.vector_load %arg10[%parallel_loop3A_588, %parallel_loop3A_589] {strides = array<i32>} : memref<8x2048xf32, #tpu.memory_space<vmem>>, vector<1x16xf32>,
        %parallel_loop3A_591 = vector.shape_cast %parallel_loop3A_590 : vector<1x16xf32> to vector<16xf32>
        %parallel_loop3A_592 = arith.constant 4 : i32
        %parallel_loop3A_593 = arith.index_cast %parallel_loop3A_592 : i32 to index
        %parallel_loop3A_594 = arith.index_cast %parallel_loop3A_586 : i32 to index
        %parallel_loop3A_595 = tpu.vector_load %arg7[%parallel_loop3A_593, %parallel_loop3A_594] {strides = array<i32>} : memref<8x2048xf32, #tpu.memory_space<vmem>>, vector<1x16xf32>,
        %parallel_loop3A_596 = vector.shape_cast %parallel_loop3A_595 : vector<1x16xf32> to vector<16xf32>
        %parallel_loop3A_597 = vector.shape_cast %parallel_loop3A_591 : vector<16xf32> to vector<1x16xf32>
        tpu.vector_store %arg7[%parallel_loop3A_593, %parallel_loop3A_594], %parallel_loop3A_597 {add = true, strides = array<i32>} : memref<8x2048xf32, #tpu.memory_space<vmem>>, vector<1x16xf32>,
      } {sc.loop_unroll_factor = 8 : i64, sc.parallel_access}
      %parallel_loop3A_500 = arith.constant 0 : i32
      %parallel_loop3A_501 = arith.constant 128 : i32
      %parallel_loop3A_502 = arith.constant 1 : i32
      scf.for %parallel_loop3A_584 = %parallel_loop3A_500 to %parallel_loop3A_501 step %parallel_loop3A_502  : i32 {
        %parallel_loop3A_585 = arith.constant 16 : i32
        %parallel_loop3A_586 = arith.muli %parallel_loop3A_584, %parallel_loop3A_585 : i32
        %parallel_loop3A_587 = arith.constant 5 : i32
        %parallel_loop3A_588 = arith.index_cast %parallel_loop3A_587 : i32 to index
        %parallel_loop3A_589 = arith.index_cast %parallel_loop3A_586 : i32 to index
        %parallel_loop3A_590 = tpu.vector_load %arg10[%parallel_loop3A_588, %parallel_loop3A_589] {strides = array<i32>} : memref<8x2048xf32, #tpu.memory_space<vmem>>, vector<1x16xf32>,
        %parallel_loop3A_591 = vector.shape_cast %parallel_loop3A_590 : vector<1x16xf32> to vector<16xf32>
        %parallel_loop3A_592 = arith.constant 5 : i32
        %parallel_loop3A_593 = arith.index_cast %parallel_loop3A_592 : i32 to index
        %parallel_loop3A_594 = arith.index_cast %parallel_loop3A_586 : i32 to index
        %parallel_loop3A_595 = tpu.vector_load %arg7[%parallel_loop3A_593, %parallel_loop3A_594] {strides = array<i32>} : memref<8x2048xf32, #tpu.memory_space<vmem>>, vector<1x16xf32>,
        %parallel_loop3A_596 = vector.shape_cast %parallel_loop3A_595 : vector<1x16xf32> to vector<16xf32>
        %parallel_loop3A_597 = vector.shape_cast %parallel_loop3A_591 : vector<16xf32> to vector<1x16xf32>
        tpu.vector_store %arg7[%parallel_loop3A_593, %parallel_loop3A_594], %parallel_loop3A_597 {add = true, strides = array<i32>} : memref<8x2048xf32, #tpu.memory_space<vmem>>, vector<1x16xf32>,
      } {sc.loop_unroll_factor = 8 : i64, sc.parallel_access}
      %parallel_loop3A_503 = arith.constant 0 : i32
      %parallel_loop3A_504 = arith.constant 128 : i32
      %parallel_loop3A_505 = arith.constant 1 : i32
      scf.for %parallel_loop3A_584 = %parallel_loop3A_503 to %parallel_loop3A_504 step %parallel_loop3A_505  : i32 {
        %parallel_loop3A_585 = arith.constant 16 : i32
        %parallel_loop3A_586 = arith.muli %parallel_loop3A_584, %parallel_loop3A_585 : i32
        %parallel_loop3A_587 = arith.constant 6 : i32
        %parallel_loop3A_588 = arith.index_cast %parallel_loop3A_587 : i32 to index
        %parallel_loop3A_589 = arith.index_cast %parallel_loop3A_586 : i32 to index
        %parallel_loop3A_590 = tpu.vector_load %arg10[%parallel_loop3A_588, %parallel_loop3A_589] {strides = array<i32>} : memref<8x2048xf32, #tpu.memory_space<vmem>>, vector<1x16xf32>,
        %parallel_loop3A_591 = vector.shape_cast %parallel_loop3A_590 : vector<1x16xf32> to vector<16xf32>
        %parallel_loop3A_592 = arith.constant 6 : i32
        %parallel_loop3A_593 = arith.index_cast %parallel_loop3A_592 : i32 to index
        %parallel_loop3A_594 = arith.index_cast %parallel_loop3A_586 : i32 to index
        %parallel_loop3A_595 = tpu.vector_load %arg7[%parallel_loop3A_593, %parallel_loop3A_594] {strides = array<i32>} : memref<8x2048xf32, #tpu.memory_space<vmem>>, vector<1x16xf32>,
        %parallel_loop3A_596 = vector.shape_cast %parallel_loop3A_595 : vector<1x16xf32> to vector<16xf32>
        %parallel_loop3A_597 = vector.shape_cast %parallel_loop3A_591 : vector<16xf32> to vector<1x16xf32>
        tpu.vector_store %arg7[%parallel_loop3A_593, %parallel_loop3A_594], %parallel_loop3A_597 {add = true, strides = array<i32>} : memref<8x2048xf32, #tpu.memory_space<vmem>>, vector<1x16xf32>,
      } {sc.loop_unroll_factor = 8 : i64, sc.parallel_access}
      %parallel_loop3A_506 = arith.constant 0 : i32
      %parallel_loop3A_507 = arith.constant 128 : i32
      %parallel_loop3A_508 = arith.constant 1 : i32
      scf.for %parallel_loop3A_584 = %parallel_loop3A_506 to %parallel_loop3A_507 step %parallel_loop3A_508  : i32 {
        %parallel_loop3A_585 = arith.constant 16 : i32
        %parallel_loop3A_586 = arith.muli %parallel_loop3A_584, %parallel_loop3A_585 : i32
        %parallel_loop3A_587 = arith.constant 7 : i32
        %parallel_loop3A_588 = arith.index_cast %parallel_loop3A_587 : i32 to index
        %parallel_loop3A_589 = arith.index_cast %parallel_loop3A_586 : i32 to index
        %parallel_loop3A_590 = tpu.vector_load %arg10[%parallel_loop3A_588, %parallel_loop3A_589] {strides = array<i32>} : memref<8x2048xf32, #tpu.memory_space<vmem>>, vector<1x16xf32>,
        %parallel_loop3A_591 = vector.shape_cast %parallel_loop3A_590 : vector<1x16xf32> to vector<16xf32>
        %parallel_loop3A_592 = arith.constant 7 : i32
        %parallel_loop3A_593 = arith.index_cast %parallel_loop3A_592 : i32 to index
        %parallel_loop3A_594 = arith.index_cast %parallel_loop3A_586 : i32 to index
        %parallel_loop3A_595 = tpu.vector_load %arg7[%parallel_loop3A_593, %parallel_loop3A_594] {strides = array<i32>} : memref<8x2048xf32, #tpu.memory_space<vmem>>, vector<1x16xf32>,
        %parallel_loop3A_596 = vector.shape_cast %parallel_loop3A_595 : vector<1x16xf32> to vector<16xf32>
        %parallel_loop3A_597 = vector.shape_cast %parallel_loop3A_591 : vector<16xf32> to vector<1x16xf32>
        tpu.vector_store %arg7[%parallel_loop3A_593, %parallel_loop3A_594], %parallel_loop3A_597 {add = true, strides = array<i32>} : memref<8x2048xf32, #tpu.memory_space<vmem>>, vector<1x16xf32>,
      } {sc.loop_unroll_factor = 8 : i64, sc.parallel_access}
      %mul3A_509 = arith.constant 8 : i32
      %mul3A_510 = arith.muli %add3A_321, %mul3A_509 : i32
      %add3A_511 = arith.addi %mul3A_2, %mul3A_510 : i32
      %dma_start3A_512 = arith.constant 2 : i32
      %dma_start3A_513 = arith.constant 0 : i32
      %dma_start3A_514 = tpu.memref_slice %arg4[%dma_start3A_512, %add3A_511, %dma_start3A_513] : memref<4x8192x2048xf32, #tpu.memory_space<hbm>> -> memref<1x8x2048xf32, #tpu.memory_space<hbm>>
      %dma_start3A_515 = tpu.memref_squeeze %dma_start3A_514 : memref<1x8x2048xf32, #tpu.memory_space<hbm>> -> memref<8x2048xf32, #tpu.memory_space<hbm>>
      %dma_start3A_516 = arith.constant 0 : i32
      %dma_start3A_517 = tpu.memref_slice %arg4[%dma_start3A_512, %add3A_511, %dma_start3A_516] : memref<4x8192x2048xf32, #tpu.memory_space<hbm>> -> memref<1x8x2048xf32, #tpu.memory_space<hbm>>
      %dma_start3A_518 = tpu.memref_squeeze %dma_start3A_517 : memref<1x8x2048xf32, #tpu.memory_space<hbm>> -> memref<8x2048xf32, #tpu.memory_space<hbm>>
      tpu.enqueue_dma source(%arg7 : memref<8x2048xf32, #tpu.memory_space<vmem>>) target(%dma_start3A_518 : memref<8x2048xf32, #tpu.memory_space<hbm>>) target_semaphore(%arg17 : memref<!tpu.dma_semaphore, #tpu.memory_space<semaphore_mem>>)
      %mul3A_519 = arith.constant 8 : i32
      %mul3A_520 = arith.muli %add3A_321, %mul3A_519 : i32
      %add3A_521 = arith.addi %mul3A_2, %mul3A_520 : i32
      %dma_wait3A_522 = arith.constant 3 : i32
      %dma_wait3A_523 = arith.constant 0 : i32
      %dma_wait3A_524 = tpu.memref_slice %arg2[%dma_wait3A_522, %add3A_521, %dma_wait3A_523] : memref<4x8192x2048xf32, #tpu.memory_space<hbm>> -> memref<1x8x2048xf32, #tpu.memory_space<hbm>>
      %dma_wait3A_525 = tpu.memref_squeeze %dma_wait3A_524 : memref<1x8x2048xf32, #tpu.memory_space<hbm>> -> memref<8x2048xf32, #tpu.memory_space<hbm>>
      %dma_wait3A_526 = arith.constant 0 : i32
      %dma_wait3A_527 = tpu.memref_slice %arg2[%dma_wait3A_522, %add3A_521, %dma_wait3A_526] : memref<4x8192x2048xf32, #tpu.memory_space<hbm>> -> memref<1x8x2048xf32, #tpu.memory_space<hbm>>
      %dma_wait3A_528 = tpu.memref_squeeze %dma_wait3A_527 : memref<1x8x2048xf32, #tpu.memory_space<hbm>> -> memref<8x2048xf32, #tpu.memory_space<hbm>>
      tpu.wait_dma2 semaphore(%arg14 : memref<!tpu.dma_semaphore, #tpu.memory_space<semaphore_mem>>) src(%dma_wait3A_528 : memref<8x2048xf32, #tpu.memory_space<hbm>>) dst(%arg8 : memref<8x2048xf32, #tpu.memory_space<vmem>>)
      %mul3A_529 = arith.constant 8 : i32
      %mul3A_530 = arith.muli %add3A_321, %mul3A_529 : i32
      %add3A_531 = arith.addi %mul3A_2, %mul3A_530 : i32
      %dma_wait3A_532 = arith.constant 1 : i32
      %dma_wait3A_533 = arith.constant 0 : i32
      %dma_wait3A_534 = tpu.memref_slice %arg4[%dma_wait3A_532, %add3A_531, %dma_wait3A_533] : memref<4x8192x2048xf32, #tpu.memory_space<hbm>> -> memref<1x8x2048xf32, #tpu.memory_space<hbm>>
      %dma_wait3A_535 = tpu.memref_squeeze %dma_wait3A_534 : memref<1x8x2048xf32, #tpu.memory_space<hbm>> -> memref<8x2048xf32, #tpu.memory_space<hbm>>
      %dma_wait3A_536 = arith.constant 0 : i32
      %dma_wait3A_537 = tpu.memref_slice %arg4[%dma_wait3A_532, %add3A_531, %dma_wait3A_536] : memref<4x8192x2048xf32, #tpu.memory_space<hbm>> -> memref<1x8x2048xf32, #tpu.memory_space<hbm>>
      %dma_wait3A_538 = tpu.memref_squeeze %dma_wait3A_537 : memref<1x8x2048xf32, #tpu.memory_space<hbm>> -> memref<8x2048xf32, #tpu.memory_space<hbm>>
      tpu.wait_dma2 semaphore(%arg16 : memref<!tpu.dma_semaphore, #tpu.memory_space<semaphore_mem>>) src(%arg6 : memref<8x2048xf32, #tpu.memory_space<vmem>>) dst(%dma_wait3A_538 : memref<8x2048xf32, #tpu.memory_space<hbm>>)
      %lt3A_539 = arith.constant 15 : i32
      %lt3A_540 = arith.cmpi slt, %scan3A_55, %lt3A_539 : i32
      %convert_element_type3A_541 = arith.extui %lt3A_540 : i1 to i32
      %cond3A_542 = arith.constant 0 : i32
      %cond3A_543 = arith.cmpi ne, %convert_element_type3A_541, %cond3A_542 : i32
      scf.if %cond3A_543 {
        %add3A_584 = arith.constant 1 : i32
        %add3A_585 = arith.addi %add3A_321, %add3A_584 : i32
        %mul3A_586 = arith.constant 8 : i32
        %mul3A_587 = arith.muli %add3A_585, %mul3A_586 : i32
        %add3A_588 = arith.addi %mul3A_2, %mul3A_587 : i32
        %dma_start3A_589 = arith.constant 1 : i32
        %dma_start3A_590 = arith.constant 0 : i32
        %dma_start3A_591 = tpu.memref_slice %arg2[%dma_start3A_589, %add3A_588, %dma_start3A_590] : memref<4x8192x2048xf32, #tpu.memory_space<hbm>> -> memref<1x8x2048xf32, #tpu.memory_space<hbm>>
        %dma_start3A_592 = tpu.memref_squeeze %dma_start3A_591 : memref<1x8x2048xf32, #tpu.memory_space<hbm>> -> memref<8x2048xf32, #tpu.memory_space<hbm>>
        %dma_start3A_593 = arith.constant 0 : i32
        %dma_start3A_594 = tpu.memref_slice %arg2[%dma_start3A_589, %add3A_588, %dma_start3A_593] : memref<4x8192x2048xf32, #tpu.memory_space<hbm>> -> memref<1x8x2048xf32, #tpu.memory_space<hbm>>
        %dma_start3A_595 = tpu.memref_squeeze %dma_start3A_594 : memref<1x8x2048xf32, #tpu.memory_space<hbm>> -> memref<8x2048xf32, #tpu.memory_space<hbm>>
        tpu.enqueue_dma source(%dma_start3A_595 : memref<8x2048xf32, #tpu.memory_space<hbm>>) target(%arg6 : memref<8x2048xf32, #tpu.memory_space<vmem>>) target_semaphore(%arg12 : memref<!tpu.dma_semaphore, #tpu.memory_space<semaphore_mem>>)
      } else {
      }
      %parallel_loop3A_544 = arith.constant 0 : i32
      %parallel_loop3A_545 = arith.constant 128 : i32
      %parallel_loop3A_546 = arith.constant 1 : i32
      scf.for %parallel_loop3A_584 = %parallel_loop3A_544 to %parallel_loop3A_545 step %parallel_loop3A_546  : i32 {
        %parallel_loop3A_585 = arith.constant 16 : i32
        %parallel_loop3A_586 = arith.muli %parallel_loop3A_584, %parallel_loop3A_585 : i32
        %parallel_loop3A_587 = arith.constant 0 : i32
        %parallel_loop3A_588 = arith.index_cast %parallel_loop3A_587 : i32 to index
        %parallel_loop3A_589 = arith.index_cast %parallel_loop3A_586 : i32 to index
        %parallel_loop3A_590 = tpu.vector_load %arg10[%parallel_loop3A_588, %parallel_loop3A_589] {strides = array<i32>} : memref<8x2048xf32, #tpu.memory_space<vmem>>, vector<1x16xf32>,
        %parallel_loop3A_591 = vector.shape_cast %parallel_loop3A_590 : vector<1x16xf32> to vector<16xf32>
        %parallel_loop3A_592 = arith.constant 0 : i32
        %parallel_loop3A_593 = arith.index_cast %parallel_loop3A_592 : i32 to index
        %parallel_loop3A_594 = arith.index_cast %parallel_loop3A_586 : i32 to index
        %parallel_loop3A_595 = tpu.vector_load %arg8[%parallel_loop3A_593, %parallel_loop3A_594] {strides = array<i32>} : memref<8x2048xf32, #tpu.memory_space<vmem>>, vector<1x16xf32>,
        %parallel_loop3A_596 = vector.shape_cast %parallel_loop3A_595 : vector<1x16xf32> to vector<16xf32>
        %parallel_loop3A_597 = vector.shape_cast %parallel_loop3A_591 : vector<16xf32> to vector<1x16xf32>
        tpu.vector_store %arg8[%parallel_loop3A_593, %parallel_loop3A_594], %parallel_loop3A_597 {add = true, strides = array<i32>} : memref<8x2048xf32, #tpu.memory_space<vmem>>, vector<1x16xf32>,
      } {sc.loop_unroll_factor = 8 : i64, sc.parallel_access}
      %parallel_loop3A_547 = arith.constant 0 : i32
      %parallel_loop3A_548 = arith.constant 128 : i32
      %parallel_loop3A_549 = arith.constant 1 : i32
      scf.for %parallel_loop3A_584 = %parallel_loop3A_547 to %parallel_loop3A_548 step %parallel_loop3A_549  : i32 {
        %parallel_loop3A_585 = arith.constant 16 : i32
        %parallel_loop3A_586 = arith.muli %parallel_loop3A_584, %parallel_loop3A_585 : i32
        %parallel_loop3A_587 = arith.constant 1 : i32
        %parallel_loop3A_588 = arith.index_cast %parallel_loop3A_587 : i32 to index
        %parallel_loop3A_589 = arith.index_cast %parallel_loop3A_586 : i32 to index
        %parallel_loop3A_590 = tpu.vector_load %arg10[%parallel_loop3A_588, %parallel_loop3A_589] {strides = array<i32>} : memref<8x2048xf32, #tpu.memory_space<vmem>>, vector<1x16xf32>,
        %parallel_loop3A_591 = vector.shape_cast %parallel_loop3A_590 : vector<1x16xf32> to vector<16xf32>
        %parallel_loop3A_592 = arith.constant 1 : i32
        %parallel_loop3A_593 = arith.index_cast %parallel_loop3A_592 : i32 to index
        %parallel_loop3A_594 = arith.index_cast %parallel_loop3A_586 : i32 to index
        %parallel_loop3A_595 = tpu.vector_load %arg8[%parallel_loop3A_593, %parallel_loop3A_594] {strides = array<i32>} : memref<8x2048xf32, #tpu.memory_space<vmem>>, vector<1x16xf32>,
        %parallel_loop3A_596 = vector.shape_cast %parallel_loop3A_595 : vector<1x16xf32> to vector<16xf32>
        %parallel_loop3A_597 = vector.shape_cast %parallel_loop3A_591 : vector<16xf32> to vector<1x16xf32>
        tpu.vector_store %arg8[%parallel_loop3A_593, %parallel_loop3A_594], %parallel_loop3A_597 {add = true, strides = array<i32>} : memref<8x2048xf32, #tpu.memory_space<vmem>>, vector<1x16xf32>,
      } {sc.loop_unroll_factor = 8 : i64, sc.parallel_access}
      %parallel_loop3A_550 = arith.constant 0 : i32
      %parallel_loop3A_551 = arith.constant 128 : i32
      %parallel_loop3A_552 = arith.constant 1 : i32
      scf.for %parallel_loop3A_584 = %parallel_loop3A_550 to %parallel_loop3A_551 step %parallel_loop3A_552  : i32 {
        %parallel_loop3A_585 = arith.constant 16 : i32
        %parallel_loop3A_586 = arith.muli %parallel_loop3A_584, %parallel_loop3A_585 : i32
        %parallel_loop3A_587 = arith.constant 2 : i32
        %parallel_loop3A_588 = arith.index_cast %parallel_loop3A_587 : i32 to index
        %parallel_loop3A_589 = arith.index_cast %parallel_loop3A_586 : i32 to index
        %parallel_loop3A_590 = tpu.vector_load %arg10[%parallel_loop3A_588, %parallel_loop3A_589] {strides = array<i32>} : memref<8x2048xf32, #tpu.memory_space<vmem>>, vector<1x16xf32>,
        %parallel_loop3A_591 = vector.shape_cast %parallel_loop3A_590 : vector<1x16xf32> to vector<16xf32>
        %parallel_loop3A_592 = arith.constant 2 : i32
        %parallel_loop3A_593 = arith.index_cast %parallel_loop3A_592 : i32 to index
        %parallel_loop3A_594 = arith.index_cast %parallel_loop3A_586 : i32 to index
        %parallel_loop3A_595 = tpu.vector_load %arg8[%parallel_loop3A_593, %parallel_loop3A_594] {strides = array<i32>} : memref<8x2048xf32, #tpu.memory_space<vmem>>, vector<1x16xf32>,
        %parallel_loop3A_596 = vector.shape_cast %parallel_loop3A_595 : vector<1x16xf32> to vector<16xf32>
        %parallel_loop3A_597 = vector.shape_cast %parallel_loop3A_591 : vector<16xf32> to vector<1x16xf32>
        tpu.vector_store %arg8[%parallel_loop3A_593, %parallel_loop3A_594], %parallel_loop3A_597 {add = true, strides = array<i32>} : memref<8x2048xf32, #tpu.memory_space<vmem>>, vector<1x16xf32>,
      } {sc.loop_unroll_factor = 8 : i64, sc.parallel_access}
      %parallel_loop3A_553 = arith.constant 0 : i32
      %parallel_loop3A_554 = arith.constant 128 : i32
      %parallel_loop3A_555 = arith.constant 1 : i32
      scf.for %parallel_loop3A_584 = %parallel_loop3A_553 to %parallel_loop3A_554 step %parallel_loop3A_555  : i32 {
        %parallel_loop3A_585 = arith.constant 16 : i32
        %parallel_loop3A_586 = arith.muli %parallel_loop3A_584, %parallel_loop3A_585 : i32
        %parallel_loop3A_587 = arith.constant 3 : i32
        %parallel_loop3A_588 = arith.index_cast %parallel_loop3A_587 : i32 to index
        %parallel_loop3A_589 = arith.index_cast %parallel_loop3A_586 : i32 to index
        %parallel_loop3A_590 = tpu.vector_load %arg10[%parallel_loop3A_588, %parallel_loop3A_589] {strides = array<i32>} : memref<8x2048xf32, #tpu.memory_space<vmem>>, vector<1x16xf32>,
        %parallel_loop3A_591 = vector.shape_cast %parallel_loop3A_590 : vector<1x16xf32> to vector<16xf32>
        %parallel_loop3A_592 = arith.constant 3 : i32
        %parallel_loop3A_593 = arith.index_cast %parallel_loop3A_592 : i32 to index
        %parallel_loop3A_594 = arith.index_cast %parallel_loop3A_586 : i32 to index
        %parallel_loop3A_595 = tpu.vector_load %arg8[%parallel_loop3A_593, %parallel_loop3A_594] {strides = array<i32>} : memref<8x2048xf32, #tpu.memory_space<vmem>>, vector<1x16xf32>,
        %parallel_loop3A_596 = vector.shape_cast %parallel_loop3A_595 : vector<1x16xf32> to vector<16xf32>
        %parallel_loop3A_597 = vector.shape_cast %parallel_loop3A_591 : vector<16xf32> to vector<1x16xf32>
        tpu.vector_store %arg8[%parallel_loop3A_593, %parallel_loop3A_594], %parallel_loop3A_597 {add = true, strides = array<i32>} : memref<8x2048xf32, #tpu.memory_space<vmem>>, vector<1x16xf32>,
      } {sc.loop_unroll_factor = 8 : i64, sc.parallel_access}
      %parallel_loop3A_556 = arith.constant 0 : i32
      %parallel_loop3A_557 = arith.constant 128 : i32
      %parallel_loop3A_558 = arith.constant 1 : i32
      scf.for %parallel_loop3A_584 = %parallel_loop3A_556 to %parallel_loop3A_557 step %parallel_loop3A_558  : i32 {
        %parallel_loop3A_585 = arith.constant 16 : i32
        %parallel_loop3A_586 = arith.muli %parallel_loop3A_584, %parallel_loop3A_585 : i32
        %parallel_loop3A_587 = arith.constant 4 : i32
        %parallel_loop3A_588 = arith.index_cast %parallel_loop3A_587 : i32 to index
        %parallel_loop3A_589 = arith.index_cast %parallel_loop3A_586 : i32 to index
        %parallel_loop3A_590 = tpu.vector_load %arg10[%parallel_loop3A_588, %parallel_loop3A_589] {strides = array<i32>} : memref<8x2048xf32, #tpu.memory_space<vmem>>, vector<1x16xf32>,
        %parallel_loop3A_591 = vector.shape_cast %parallel_loop3A_590 : vector<1x16xf32> to vector<16xf32>
        %parallel_loop3A_592 = arith.constant 4 : i32
        %parallel_loop3A_593 = arith.index_cast %parallel_loop3A_592 : i32 to index
        %parallel_loop3A_594 = arith.index_cast %parallel_loop3A_586 : i32 to index
        %parallel_loop3A_595 = tpu.vector_load %arg8[%parallel_loop3A_593, %parallel_loop3A_594] {strides = array<i32>} : memref<8x2048xf32, #tpu.memory_space<vmem>>, vector<1x16xf32>,
        %parallel_loop3A_596 = vector.shape_cast %parallel_loop3A_595 : vector<1x16xf32> to vector<16xf32>
        %parallel_loop3A_597 = vector.shape_cast %parallel_loop3A_591 : vector<16xf32> to vector<1x16xf32>
        tpu.vector_store %arg8[%parallel_loop3A_593, %parallel_loop3A_594], %parallel_loop3A_597 {add = true, strides = array<i32>} : memref<8x2048xf32, #tpu.memory_space<vmem>>, vector<1x16xf32>,
      } {sc.loop_unroll_factor = 8 : i64, sc.parallel_access}
      %parallel_loop3A_559 = arith.constant 0 : i32
      %parallel_loop3A_560 = arith.constant 128 : i32
      %parallel_loop3A_561 = arith.constant 1 : i32
      scf.for %parallel_loop3A_584 = %parallel_loop3A_559 to %parallel_loop3A_560 step %parallel_loop3A_561  : i32 {
        %parallel_loop3A_585 = arith.constant 16 : i32
        %parallel_loop3A_586 = arith.muli %parallel_loop3A_584, %parallel_loop3A_585 : i32
        %parallel_loop3A_587 = arith.constant 5 : i32
        %parallel_loop3A_588 = arith.index_cast %parallel_loop3A_587 : i32 to index
        %parallel_loop3A_589 = arith.index_cast %parallel_loop3A_586 : i32 to index
        %parallel_loop3A_590 = tpu.vector_load %arg10[%parallel_loop3A_588, %parallel_loop3A_589] {strides = array<i32>} : memref<8x2048xf32, #tpu.memory_space<vmem>>, vector<1x16xf32>,
        %parallel_loop3A_591 = vector.shape_cast %parallel_loop3A_590 : vector<1x16xf32> to vector<16xf32>
        %parallel_loop3A_592 = arith.constant 5 : i32
        %parallel_loop3A_593 = arith.index_cast %parallel_loop3A_592 : i32 to index
        %parallel_loop3A_594 = arith.index_cast %parallel_loop3A_586 : i32 to index
        %parallel_loop3A_595 = tpu.vector_load %arg8[%parallel_loop3A_593, %parallel_loop3A_594] {strides = array<i32>} : memref<8x2048xf32, #tpu.memory_space<vmem>>, vector<1x16xf32>,
        %parallel_loop3A_596 = vector.shape_cast %parallel_loop3A_595 : vector<1x16xf32> to vector<16xf32>
        %parallel_loop3A_597 = vector.shape_cast %parallel_loop3A_591 : vector<16xf32> to vector<1x16xf32>
        tpu.vector_store %arg8[%parallel_loop3A_593, %parallel_loop3A_594], %parallel_loop3A_597 {add = true, strides = array<i32>} : memref<8x2048xf32, #tpu.memory_space<vmem>>, vector<1x16xf32>,
      } {sc.loop_unroll_factor = 8 : i64, sc.parallel_access}
      %parallel_loop3A_562 = arith.constant 0 : i32
      %parallel_loop3A_563 = arith.constant 128 : i32
      %parallel_loop3A_564 = arith.constant 1 : i32
      scf.for %parallel_loop3A_584 = %parallel_loop3A_562 to %parallel_loop3A_563 step %parallel_loop3A_564  : i32 {
        %parallel_loop3A_585 = arith.constant 16 : i32
        %parallel_loop3A_586 = arith.muli %parallel_loop3A_584, %parallel_loop3A_585 : i32
        %parallel_loop3A_587 = arith.constant 6 : i32
        %parallel_loop3A_588 = arith.index_cast %parallel_loop3A_587 : i32 to index
        %parallel_loop3A_589 = arith.index_cast %parallel_loop3A_586 : i32 to index
        %parallel_loop3A_590 = tpu.vector_load %arg10[%parallel_loop3A_588, %parallel_loop3A_589] {strides = array<i32>} : memref<8x2048xf32, #tpu.memory_space<vmem>>, vector<1x16xf32>,
        %parallel_loop3A_591 = vector.shape_cast %parallel_loop3A_590 : vector<1x16xf32> to vector<16xf32>
        %parallel_loop3A_592 = arith.constant 6 : i32
        %parallel_loop3A_593 = arith.index_cast %parallel_loop3A_592 : i32 to index
        %parallel_loop3A_594 = arith.index_cast %parallel_loop3A_586 : i32 to index
        %parallel_loop3A_595 = tpu.vector_load %arg8[%parallel_loop3A_593, %parallel_loop3A_594] {strides = array<i32>} : memref<8x2048xf32, #tpu.memory_space<vmem>>, vector<1x16xf32>,
        %parallel_loop3A_596 = vector.shape_cast %parallel_loop3A_595 : vector<1x16xf32> to vector<16xf32>
        %parallel_loop3A_597 = vector.shape_cast %parallel_loop3A_591 : vector<16xf32> to vector<1x16xf32>
        tpu.vector_store %arg8[%parallel_loop3A_593, %parallel_loop3A_594], %parallel_loop3A_597 {add = true, strides = array<i32>} : memref<8x2048xf32, #tpu.memory_space<vmem>>, vector<1x16xf32>,
      } {sc.loop_unroll_factor = 8 : i64, sc.parallel_access}
      %parallel_loop3A_565 = arith.constant 0 : i32
      %parallel_loop3A_566 = arith.constant 128 : i32
      %parallel_loop3A_567 = arith.constant 1 : i32
      scf.for %parallel_loop3A_584 = %parallel_loop3A_565 to %parallel_loop3A_566 step %parallel_loop3A_567  : i32 {
        %parallel_loop3A_585 = arith.constant 16 : i32
        %parallel_loop3A_586 = arith.muli %parallel_loop3A_584, %parallel_loop3A_585 : i32
        %parallel_loop3A_587 = arith.constant 7 : i32
        %parallel_loop3A_588 = arith.index_cast %parallel_loop3A_587 : i32 to index
        %parallel_loop3A_589 = arith.index_cast %parallel_loop3A_586 : i32 to index
        %parallel_loop3A_590 = tpu.vector_load %arg10[%parallel_loop3A_588, %parallel_loop3A_589] {strides = array<i32>} : memref<8x2048xf32, #tpu.memory_space<vmem>>, vector<1x16xf32>,
        %parallel_loop3A_591 = vector.shape_cast %parallel_loop3A_590 : vector<1x16xf32> to vector<16xf32>
        %parallel_loop3A_592 = arith.constant 7 : i32
        %parallel_loop3A_593 = arith.index_cast %parallel_loop3A_592 : i32 to index
        %parallel_loop3A_594 = arith.index_cast %parallel_loop3A_586 : i32 to index
        %parallel_loop3A_595 = tpu.vector_load %arg8[%parallel_loop3A_593, %parallel_loop3A_594] {strides = array<i32>} : memref<8x2048xf32, #tpu.memory_space<vmem>>, vector<1x16xf32>,
        %parallel_loop3A_596 = vector.shape_cast %parallel_loop3A_595 : vector<1x16xf32> to vector<16xf32>
        %parallel_loop3A_597 = vector.shape_cast %parallel_loop3A_591 : vector<16xf32> to vector<1x16xf32>
        tpu.vector_store %arg8[%parallel_loop3A_593, %parallel_loop3A_594], %parallel_loop3A_597 {add = true, strides = array<i32>} : memref<8x2048xf32, #tpu.memory_space<vmem>>, vector<1x16xf32>,
      } {sc.loop_unroll_factor = 8 : i64, sc.parallel_access}
      %mul3A_568 = arith.constant 8 : i32
      %mul3A_569 = arith.muli %add3A_321, %mul3A_568 : i32
      %add3A_570 = arith.addi %mul3A_2, %mul3A_569 : i32
      %dma_start3A_571 = arith.constant 3 : i32
      %dma_start3A_572 = arith.constant 0 : i32
      %dma_start3A_573 = tpu.memref_slice %arg4[%dma_start3A_571, %add3A_570, %dma_start3A_572] : memref<4x8192x2048xf32, #tpu.memory_space<hbm>> -> memref<1x8x2048xf32, #tpu.memory_space<hbm>>
      %dma_start3A_574 = tpu.memref_squeeze %dma_start3A_573 : memref<1x8x2048xf32, #tpu.memory_space<hbm>> -> memref<8x2048xf32, #tpu.memory_space<hbm>>
      %dma_start3A_575 = arith.constant 0 : i32
      %dma_start3A_576 = tpu.memref_slice %arg4[%dma_start3A_571, %add3A_570, %dma_start3A_575] : memref<4x8192x2048xf32, #tpu.memory_space<hbm>> -> memref<1x8x2048xf32, #tpu.memory_space<hbm>>
      %dma_start3A_577 = tpu.memref_squeeze %dma_start3A_576 : memref<1x8x2048xf32, #tpu.memory_space<hbm>> -> memref<8x2048xf32, #tpu.memory_space<hbm>>
      tpu.enqueue_dma source(%arg8 : memref<8x2048xf32, #tpu.memory_space<vmem>>) target(%dma_start3A_577 : memref<8x2048xf32, #tpu.memory_space<hbm>>) target_semaphore(%arg18 : memref<!tpu.dma_semaphore, #tpu.memory_space<semaphore_mem>>)
      %lt3A_578 = arith.constant 15 : i32
      %lt3A_579 = arith.cmpi slt, %scan3A_55, %lt3A_578 : i32
      %convert_element_type3A_580 = arith.extui %lt3A_579 : i1 to i32
      %cond3A_581 = arith.constant 0 : i32
      %cond3A_582 = arith.cmpi ne, %convert_element_type3A_580, %cond3A_581 : i32
      scf.if %cond3A_582 {
        %add3A_584 = arith.constant 2 : i32
        %add3A_585 = arith.addi %add3A_321, %add3A_584 : i32
        %mul3A_586 = arith.constant 8 : i32
        %mul3A_587 = arith.muli %add3A_585, %mul3A_586 : i32
        %add3A_588 = arith.addi %mul3A_2, %mul3A_587 : i32
        %dma_start3A_589 = arith.constant 0 : i32
        %dma_start3A_590 = tpu.memref_slice %arg3[%add3A_588, %dma_start3A_589] : memref<8192x2048xf32, #tpu.memory_space<hbm>> -> memref<8x2048xf32, #tpu.memory_space<hbm>>
        %dma_start3A_591 = arith.constant 0 : i32
        %dma_start3A_592 = tpu.memref_slice %arg3[%add3A_588, %dma_start3A_591] : memref<8192x2048xf32, #tpu.memory_space<hbm>> -> memref<8x2048xf32, #tpu.memory_space<hbm>>
        tpu.enqueue_dma source(%dma_start3A_592 : memref<8x2048xf32, #tpu.memory_space<hbm>>) target(%arg10 : memref<8x2048xf32, #tpu.memory_space<vmem>>) target_semaphore(%arg20 : memref<!tpu.dma_semaphore, #tpu.memory_space<semaphore_mem>>)
      } else {
      }
      %scan3A_583 = arith.constant 0 : i32
      scf.yield %scan3A_583 : i32
    }
    %scan3A_37 = arith.constant 16 : i32
    %add3A_38 = arith.constant 248 : i32
    %add3A_39 = arith.addi %mul3A_2, %add3A_38 : i32
    %dma_wait3A = arith.constant 2 : i32
    %dma_wait3A_40 = arith.constant 0 : i32
    %dma_wait3A_41 = tpu.memref_slice %arg4[%dma_wait3A, %add3A_39, %dma_wait3A_40] : memref<4x8192x2048xf32, #tpu.memory_space<hbm>> -> memref<1x8x2048xf32, #tpu.memory_space<hbm>>
    %dma_wait3A_42 = tpu.memref_squeeze %dma_wait3A_41 : memref<1x8x2048xf32, #tpu.memory_space<hbm>> -> memref<8x2048xf32, #tpu.memory_space<hbm>>
    %dma_wait3A_43 = arith.constant 0 : i32
    %dma_wait3A_44 = tpu.memref_slice %arg4[%dma_wait3A, %add3A_39, %dma_wait3A_43] : memref<4x8192x2048xf32, #tpu.memory_space<hbm>> -> memref<1x8x2048xf32, #tpu.memory_space<hbm>>
    %dma_wait3A_45 = tpu.memref_squeeze %dma_wait3A_44 : memref<1x8x2048xf32, #tpu.memory_space<hbm>> -> memref<8x2048xf32, #tpu.memory_space<hbm>>
    tpu.wait_dma2 semaphore(%arg17 : memref<!tpu.dma_semaphore, #tpu.memory_space<semaphore_mem>>) src(%arg7 : memref<8x2048xf32, #tpu.memory_space<vmem>>) dst(%dma_wait3A_45 : memref<8x2048xf32, #tpu.memory_space<hbm>>)
    %add3A_46 = arith.constant 248 : i32
    %add3A_47 = arith.addi %mul3A_2, %add3A_46 : i32
    %dma_wait3A_48 = arith.constant 3 : i32
    %dma_wait3A_49 = arith.constant 0 : i32
    %dma_wait3A_50 = tpu.memref_slice %arg4[%dma_wait3A_48, %add3A_47, %dma_wait3A_49] : memref<4x8192x2048xf32, #tpu.memory_space<hbm>> -> memref<1x8x2048xf32, #tpu.memory_space<hbm>>
    %dma_wait3A_51 = tpu.memref_squeeze %dma_wait3A_50 : memref<1x8x2048xf32, #tpu.memory_space<hbm>> -> memref<8x2048xf32, #tpu.memory_space<hbm>>
    %dma_wait3A_52 = arith.constant 0 : i32
    %dma_wait3A_53 = tpu.memref_slice %arg4[%dma_wait3A_48, %add3A_47, %dma_wait3A_52] : memref<4x8192x2048xf32, #tpu.memory_space<hbm>> -> memref<1x8x2048xf32, #tpu.memory_space<hbm>>
    %dma_wait3A_54 = tpu.memref_squeeze %dma_wait3A_53 : memref<1x8x2048xf32, #tpu.memory_space<hbm>> -> memref<8x2048xf32, #tpu.memory_space<hbm>>
    tpu.wait_dma2 semaphore(%arg18 : memref<!tpu.dma_semaphore, #tpu.memory_space<semaphore_mem>>) src(%arg8 : memref<8x2048xf32, #tpu.memory_space<vmem>>) dst(%dma_wait3A_54 : memref<8x2048xf32, #tpu.memory_space<hbm>>)
    return
  }
}

</mosaic_0001>

<sc_bundles>
// kernel: kernel.3.cloned.1.call-start
scs
__scs_entry_jumppad:
0x0: {  	(pc) =	sbr.rel $0x88, $3  }
0x1: {  	(tag) =	ssettag $0x0;
	lr =	simm.s32 $0x1  }
0x2: {  	[smem:$0x3F9F] =	sst lr;
	_ =	strace $0xD0000000  }
0x3: {  	_ = 	snop  }
0x4: {  	_ = 	snop  }
0x5: {  	_ = 	snop  }
0x6: {  	_ = 	snop  }
0x7: {  	_ = 	snop  }
__scs_overlays_trampoline_lowered:
0x8: {  	[smem:$0x3FAE] =	sst s0  }
0x9: {  	[smem:$0x3FAF] =	sst s1  }
0xa: {  	[smem:$0x3FB0] =	sst s2  }
0xb: {  	[smem:$0x3FB1] =	sst s3  }
0xc: {  	[smem:$0x3FB2] =	sst s4  }
0xd: {  	[smem:$0x3FB3] =	sst s5  }
0xe: {  	[smem:$0x3FB4] =	sst s6  }
0xf: {  	[smem:$0x3FB5] =	sst s7  }
0x10: {  	[smem:$0x3FB6] =	sst s8  }
0x11: {  	[smem:$0x3FB7] =	sst s9;
	s0 =	simm.s32 @!p0 $0x0  }
0x12: {  	s1 =	sld [smem:$0x3F9D];
	s0 =	simm.s32 @p0 $0x1  }
0x13: {  	[smem:$0x3FB8] =	sst s0;
	s0 =	simm.s32 @!p1 $0x0  }
0x14: {  	s2 =	sld [smem:$0x3F9C];
	s0 =	simm.s32 @p1 $0x1  }
0x15: {  	[smem:$0x3FB9] =	sst s0;
	s0 =	simm.s32 @!p2 $0x0  }
0x16: {  	s3 =	sld [smem:$0x3FDB];
	s0 =	simm.s32 @p2 $0x1  }
0x17: {  	s4 =	simm.s32 $0x1BF5;
	[smem:$0x3FBB] =	sst s0  }
0x18: {  	s0 =	sld [smem:$0x3F9E];
	_ =	swait.ge [sflag:s4], $0x0  }
0x19: {  	s7 =	sld [smem:$0x3F9F]  }
0x1a: {  	s8 =	sadd.s32 $0xFFFFE003, lr  }
0x1b: {  	s9 =	sadd.s32 $0xFFFFFEF7, lr;
	s5 =	simm.s32 $0xFFFFFFFF;
	p2 =	slt.u32 s8, $0xFFFFF086  }
0x1c: {  	p1 =	slt.u32 s9, $0xF7A;
	s5 =	simm.s32 @!p2 $0x0  }
0x1d: {  	s5 =	simm.s32 @p1 $0x1;
	p0 =	seq.s32 s7, s2  }
0x1e: {  	s7 =	smul.u32 @!p0 $0xF7A, s2;
	p2 =	seq.s32 @!p0 s5, $0x0  }
0x1f: {  	s9 =	smul.u32 $0xF7A, s1;
	s8 =	simm.s32 @!p0 $0x1BF5;
	p2 =	por !p2, p0  }
0x20: {  	[sflag:s8] =	ssyncset.s32 @!p0 $0xFFFFF086;
	s6 =	sadd.s32 @!p0 s3, s7;
	s7 =	simm.s32 @!p0 $0x108  }
0x21: {  	s3 =	sadd.s32 s3, s9;
	s6 =	sadd.s32 @!p0 $0x88, s6;
	s7 =	simm.s32 @p2 $0x1082  }
0x22: {  	[simem:s7], [sflag:s8] =	dma.local @!p0 [hbm:s6], $0xF7A  }
0x23: {  	s9 =	sor.u32 $0xD0000000, s2;
	s6 =	simm.s32 $0x108;
	_ =	swait.ge @!p0 [sflag:s8], $0x0  }
0x24: {  	s3 =	sadd.s32 $0x88, s3;
	s6 =	simm.s32 @!p1 $0x1082;
	[sflag:s4] =	ssyncset.s32 $0xFFFFF086  }
0x25: {  	[simem:s6], [sflag:s4] =	dma.local [hbm:s3], $0xF7A  }
0x26: {  	[smem:$0x3F9F] =	sst s1;
	(tag) =	ssettag s2;
	_ =	strace s9  }
0x27: {  	s1 =	sld [smem:$0x3FAF]  }
0x28: {  	s2 =	sld [smem:$0x3FB0]  }
0x29: {  	s4 =	sld [smem:$0x3FB2]  }
0x2a: {  	p0 =	seq.s32 s5, $0x0;
	s5 =	sld [smem:$0x3FB3]  }
0x2b: {  	s6 =	sld [smem:$0x3FB4]  }
0x2c: {  	s7 =	sld [smem:$0x3FB5]  }
0x2d: {  	s3 =	simm.s32 $0x108;
	s8 =	sld [smem:$0x3FB6]  }
0x2e: {  	s3 =	simm.s32 @!p0 $0x1082;
	s9 =	sld [smem:$0x3FB7]  }
0x2f: {  	lr =	sadd.s32 s0, s3;
	s0 =	sld [smem:$0x3FAE]  }
0x30: {  	s3 =	sld [smem:$0x3FB1]  }
0x31: {  	[smem:$0x3FBA] =	sst s10  }
0x32: {  	s10 =	sld [smem:$0x3FB8];
	_ =	sdelay $0x3  }
0x33: {  	p0 =	seq.s32 s10, $0x1;
	s10 =	sld [smem:$0x3FBA];
	_ =	sdelay $0x3  }
0x34: {  	[smem:$0x3FBA] =	sst s10  }
0x35: {  	s10 =	sld [smem:$0x3FB9];
	_ =	sdelay $0x3  }
0x36: {  	p1 =	seq.s32 s10, $0x1;
	s10 =	sld [smem:$0x3FBA];
	_ =	sdelay $0x3  }
0x37: {  	[smem:$0x3FBA] =	sst s10  }
0x38: {  	s10 =	sld [smem:$0x3FBB]  }
0x39: {  	_ = 	snop;
	(pc) =	sbr.ind lr, $3  }
0x3a: {  	_ = 	snop  }
0x3b: {  	_ = 	snop  }
0x3c: {  	p2 =	seq.s32 s10, $0x1;
	s10 =	sld [smem:$0x3FBA]  }
0x3d: {  	_ =	shalt  }
0x3e: {  	_ =	shalt  }
0x3f: {  	_ =	shalt  }
0x40: {  	_ =	shalt  }
0x41: {  	_ =	shalt  }
0x42: {  	_ =	shalt  }
0x43: {  	_ =	shalt  }
0x44: {  	_ =	shalt  }
0x45: {  	_ =	shalt  }
0x46: {  	_ =	shalt  }
0x47: {  	_ =	shalt  }
0x48: {  	_ =	shalt  }
0x49: {  	_ =	shalt  }
0x4a: {  	_ =	shalt  }
0x4b: {  	_ =	shalt  }
0x4c: {  	_ =	shalt  }
0x4d: {  	_ =	shalt  }
0x4e: {  	_ =	shalt  }
0x4f: {  	_ =	shalt  }
0x50: {  	_ =	shalt  }
0x51: {  	_ =	shalt  }
0x52: {  	_ =	shalt  }
0x53: {  	_ =	shalt  }
0x54: {  	_ =	shalt  }
0x55: {  	_ =	shalt  }
0x56: {  	_ =	shalt  }
0x57: {  	_ =	shalt  }
0x58: {  	_ =	shalt  }
0x59: {  	_ =	shalt  }
0x5a: {  	_ =	shalt  }
0x5b: {  	_ =	shalt  }
0x5c: {  	_ =	shalt  }
0x5d: {  	_ =	shalt  }
0x5e: {  	_ =	shalt  }
0x5f: {  	_ =	shalt  }
0x60: {  	_ =	shalt  }
0x61: {  	_ =	shalt  }
0x62: {  	_ =	shalt  }
0x63: {  	_ =	shalt  }
0x64: {  	_ =	shalt  }
0x65: {  	_ =	shalt  }
0x66: {  	_ =	shalt  }
0x67: {  	_ =	shalt  }
0x68: {  	_ =	shalt  }
0x69: {  	_ =	shalt  }
0x6a: {  	_ =	shalt  }
0x6b: {  	_ =	shalt  }
0x6c: {  	_ =	shalt  }
0x6d: {  	_ =	shalt  }
0x6e: {  	_ =	shalt  }
0x6f: {  	_ =	shalt  }
0x70: {  	_ =	shalt  }
0x71: {  	_ =	shalt  }
0x72: {  	_ =	shalt  }
0x73: {  	_ =	shalt  }
0x74: {  	_ =	shalt  }
0x75: {  	_ =	shalt  }
0x76: {  	_ =	shalt  }
0x77: {  	_ =	shalt  }
0x78: {  	_ =	shalt  }
0x79: {  	_ =	shalt  }
0x7a: {  	_ =	shalt  }
0x7b: {  	_ =	shalt  }
0x7c: {  	_ =	shalt  }
0x7d: {  	_ =	shalt  }
0x7e: {  	_ =	shalt  }
0x7f: {  	_ =	shalt  }
0x80: {  	_ =	shalt  }
0x81: {  	_ =	shalt  }
0x82: {  	_ =	shalt  }
0x83: {  	_ =	shalt  }
0x84: {  	_ =	shalt  }
0x85: {  	_ =	shalt  }
0x86: {  	_ =	shalt  }
0x87: {  	_ =	shalt  }
.Lfunc_end0:
.L_simem_size_0:
called_computation_lowered:
.L_overlay_start_0:
0x88: {  	s2 =	sld [smem:$0x3FD9]  }
0x89: {  	s3 =	sld [smem:$0x3FFE];
	_ =	sdelay $0x1  }
0x8a: {  	s1 =	srdreg.scid  }
0x8b: {  	s0 =	sand.u32 $0x1, s1  }
0x8c: {  	s18 =	sshll.u32 s0, $0xA;
	s2 =	sadd.s32 s3, s2  }
0x8d: {  	s2 =	sadd.s32 s2, s18  }
0x8e: {  	[smem:$0x3FC6] =	sst s2  }
0x8f: {  	_ = 	snop  }
0x90: {  	s2 =	sld [smem:$0x3FC9]  }
0x91: {  	s19 =	sld [smem:$0x3FC8]  }
0x92: {  	s4 =	sld [smem:$0x3FD0];
	(tm) =	ssettm $0x1  }
0x93: {  	s5 =	sld [smem:$0x3FFB];
	_ =	sdelay $0x3  }
0x94: {  	_ =	strace s5  }
0x95: {  	s5 =	sld [smem:$0x3FFC];
	_ =	sdelay $0x3  }
0x96: {  	_ =	strace s5  }
0x97: {  	s5 =	sld [smem:$0x3FFD];
	_ =	sdelay $0x3  }
0x98: {  	_ =	strace s5  }
0x99: {  	_ =	strace $0x8FFFFFFF  }
0x9a: {  	s20 =	sld [smem:$0x3FDB];
	_ =	sdelay $0x1  }
0x9b: {  	s6 =	simm.s32 $_scs_section_size  }
0x9c: {  	s7 =	simm.s32 $_size__tile_overlayer_lowered;
	s8 =	simm.s32 $_tile_overlayer_lowered  }
0x9d: {  	s23 =	simm.s32 $0x1BFF;
	s22 =	sshll.u32 s8, $0x1;
	s5 =	sadd.s32 s6, s20  }
0x9e: {  	s9 =	simm.s32 $0x0;
	s21 =	sshll.u32 s7, $0x1;
	s7 =	sadd.s32 s22, s5  }
0x9f: {  	[timem:s9], [sflag:s23] =	dma.local [hbm:s7], s21  }
0xa0: {  	_ =	swait.ge [sflag:s23], s21  }
0xa1: {  	s6 =	ssub.s32 $0x0, s21;
	[sflag:s23] =	ssyncset.done $0x0  }
0xa2: {  	[sflag:s23] =	ssyncadd.s32 s6;
	_ =	sdelay $0x1  }
0xa3: {  	s24 =	simm.s32 $0x1B8B  }
0xa4: {  	_ =	swait.ge [sflag:s24], $0x1  }
0xa5: {  	[sflag:s24] =	ssyncset.done $0x0  }
0xa6: {  	s25 =	simm.s32 $0x1B8E;
	[sflag:s24] =	ssyncadd.s32 $0xFFFFFFFF  }
0xa7: {  	s26 =	simm.s32 $execute0_lowered;
	[smem:$0x3FD2] =	sst s25  }
0xa8: {  	s6 =	sshll.u32 s26, $0x1;
	_ =	strace $0x80000046;
	[dreg:$0x1] =	wrdreg $0xFFFFFFFF  }
0xa9: {  	s28 =	simm.s32 $_size_execute0_lowered;
	s5 =	sadd.s32 s5, s6;
	[dreg:$0x0] =	wrdreg $0x0  }
0xaa: {  	s6 =	sshll.u32 s28, $0x1;
	[dreg:$0x2] =	wrdreg s5  }
0xab: {  	[dreg:$0x3] =	wrdreg s6  }
0xac: {  	[dreg:$0x4] =	wrdreg $0xC0  }
0xad: {  	_ =	task [dreg:s9], $0x5FFFF  }
0xae: {  	[dreg:$0x1] =	wrdreg $0xFFFFFFFF  }
0xaf: {  	[dreg:$0x0] =	wrdreg $0x60  }
0xb0: {  	[dreg:$0x2] =	wrdreg s2  }
0xb1: {  	[dreg:$0x3] =	wrdreg s19  }
0xb2: {  	[dreg:$0x4] =	wrdreg s4  }
0xb3: {  	[dreg:$0x5] =	wrdreg $0x9  }
0xb4: {  	_ =	task.clear_ibuf [dreg:s9], $0x6FFFF;
	_ =	strace $0x90000046  }
0xb5: {  	s29 =	simm.s32 $0x9;
	_ =	strace $0x80000048  }
0xb6: {  	_ =	swait.ge [sflag:s29], $0x1  }
0xb7: {  	[sflag:s29] =	ssyncadd.s32 $0xFFFFFFFF  }
0xb8: {  	_ =	strace $0x90000048  }
0xb9: {  	_ =	sfence  }
0xba: {  	s30 =	sld [smem:$0x0];
	_ =	sdelay $0x2  }
0xbb: {  	s31 =	sshll.u32 s1, $0xD;
	s1 =	sshrl.u32 s1, $0x2  }
0xbc: {  	s3 =	sand.u32 $0x4000, s31;
	s1 =	sadd.s32 s1, s30  }
0xbd: {  	s0 =	sor.u32 s3, s0;
	s1 =	sshll.u32 s1, $0x11  }
0xbe: {  	s0 =	sor.u32 s1, s0  }
0xbf: {  	s0 =	sadd.s32 $0x8F2B, s0  }
0xc0: {  	[sflag:s0] =	ssyncadd.remote.s32 $0x1  }
0xc1: {  	_ =	sfence.sel $0xFFFF  }
0xc2: {  	[dreg:$0x0] =	wrdreg $0xFFFFFFFF;
	(pc) =	sbr.abs _section_cstart, $3  }
0xc3: {  	[dreg:$0x1] =	wrdreg $0xFFFFFFFF  }
0xc4: {  	_ =	task.clear_ibuf [dreg:s9], $0x2FFFF;
	_ =	strace $0x9FFFFFFF  }
0xc5: {  	(tm) =	ssettm $0x7FFFFFFF  }
tec
execute0_lowered:
.L_overlay_start_1:
0x0: {  	(tag) =	ssettag $0x1  }
0x1: {  	s2 =	rddreg [dreg:$0x0]  }
0x2: {  	s8 =	rddreg [dreg:$0x1]  }
0x3: {  	s0 =	srdreg.scid;
	s4 =	rddreg [dreg:$0x2]  }
0x4: {  	s1 =	stileid.u32;
	s5 =	simm.s32 $0x0;
	s19 =	simm.s32 $0x4000  }
0x5: {  	s20 =	simm.s32 $0x1;
	s21 =	simm.s32 $0x9;
	s28 =	simm.s32 $0x4  }
0x6: {  	s29 =	simm.s32 $0x6;
	s30 =	simm.s32 $0x7;
	s31 =	simm.s32 $0xA  }
0x7: {  	s0 =	sand.u32 $0x1, s0;
	s1 =	sshll.u32 s1, $0x9;
	[smem:$0x7FF] =	sst s5  }
0x8: {  	s11 =	sadd.s32 $0x200000, s2;
	s13 =	sadd.s32 $0x200000, s4;
	s3 =	sshll.u32 s0, $0x8  }
0x9: {  	s0 =	ssub.s32 $0x2, s0;
	_ =	strace $0x80000047;
	s6 =	sor.u32 s3, s1  }
0xa: {  	s22 =	sshrl.u32 s0, $0x1;
	s3 =	simm.s32 $0x0;
	s7 =	sshll.u32 s6, $0x8  }
0xb: {  	s0 =	ssub.s32 s0, s22;
	s14 =	sor.u32 $0x10, s6;
	s26 =	sor.u32 $0x18, s6  }
0xc: {  	s22 =	simm.s32 $0x8000;
	s23 =	sadd.s32 s8, s7;
	[dreg:$0x8] =	wrdreg s26  }
.Ltmp0:
0xd: {  	s24 =	sadd.s32 s2, s7;
	[dreg:$0x4] =	wrdreg s23;
	(pc) =	sbr.rel .LBB2_1-.Ltmp0, $4  }
0xe: {  	s25 =	sadd.s32 s7, s11;
	s0 =	smax.u32 s0, $0x1;
	[dreg:$0x6] =	wrdreg s24  }
0xf: {  	s26 =	simm.s32 $0x5;
	s1 =	sadd.s32 $0x800, s23;
	[dreg:$0x7] =	wrdreg s25  }
0x10: {  	[dreg:$0x9] =	wrdreg s0;
	s23 =	simm.s32 $0x2;
	s24 =	simm.s32 $0xC000  }
0x11: {  	s25 =	simm.s32 $0x3;
	s0 =	simm.s32 $0x8;
	[dreg:$0x5] =	wrdreg s1  }
.LBB2_132:
0x12: {  	_ =	swait.ge [sflag:s30], $0x4000  }
0x13: {  	[sflag:s30] =	ssyncset.done $0x0  }
0x14: {  	[sflag:s30] =	ssyncadd.s32 $0xFFFFC000  }
0x15: {  	_ =	swait.ge [sflag:s0], $0x4000  }
0x16: {  	s3 =	rddreg [dreg:$0xa]  }
0x17: {  	s1 =	rddreg [dreg:$0x9];
	s3 =	sadd.s32 $0x1, s3  }
0x18: {  	p0 =	sne.s32 s3, s1  }
.Ltmp1:
0x19: {  	_ = 	snop;
	(pc) =	sbr.rel @!p0 .LBB2_133-.Ltmp1, $3  }
0x1a: {  	_ =	sdelay $0x1  }
0x1b: {  	[sflag:s0] =	ssyncset.done $0x0  }
0x1c: {  	[sflag:s0] =	ssyncadd.s32 $0xFFFFC000  }
.LBB2_1:
0x1d: {  	[dreg:$0xa] =	wrdreg s3  }
0x1e: {  	s1 =	rddreg [dreg:$0x4];
	s12 =	simm.s32 $0x10000  }
0x1f: {  	[tilespmem:s12], [sflag:$0x9] =	stream.linear.gather [hbm4b:s1+s5], $0x4000, $0x38;
	[tilespmem:$0x18000] =	vst v63  }
0x20: {  	s15 =	rddreg [dreg:$0x5];
	s16 =	simm.s32 $0x14000  }
0x21: {  	[tilespmem:s16], [sflag:$0xA] =	stream.linear.gather [hbm4b:s15+s5], $0x4000, $0x38;
	[tilespmem:$0x18000] =	vst v63  }
0x22: {  	s17 =	rddreg [dreg:$0x6]  }
0x23: {  	[tilespmem:s5], [sflag:$0x1] =	stream.linear.gather [hbm4b:s17+s5], $0x4000, $0x38;
	[tilespmem:$0x18000] =	vst v63  }
0x24: {  	s18 =	rddreg [dreg:$0x7];
	s17 =	simm.s32 $0x0  }
0x25: {  	[tilespmem:s19], [sflag:$0x2] =	stream.linear.gather [hbm4b:s18+s5], $0x4000, $0x38;
	[tilespmem:$0x18000] =	vst v63  }
.LBB2_2:
0x26: {  	_ =	swait.ge [sflag:s20], $0x4000  }
0x27: {  	p0 =	seq.s32 s17, $0x0;
	[sflag:s20] =	ssyncset.done $0x0  }
0x28: {  	s1 =	simm.s32 @!p0 $0x7;
	[sflag:s20] =	ssyncadd.s32 $0xFFFFC000  }
0x29: {  	_ =	swait.ge @!p0 [sflag:s1], $0x4000  }
0x2a: {  	[sflag:s1] =	ssyncset.done @!p0 $0x0  }
0x2b: {  	s18 =	sshll.u32 s17, $0xC;
	[sflag:s1] =	ssyncadd.s32 @!p0 $0xFFFFC000  }
0x2c: {  	s1 =	sadd.s32 s7, s18;
	_ =	swait.ge [sflag:s21], $0x4000  }
0x2d: {  	s9 =	simm.s32 $0x0;
	s8 =	sor.u32 $0x400000, s1;
	[sflag:s21] =	ssyncset.done $0x0  }
0x2e: {  	s10 =	simm.s32 $0x0;
	s3 =	sadd.s32 s2, s8;
	[sflag:s21] =	ssyncadd.s32 $0xFFFFC000  }
0x2f: {  	[tilespmem:s22], [sflag:$0x3] =	stream.linear.gather [hbm4b:s3+s9], $0x4000, $0x38;
	[tilespmem:$0x18000] =	vst v63  }
0x30: {  	v0 =	vld [tilespmem:s10+$0x10070]  }
0x31: {  	v1 =	vld [tilespmem:s10+$0x10000]  }
0x32: {  	v2 =	vld [tilespmem:s10+$0x10010]  }
0x33: {  	v3 =	vld [tilespmem:s10+$0x10020]  }
0x34: {  	v4 =	vld [tilespmem:s10+$0x10030]  }
0x35: {  	v5 =	vld [tilespmem:s10+$0x10040]  }
0x36: {  	v6 =	vld [tilespmem:s10+$0x10050]  }
0x37: {  	[tilespmem:s10+$0x70] =	vst.add.f32.msk $0xffff, v0  }
0x38: {  	v0 =	vld [tilespmem:s10+$0x10060]  }
0x39: {  	[tilespmem:s10+$0x0] =	vst.add.f32.msk $0xffff, v1  }
0x3a: {  	[tilespmem:s10+$0x10] =	vst.add.f32.msk $0xffff, v2  }
0x3b: {  	[tilespmem:s10+$0x20] =	vst.add.f32.msk $0xffff, v3  }
0x3c: {  	[tilespmem:s10+$0x30] =	vst.add.f32.msk $0xffff, v4  }
0x3d: {  	[tilespmem:s10+$0x40] =	vst.add.f32.msk $0xffff, v5  }
0x3e: {  	s12 =	simm.s32 $0x0;
	s15 =	simm.s32 $0x1000;
	s9 =	sshll.u32 s17, $0x4;
	[tilespmem:s10+$0x50] =	vst.add.f32.msk $0xffff, v6  }
.LBB2_3:
0x3f: {  	s12 =	sadd.s32 $0x8, s12;
	[tilespmem:s10+$0x60] =	vst.add.f32.msk $0xffff, v0;
	s10 =	sshra.s32 s15, $0x2  }
0x40: {  	v0 =	vld [tilespmem:s10+$0x10070];
	p1 =	slt.u32 s12, $0x78  }
0x41: {  	v1 =	vld [tilespmem:s10+$0x10000]  }
0x42: {  	v2 =	vld [tilespmem:s10+$0x10010]  }
0x43: {  	v3 =	vld [tilespmem:s10+$0x10020]  }
0x44: {  	v4 =	vld [tilespmem:s10+$0x10030]  }
0x45: {  	[tilespmem:s10+$0x70] =	vst.add.f32.msk $0xffff, v0  }
0x46: {  	v5 =	vld [tilespmem:s10+$0x10040]  }
0x47: {  	v6 =	vld [tilespmem:s10+$0x10050]  }
0x48: {  	v0 =	vld [tilespmem:s10+$0x10060]  }
0x49: {  	[tilespmem:s10+$0x0] =	vst.add.f32.msk $0xffff, v1  }
.Ltmp2:
0x4a: {  	[tilespmem:s10+$0x10] =	vst.add.f32.msk $0xffff, v2;
	(pc) =	sbr.rel @p1 .LBB2_3-.Ltmp2, $4  }
0x4b: {  	[tilespmem:s10+$0x20] =	vst.add.f32.msk $0xffff, v3  }
0x4c: {  	[tilespmem:s10+$0x30] =	vst.add.f32.msk $0xffff, v4  }
0x4d: {  	[tilespmem:s10+$0x40] =	vst.add.f32.msk $0xffff, v5  }
0x4e: {  	s15 =	sadd.s32 $0x1000, s15;
	[tilespmem:s10+$0x50] =	vst.add.f32.msk $0xffff, v6  }
0x4f: {  	[tilespmem:s10+$0x60] =	vst.add.f32.msk $0xffff, v0;
	s10 =	simm.s32 $0x0  }
0x50: {  	v0 =	vld [tilespmem:s10+$0x100F0]  }
0x51: {  	v1 =	vld [tilespmem:s10+$0x10080]  }
0x52: {  	v2 =	vld [tilespmem:s10+$0x10090]  }
0x53: {  	v3 =	vld [tilespmem:s10+$0x100A0]  }
0x54: {  	v4 =	vld [tilespmem:s10+$0x100B0]  }
0x55: {  	v5 =	vld [tilespmem:s10+$0x100C0]  }
0x56: {  	v6 =	vld [tilespmem:s10+$0x100D0]  }
0x57: {  	[tilespmem:s10+$0xF0] =	vst.add.f32.msk $0xffff, v0  }
0x58: {  	v0 =	vld [tilespmem:s10+$0x100E0]  }
0x59: {  	[tilespmem:s10+$0x80] =	vst.add.f32.msk $0xffff, v1  }
0x5a: {  	[tilespmem:s10+$0x90] =	vst.add.f32.msk $0xffff, v2  }
0x5b: {  	[tilespmem:s10+$0xA0] =	vst.add.f32.msk $0xffff, v3  }
0x5c: {  	[tilespmem:s10+$0xB0] =	vst.add.f32.msk $0xffff, v4  }
0x5d: {  	[tilespmem:s10+$0xC0] =	vst.add.f32.msk $0xffff, v5  }
0x5e: {  	s12 =	simm.s32 $0x0;
	s15 =	simm.s32 $0x1000;
	[tilespmem:s10+$0xD0] =	vst.add.f32.msk $0xffff, v6  }
.LBB2_5:
0x5f: {  	s12 =	sadd.s32 $0x8, s12;
	[tilespmem:s10+$0xE0] =	vst.add.f32.msk $0xffff, v0;
	s10 =	sshra.s32 s15, $0x2  }
0x60: {  	v0 =	vld [tilespmem:s10+$0x100F0];
	p1 =	slt.u32 s12, $0x78  }
0x61: {  	v1 =	vld [tilespmem:s10+$0x10080]  }
0x62: {  	v2 =	vld [tilespmem:s10+$0x10090]  }
0x63: {  	v3 =	vld [tilespmem:s10+$0x100A0]  }
0x64: {  	v4 =	vld [tilespmem:s10+$0x100B0]  }
0x65: {  	[tilespmem:s10+$0xF0] =	vst.add.f32.msk $0xffff, v0  }
0x66: {  	v5 =	vld [tilespmem:s10+$0x100C0]  }
0x67: {  	v6 =	vld [tilespmem:s10+$0x100D0]  }
0x68: {  	v0 =	vld [tilespmem:s10+$0x100E0]  }
0x69: {  	[tilespmem:s10+$0x80] =	vst.add.f32.msk $0xffff, v1  }
.Ltmp3:
0x6a: {  	[tilespmem:s10+$0x90] =	vst.add.f32.msk $0xffff, v2;
	(pc) =	sbr.rel @p1 .LBB2_5-.Ltmp3, $4  }
0x6b: {  	[tilespmem:s10+$0xA0] =	vst.add.f32.msk $0xffff, v3  }
0x6c: {  	[tilespmem:s10+$0xB0] =	vst.add.f32.msk $0xffff, v4  }
0x6d: {  	[tilespmem:s10+$0xC0] =	vst.add.f32.msk $0xffff, v5  }
0x6e: {  	s15 =	sadd.s32 $0x1000, s15;
	[tilespmem:s10+$0xD0] =	vst.add.f32.msk $0xffff, v6  }
0x6f: {  	[tilespmem:s10+$0xE0] =	vst.add.f32.msk $0xffff, v0;
	s10 =	simm.s32 $0x0  }
0x70: {  	v0 =	vld [tilespmem:s10+$0x10170]  }
0x71: {  	v1 =	vld [tilespmem:s10+$0x10100]  }
0x72: {  	v2 =	vld [tilespmem:s10+$0x10110]  }
0x73: {  	v3 =	vld [tilespmem:s10+$0x10120]  }
0x74: {  	v4 =	vld [tilespmem:s10+$0x10130]  }
0x75: {  	v5 =	vld [tilespmem:s10+$0x10140]  }
0x76: {  	v6 =	vld [tilespmem:s10+$0x10150]  }
0x77: {  	[tilespmem:s10+$0x170] =	vst.add.f32.msk $0xffff, v0  }
0x78: {  	v0 =	vld [tilespmem:s10+$0x10160]  }
0x79: {  	[tilespmem:s10+$0x100] =	vst.add.f32.msk $0xffff, v1  }
0x7a: {  	[tilespmem:s10+$0x110] =	vst.add.f32.msk $0xffff, v2  }
0x7b: {  	[tilespmem:s10+$0x120] =	vst.add.f32.msk $0xffff, v3  }
0x7c: {  	[tilespmem:s10+$0x130] =	vst.add.f32.msk $0xffff, v4  }
0x7d: {  	[tilespmem:s10+$0x140] =	vst.add.f32.msk $0xffff, v5  }
0x7e: {  	s12 =	simm.s32 $0x0;
	s15 =	simm.s32 $0x1000;
	[tilespmem:s10+$0x150] =	vst.add.f32.msk $0xffff, v6  }
.LBB2_7:
0x7f: {  	s12 =	sadd.s32 $0x8, s12;
	[tilespmem:s10+$0x160] =	vst.add.f32.msk $0xffff, v0;
	s10 =	sshra.s32 s15, $0x2  }
0x80: {  	v0 =	vld [tilespmem:s10+$0x10170];
	p1 =	slt.u32 s12, $0x78  }
0x81: {  	v1 =	vld [tilespmem:s10+$0x10100]  }
0x82: {  	v2 =	vld [tilespmem:s10+$0x10110]  }
0x83: {  	v3 =	vld [tilespmem:s10+$0x10120]  }
0x84: {  	v4 =	vld [tilespmem:s10+$0x10130]  }
0x85: {  	[tilespmem:s10+$0x170] =	vst.add.f32.msk $0xffff, v0  }
0x86: {  	v5 =	vld [tilespmem:s10+$0x10140]  }
0x87: {  	v6 =	vld [tilespmem:s10+$0x10150]  }
0x88: {  	v0 =	vld [tilespmem:s10+$0x10160]  }
0x89: {  	[tilespmem:s10+$0x100] =	vst.add.f32.msk $0xffff, v1  }
.Ltmp4:
0x8a: {  	[tilespmem:s10+$0x110] =	vst.add.f32.msk $0xffff, v2;
	(pc) =	sbr.rel @p1 .LBB2_7-.Ltmp4, $4  }
0x8b: {  	[tilespmem:s10+$0x120] =	vst.add.f32.msk $0xffff, v3  }
0x8c: {  	[tilespmem:s10+$0x130] =	vst.add.f32.msk $0xffff, v4  }
0x8d: {  	[tilespmem:s10+$0x140] =	vst.add.f32.msk $0xffff, v5  }
0x8e: {  	s15 =	sadd.s32 $0x1000, s15;
	[tilespmem:s10+$0x150] =	vst.add.f32.msk $0xffff, v6  }
0x8f: {  	[tilespmem:s10+$0x160] =	vst.add.f32.msk $0xffff, v0;
	s10 =	simm.s32 $0x0  }
0x90: {  	v0 =	vld [tilespmem:s10+$0x101F0]  }
0x91: {  	v1 =	vld [tilespmem:s10+$0x10180]  }
0x92: {  	v2 =	vld [tilespmem:s10+$0x10190]  }
0x93: {  	v3 =	vld [tilespmem:s10+$0x101A0]  }
0x94: {  	v4 =	vld [tilespmem:s10+$0x101B0]  }
0x95: {  	v5 =	vld [tilespmem:s10+$0x101C0]  }
0x96: {  	v6 =	vld [tilespmem:s10+$0x101D0]  }
0x97: {  	[tilespmem:s10+$0x1F0] =	vst.add.f32.msk $0xffff, v0  }
0x98: {  	v0 =	vld [tilespmem:s10+$0x101E0]  }
0x99: {  	[tilespmem:s10+$0x180] =	vst.add.f32.msk $0xffff, v1  }
0x9a: {  	[tilespmem:s10+$0x190] =	vst.add.f32.msk $0xffff, v2  }
0x9b: {  	[tilespmem:s10+$0x1A0] =	vst.add.f32.msk $0xffff, v3  }
0x9c: {  	[tilespmem:s10+$0x1B0] =	vst.add.f32.msk $0xffff, v4  }
0x9d: {  	[tilespmem:s10+$0x1C0] =	vst.add.f32.msk $0xffff, v5  }
0x9e: {  	s12 =	simm.s32 $0x0;
	s15 =	simm.s32 $0x1000;
	[tilespmem:s10+$0x1D0] =	vst.add.f32.msk $0xffff, v6  }
.LBB2_9:
0x9f: {  	s12 =	sadd.s32 $0x8, s12;
	[tilespmem:s10+$0x1E0] =	vst.add.f32.msk $0xffff, v0;
	s10 =	sshra.s32 s15, $0x2  }
0xa0: {  	v0 =	vld [tilespmem:s10+$0x101F0];
	p1 =	slt.u32 s12, $0x78  }
0xa1: {  	v1 =	vld [tilespmem:s10+$0x10180]  }
0xa2: {  	v2 =	vld [tilespmem:s10+$0x10190]  }
0xa3: {  	v3 =	vld [tilespmem:s10+$0x101A0]  }
0xa4: {  	v4 =	vld [tilespmem:s10+$0x101B0]  }
0xa5: {  	[tilespmem:s10+$0x1F0] =	vst.add.f32.msk $0xffff, v0  }
0xa6: {  	v5 =	vld [tilespmem:s10+$0x101C0]  }
0xa7: {  	v6 =	vld [tilespmem:s10+$0x101D0]  }
0xa8: {  	v0 =	vld [tilespmem:s10+$0x101E0]  }
0xa9: {  	[tilespmem:s10+$0x180] =	vst.add.f32.msk $0xffff, v1  }
.Ltmp5:
0xaa: {  	[tilespmem:s10+$0x190] =	vst.add.f32.msk $0xffff, v2;
	(pc) =	sbr.rel @p1 .LBB2_9-.Ltmp5, $4  }
0xab: {  	[tilespmem:s10+$0x1A0] =	vst.add.f32.msk $0xffff, v3  }
0xac: {  	[tilespmem:s10+$0x1B0] =	vst.add.f32.msk $0xffff, v4  }
0xad: {  	[tilespmem:s10+$0x1C0] =	vst.add.f32.msk $0xffff, v5  }
0xae: {  	s15 =	sadd.s32 $0x1000, s15;
	[tilespmem:s10+$0x1D0] =	vst.add.f32.msk $0xffff, v6  }
0xaf: {  	[tilespmem:s10+$0x1E0] =	vst.add.f32.msk $0xffff, v0;
	s10 =	simm.s32 $0x0  }
0xb0: {  	v0 =	vld [tilespmem:s10+$0x10270]  }
0xb1: {  	v1 =	vld [tilespmem:s10+$0x10200]  }
0xb2: {  	v2 =	vld [tilespmem:s10+$0x10210]  }
0xb3: {  	v3 =	vld [tilespmem:s10+$0x10220]  }
0xb4: {  	v4 =	vld [tilespmem:s10+$0x10230]  }
0xb5: {  	v5 =	vld [tilespmem:s10+$0x10240]  }
0xb6: {  	v6 =	vld [tilespmem:s10+$0x10250]  }
0xb7: {  	[tilespmem:s10+$0x270] =	vst.add.f32.msk $0xffff, v0  }
0xb8: {  	v0 =	vld [tilespmem:s10+$0x10260]  }
0xb9: {  	[tilespmem:s10+$0x200] =	vst.add.f32.msk $0xffff, v1  }
0xba: {  	[tilespmem:s10+$0x210] =	vst.add.f32.msk $0xffff, v2  }
0xbb: {  	[tilespmem:s10+$0x220] =	vst.add.f32.msk $0xffff, v3  }
0xbc: {  	[tilespmem:s10+$0x230] =	vst.add.f32.msk $0xffff, v4  }
0xbd: {  	[tilespmem:s10+$0x240] =	vst.add.f32.msk $0xffff, v5  }
0xbe: {  	s12 =	simm.s32 $0x0;
	s15 =	simm.s32 $0x1000;
	[tilespmem:s10+$0x250] =	vst.add.f32.msk $0xffff, v6  }
.LBB2_11:
0xbf: {  	s12 =	sadd.s32 $0x8, s12;
	[tilespmem:s10+$0x260] =	vst.add.f32.msk $0xffff, v0;
	s10 =	sshra.s32 s15, $0x2  }
0xc0: {  	v0 =	vld [tilespmem:s10+$0x10270];
	p1 =	slt.u32 s12, $0x78  }
0xc1: {  	v1 =	vld [tilespmem:s10+$0x10200]  }
0xc2: {  	v2 =	vld [tilespmem:s10+$0x10210]  }
0xc3: {  	v3 =	vld [tilespmem:s10+$0x10220]  }
0xc4: {  	v4 =	vld [tilespmem:s10+$0x10230]  }
0xc5: {  	[tilespmem:s10+$0x270] =	vst.add.f32.msk $0xffff, v0  }
0xc6: {  	v5 =	vld [tilespmem:s10+$0x10240]  }
0xc7: {  	v6 =	vld [tilespmem:s10+$0x10250]  }
0xc8: {  	v0 =	vld [tilespmem:s10+$0x10260]  }
0xc9: {  	[tilespmem:s10+$0x200] =	vst.add.f32.msk $0xffff, v1  }
.Ltmp6:
0xca: {  	[tilespmem:s10+$0x210] =	vst.add.f32.msk $0xffff, v2;
	(pc) =	sbr.rel @p1 .LBB2_11-.Ltmp6, $4  }
0xcb: {  	[tilespmem:s10+$0x220] =	vst.add.f32.msk $0xffff, v3  }
0xcc: {  	[tilespmem:s10+$0x230] =	vst.add.f32.msk $0xffff, v4  }
0xcd: {  	[tilespmem:s10+$0x240] =	vst.add.f32.msk $0xffff, v5  }
0xce: {  	s15 =	sadd.s32 $0x1000, s15;
	[tilespmem:s10+$0x250] =	vst.add.f32.msk $0xffff, v6  }
0xcf: {  	[tilespmem:s10+$0x260] =	vst.add.f32.msk $0xffff, v0;
	s10 =	simm.s32 $0x0  }
0xd0: {  	v0 =	vld [tilespmem:s10+$0x102F0]  }
0xd1: {  	v1 =	vld [tilespmem:s10+$0x10280]  }
0xd2: {  	v2 =	vld [tilespmem:s10+$0x10290]  }
0xd3: {  	v3 =	vld [tilespmem:s10+$0x102A0]  }
0xd4: {  	v4 =	vld [tilespmem:s10+$0x102B0]  }
0xd5: {  	v5 =	vld [tilespmem:s10+$0x102C0]  }
0xd6: {  	v6 =	vld [tilespmem:s10+$0x102D0]  }
0xd7: {  	[tilespmem:s10+$0x2F0] =	vst.add.f32.msk $0xffff, v0  }
0xd8: {  	v0 =	vld [tilespmem:s10+$0x102E0]  }
0xd9: {  	[tilespmem:s10+$0x280] =	vst.add.f32.msk $0xffff, v1  }
0xda: {  	[tilespmem:s10+$0x290] =	vst.add.f32.msk $0xffff, v2  }
0xdb: {  	[tilespmem:s10+$0x2A0] =	vst.add.f32.msk $0xffff, v3  }
0xdc: {  	[tilespmem:s10+$0x2B0] =	vst.add.f32.msk $0xffff, v4  }
0xdd: {  	[tilespmem:s10+$0x2C0] =	vst.add.f32.msk $0xffff, v5  }
0xde: {  	s12 =	simm.s32 $0x0;
	s15 =	simm.s32 $0x1000;
	[tilespmem:s10+$0x2D0] =	vst.add.f32.msk $0xffff, v6  }
.LBB2_13:
0xdf: {  	s12 =	sadd.s32 $0x8, s12;
	[tilespmem:s10+$0x2E0] =	vst.add.f32.msk $0xffff, v0;
	s10 =	sshra.s32 s15, $0x2  }
0xe0: {  	v0 =	vld [tilespmem:s10+$0x102F0];
	p1 =	slt.u32 s12, $0x78  }
0xe1: {  	v1 =	vld [tilespmem:s10+$0x10280]  }
0xe2: {  	v2 =	vld [tilespmem:s10+$0x10290]  }
0xe3: {  	v3 =	vld [tilespmem:s10+$0x102A0]  }
0xe4: {  	v4 =	vld [tilespmem:s10+$0x102B0]  }
0xe5: {  	[tilespmem:s10+$0x2F0] =	vst.add.f32.msk $0xffff, v0  }
0xe6: {  	v5 =	vld [tilespmem:s10+$0x102C0]  }
0xe7: {  	v6 =	vld [tilespmem:s10+$0x102D0]  }
0xe8: {  	v0 =	vld [tilespmem:s10+$0x102E0]  }
0xe9: {  	[tilespmem:s10+$0x280] =	vst.add.f32.msk $0xffff, v1  }
.Ltmp7:
0xea: {  	[tilespmem:s10+$0x290] =	vst.add.f32.msk $0xffff, v2;
	(pc) =	sbr.rel @p1 .LBB2_13-.Ltmp7, $4  }
0xeb: {  	[tilespmem:s10+$0x2A0] =	vst.add.f32.msk $0xffff, v3  }
0xec: {  	[tilespmem:s10+$0x2B0] =	vst.add.f32.msk $0xffff, v4  }
0xed: {  	[tilespmem:s10+$0x2C0] =	vst.add.f32.msk $0xffff, v5  }
0xee: {  	s15 =	sadd.s32 $0x1000, s15;
	[tilespmem:s10+$0x2D0] =	vst.add.f32.msk $0xffff, v6  }
0xef: {  	[tilespmem:s10+$0x2E0] =	vst.add.f32.msk $0xffff, v0;
	s10 =	simm.s32 $0x0  }
0xf0: {  	v0 =	vld [tilespmem:s10+$0x10370]  }
0xf1: {  	v1 =	vld [tilespmem:s10+$0x10300]  }
0xf2: {  	v2 =	vld [tilespmem:s10+$0x10310]  }
0xf3: {  	v3 =	vld [tilespmem:s10+$0x10320]  }
0xf4: {  	v4 =	vld [tilespmem:s10+$0x10330]  }
0xf5: {  	v5 =	vld [tilespmem:s10+$0x10340]  }
0xf6: {  	v6 =	vld [tilespmem:s10+$0x10350]  }
0xf7: {  	[tilespmem:s10+$0x370] =	vst.add.f32.msk $0xffff, v0  }
0xf8: {  	v0 =	vld [tilespmem:s10+$0x10360]  }
0xf9: {  	[tilespmem:s10+$0x300] =	vst.add.f32.msk $0xffff, v1  }
0xfa: {  	[tilespmem:s10+$0x310] =	vst.add.f32.msk $0xffff, v2  }
0xfb: {  	[tilespmem:s10+$0x320] =	vst.add.f32.msk $0xffff, v3  }
0xfc: {  	[tilespmem:s10+$0x330] =	vst.add.f32.msk $0xffff, v4  }
0xfd: {  	[tilespmem:s10+$0x340] =	vst.add.f32.msk $0xffff, v5  }
0xfe: {  	s12 =	simm.s32 $0x0;
	s15 =	simm.s32 $0x1000;
	[tilespmem:s10+$0x350] =	vst.add.f32.msk $0xffff, v6  }
.LBB2_15:
0xff: {  	s12 =	sadd.s32 $0x8, s12;
	[tilespmem:s10+$0x360] =	vst.add.f32.msk $0xffff, v0;
	s10 =	sshra.s32 s15, $0x2  }
0x100: {  	v0 =	vld [tilespmem:s10+$0x10370];
	p1 =	slt.u32 s12, $0x78  }
0x101: {  	v1 =	vld [tilespmem:s10+$0x10300]  }
0x102: {  	v2 =	vld [tilespmem:s10+$0x10310]  }
0x103: {  	v3 =	vld [tilespmem:s10+$0x10320]  }
0x104: {  	v4 =	vld [tilespmem:s10+$0x10330]  }
0x105: {  	[tilespmem:s10+$0x370] =	vst.add.f32.msk $0xffff, v0  }
0x106: {  	v5 =	vld [tilespmem:s10+$0x10340]  }
0x107: {  	v6 =	vld [tilespmem:s10+$0x10350]  }
0x108: {  	v0 =	vld [tilespmem:s10+$0x10360]  }
0x109: {  	[tilespmem:s10+$0x300] =	vst.add.f32.msk $0xffff, v1  }
.Ltmp8:
0x10a: {  	[tilespmem:s10+$0x310] =	vst.add.f32.msk $0xffff, v2;
	(pc) =	sbr.rel @p1 .LBB2_15-.Ltmp8, $4  }
0x10b: {  	[tilespmem:s10+$0x320] =	vst.add.f32.msk $0xffff, v3  }
0x10c: {  	[tilespmem:s10+$0x330] =	vst.add.f32.msk $0xffff, v4  }
0x10d: {  	[tilespmem:s10+$0x340] =	vst.add.f32.msk $0xffff, v5  }
0x10e: {  	s15 =	sadd.s32 $0x1000, s15;
	[tilespmem:s10+$0x350] =	vst.add.f32.msk $0xffff, v6  }
0x10f: {  	[tilespmem:s10+$0x360] =	vst.add.f32.msk $0xffff, v0;
	s10 =	simm.s32 $0x0  }
0x110: {  	v0 =	vld [tilespmem:s10+$0x103F0]  }
0x111: {  	v1 =	vld [tilespmem:s10+$0x10380]  }
0x112: {  	v2 =	vld [tilespmem:s10+$0x10390]  }
0x113: {  	v3 =	vld [tilespmem:s10+$0x103A0]  }
0x114: {  	v4 =	vld [tilespmem:s10+$0x103B0]  }
0x115: {  	v5 =	vld [tilespmem:s10+$0x103C0]  }
0x116: {  	v6 =	vld [tilespmem:s10+$0x103D0]  }
0x117: {  	[tilespmem:s10+$0x3F0] =	vst.add.f32.msk $0xffff, v0  }
0x118: {  	v0 =	vld [tilespmem:s10+$0x103E0]  }
0x119: {  	[tilespmem:s10+$0x380] =	vst.add.f32.msk $0xffff, v1  }
0x11a: {  	[tilespmem:s10+$0x390] =	vst.add.f32.msk $0xffff, v2  }
0x11b: {  	[tilespmem:s10+$0x3A0] =	vst.add.f32.msk $0xffff, v3  }
0x11c: {  	[tilespmem:s10+$0x3B0] =	vst.add.f32.msk $0xffff, v4  }
0x11d: {  	[tilespmem:s10+$0x3C0] =	vst.add.f32.msk $0xffff, v5  }
0x11e: {  	s12 =	simm.s32 $0x0;
	s15 =	simm.s32 $0x1000;
	[tilespmem:s10+$0x3D0] =	vst.add.f32.msk $0xffff, v6  }
.LBB2_17:
0x11f: {  	s12 =	sadd.s32 $0x8, s12;
	[tilespmem:s10+$0x3E0] =	vst.add.f32.msk $0xffff, v0;
	s10 =	sshra.s32 s15, $0x2  }
0x120: {  	v0 =	vld [tilespmem:s10+$0x103F0];
	p1 =	slt.u32 s12, $0x78  }
0x121: {  	v1 =	vld [tilespmem:s10+$0x10380]  }
0x122: {  	v2 =	vld [tilespmem:s10+$0x10390]  }
0x123: {  	v3 =	vld [tilespmem:s10+$0x103A0]  }
0x124: {  	v4 =	vld [tilespmem:s10+$0x103B0]  }
0x125: {  	[tilespmem:s10+$0x3F0] =	vst.add.f32.msk $0xffff, v0  }
0x126: {  	v5 =	vld [tilespmem:s10+$0x103C0]  }
0x127: {  	v6 =	vld [tilespmem:s10+$0x103D0]  }
0x128: {  	v0 =	vld [tilespmem:s10+$0x103E0]  }
0x129: {  	[tilespmem:s10+$0x380] =	vst.add.f32.msk $0xffff, v1  }
.Ltmp9:
0x12a: {  	[tilespmem:s10+$0x390] =	vst.add.f32.msk $0xffff, v2;
	(pc) =	sbr.rel @p1 .LBB2_17-.Ltmp9, $4  }
0x12b: {  	[tilespmem:s10+$0x3A0] =	vst.add.f32.msk $0xffff, v3  }
0x12c: {  	[tilespmem:s10+$0x3B0] =	vst.add.f32.msk $0xffff, v4  }
0x12d: {  	[tilespmem:s10+$0x3C0] =	vst.add.f32.msk $0xffff, v5  }
0x12e: {  	s15 =	sadd.s32 $0x1000, s15;
	[tilespmem:s10+$0x3D0] =	vst.add.f32.msk $0xffff, v6  }
0x12f: {  	[tilespmem:s10+$0x3E0] =	vst.add.f32.msk $0xffff, v0;
	s3 =	sadd.s32 s4, s1  }
0x130: {  	[hbm4b:s3+s5] =	stream.linear.scatter [tilespmem:s5], [sflag:$0x5], $0x4000, $0x38;
	[tilespmem:$0x18000] =	vst v63  }
0x131: {  	_ =	swait.ge [sflag:s23], $0x4000  }
0x132: {  	[sflag:s23] =	ssyncset.done $0x0  }
0x133: {  	s3 =	simm.s32 @!p0 $0x8;
	[sflag:s23] =	ssyncadd.s32 $0xFFFFC000  }
0x134: {  	_ =	swait.ge @!p0 [sflag:s3], $0x4000  }
0x135: {  	s10 =	sor.u32 $0x600000, s1;
	[sflag:s3] =	ssyncset.done @!p0 $0x0  }
0x136: {  	s12 =	simm.s32 $0x0;
	s18 =	sadd.s32 s2, s10;
	[sflag:s3] =	ssyncadd.s32 @!p0 $0xFFFFC000  }
0x137: {  	[tilespmem:s24], [sflag:$0x4] =	stream.linear.gather [hbm4b:s18+s12], $0x4000, $0x38;
	[tilespmem:$0x18000] =	vst v63  }
0x138: {  	s12 =	simm.s32 $0x0  }
0x139: {  	v0 =	vld [tilespmem:s12+$0x10070]  }
0x13a: {  	v1 =	vld [tilespmem:s12+$0x10000]  }
0x13b: {  	v2 =	vld [tilespmem:s12+$0x10010]  }
0x13c: {  	v3 =	vld [tilespmem:s12+$0x10020]  }
0x13d: {  	v4 =	vld [tilespmem:s12+$0x10030]  }
0x13e: {  	v5 =	vld [tilespmem:s12+$0x10040]  }
0x13f: {  	v6 =	vld [tilespmem:s12+$0x10050]  }
0x140: {  	[tilespmem:s12+$0x4070] =	vst.add.f32.msk $0xffff, v0  }
0x141: {  	v0 =	vld [tilespmem:s12+$0x10060]  }
0x142: {  	[tilespmem:s12+$0x4000] =	vst.add.f32.msk $0xffff, v1  }
0x143: {  	[tilespmem:s12+$0x4010] =	vst.add.f32.msk $0xffff, v2  }
0x144: {  	[tilespmem:s12+$0x4020] =	vst.add.f32.msk $0xffff, v3  }
0x145: {  	[tilespmem:s12+$0x4030] =	vst.add.f32.msk $0xffff, v4  }
0x146: {  	[tilespmem:s12+$0x4040] =	vst.add.f32.msk $0xffff, v5  }
0x147: {  	s16 =	simm.s32 $0x0;
	s15 =	simm.s32 $0x1000;
	[tilespmem:s12+$0x4050] =	vst.add.f32.msk $0xffff, v6  }
.LBB2_19:
0x148: {  	s16 =	sadd.s32 $0x8, s16;
	[tilespmem:s12+$0x4060] =	vst.add.f32.msk $0xffff, v0;
	s12 =	sshra.s32 s15, $0x2  }
0x149: {  	v0 =	vld [tilespmem:s12+$0x10070];
	p0 =	slt.u32 s16, $0x78  }
0x14a: {  	v1 =	vld [tilespmem:s12+$0x10000]  }
0x14b: {  	v2 =	vld [tilespmem:s12+$0x10010]  }
0x14c: {  	v3 =	vld [tilespmem:s12+$0x10020]  }
0x14d: {  	v4 =	vld [tilespmem:s12+$0x10030]  }
0x14e: {  	[tilespmem:s12+$0x4070] =	vst.add.f32.msk $0xffff, v0  }
0x14f: {  	v5 =	vld [tilespmem:s12+$0x10040]  }
0x150: {  	v6 =	vld [tilespmem:s12+$0x10050]  }
0x151: {  	v0 =	vld [tilespmem:s12+$0x10060]  }
0x152: {  	[tilespmem:s12+$0x4000] =	vst.add.f32.msk $0xffff, v1  }
.Ltmp10:
0x153: {  	[tilespmem:s12+$0x4010] =	vst.add.f32.msk $0xffff, v2;
	(pc) =	sbr.rel @p0 .LBB2_19-.Ltmp10, $4  }
0x154: {  	[tilespmem:s12+$0x4020] =	vst.add.f32.msk $0xffff, v3  }
0x155: {  	[tilespmem:s12+$0x4030] =	vst.add.f32.msk $0xffff, v4  }
0x156: {  	[tilespmem:s12+$0x4040] =	vst.add.f32.msk $0xffff, v5  }
0x157: {  	s15 =	sadd.s32 $0x1000, s15;
	[tilespmem:s12+$0x4050] =	vst.add.f32.msk $0xffff, v6  }
0x158: {  	[tilespmem:s12+$0x4060] =	vst.add.f32.msk $0xffff, v0;
	s12 =	simm.s32 $0x0  }
0x159: {  	v0 =	vld [tilespmem:s12+$0x100F0]  }
0x15a: {  	v1 =	vld [tilespmem:s12+$0x10080]  }
0x15b: {  	v2 =	vld [tilespmem:s12+$0x10090]  }
0x15c: {  	v3 =	vld [tilespmem:s12+$0x100A0]  }
0x15d: {  	v4 =	vld [tilespmem:s12+$0x100B0]  }
0x15e: {  	v5 =	vld [tilespmem:s12+$0x100C0]  }
0x15f: {  	v6 =	vld [tilespmem:s12+$0x100D0]  }
0x160: {  	[tilespmem:s12+$0x40F0] =	vst.add.f32.msk $0xffff, v0  }
0x161: {  	v0 =	vld [tilespmem:s12+$0x100E0]  }
0x162: {  	[tilespmem:s12+$0x4080] =	vst.add.f32.msk $0xffff, v1  }
0x163: {  	[tilespmem:s12+$0x4090] =	vst.add.f32.msk $0xffff, v2  }
0x164: {  	[tilespmem:s12+$0x40A0] =	vst.add.f32.msk $0xffff, v3  }
0x165: {  	[tilespmem:s12+$0x40B0] =	vst.add.f32.msk $0xffff, v4  }
0x166: {  	[tilespmem:s12+$0x40C0] =	vst.add.f32.msk $0xffff, v5  }
0x167: {  	s16 =	simm.s32 $0x0;
	s15 =	simm.s32 $0x1000;
	[tilespmem:s12+$0x40D0] =	vst.add.f32.msk $0xffff, v6  }
.LBB2_21:
0x168: {  	s16 =	sadd.s32 $0x8, s16;
	[tilespmem:s12+$0x40E0] =	vst.add.f32.msk $0xffff, v0;
	s12 =	sshra.s32 s15, $0x2  }
0x169: {  	v0 =	vld [tilespmem:s12+$0x100F0];
	p0 =	slt.u32 s16, $0x78  }
0x16a: {  	v1 =	vld [tilespmem:s12+$0x10080]  }
0x16b: {  	v2 =	vld [tilespmem:s12+$0x10090]  }
0x16c: {  	v3 =	vld [tilespmem:s12+$0x100A0]  }
0x16d: {  	v4 =	vld [tilespmem:s12+$0x100B0]  }
0x16e: {  	[tilespmem:s12+$0x40F0] =	vst.add.f32.msk $0xffff, v0  }
0x16f: {  	v5 =	vld [tilespmem:s12+$0x100C0]  }
0x170: {  	v6 =	vld [tilespmem:s12+$0x100D0]  }
0x171: {  	v0 =	vld [tilespmem:s12+$0x100E0]  }
0x172: {  	[tilespmem:s12+$0x4080] =	vst.add.f32.msk $0xffff, v1  }
.Ltmp11:
0x173: {  	[tilespmem:s12+$0x4090] =	vst.add.f32.msk $0xffff, v2;
	(pc) =	sbr.rel @p0 .LBB2_21-.Ltmp11, $4  }
0x174: {  	[tilespmem:s12+$0x40A0] =	vst.add.f32.msk $0xffff, v3  }
0x175: {  	[tilespmem:s12+$0x40B0] =	vst.add.f32.msk $0xffff, v4  }
0x176: {  	[tilespmem:s12+$0x40C0] =	vst.add.f32.msk $0xffff, v5  }
0x177: {  	s15 =	sadd.s32 $0x1000, s15;
	[tilespmem:s12+$0x40D0] =	vst.add.f32.msk $0xffff, v6  }
0x178: {  	[tilespmem:s12+$0x40E0] =	vst.add.f32.msk $0xffff, v0;
	s12 =	simm.s32 $0x0  }
0x179: {  	v0 =	vld [tilespmem:s12+$0x10170]  }
0x17a: {  	v1 =	vld [tilespmem:s12+$0x10100]  }
0x17b: {  	v2 =	vld [tilespmem:s12+$0x10110]  }
0x17c: {  	v3 =	vld [tilespmem:s12+$0x10120]  }
0x17d: {  	v4 =	vld [tilespmem:s12+$0x10130]  }
0x17e: {  	v5 =	vld [tilespmem:s12+$0x10140]  }
0x17f: {  	v6 =	vld [tilespmem:s12+$0x10150]  }
0x180: {  	[tilespmem:s12+$0x4170] =	vst.add.f32.msk $0xffff, v0  }
0x181: {  	v0 =	vld [tilespmem:s12+$0x10160]  }
0x182: {  	[tilespmem:s12+$0x4100] =	vst.add.f32.msk $0xffff, v1  }
0x183: {  	[tilespmem:s12+$0x4110] =	vst.add.f32.msk $0xffff, v2  }
0x184: {  	[tilespmem:s12+$0x4120] =	vst.add.f32.msk $0xffff, v3  }
0x185: {  	[tilespmem:s12+$0x4130] =	vst.add.f32.msk $0xffff, v4  }
0x186: {  	[tilespmem:s12+$0x4140] =	vst.add.f32.msk $0xffff, v5  }
0x187: {  	s16 =	simm.s32 $0x0;
	s15 =	simm.s32 $0x1000;
	[tilespmem:s12+$0x4150] =	vst.add.f32.msk $0xffff, v6  }
.LBB2_23:
0x188: {  	s16 =	sadd.s32 $0x8, s16;
	[tilespmem:s12+$0x4160] =	vst.add.f32.msk $0xffff, v0;
	s12 =	sshra.s32 s15, $0x2  }
0x189: {  	v0 =	vld [tilespmem:s12+$0x10170];
	p0 =	slt.u32 s16, $0x78  }
0x18a: {  	v1 =	vld [tilespmem:s12+$0x10100]  }
0x18b: {  	v2 =	vld [tilespmem:s12+$0x10110]  }
0x18c: {  	v3 =	vld [tilespmem:s12+$0x10120]  }
0x18d: {  	v4 =	vld [tilespmem:s12+$0x10130]  }
0x18e: {  	[tilespmem:s12+$0x4170] =	vst.add.f32.msk $0xffff, v0  }
0x18f: {  	v5 =	vld [tilespmem:s12+$0x10140]  }
0x190: {  	v6 =	vld [tilespmem:s12+$0x10150]  }
0x191: {  	v0 =	vld [tilespmem:s12+$0x10160]  }
0x192: {  	[tilespmem:s12+$0x4100] =	vst.add.f32.msk $0xffff, v1  }
.Ltmp12:
0x193: {  	[tilespmem:s12+$0x4110] =	vst.add.f32.msk $0xffff, v2;
	(pc) =	sbr.rel @p0 .LBB2_23-.Ltmp12, $4  }
0x194: {  	[tilespmem:s12+$0x4120] =	vst.add.f32.msk $0xffff, v3  }
0x195: {  	[tilespmem:s12+$0x4130] =	vst.add.f32.msk $0xffff, v4  }
0x196: {  	[tilespmem:s12+$0x4140] =	vst.add.f32.msk $0xffff, v5  }
0x197: {  	s15 =	sadd.s32 $0x1000, s15;
	[tilespmem:s12+$0x4150] =	vst.add.f32.msk $0xffff, v6  }
0x198: {  	[tilespmem:s12+$0x4160] =	vst.add.f32.msk $0xffff, v0;
	s12 =	simm.s32 $0x0  }
0x199: {  	v0 =	vld [tilespmem:s12+$0x101F0]  }
0x19a: {  	v1 =	vld [tilespmem:s12+$0x10180]  }
0x19b: {  	v2 =	vld [tilespmem:s12+$0x10190]  }
0x19c: {  	v3 =	vld [tilespmem:s12+$0x101A0]  }
0x19d: {  	v4 =	vld [tilespmem:s12+$0x101B0]  }
0x19e: {  	v5 =	vld [tilespmem:s12+$0x101C0]  }
0x19f: {  	v6 =	vld [tilespmem:s12+$0x101D0]  }
0x1a0: {  	[tilespmem:s12+$0x41F0] =	vst.add.f32.msk $0xffff, v0  }
0x1a1: {  	v0 =	vld [tilespmem:s12+$0x101E0]  }
0x1a2: {  	[tilespmem:s12+$0x4180] =	vst.add.f32.msk $0xffff, v1  }
0x1a3: {  	[tilespmem:s12+$0x4190] =	vst.add.f32.msk $0xffff, v2  }
0x1a4: {  	[tilespmem:s12+$0x41A0] =	vst.add.f32.msk $0xffff, v3  }
0x1a5: {  	[tilespmem:s12+$0x41B0] =	vst.add.f32.msk $0xffff, v4  }
0x1a6: {  	[tilespmem:s12+$0x41C0] =	vst.add.f32.msk $0xffff, v5  }
0x1a7: {  	s16 =	simm.s32 $0x0;
	s15 =	simm.s32 $0x1000;
	[tilespmem:s12+$0x41D0] =	vst.add.f32.msk $0xffff, v6  }
.LBB2_25:
0x1a8: {  	s16 =	sadd.s32 $0x8, s16;
	[tilespmem:s12+$0x41E0] =	vst.add.f32.msk $0xffff, v0;
	s12 =	sshra.s32 s15, $0x2  }
0x1a9: {  	v0 =	vld [tilespmem:s12+$0x101F0];
	p0 =	slt.u32 s16, $0x78  }
0x1aa: {  	v1 =	vld [tilespmem:s12+$0x10180]  }
0x1ab: {  	v2 =	vld [tilespmem:s12+$0x10190]  }
0x1ac: {  	v3 =	vld [tilespmem:s12+$0x101A0]  }
0x1ad: {  	v4 =	vld [tilespmem:s12+$0x101B0]  }
0x1ae: {  	[tilespmem:s12+$0x41F0] =	vst.add.f32.msk $0xffff, v0  }
0x1af: {  	v5 =	vld [tilespmem:s12+$0x101C0]  }
0x1b0: {  	v6 =	vld [tilespmem:s12+$0x101D0]  }
0x1b1: {  	v0 =	vld [tilespmem:s12+$0x101E0]  }
0x1b2: {  	[tilespmem:s12+$0x4180] =	vst.add.f32.msk $0xffff, v1  }
.Ltmp13:
0x1b3: {  	[tilespmem:s12+$0x4190] =	vst.add.f32.msk $0xffff, v2;
	(pc) =	sbr.rel @p0 .LBB2_25-.Ltmp13, $4  }
0x1b4: {  	[tilespmem:s12+$0x41A0] =	vst.add.f32.msk $0xffff, v3  }
0x1b5: {  	[tilespmem:s12+$0x41B0] =	vst.add.f32.msk $0xffff, v4  }
0x1b6: {  	[tilespmem:s12+$0x41C0] =	vst.add.f32.msk $0xffff, v5  }
0x1b7: {  	s15 =	sadd.s32 $0x1000, s15;
	[tilespmem:s12+$0x41D0] =	vst.add.f32.msk $0xffff, v6  }
0x1b8: {  	[tilespmem:s12+$0x41E0] =	vst.add.f32.msk $0xffff, v0;
	s12 =	simm.s32 $0x0  }
0x1b9: {  	v0 =	vld [tilespmem:s12+$0x10270]  }
0x1ba: {  	v1 =	vld [tilespmem:s12+$0x10200]  }
0x1bb: {  	v2 =	vld [tilespmem:s12+$0x10210]  }
0x1bc: {  	v3 =	vld [tilespmem:s12+$0x10220]  }
0x1bd: {  	v4 =	vld [tilespmem:s12+$0x10230]  }
0x1be: {  	v5 =	vld [tilespmem:s12+$0x10240]  }
0x1bf: {  	v6 =	vld [tilespmem:s12+$0x10250]  }
0x1c0: {  	[tilespmem:s12+$0x4270] =	vst.add.f32.msk $0xffff, v0  }
0x1c1: {  	v0 =	vld [tilespmem:s12+$0x10260]  }
0x1c2: {  	[tilespmem:s12+$0x4200] =	vst.add.f32.msk $0xffff, v1  }
0x1c3: {  	[tilespmem:s12+$0x4210] =	vst.add.f32.msk $0xffff, v2  }
0x1c4: {  	[tilespmem:s12+$0x4220] =	vst.add.f32.msk $0xffff, v3  }
0x1c5: {  	[tilespmem:s12+$0x4230] =	vst.add.f32.msk $0xffff, v4  }
0x1c6: {  	[tilespmem:s12+$0x4240] =	vst.add.f32.msk $0xffff, v5  }
0x1c7: {  	s16 =	simm.s32 $0x0;
	s15 =	simm.s32 $0x1000;
	[tilespmem:s12+$0x4250] =	vst.add.f32.msk $0xffff, v6  }
.LBB2_27:
0x1c8: {  	s16 =	sadd.s32 $0x8, s16;
	[tilespmem:s12+$0x4260] =	vst.add.f32.msk $0xffff, v0;
	s12 =	sshra.s32 s15, $0x2  }
0x1c9: {  	v0 =	vld [tilespmem:s12+$0x10270];
	p0 =	slt.u32 s16, $0x78  }
0x1ca: {  	v1 =	vld [tilespmem:s12+$0x10200]  }
0x1cb: {  	v2 =	vld [tilespmem:s12+$0x10210]  }
0x1cc: {  	v3 =	vld [tilespmem:s12+$0x10220]  }
0x1cd: {  	v4 =	vld [tilespmem:s12+$0x10230]  }
0x1ce: {  	[tilespmem:s12+$0x4270] =	vst.add.f32.msk $0xffff, v0  }
0x1cf: {  	v5 =	vld [tilespmem:s12+$0x10240]  }
0x1d0: {  	v6 =	vld [tilespmem:s12+$0x10250]  }
0x1d1: {  	v0 =	vld [tilespmem:s12+$0x10260]  }
0x1d2: {  	[tilespmem:s12+$0x4200] =	vst.add.f32.msk $0xffff, v1  }
.Ltmp14:
0x1d3: {  	[tilespmem:s12+$0x4210] =	vst.add.f32.msk $0xffff, v2;
	(pc) =	sbr.rel @p0 .LBB2_27-.Ltmp14, $4  }
0x1d4: {  	[tilespmem:s12+$0x4220] =	vst.add.f32.msk $0xffff, v3  }
0x1d5: {  	[tilespmem:s12+$0x4230] =	vst.add.f32.msk $0xffff, v4  }
0x1d6: {  	[tilespmem:s12+$0x4240] =	vst.add.f32.msk $0xffff, v5  }
0x1d7: {  	s15 =	sadd.s32 $0x1000, s15;
	[tilespmem:s12+$0x4250] =	vst.add.f32.msk $0xffff, v6  }
0x1d8: {  	[tilespmem:s12+$0x4260] =	vst.add.f32.msk $0xffff, v0;
	s12 =	simm.s32 $0x0  }
0x1d9: {  	v0 =	vld [tilespmem:s12+$0x102F0]  }
0x1da: {  	v1 =	vld [tilespmem:s12+$0x10280]  }
0x1db: {  	v2 =	vld [tilespmem:s12+$0x10290]  }
0x1dc: {  	v3 =	vld [tilespmem:s12+$0x102A0]  }
0x1dd: {  	v4 =	vld [tilespmem:s12+$0x102B0]  }
0x1de: {  	v5 =	vld [tilespmem:s12+$0x102C0]  }
0x1df: {  	v6 =	vld [tilespmem:s12+$0x102D0]  }
0x1e0: {  	[tilespmem:s12+$0x42F0] =	vst.add.f32.msk $0xffff, v0  }
0x1e1: {  	v0 =	vld [tilespmem:s12+$0x102E0]  }
0x1e2: {  	[tilespmem:s12+$0x4280] =	vst.add.f32.msk $0xffff, v1  }
0x1e3: {  	[tilespmem:s12+$0x4290] =	vst.add.f32.msk $0xffff, v2  }
0x1e4: {  	[tilespmem:s12+$0x42A0] =	vst.add.f32.msk $0xffff, v3  }
0x1e5: {  	[tilespmem:s12+$0x42B0] =	vst.add.f32.msk $0xffff, v4  }
0x1e6: {  	[tilespmem:s12+$0x42C0] =	vst.add.f32.msk $0xffff, v5  }
0x1e7: {  	s16 =	simm.s32 $0x0;
	s15 =	simm.s32 $0x1000;
	[tilespmem:s12+$0x42D0] =	vst.add.f32.msk $0xffff, v6  }
.LBB2_29:
0x1e8: {  	s16 =	sadd.s32 $0x8, s16;
	[tilespmem:s12+$0x42E0] =	vst.add.f32.msk $0xffff, v0;
	s12 =	sshra.s32 s15, $0x2  }
0x1e9: {  	v0 =	vld [tilespmem:s12+$0x102F0];
	p0 =	slt.u32 s16, $0x78  }
0x1ea: {  	v1 =	vld [tilespmem:s12+$0x10280]  }
0x1eb: {  	v2 =	vld [tilespmem:s12+$0x10290]  }
0x1ec: {  	v3 =	vld [tilespmem:s12+$0x102A0]  }
0x1ed: {  	v4 =	vld [tilespmem:s12+$0x102B0]  }
0x1ee: {  	[tilespmem:s12+$0x42F0] =	vst.add.f32.msk $0xffff, v0  }
0x1ef: {  	v5 =	vld [tilespmem:s12+$0x102C0]  }
0x1f0: {  	v6 =	vld [tilespmem:s12+$0x102D0]  }
0x1f1: {  	v0 =	vld [tilespmem:s12+$0x102E0]  }
0x1f2: {  	[tilespmem:s12+$0x4280] =	vst.add.f32.msk $0xffff, v1  }
.Ltmp15:
0x1f3: {  	[tilespmem:s12+$0x4290] =	vst.add.f32.msk $0xffff, v2;
	(pc) =	sbr.rel @p0 .LBB2_29-.Ltmp15, $4  }
0x1f4: {  	[tilespmem:s12+$0x42A0] =	vst.add.f32.msk $0xffff, v3  }
0x1f5: {  	[tilespmem:s12+$0x42B0] =	vst.add.f32.msk $0xffff, v4  }
0x1f6: {  	[tilespmem:s12+$0x42C0] =	vst.add.f32.msk $0xffff, v5  }
0x1f7: {  	s15 =	sadd.s32 $0x1000, s15;
	[tilespmem:s12+$0x42D0] =	vst.add.f32.msk $0xffff, v6  }
0x1f8: {  	[tilespmem:s12+$0x42E0] =	vst.add.f32.msk $0xffff, v0;
	s12 =	simm.s32 $0x0  }
0x1f9: {  	v0 =	vld [tilespmem:s12+$0x10370]  }
0x1fa: {  	v1 =	vld [tilespmem:s12+$0x10300]  }
0x1fb: {  	v2 =	vld [tilespmem:s12+$0x10310]  }
0x1fc: {  	v3 =	vld [tilespmem:s12+$0x10320]  }
0x1fd: {  	v4 =	vld [tilespmem:s12+$0x10330]  }
0x1fe: {  	v5 =	vld [tilespmem:s12+$0x10340]  }
0x1ff: {  	v6 =	vld [tilespmem:s12+$0x10350]  }
0x200: {  	[tilespmem:s12+$0x4370] =	vst.add.f32.msk $0xffff, v0  }
0x201: {  	v0 =	vld [tilespmem:s12+$0x10360]  }
0x202: {  	[tilespmem:s12+$0x4300] =	vst.add.f32.msk $0xffff, v1  }
0x203: {  	[tilespmem:s12+$0x4310] =	vst.add.f32.msk $0xffff, v2  }
0x204: {  	[tilespmem:s12+$0x4320] =	vst.add.f32.msk $0xffff, v3  }
0x205: {  	[tilespmem:s12+$0x4330] =	vst.add.f32.msk $0xffff, v4  }
0x206: {  	[tilespmem:s12+$0x4340] =	vst.add.f32.msk $0xffff, v5  }
0x207: {  	s16 =	simm.s32 $0x0;
	s15 =	simm.s32 $0x1000;
	[tilespmem:s12+$0x4350] =	vst.add.f32.msk $0xffff, v6  }
.LBB2_31:
0x208: {  	s16 =	sadd.s32 $0x8, s16;
	[tilespmem:s12+$0x4360] =	vst.add.f32.msk $0xffff, v0;
	s12 =	sshra.s32 s15, $0x2  }
0x209: {  	v0 =	vld [tilespmem:s12+$0x10370];
	p0 =	slt.u32 s16, $0x78  }
0x20a: {  	v1 =	vld [tilespmem:s12+$0x10300]  }
0x20b: {  	v2 =	vld [tilespmem:s12+$0x10310]  }
0x20c: {  	v3 =	vld [tilespmem:s12+$0x10320]  }
0x20d: {  	v4 =	vld [tilespmem:s12+$0x10330]  }
0x20e: {  	[tilespmem:s12+$0x4370] =	vst.add.f32.msk $0xffff, v0  }
0x20f: {  	v5 =	vld [tilespmem:s12+$0x10340]  }
0x210: {  	v6 =	vld [tilespmem:s12+$0x10350]  }
0x211: {  	v0 =	vld [tilespmem:s12+$0x10360]  }
0x212: {  	[tilespmem:s12+$0x4300] =	vst.add.f32.msk $0xffff, v1  }
.Ltmp16:
0x213: {  	[tilespmem:s12+$0x4310] =	vst.add.f32.msk $0xffff, v2;
	(pc) =	sbr.rel @p0 .LBB2_31-.Ltmp16, $4  }
0x214: {  	[tilespmem:s12+$0x4320] =	vst.add.f32.msk $0xffff, v3  }
0x215: {  	[tilespmem:s12+$0x4330] =	vst.add.f32.msk $0xffff, v4  }
0x216: {  	[tilespmem:s12+$0x4340] =	vst.add.f32.msk $0xffff, v5  }
0x217: {  	s15 =	sadd.s32 $0x1000, s15;
	[tilespmem:s12+$0x4350] =	vst.add.f32.msk $0xffff, v6  }
0x218: {  	[tilespmem:s12+$0x4360] =	vst.add.f32.msk $0xffff, v0;
	s12 =	simm.s32 $0x0  }
0x219: {  	v0 =	vld [tilespmem:s12+$0x103F0]  }
0x21a: {  	v1 =	vld [tilespmem:s12+$0x10380]  }
0x21b: {  	v2 =	vld [tilespmem:s12+$0x10390]  }
0x21c: {  	v3 =	vld [tilespmem:s12+$0x103A0]  }
0x21d: {  	v4 =	vld [tilespmem:s12+$0x103B0]  }
0x21e: {  	v5 =	vld [tilespmem:s12+$0x103C0]  }
0x21f: {  	v6 =	vld [tilespmem:s12+$0x103D0]  }
0x220: {  	[tilespmem:s12+$0x43F0] =	vst.add.f32.msk $0xffff, v0  }
0x221: {  	v0 =	vld [tilespmem:s12+$0x103E0]  }
0x222: {  	[tilespmem:s12+$0x4380] =	vst.add.f32.msk $0xffff, v1  }
0x223: {  	[tilespmem:s12+$0x4390] =	vst.add.f32.msk $0xffff, v2  }
0x224: {  	[tilespmem:s12+$0x43A0] =	vst.add.f32.msk $0xffff, v3  }
0x225: {  	[tilespmem:s12+$0x43B0] =	vst.add.f32.msk $0xffff, v4  }
0x226: {  	[tilespmem:s12+$0x43C0] =	vst.add.f32.msk $0xffff, v5  }
0x227: {  	s16 =	simm.s32 $0x0;
	s15 =	simm.s32 $0x1000;
	[tilespmem:s12+$0x43D0] =	vst.add.f32.msk $0xffff, v6  }
.LBB2_33:
0x228: {  	s16 =	sadd.s32 $0x8, s16;
	[tilespmem:s12+$0x43E0] =	vst.add.f32.msk $0xffff, v0;
	s12 =	sshra.s32 s15, $0x2  }
0x229: {  	v0 =	vld [tilespmem:s12+$0x103F0];
	p0 =	slt.u32 s16, $0x78  }
0x22a: {  	v1 =	vld [tilespmem:s12+$0x10380]  }
0x22b: {  	v2 =	vld [tilespmem:s12+$0x10390]  }
0x22c: {  	v3 =	vld [tilespmem:s12+$0x103A0]  }
0x22d: {  	v4 =	vld [tilespmem:s12+$0x103B0]  }
0x22e: {  	[tilespmem:s12+$0x43F0] =	vst.add.f32.msk $0xffff, v0  }
0x22f: {  	v5 =	vld [tilespmem:s12+$0x103C0]  }
0x230: {  	v6 =	vld [tilespmem:s12+$0x103D0]  }
0x231: {  	v0 =	vld [tilespmem:s12+$0x103E0]  }
0x232: {  	[tilespmem:s12+$0x4380] =	vst.add.f32.msk $0xffff, v1  }
.Ltmp17:
0x233: {  	[tilespmem:s12+$0x4390] =	vst.add.f32.msk $0xffff, v2;
	(pc) =	sbr.rel @p0 .LBB2_33-.Ltmp17, $4  }
0x234: {  	[tilespmem:s12+$0x43A0] =	vst.add.f32.msk $0xffff, v3  }
0x235: {  	[tilespmem:s12+$0x43B0] =	vst.add.f32.msk $0xffff, v4  }
0x236: {  	[tilespmem:s12+$0x43C0] =	vst.add.f32.msk $0xffff, v5  }
0x237: {  	s15 =	sadd.s32 $0x1000, s15;
	[tilespmem:s12+$0x43D0] =	vst.add.f32.msk $0xffff, v6  }
0x238: {  	[tilespmem:s12+$0x43E0] =	vst.add.f32.msk $0xffff, v0;
	s1 =	sadd.s32 s1, s13;
	s3 =	simm.s32 $0x0  }
0x239: {  	[hbm4b:s1+s3] =	stream.linear.scatter [tilespmem:s19], [sflag:$0x6], $0x4000, $0x38;
	[tilespmem:$0x18000] =	vst v63  }
0x23a: {  	_ =	swait.ge [sflag:s25], $0x4000  }
0x23b: {  	[sflag:s25] =	ssyncset.done $0x0  }
0x23c: {  	s16 =	sor.u32 s9, s6;
	[sflag:s25] =	ssyncadd.s32 $0xFFFFC000  }
0x23d: {  	s12 =	sshll.u32 s16, $0x8;
	_ =	swait.ge [sflag:s26], $0x4000  }
0x23e: {  	s16 =	sor.u32 $0x800, s12;
	[sflag:s26] =	ssyncset.done $0x0  }
0x23f: {  	s1 =	simm.s32 $0x0;
	s18 =	sadd.s32 s2, s16;
	[sflag:s26] =	ssyncadd.s32 $0xFFFFC000  }
0x240: {  	[tilespmem:s3], [sflag:$0x1] =	stream.linear.gather [hbm4b:s18+s3], $0x4000, $0x38;
	[tilespmem:$0x18000] =	vst v63  }
0x241: {  	v0 =	vld [tilespmem:s1+$0x10070]  }
0x242: {  	v1 =	vld [tilespmem:s1+$0x10000]  }
0x243: {  	v2 =	vld [tilespmem:s1+$0x10010]  }
0x244: {  	v3 =	vld [tilespmem:s1+$0x10020]  }
0x245: {  	v4 =	vld [tilespmem:s1+$0x10030]  }
0x246: {  	v5 =	vld [tilespmem:s1+$0x10040]  }
0x247: {  	v6 =	vld [tilespmem:s1+$0x10050]  }
0x248: {  	[tilespmem:s1+$0x8070] =	vst.add.f32.msk $0xffff, v0  }
0x249: {  	v0 =	vld [tilespmem:s1+$0x10060]  }
0x24a: {  	[tilespmem:s1+$0x8000] =	vst.add.f32.msk $0xffff, v1  }
0x24b: {  	[tilespmem:s1+$0x8010] =	vst.add.f32.msk $0xffff, v2  }
0x24c: {  	[tilespmem:s1+$0x8020] =	vst.add.f32.msk $0xffff, v3  }
0x24d: {  	[tilespmem:s1+$0x8030] =	vst.add.f32.msk $0xffff, v4  }
0x24e: {  	[tilespmem:s1+$0x8040] =	vst.add.f32.msk $0xffff, v5  }
0x24f: {  	s15 =	simm.s32 $0x1000;
	s18 =	simm.s32 $0x0;
	[tilespmem:s1+$0x8050] =	vst.add.f32.msk $0xffff, v6  }
.LBB2_35:
0x250: {  	s18 =	sadd.s32 $0x8, s18;
	[tilespmem:s1+$0x8060] =	vst.add.f32.msk $0xffff, v0;
	s1 =	sshra.s32 s15, $0x2  }
0x251: {  	v0 =	vld [tilespmem:s1+$0x10070];
	p0 =	slt.u32 s18, $0x78  }
0x252: {  	v1 =	vld [tilespmem:s1+$0x10000]  }
0x253: {  	v2 =	vld [tilespmem:s1+$0x10010]  }
0x254: {  	v3 =	vld [tilespmem:s1+$0x10020]  }
0x255: {  	v4 =	vld [tilespmem:s1+$0x10030]  }
0x256: {  	[tilespmem:s1+$0x8070] =	vst.add.f32.msk $0xffff, v0  }
0x257: {  	v5 =	vld [tilespmem:s1+$0x10040]  }
0x258: {  	v6 =	vld [tilespmem:s1+$0x10050]  }
0x259: {  	v0 =	vld [tilespmem:s1+$0x10060]  }
0x25a: {  	[tilespmem:s1+$0x8000] =	vst.add.f32.msk $0xffff, v1  }
.Ltmp18:
0x25b: {  	[tilespmem:s1+$0x8010] =	vst.add.f32.msk $0xffff, v2;
	(pc) =	sbr.rel @p0 .LBB2_35-.Ltmp18, $4  }
0x25c: {  	[tilespmem:s1+$0x8020] =	vst.add.f32.msk $0xffff, v3  }
0x25d: {  	[tilespmem:s1+$0x8030] =	vst.add.f32.msk $0xffff, v4  }
0x25e: {  	[tilespmem:s1+$0x8040] =	vst.add.f32.msk $0xffff, v5  }
0x25f: {  	s15 =	sadd.s32 $0x1000, s15;
	[tilespmem:s1+$0x8050] =	vst.add.f32.msk $0xffff, v6  }
0x260: {  	[tilespmem:s1+$0x8060] =	vst.add.f32.msk $0xffff, v0;
	s1 =	simm.s32 $0x0  }
0x261: {  	v0 =	vld [tilespmem:s1+$0x100F0]  }
0x262: {  	v1 =	vld [tilespmem:s1+$0x10080]  }
0x263: {  	v2 =	vld [tilespmem:s1+$0x10090]  }
0x264: {  	v3 =	vld [tilespmem:s1+$0x100A0]  }
0x265: {  	v4 =	vld [tilespmem:s1+$0x100B0]  }
0x266: {  	v5 =	vld [tilespmem:s1+$0x100C0]  }
0x267: {  	v6 =	vld [tilespmem:s1+$0x100D0]  }
0x268: {  	[tilespmem:s1+$0x80F0] =	vst.add.f32.msk $0xffff, v0  }
0x269: {  	v0 =	vld [tilespmem:s1+$0x100E0]  }
0x26a: {  	[tilespmem:s1+$0x8080] =	vst.add.f32.msk $0xffff, v1  }
0x26b: {  	[tilespmem:s1+$0x8090] =	vst.add.f32.msk $0xffff, v2  }
0x26c: {  	[tilespmem:s1+$0x80A0] =	vst.add.f32.msk $0xffff, v3  }
0x26d: {  	[tilespmem:s1+$0x80B0] =	vst.add.f32.msk $0xffff, v4  }
0x26e: {  	[tilespmem:s1+$0x80C0] =	vst.add.f32.msk $0xffff, v5  }
0x26f: {  	s18 =	simm.s32 $0x0;
	s15 =	simm.s32 $0x1000;
	[tilespmem:s1+$0x80D0] =	vst.add.f32.msk $0xffff, v6  }
.LBB2_37:
0x270: {  	s18 =	sadd.s32 $0x8, s18;
	[tilespmem:s1+$0x80E0] =	vst.add.f32.msk $0xffff, v0;
	s1 =	sshra.s32 s15, $0x2  }
0x271: {  	v0 =	vld [tilespmem:s1+$0x100F0];
	p0 =	slt.u32 s18, $0x78  }
0x272: {  	v1 =	vld [tilespmem:s1+$0x10080]  }
0x273: {  	v2 =	vld [tilespmem:s1+$0x10090]  }
0x274: {  	v3 =	vld [tilespmem:s1+$0x100A0]  }
0x275: {  	v4 =	vld [tilespmem:s1+$0x100B0]  }
0x276: {  	[tilespmem:s1+$0x80F0] =	vst.add.f32.msk $0xffff, v0  }
0x277: {  	v5 =	vld [tilespmem:s1+$0x100C0]  }
0x278: {  	v6 =	vld [tilespmem:s1+$0x100D0]  }
0x279: {  	v0 =	vld [tilespmem:s1+$0x100E0]  }
0x27a: {  	[tilespmem:s1+$0x8080] =	vst.add.f32.msk $0xffff, v1  }
.Ltmp19:
0x27b: {  	[tilespmem:s1+$0x8090] =	vst.add.f32.msk $0xffff, v2;
	(pc) =	sbr.rel @p0 .LBB2_37-.Ltmp19, $4  }
0x27c: {  	[tilespmem:s1+$0x80A0] =	vst.add.f32.msk $0xffff, v3  }
0x27d: {  	[tilespmem:s1+$0x80B0] =	vst.add.f32.msk $0xffff, v4  }
0x27e: {  	[tilespmem:s1+$0x80C0] =	vst.add.f32.msk $0xffff, v5  }
0x27f: {  	s15 =	sadd.s32 $0x1000, s15;
	[tilespmem:s1+$0x80D0] =	vst.add.f32.msk $0xffff, v6  }
0x280: {  	[tilespmem:s1+$0x80E0] =	vst.add.f32.msk $0xffff, v0;
	s1 =	simm.s32 $0x0  }
0x281: {  	v0 =	vld [tilespmem:s1+$0x10170]  }
0x282: {  	v1 =	vld [tilespmem:s1+$0x10100]  }
0x283: {  	v2 =	vld [tilespmem:s1+$0x10110]  }
0x284: {  	v3 =	vld [tilespmem:s1+$0x10120]  }
0x285: {  	v4 =	vld [tilespmem:s1+$0x10130]  }
0x286: {  	v5 =	vld [tilespmem:s1+$0x10140]  }
0x287: {  	v6 =	vld [tilespmem:s1+$0x10150]  }
0x288: {  	[tilespmem:s1+$0x8170] =	vst.add.f32.msk $0xffff, v0  }
0x289: {  	v0 =	vld [tilespmem:s1+$0x10160]  }
0x28a: {  	[tilespmem:s1+$0x8100] =	vst.add.f32.msk $0xffff, v1  }
0x28b: {  	[tilespmem:s1+$0x8110] =	vst.add.f32.msk $0xffff, v2  }
0x28c: {  	[tilespmem:s1+$0x8120] =	vst.add.f32.msk $0xffff, v3  }
0x28d: {  	[tilespmem:s1+$0x8130] =	vst.add.f32.msk $0xffff, v4  }
0x28e: {  	[tilespmem:s1+$0x8140] =	vst.add.f32.msk $0xffff, v5  }
0x28f: {  	s18 =	simm.s32 $0x0;
	s15 =	simm.s32 $0x1000;
	[tilespmem:s1+$0x8150] =	vst.add.f32.msk $0xffff, v6  }
.LBB2_39:
0x290: {  	s18 =	sadd.s32 $0x8, s18;
	[tilespmem:s1+$0x8160] =	vst.add.f32.msk $0xffff, v0;
	s1 =	sshra.s32 s15, $0x2  }
0x291: {  	v0 =	vld [tilespmem:s1+$0x10170];
	p0 =	slt.u32 s18, $0x78  }
0x292: {  	v1 =	vld [tilespmem:s1+$0x10100]  }
0x293: {  	v2 =	vld [tilespmem:s1+$0x10110]  }
0x294: {  	v3 =	vld [tilespmem:s1+$0x10120]  }
0x295: {  	v4 =	vld [tilespmem:s1+$0x10130]  }
0x296: {  	[tilespmem:s1+$0x8170] =	vst.add.f32.msk $0xffff, v0  }
0x297: {  	v5 =	vld [tilespmem:s1+$0x10140]  }
0x298: {  	v6 =	vld [tilespmem:s1+$0x10150]  }
0x299: {  	v0 =	vld [tilespmem:s1+$0x10160]  }
0x29a: {  	[tilespmem:s1+$0x8100] =	vst.add.f32.msk $0xffff, v1  }
.Ltmp20:
0x29b: {  	[tilespmem:s1+$0x8110] =	vst.add.f32.msk $0xffff, v2;
	(pc) =	sbr.rel @p0 .LBB2_39-.Ltmp20, $4  }
0x29c: {  	[tilespmem:s1+$0x8120] =	vst.add.f32.msk $0xffff, v3  }
0x29d: {  	[tilespmem:s1+$0x8130] =	vst.add.f32.msk $0xffff, v4  }
0x29e: {  	[tilespmem:s1+$0x8140] =	vst.add.f32.msk $0xffff, v5  }
0x29f: {  	s15 =	sadd.s32 $0x1000, s15;
	[tilespmem:s1+$0x8150] =	vst.add.f32.msk $0xffff, v6  }
0x2a0: {  	[tilespmem:s1+$0x8160] =	vst.add.f32.msk $0xffff, v0;
	s1 =	simm.s32 $0x0  }
0x2a1: {  	v0 =	vld [tilespmem:s1+$0x101F0]  }
0x2a2: {  	v1 =	vld [tilespmem:s1+$0x10180]  }
0x2a3: {  	v2 =	vld [tilespmem:s1+$0x10190]  }
0x2a4: {  	v3 =	vld [tilespmem:s1+$0x101A0]  }
0x2a5: {  	v4 =	vld [tilespmem:s1+$0x101B0]  }
0x2a6: {  	v5 =	vld [tilespmem:s1+$0x101C0]  }
0x2a7: {  	v6 =	vld [tilespmem:s1+$0x101D0]  }
0x2a8: {  	[tilespmem:s1+$0x81F0] =	vst.add.f32.msk $0xffff, v0  }
0x2a9: {  	v0 =	vld [tilespmem:s1+$0x101E0]  }
0x2aa: {  	[tilespmem:s1+$0x8180] =	vst.add.f32.msk $0xffff, v1  }
0x2ab: {  	[tilespmem:s1+$0x8190] =	vst.add.f32.msk $0xffff, v2  }
0x2ac: {  	[tilespmem:s1+$0x81A0] =	vst.add.f32.msk $0xffff, v3  }
0x2ad: {  	[tilespmem:s1+$0x81B0] =	vst.add.f32.msk $0xffff, v4  }
0x2ae: {  	[tilespmem:s1+$0x81C0] =	vst.add.f32.msk $0xffff, v5  }
0x2af: {  	s18 =	simm.s32 $0x0;
	s15 =	simm.s32 $0x1000;
	[tilespmem:s1+$0x81D0] =	vst.add.f32.msk $0xffff, v6  }
.LBB2_41:
0x2b0: {  	s18 =	sadd.s32 $0x8, s18;
	[tilespmem:s1+$0x81E0] =	vst.add.f32.msk $0xffff, v0;
	s1 =	sshra.s32 s15, $0x2  }
0x2b1: {  	v0 =	vld [tilespmem:s1+$0x101F0];
	p0 =	slt.u32 s18, $0x78  }
0x2b2: {  	v1 =	vld [tilespmem:s1+$0x10180]  }
0x2b3: {  	v2 =	vld [tilespmem:s1+$0x10190]  }
0x2b4: {  	v3 =	vld [tilespmem:s1+$0x101A0]  }
0x2b5: {  	v4 =	vld [tilespmem:s1+$0x101B0]  }
0x2b6: {  	[tilespmem:s1+$0x81F0] =	vst.add.f32.msk $0xffff, v0  }
0x2b7: {  	v5 =	vld [tilespmem:s1+$0x101C0]  }
0x2b8: {  	v6 =	vld [tilespmem:s1+$0x101D0]  }
0x2b9: {  	v0 =	vld [tilespmem:s1+$0x101E0]  }
0x2ba: {  	[tilespmem:s1+$0x8180] =	vst.add.f32.msk $0xffff, v1  }
.Ltmp21:
0x2bb: {  	[tilespmem:s1+$0x8190] =	vst.add.f32.msk $0xffff, v2;
	(pc) =	sbr.rel @p0 .LBB2_41-.Ltmp21, $4  }
0x2bc: {  	[tilespmem:s1+$0x81A0] =	vst.add.f32.msk $0xffff, v3  }
0x2bd: {  	[tilespmem:s1+$0x81B0] =	vst.add.f32.msk $0xffff, v4  }
0x2be: {  	[tilespmem:s1+$0x81C0] =	vst.add.f32.msk $0xffff, v5  }
0x2bf: {  	s15 =	sadd.s32 $0x1000, s15;
	[tilespmem:s1+$0x81D0] =	vst.add.f32.msk $0xffff, v6  }
0x2c0: {  	[tilespmem:s1+$0x81E0] =	vst.add.f32.msk $0xffff, v0;
	s1 =	simm.s32 $0x0  }
0x2c1: {  	v0 =	vld [tilespmem:s1+$0x10270]  }
0x2c2: {  	v1 =	vld [tilespmem:s1+$0x10200]  }
0x2c3: {  	v2 =	vld [tilespmem:s1+$0x10210]  }
0x2c4: {  	v3 =	vld [tilespmem:s1+$0x10220]  }
0x2c5: {  	v4 =	vld [tilespmem:s1+$0x10230]  }
0x2c6: {  	v5 =	vld [tilespmem:s1+$0x10240]  }
0x2c7: {  	v6 =	vld [tilespmem:s1+$0x10250]  }
0x2c8: {  	[tilespmem:s1+$0x8270] =	vst.add.f32.msk $0xffff, v0  }
0x2c9: {  	v0 =	vld [tilespmem:s1+$0x10260]  }
0x2ca: {  	[tilespmem:s1+$0x8200] =	vst.add.f32.msk $0xffff, v1  }
0x2cb: {  	[tilespmem:s1+$0x8210] =	vst.add.f32.msk $0xffff, v2  }
0x2cc: {  	[tilespmem:s1+$0x8220] =	vst.add.f32.msk $0xffff, v3  }
0x2cd: {  	[tilespmem:s1+$0x8230] =	vst.add.f32.msk $0xffff, v4  }
0x2ce: {  	[tilespmem:s1+$0x8240] =	vst.add.f32.msk $0xffff, v5  }
0x2cf: {  	s18 =	simm.s32 $0x0;
	s15 =	simm.s32 $0x1000;
	[tilespmem:s1+$0x8250] =	vst.add.f32.msk $0xffff, v6  }
.LBB2_43:
0x2d0: {  	s18 =	sadd.s32 $0x8, s18;
	[tilespmem:s1+$0x8260] =	vst.add.f32.msk $0xffff, v0;
	s1 =	sshra.s32 s15, $0x2  }
0x2d1: {  	v0 =	vld [tilespmem:s1+$0x10270];
	p0 =	slt.u32 s18, $0x78  }
0x2d2: {  	v1 =	vld [tilespmem:s1+$0x10200]  }
0x2d3: {  	v2 =	vld [tilespmem:s1+$0x10210]  }
0x2d4: {  	v3 =	vld [tilespmem:s1+$0x10220]  }
0x2d5: {  	v4 =	vld [tilespmem:s1+$0x10230]  }
0x2d6: {  	[tilespmem:s1+$0x8270] =	vst.add.f32.msk $0xffff, v0  }
0x2d7: {  	v5 =	vld [tilespmem:s1+$0x10240]  }
0x2d8: {  	v6 =	vld [tilespmem:s1+$0x10250]  }
0x2d9: {  	v0 =	vld [tilespmem:s1+$0x10260]  }
0x2da: {  	[tilespmem:s1+$0x8200] =	vst.add.f32.msk $0xffff, v1  }
.Ltmp22:
0x2db: {  	[tilespmem:s1+$0x8210] =	vst.add.f32.msk $0xffff, v2;
	(pc) =	sbr.rel @p0 .LBB2_43-.Ltmp22, $4  }
0x2dc: {  	[tilespmem:s1+$0x8220] =	vst.add.f32.msk $0xffff, v3  }
0x2dd: {  	[tilespmem:s1+$0x8230] =	vst.add.f32.msk $0xffff, v4  }
0x2de: {  	[tilespmem:s1+$0x8240] =	vst.add.f32.msk $0xffff, v5  }
0x2df: {  	s15 =	sadd.s32 $0x1000, s15;
	[tilespmem:s1+$0x8250] =	vst.add.f32.msk $0xffff, v6  }
0x2e0: {  	[tilespmem:s1+$0x8260] =	vst.add.f32.msk $0xffff, v0;
	s1 =	simm.s32 $0x0  }
0x2e1: {  	v0 =	vld [tilespmem:s1+$0x102F0]  }
0x2e2: {  	v1 =	vld [tilespmem:s1+$0x10280]  }
0x2e3: {  	v2 =	vld [tilespmem:s1+$0x10290]  }
0x2e4: {  	v3 =	vld [tilespmem:s1+$0x102A0]  }
0x2e5: {  	v4 =	vld [tilespmem:s1+$0x102B0]  }
0x2e6: {  	v5 =	vld [tilespmem:s1+$0x102C0]  }
0x2e7: {  	v6 =	vld [tilespmem:s1+$0x102D0]  }
0x2e8: {  	[tilespmem:s1+$0x82F0] =	vst.add.f32.msk $0xffff, v0  }
0x2e9: {  	v0 =	vld [tilespmem:s1+$0x102E0]  }
0x2ea: {  	[tilespmem:s1+$0x8280] =	vst.add.f32.msk $0xffff, v1  }
0x2eb: {  	[tilespmem:s1+$0x8290] =	vst.add.f32.msk $0xffff, v2  }
0x2ec: {  	[tilespmem:s1+$0x82A0] =	vst.add.f32.msk $0xffff, v3  }
0x2ed: {  	[tilespmem:s1+$0x82B0] =	vst.add.f32.msk $0xffff, v4  }
0x2ee: {  	[tilespmem:s1+$0x82C0] =	vst.add.f32.msk $0xffff, v5  }
0x2ef: {  	s18 =	simm.s32 $0x0;
	s15 =	simm.s32 $0x1000;
	[tilespmem:s1+$0x82D0] =	vst.add.f32.msk $0xffff, v6  }
.LBB2_45:
0x2f0: {  	s18 =	sadd.s32 $0x8, s18;
	[tilespmem:s1+$0x82E0] =	vst.add.f32.msk $0xffff, v0;
	s1 =	sshra.s32 s15, $0x2  }
0x2f1: {  	v0 =	vld [tilespmem:s1+$0x102F0];
	p0 =	slt.u32 s18, $0x78  }
0x2f2: {  	v1 =	vld [tilespmem:s1+$0x10280]  }
0x2f3: {  	v2 =	vld [tilespmem:s1+$0x10290]  }
0x2f4: {  	v3 =	vld [tilespmem:s1+$0x102A0]  }
0x2f5: {  	v4 =	vld [tilespmem:s1+$0x102B0]  }
0x2f6: {  	[tilespmem:s1+$0x82F0] =	vst.add.f32.msk $0xffff, v0  }
0x2f7: {  	v5 =	vld [tilespmem:s1+$0x102C0]  }
0x2f8: {  	v6 =	vld [tilespmem:s1+$0x102D0]  }
0x2f9: {  	v0 =	vld [tilespmem:s1+$0x102E0]  }
0x2fa: {  	[tilespmem:s1+$0x8280] =	vst.add.f32.msk $0xffff, v1  }
.Ltmp23:
0x2fb: {  	[tilespmem:s1+$0x8290] =	vst.add.f32.msk $0xffff, v2;
	(pc) =	sbr.rel @p0 .LBB2_45-.Ltmp23, $4  }
0x2fc: {  	[tilespmem:s1+$0x82A0] =	vst.add.f32.msk $0xffff, v3  }
0x2fd: {  	[tilespmem:s1+$0x82B0] =	vst.add.f32.msk $0xffff, v4  }
0x2fe: {  	[tilespmem:s1+$0x82C0] =	vst.add.f32.msk $0xffff, v5  }
0x2ff: {  	s15 =	sadd.s32 $0x1000, s15;
	[tilespmem:s1+$0x82D0] =	vst.add.f32.msk $0xffff, v6  }
0x300: {  	[tilespmem:s1+$0x82E0] =	vst.add.f32.msk $0xffff, v0;
	s1 =	simm.s32 $0x0  }
0x301: {  	v0 =	vld [tilespmem:s1+$0x10370]  }
0x302: {  	v1 =	vld [tilespmem:s1+$0x10300]  }
0x303: {  	v2 =	vld [tilespmem:s1+$0x10310]  }
0x304: {  	v3 =	vld [tilespmem:s1+$0x10320]  }
0x305: {  	v4 =	vld [tilespmem:s1+$0x10330]  }
0x306: {  	v5 =	vld [tilespmem:s1+$0x10340]  }
0x307: {  	v6 =	vld [tilespmem:s1+$0x10350]  }
0x308: {  	[tilespmem:s1+$0x8370] =	vst.add.f32.msk $0xffff, v0  }
0x309: {  	v0 =	vld [tilespmem:s1+$0x10360]  }
0x30a: {  	[tilespmem:s1+$0x8300] =	vst.add.f32.msk $0xffff, v1  }
0x30b: {  	[tilespmem:s1+$0x8310] =	vst.add.f32.msk $0xffff, v2  }
0x30c: {  	[tilespmem:s1+$0x8320] =	vst.add.f32.msk $0xffff, v3  }
0x30d: {  	[tilespmem:s1+$0x8330] =	vst.add.f32.msk $0xffff, v4  }
0x30e: {  	[tilespmem:s1+$0x8340] =	vst.add.f32.msk $0xffff, v5  }
0x30f: {  	s18 =	simm.s32 $0x0;
	s15 =	simm.s32 $0x1000;
	[tilespmem:s1+$0x8350] =	vst.add.f32.msk $0xffff, v6  }
.LBB2_47:
0x310: {  	s18 =	sadd.s32 $0x8, s18;
	[tilespmem:s1+$0x8360] =	vst.add.f32.msk $0xffff, v0;
	s1 =	sshra.s32 s15, $0x2  }
0x311: {  	v0 =	vld [tilespmem:s1+$0x10370];
	p0 =	slt.u32 s18, $0x78  }
0x312: {  	v1 =	vld [tilespmem:s1+$0x10300]  }
0x313: {  	v2 =	vld [tilespmem:s1+$0x10310]  }
0x314: {  	v3 =	vld [tilespmem:s1+$0x10320]  }
0x315: {  	v4 =	vld [tilespmem:s1+$0x10330]  }
0x316: {  	[tilespmem:s1+$0x8370] =	vst.add.f32.msk $0xffff, v0  }
0x317: {  	v5 =	vld [tilespmem:s1+$0x10340]  }
0x318: {  	v6 =	vld [tilespmem:s1+$0x10350]  }
0x319: {  	v0 =	vld [tilespmem:s1+$0x10360]  }
0x31a: {  	[tilespmem:s1+$0x8300] =	vst.add.f32.msk $0xffff, v1  }
.Ltmp24:
0x31b: {  	[tilespmem:s1+$0x8310] =	vst.add.f32.msk $0xffff, v2;
	(pc) =	sbr.rel @p0 .LBB2_47-.Ltmp24, $4  }
0x31c: {  	[tilespmem:s1+$0x8320] =	vst.add.f32.msk $0xffff, v3  }
0x31d: {  	[tilespmem:s1+$0x8330] =	vst.add.f32.msk $0xffff, v4  }
0x31e: {  	[tilespmem:s1+$0x8340] =	vst.add.f32.msk $0xffff, v5  }
0x31f: {  	s15 =	sadd.s32 $0x1000, s15;
	[tilespmem:s1+$0x8350] =	vst.add.f32.msk $0xffff, v6  }
0x320: {  	[tilespmem:s1+$0x8360] =	vst.add.f32.msk $0xffff, v0;
	s1 =	simm.s32 $0x0  }
0x321: {  	v0 =	vld [tilespmem:s1+$0x103F0]  }
0x322: {  	v1 =	vld [tilespmem:s1+$0x10380]  }
0x323: {  	v2 =	vld [tilespmem:s1+$0x10390]  }
0x324: {  	v3 =	vld [tilespmem:s1+$0x103A0]  }
0x325: {  	v4 =	vld [tilespmem:s1+$0x103B0]  }
0x326: {  	v5 =	vld [tilespmem:s1+$0x103C0]  }
0x327: {  	v6 =	vld [tilespmem:s1+$0x103D0]  }
0x328: {  	[tilespmem:s1+$0x83F0] =	vst.add.f32.msk $0xffff, v0  }
0x329: {  	v0 =	vld [tilespmem:s1+$0x103E0]  }
0x32a: {  	[tilespmem:s1+$0x8380] =	vst.add.f32.msk $0xffff, v1  }
0x32b: {  	[tilespmem:s1+$0x8390] =	vst.add.f32.msk $0xffff, v2  }
0x32c: {  	[tilespmem:s1+$0x83A0] =	vst.add.f32.msk $0xffff, v3  }
0x32d: {  	[tilespmem:s1+$0x83B0] =	vst.add.f32.msk $0xffff, v4  }
0x32e: {  	[tilespmem:s1+$0x83C0] =	vst.add.f32.msk $0xffff, v5  }
0x32f: {  	s18 =	simm.s32 $0x0;
	s15 =	simm.s32 $0x1000;
	[tilespmem:s1+$0x83D0] =	vst.add.f32.msk $0xffff, v6  }
.LBB2_49:
0x330: {  	s18 =	sadd.s32 $0x8, s18;
	[tilespmem:s1+$0x83E0] =	vst.add.f32.msk $0xffff, v0;
	s1 =	sshra.s32 s15, $0x2  }
0x331: {  	v0 =	vld [tilespmem:s1+$0x103F0];
	p0 =	slt.u32 s18, $0x78  }
0x332: {  	v1 =	vld [tilespmem:s1+$0x10380]  }
0x333: {  	v2 =	vld [tilespmem:s1+$0x10390]  }
0x334: {  	v3 =	vld [tilespmem:s1+$0x103A0]  }
0x335: {  	v4 =	vld [tilespmem:s1+$0x103B0]  }
0x336: {  	[tilespmem:s1+$0x83F0] =	vst.add.f32.msk $0xffff, v0  }
0x337: {  	v5 =	vld [tilespmem:s1+$0x103C0]  }
0x338: {  	v6 =	vld [tilespmem:s1+$0x103D0]  }
0x339: {  	v0 =	vld [tilespmem:s1+$0x103E0]  }
0x33a: {  	[tilespmem:s1+$0x8380] =	vst.add.f32.msk $0xffff, v1  }
.Ltmp25:
0x33b: {  	[tilespmem:s1+$0x8390] =	vst.add.f32.msk $0xffff, v2;
	(pc) =	sbr.rel @p0 .LBB2_49-.Ltmp25, $4  }
0x33c: {  	[tilespmem:s1+$0x83A0] =	vst.add.f32.msk $0xffff, v3  }
0x33d: {  	[tilespmem:s1+$0x83B0] =	vst.add.f32.msk $0xffff, v4  }
0x33e: {  	[tilespmem:s1+$0x83C0] =	vst.add.f32.msk $0xffff, v5  }
0x33f: {  	s15 =	sadd.s32 $0x1000, s15;
	[tilespmem:s1+$0x83D0] =	vst.add.f32.msk $0xffff, v6  }
0x340: {  	[tilespmem:s1+$0x83E0] =	vst.add.f32.msk $0xffff, v0;
	s15 =	sadd.s32 s4, s8;
	s3 =	simm.s32 $0x0  }
0x341: {  	[hbm4b:s15+s3] =	stream.linear.scatter [tilespmem:s22], [sflag:$0x7], $0x4000, $0x38;
	[tilespmem:$0x18000] =	vst v63  }
0x342: {  	_ =	swait.ge [sflag:s28], $0x4000  }
0x343: {  	[sflag:s28] =	ssyncset.done $0x0  }
0x344: {  	[sflag:s28] =	ssyncadd.s32 $0xFFFFC000  }
0x345: {  	_ =	swait.ge [sflag:s29], $0x4000  }
0x346: {  	s8 =	sor.u32 $0x200800, s12;
	[sflag:s29] =	ssyncset.done $0x0  }
0x347: {  	s1 =	simm.s32 $0x0;
	s18 =	sadd.s32 s2, s8;
	[sflag:s29] =	ssyncadd.s32 $0xFFFFC000  }
0x348: {  	[tilespmem:s19], [sflag:$0x2] =	stream.linear.gather [hbm4b:s18+s3], $0x4000, $0x38;
	[tilespmem:$0x18000] =	vst v63  }
0x349: {  	v0 =	vld [tilespmem:s1+$0x10070]  }
0x34a: {  	v1 =	vld [tilespmem:s1+$0x10000]  }
0x34b: {  	v2 =	vld [tilespmem:s1+$0x10010]  }
0x34c: {  	v3 =	vld [tilespmem:s1+$0x10020]  }
0x34d: {  	v4 =	vld [tilespmem:s1+$0x10030]  }
0x34e: {  	v5 =	vld [tilespmem:s1+$0x10040]  }
0x34f: {  	v6 =	vld [tilespmem:s1+$0x10050]  }
0x350: {  	[tilespmem:s1+$0xC070] =	vst.add.f32.msk $0xffff, v0  }
0x351: {  	v0 =	vld [tilespmem:s1+$0x10060]  }
0x352: {  	[tilespmem:s1+$0xC000] =	vst.add.f32.msk $0xffff, v1  }
0x353: {  	[tilespmem:s1+$0xC010] =	vst.add.f32.msk $0xffff, v2  }
0x354: {  	[tilespmem:s1+$0xC020] =	vst.add.f32.msk $0xffff, v3  }
0x355: {  	[tilespmem:s1+$0xC030] =	vst.add.f32.msk $0xffff, v4  }
0x356: {  	[tilespmem:s1+$0xC040] =	vst.add.f32.msk $0xffff, v5  }
0x357: {  	s15 =	simm.s32 $0x1000;
	s18 =	simm.s32 $0x0;
	[tilespmem:s1+$0xC050] =	vst.add.f32.msk $0xffff, v6  }
.LBB2_51:
0x358: {  	s18 =	sadd.s32 $0x8, s18;
	[tilespmem:s1+$0xC060] =	vst.add.f32.msk $0xffff, v0;
	s1 =	sshra.s32 s15, $0x2  }
0x359: {  	v0 =	vld [tilespmem:s1+$0x10070];
	p0 =	slt.u32 s18, $0x78  }
0x35a: {  	v1 =	vld [tilespmem:s1+$0x10000]  }
0x35b: {  	v2 =	vld [tilespmem:s1+$0x10010]  }
0x35c: {  	v3 =	vld [tilespmem:s1+$0x10020]  }
0x35d: {  	v4 =	vld [tilespmem:s1+$0x10030]  }
0x35e: {  	[tilespmem:s1+$0xC070] =	vst.add.f32.msk $0xffff, v0  }
0x35f: {  	v5 =	vld [tilespmem:s1+$0x10040]  }
0x360: {  	v6 =	vld [tilespmem:s1+$0x10050]  }
0x361: {  	v0 =	vld [tilespmem:s1+$0x10060]  }
0x362: {  	[tilespmem:s1+$0xC000] =	vst.add.f32.msk $0xffff, v1  }
.Ltmp26:
0x363: {  	[tilespmem:s1+$0xC010] =	vst.add.f32.msk $0xffff, v2;
	(pc) =	sbr.rel @p0 .LBB2_51-.Ltmp26, $4  }
0x364: {  	[tilespmem:s1+$0xC020] =	vst.add.f32.msk $0xffff, v3  }
0x365: {  	[tilespmem:s1+$0xC030] =	vst.add.f32.msk $0xffff, v4  }
0x366: {  	[tilespmem:s1+$0xC040] =	vst.add.f32.msk $0xffff, v5  }
0x367: {  	s15 =	sadd.s32 $0x1000, s15;
	[tilespmem:s1+$0xC050] =	vst.add.f32.msk $0xffff, v6  }
0x368: {  	[tilespmem:s1+$0xC060] =	vst.add.f32.msk $0xffff, v0;
	s1 =	simm.s32 $0x0  }
0x369: {  	v0 =	vld [tilespmem:s1+$0x100F0]  }
0x36a: {  	v1 =	vld [tilespmem:s1+$0x10080]  }
0x36b: {  	v2 =	vld [tilespmem:s1+$0x10090]  }
0x36c: {  	v3 =	vld [tilespmem:s1+$0x100A0]  }
0x36d: {  	v4 =	vld [tilespmem:s1+$0x100B0]  }
0x36e: {  	v5 =	vld [tilespmem:s1+$0x100C0]  }
0x36f: {  	v6 =	vld [tilespmem:s1+$0x100D0]  }
0x370: {  	[tilespmem:s1+$0xC0F0] =	vst.add.f32.msk $0xffff, v0  }
0x371: {  	v0 =	vld [tilespmem:s1+$0x100E0]  }
0x372: {  	[tilespmem:s1+$0xC080] =	vst.add.f32.msk $0xffff, v1  }
0x373: {  	[tilespmem:s1+$0xC090] =	vst.add.f32.msk $0xffff, v2  }
0x374: {  	[tilespmem:s1+$0xC0A0] =	vst.add.f32.msk $0xffff, v3  }
0x375: {  	[tilespmem:s1+$0xC0B0] =	vst.add.f32.msk $0xffff, v4  }
0x376: {  	[tilespmem:s1+$0xC0C0] =	vst.add.f32.msk $0xffff, v5  }
0x377: {  	s18 =	simm.s32 $0x0;
	s15 =	simm.s32 $0x1000;
	[tilespmem:s1+$0xC0D0] =	vst.add.f32.msk $0xffff, v6  }
.LBB2_53:
0x378: {  	s18 =	sadd.s32 $0x8, s18;
	[tilespmem:s1+$0xC0E0] =	vst.add.f32.msk $0xffff, v0;
	s1 =	sshra.s32 s15, $0x2  }
0x379: {  	v0 =	vld [tilespmem:s1+$0x100F0];
	p0 =	slt.u32 s18, $0x78  }
0x37a: {  	v1 =	vld [tilespmem:s1+$0x10080]  }
0x37b: {  	v2 =	vld [tilespmem:s1+$0x10090]  }
0x37c: {  	v3 =	vld [tilespmem:s1+$0x100A0]  }
0x37d: {  	v4 =	vld [tilespmem:s1+$0x100B0]  }
0x37e: {  	[tilespmem:s1+$0xC0F0] =	vst.add.f32.msk $0xffff, v0  }
0x37f: {  	v5 =	vld [tilespmem:s1+$0x100C0]  }
0x380: {  	v6 =	vld [tilespmem:s1+$0x100D0]  }
0x381: {  	v0 =	vld [tilespmem:s1+$0x100E0]  }
0x382: {  	[tilespmem:s1+$0xC080] =	vst.add.f32.msk $0xffff, v1  }
.Ltmp27:
0x383: {  	[tilespmem:s1+$0xC090] =	vst.add.f32.msk $0xffff, v2;
	(pc) =	sbr.rel @p0 .LBB2_53-.Ltmp27, $4  }
0x384: {  	[tilespmem:s1+$0xC0A0] =	vst.add.f32.msk $0xffff, v3  }
0x385: {  	[tilespmem:s1+$0xC0B0] =	vst.add.f32.msk $0xffff, v4  }
0x386: {  	[tilespmem:s1+$0xC0C0] =	vst.add.f32.msk $0xffff, v5  }
0x387: {  	s15 =	sadd.s32 $0x1000, s15;
	[tilespmem:s1+$0xC0D0] =	vst.add.f32.msk $0xffff, v6  }
0x388: {  	[tilespmem:s1+$0xC0E0] =	vst.add.f32.msk $0xffff, v0;
	s1 =	simm.s32 $0x0  }
0x389: {  	v0 =	vld [tilespmem:s1+$0x10170]  }
0x38a: {  	v1 =	vld [tilespmem:s1+$0x10100]  }
0x38b: {  	v2 =	vld [tilespmem:s1+$0x10110]  }
0x38c: {  	v3 =	vld [tilespmem:s1+$0x10120]  }
0x38d: {  	v4 =	vld [tilespmem:s1+$0x10130]  }
0x38e: {  	v5 =	vld [tilespmem:s1+$0x10140]  }
0x38f: {  	v6 =	vld [tilespmem:s1+$0x10150]  }
0x390: {  	[tilespmem:s1+$0xC170] =	vst.add.f32.msk $0xffff, v0  }
0x391: {  	v0 =	vld [tilespmem:s1+$0x10160]  }
0x392: {  	[tilespmem:s1+$0xC100] =	vst.add.f32.msk $0xffff, v1  }
0x393: {  	[tilespmem:s1+$0xC110] =	vst.add.f32.msk $0xffff, v2  }
0x394: {  	[tilespmem:s1+$0xC120] =	vst.add.f32.msk $0xffff, v3  }
0x395: {  	[tilespmem:s1+$0xC130] =	vst.add.f32.msk $0xffff, v4  }
0x396: {  	[tilespmem:s1+$0xC140] =	vst.add.f32.msk $0xffff, v5  }
0x397: {  	s18 =	simm.s32 $0x0;
	s15 =	simm.s32 $0x1000;
	[tilespmem:s1+$0xC150] =	vst.add.f32.msk $0xffff, v6  }
.LBB2_55:
0x398: {  	s18 =	sadd.s32 $0x8, s18;
	[tilespmem:s1+$0xC160] =	vst.add.f32.msk $0xffff, v0;
	s1 =	sshra.s32 s15, $0x2  }
0x399: {  	v0 =	vld [tilespmem:s1+$0x10170];
	p0 =	slt.u32 s18, $0x78  }
0x39a: {  	v1 =	vld [tilespmem:s1+$0x10100]  }
0x39b: {  	v2 =	vld [tilespmem:s1+$0x10110]  }
0x39c: {  	v3 =	vld [tilespmem:s1+$0x10120]  }
0x39d: {  	v4 =	vld [tilespmem:s1+$0x10130]  }
0x39e: {  	[tilespmem:s1+$0xC170] =	vst.add.f32.msk $0xffff, v0  }
0x39f: {  	v5 =	vld [tilespmem:s1+$0x10140]  }
0x3a0: {  	v6 =	vld [tilespmem:s1+$0x10150]  }
0x3a1: {  	v0 =	vld [tilespmem:s1+$0x10160]  }
0x3a2: {  	[tilespmem:s1+$0xC100] =	vst.add.f32.msk $0xffff, v1  }
.Ltmp28:
0x3a3: {  	[tilespmem:s1+$0xC110] =	vst.add.f32.msk $0xffff, v2;
	(pc) =	sbr.rel @p0 .LBB2_55-.Ltmp28, $4  }
0x3a4: {  	[tilespmem:s1+$0xC120] =	vst.add.f32.msk $0xffff, v3  }
0x3a5: {  	[tilespmem:s1+$0xC130] =	vst.add.f32.msk $0xffff, v4  }
0x3a6: {  	[tilespmem:s1+$0xC140] =	vst.add.f32.msk $0xffff, v5  }
0x3a7: {  	s15 =	sadd.s32 $0x1000, s15;
	[tilespmem:s1+$0xC150] =	vst.add.f32.msk $0xffff, v6  }
0x3a8: {  	[tilespmem:s1+$0xC160] =	vst.add.f32.msk $0xffff, v0;
	s1 =	simm.s32 $0x0  }
0x3a9: {  	v0 =	vld [tilespmem:s1+$0x101F0]  }
0x3aa: {  	v1 =	vld [tilespmem:s1+$0x10180]  }
0x3ab: {  	v2 =	vld [tilespmem:s1+$0x10190]  }
0x3ac: {  	v3 =	vld [tilespmem:s1+$0x101A0]  }
0x3ad: {  	v4 =	vld [tilespmem:s1+$0x101B0]  }
0x3ae: {  	v5 =	vld [tilespmem:s1+$0x101C0]  }
0x3af: {  	v6 =	vld [tilespmem:s1+$0x101D0]  }
0x3b0: {  	[tilespmem:s1+$0xC1F0] =	vst.add.f32.msk $0xffff, v0  }
0x3b1: {  	v0 =	vld [tilespmem:s1+$0x101E0]  }
0x3b2: {  	[tilespmem:s1+$0xC180] =	vst.add.f32.msk $0xffff, v1  }
0x3b3: {  	[tilespmem:s1+$0xC190] =	vst.add.f32.msk $0xffff, v2  }
0x3b4: {  	[tilespmem:s1+$0xC1A0] =	vst.add.f32.msk $0xffff, v3  }
0x3b5: {  	[tilespmem:s1+$0xC1B0] =	vst.add.f32.msk $0xffff, v4  }
0x3b6: {  	[tilespmem:s1+$0xC1C0] =	vst.add.f32.msk $0xffff, v5  }
0x3b7: {  	s18 =	simm.s32 $0x0;
	s15 =	simm.s32 $0x1000;
	[tilespmem:s1+$0xC1D0] =	vst.add.f32.msk $0xffff, v6  }
.LBB2_57:
0x3b8: {  	s18 =	sadd.s32 $0x8, s18;
	[tilespmem:s1+$0xC1E0] =	vst.add.f32.msk $0xffff, v0;
	s1 =	sshra.s32 s15, $0x2  }
0x3b9: {  	v0 =	vld [tilespmem:s1+$0x101F0];
	p0 =	slt.u32 s18, $0x78  }
0x3ba: {  	v1 =	vld [tilespmem:s1+$0x10180]  }
0x3bb: {  	v2 =	vld [tilespmem:s1+$0x10190]  }
0x3bc: {  	v3 =	vld [tilespmem:s1+$0x101A0]  }
0x3bd: {  	v4 =	vld [tilespmem:s1+$0x101B0]  }
0x3be: {  	[tilespmem:s1+$0xC1F0] =	vst.add.f32.msk $0xffff, v0  }
0x3bf: {  	v5 =	vld [tilespmem:s1+$0x101C0]  }
0x3c0: {  	v6 =	vld [tilespmem:s1+$0x101D0]  }
0x3c1: {  	v0 =	vld [tilespmem:s1+$0x101E0]  }
0x3c2: {  	[tilespmem:s1+$0xC180] =	vst.add.f32.msk $0xffff, v1  }
.Ltmp29:
0x3c3: {  	[tilespmem:s1+$0xC190] =	vst.add.f32.msk $0xffff, v2;
	(pc) =	sbr.rel @p0 .LBB2_57-.Ltmp29, $4  }
0x3c4: {  	[tilespmem:s1+$0xC1A0] =	vst.add.f32.msk $0xffff, v3  }
0x3c5: {  	[tilespmem:s1+$0xC1B0] =	vst.add.f32.msk $0xffff, v4  }
0x3c6: {  	[tilespmem:s1+$0xC1C0] =	vst.add.f32.msk $0xffff, v5  }
0x3c7: {  	s15 =	sadd.s32 $0x1000, s15;
	[tilespmem:s1+$0xC1D0] =	vst.add.f32.msk $0xffff, v6  }
0x3c8: {  	[tilespmem:s1+$0xC1E0] =	vst.add.f32.msk $0xffff, v0;
	s1 =	simm.s32 $0x0  }
0x3c9: {  	v0 =	vld [tilespmem:s1+$0x10270]  }
0x3ca: {  	v1 =	vld [tilespmem:s1+$0x10200]  }
0x3cb: {  	v2 =	vld [tilespmem:s1+$0x10210]  }
0x3cc: {  	v3 =	vld [tilespmem:s1+$0x10220]  }
0x3cd: {  	v4 =	vld [tilespmem:s1+$0x10230]  }
0x3ce: {  	v5 =	vld [tilespmem:s1+$0x10240]  }
0x3cf: {  	v6 =	vld [tilespmem:s1+$0x10250]  }
0x3d0: {  	[tilespmem:s1+$0xC270] =	vst.add.f32.msk $0xffff, v0  }
0x3d1: {  	v0 =	vld [tilespmem:s1+$0x10260]  }
0x3d2: {  	[tilespmem:s1+$0xC200] =	vst.add.f32.msk $0xffff, v1  }
0x3d3: {  	[tilespmem:s1+$0xC210] =	vst.add.f32.msk $0xffff, v2  }
0x3d4: {  	[tilespmem:s1+$0xC220] =	vst.add.f32.msk $0xffff, v3  }
0x3d5: {  	[tilespmem:s1+$0xC230] =	vst.add.f32.msk $0xffff, v4  }
0x3d6: {  	[tilespmem:s1+$0xC240] =	vst.add.f32.msk $0xffff, v5  }
0x3d7: {  	s18 =	simm.s32 $0x0;
	s15 =	simm.s32 $0x1000;
	[tilespmem:s1+$0xC250] =	vst.add.f32.msk $0xffff, v6  }
.LBB2_59:
0x3d8: {  	s18 =	sadd.s32 $0x8, s18;
	[tilespmem:s1+$0xC260] =	vst.add.f32.msk $0xffff, v0;
	s1 =	sshra.s32 s15, $0x2  }
0x3d9: {  	v0 =	vld [tilespmem:s1+$0x10270];
	p0 =	slt.u32 s18, $0x78  }
0x3da: {  	v1 =	vld [tilespmem:s1+$0x10200]  }
0x3db: {  	v2 =	vld [tilespmem:s1+$0x10210]  }
0x3dc: {  	v3 =	vld [tilespmem:s1+$0x10220]  }
0x3dd: {  	v4 =	vld [tilespmem:s1+$0x10230]  }
0x3de: {  	[tilespmem:s1+$0xC270] =	vst.add.f32.msk $0xffff, v0  }
0x3df: {  	v5 =	vld [tilespmem:s1+$0x10240]  }
0x3e0: {  	v6 =	vld [tilespmem:s1+$0x10250]  }
0x3e1: {  	v0 =	vld [tilespmem:s1+$0x10260]  }
0x3e2: {  	[tilespmem:s1+$0xC200] =	vst.add.f32.msk $0xffff, v1  }
.Ltmp30:
0x3e3: {  	[tilespmem:s1+$0xC210] =	vst.add.f32.msk $0xffff, v2;
	(pc) =	sbr.rel @p0 .LBB2_59-.Ltmp30, $4  }
0x3e4: {  	[tilespmem:s1+$0xC220] =	vst.add.f32.msk $0xffff, v3  }
0x3e5: {  	[tilespmem:s1+$0xC230] =	vst.add.f32.msk $0xffff, v4  }
0x3e6: {  	[tilespmem:s1+$0xC240] =	vst.add.f32.msk $0xffff, v5  }
0x3e7: {  	s15 =	sadd.s32 $0x1000, s15;
	[tilespmem:s1+$0xC250] =	vst.add.f32.msk $0xffff, v6  }
0x3e8: {  	[tilespmem:s1+$0xC260] =	vst.add.f32.msk $0xffff, v0;
	s1 =	simm.s32 $0x0  }
0x3e9: {  	v0 =	vld [tilespmem:s1+$0x102F0]  }
0x3ea: {  	v1 =	vld [tilespmem:s1+$0x10280]  }
0x3eb: {  	v2 =	vld [tilespmem:s1+$0x10290]  }
0x3ec: {  	v3 =	vld [tilespmem:s1+$0x102A0]  }
0x3ed: {  	v4 =	vld [tilespmem:s1+$0x102B0]  }
0x3ee: {  	v5 =	vld [tilespmem:s1+$0x102C0]  }
0x3ef: {  	v6 =	vld [tilespmem:s1+$0x102D0]  }
0x3f0: {  	[tilespmem:s1+$0xC2F0] =	vst.add.f32.msk $0xffff, v0  }
0x3f1: {  	v0 =	vld [tilespmem:s1+$0x102E0]  }
0x3f2: {  	[tilespmem:s1+$0xC280] =	vst.add.f32.msk $0xffff, v1  }
0x3f3: {  	[tilespmem:s1+$0xC290] =	vst.add.f32.msk $0xffff, v2  }
0x3f4: {  	[tilespmem:s1+$0xC2A0] =	vst.add.f32.msk $0xffff, v3  }
0x3f5: {  	[tilespmem:s1+$0xC2B0] =	vst.add.f32.msk $0xffff, v4  }
0x3f6: {  	[tilespmem:s1+$0xC2C0] =	vst.add.f32.msk $0xffff, v5  }
0x3f7: {  	s18 =	simm.s32 $0x0;
	s15 =	simm.s32 $0x1000;
	[tilespmem:s1+$0xC2D0] =	vst.add.f32.msk $0xffff, v6  }
.LBB2_61:
0x3f8: {  	s18 =	sadd.s32 $0x8, s18;
	[tilespmem:s1+$0xC2E0] =	vst.add.f32.msk $0xffff, v0;
	s1 =	sshra.s32 s15, $0x2  }
0x3f9: {  	v0 =	vld [tilespmem:s1+$0x102F0];
	p0 =	slt.u32 s18, $0x78  }
0x3fa: {  	v1 =	vld [tilespmem:s1+$0x10280]  }
0x3fb: {  	v2 =	vld [tilespmem:s1+$0x10290]  }
0x3fc: {  	v3 =	vld [tilespmem:s1+$0x102A0]  }
0x3fd: {  	v4 =	vld [tilespmem:s1+$0x102B0]  }
0x3fe: {  	[tilespmem:s1+$0xC2F0] =	vst.add.f32.msk $0xffff, v0  }
0x3ff: {  	v5 =	vld [tilespmem:s1+$0x102C0]  }
0x400: {  	v6 =	vld [tilespmem:s1+$0x102D0]  }
0x401: {  	v0 =	vld [tilespmem:s1+$0x102E0]  }
0x402: {  	[tilespmem:s1+$0xC280] =	vst.add.f32.msk $0xffff, v1  }
.Ltmp31:
0x403: {  	[tilespmem:s1+$0xC290] =	vst.add.f32.msk $0xffff, v2;
	(pc) =	sbr.rel @p0 .LBB2_61-.Ltmp31, $4  }
0x404: {  	[tilespmem:s1+$0xC2A0] =	vst.add.f32.msk $0xffff, v3  }
0x405: {  	[tilespmem:s1+$0xC2B0] =	vst.add.f32.msk $0xffff, v4  }
0x406: {  	[tilespmem:s1+$0xC2C0] =	vst.add.f32.msk $0xffff, v5  }
0x407: {  	s15 =	sadd.s32 $0x1000, s15;
	[tilespmem:s1+$0xC2D0] =	vst.add.f32.msk $0xffff, v6  }
0x408: {  	[tilespmem:s1+$0xC2E0] =	vst.add.f32.msk $0xffff, v0;
	s1 =	simm.s32 $0x0  }
0x409: {  	v0 =	vld [tilespmem:s1+$0x10370]  }
0x40a: {  	v1 =	vld [tilespmem:s1+$0x10300]  }
0x40b: {  	v2 =	vld [tilespmem:s1+$0x10310]  }
0x40c: {  	v3 =	vld [tilespmem:s1+$0x10320]  }
0x40d: {  	v4 =	vld [tilespmem:s1+$0x10330]  }
0x40e: {  	v5 =	vld [tilespmem:s1+$0x10340]  }
0x40f: {  	v6 =	vld [tilespmem:s1+$0x10350]  }
0x410: {  	[tilespmem:s1+$0xC370] =	vst.add.f32.msk $0xffff, v0  }
0x411: {  	v0 =	vld [tilespmem:s1+$0x10360]  }
0x412: {  	[tilespmem:s1+$0xC300] =	vst.add.f32.msk $0xffff, v1  }
0x413: {  	[tilespmem:s1+$0xC310] =	vst.add.f32.msk $0xffff, v2  }
0x414: {  	[tilespmem:s1+$0xC320] =	vst.add.f32.msk $0xffff, v3  }
0x415: {  	[tilespmem:s1+$0xC330] =	vst.add.f32.msk $0xffff, v4  }
0x416: {  	[tilespmem:s1+$0xC340] =	vst.add.f32.msk $0xffff, v5  }
0x417: {  	s18 =	simm.s32 $0x0;
	s15 =	simm.s32 $0x1000;
	[tilespmem:s1+$0xC350] =	vst.add.f32.msk $0xffff, v6  }
.LBB2_63:
0x418: {  	s18 =	sadd.s32 $0x8, s18;
	[tilespmem:s1+$0xC360] =	vst.add.f32.msk $0xffff, v0;
	s1 =	sshra.s32 s15, $0x2  }
0x419: {  	v0 =	vld [tilespmem:s1+$0x10370];
	p0 =	slt.u32 s18, $0x78  }
0x41a: {  	v1 =	vld [tilespmem:s1+$0x10300]  }
0x41b: {  	v2 =	vld [tilespmem:s1+$0x10310]  }
0x41c: {  	v3 =	vld [tilespmem:s1+$0x10320]  }
0x41d: {  	v4 =	vld [tilespmem:s1+$0x10330]  }
0x41e: {  	[tilespmem:s1+$0xC370] =	vst.add.f32.msk $0xffff, v0  }
0x41f: {  	v5 =	vld [tilespmem:s1+$0x10340]  }
0x420: {  	v6 =	vld [tilespmem:s1+$0x10350]  }
0x421: {  	v0 =	vld [tilespmem:s1+$0x10360]  }
0x422: {  	[tilespmem:s1+$0xC300] =	vst.add.f32.msk $0xffff, v1  }
.Ltmp32:
0x423: {  	[tilespmem:s1+$0xC310] =	vst.add.f32.msk $0xffff, v2;
	(pc) =	sbr.rel @p0 .LBB2_63-.Ltmp32, $4  }
0x424: {  	[tilespmem:s1+$0xC320] =	vst.add.f32.msk $0xffff, v3  }
0x425: {  	[tilespmem:s1+$0xC330] =	vst.add.f32.msk $0xffff, v4  }
0x426: {  	[tilespmem:s1+$0xC340] =	vst.add.f32.msk $0xffff, v5  }
0x427: {  	s15 =	sadd.s32 $0x1000, s15;
	[tilespmem:s1+$0xC350] =	vst.add.f32.msk $0xffff, v6  }
0x428: {  	[tilespmem:s1+$0xC360] =	vst.add.f32.msk $0xffff, v0;
	s1 =	simm.s32 $0x0  }
0x429: {  	v0 =	vld [tilespmem:s1+$0x103F0]  }
0x42a: {  	v1 =	vld [tilespmem:s1+$0x10380]  }
0x42b: {  	v2 =	vld [tilespmem:s1+$0x10390]  }
0x42c: {  	v3 =	vld [tilespmem:s1+$0x103A0]  }
0x42d: {  	v4 =	vld [tilespmem:s1+$0x103B0]  }
0x42e: {  	v5 =	vld [tilespmem:s1+$0x103C0]  }
0x42f: {  	v6 =	vld [tilespmem:s1+$0x103D0]  }
0x430: {  	[tilespmem:s1+$0xC3F0] =	vst.add.f32.msk $0xffff, v0  }
0x431: {  	v0 =	vld [tilespmem:s1+$0x103E0]  }
0x432: {  	[tilespmem:s1+$0xC380] =	vst.add.f32.msk $0xffff, v1  }
0x433: {  	[tilespmem:s1+$0xC390] =	vst.add.f32.msk $0xffff, v2  }
0x434: {  	[tilespmem:s1+$0xC3A0] =	vst.add.f32.msk $0xffff, v3  }
0x435: {  	[tilespmem:s1+$0xC3B0] =	vst.add.f32.msk $0xffff, v4  }
0x436: {  	[tilespmem:s1+$0xC3C0] =	vst.add.f32.msk $0xffff, v5  }
0x437: {  	s18 =	simm.s32 $0x0;
	s15 =	simm.s32 $0x1000;
	[tilespmem:s1+$0xC3D0] =	vst.add.f32.msk $0xffff, v6  }
.LBB2_65:
0x438: {  	s18 =	sadd.s32 $0x8, s18;
	[tilespmem:s1+$0xC3E0] =	vst.add.f32.msk $0xffff, v0;
	s1 =	sshra.s32 s15, $0x2  }
0x439: {  	v0 =	vld [tilespmem:s1+$0x103F0];
	p0 =	slt.u32 s18, $0x78  }
0x43a: {  	v1 =	vld [tilespmem:s1+$0x10380]  }
0x43b: {  	v2 =	vld [tilespmem:s1+$0x10390]  }
0x43c: {  	v3 =	vld [tilespmem:s1+$0x103A0]  }
0x43d: {  	v4 =	vld [tilespmem:s1+$0x103B0]  }
0x43e: {  	[tilespmem:s1+$0xC3F0] =	vst.add.f32.msk $0xffff, v0  }
0x43f: {  	v5 =	vld [tilespmem:s1+$0x103C0]  }
0x440: {  	v6 =	vld [tilespmem:s1+$0x103D0]  }
0x441: {  	v0 =	vld [tilespmem:s1+$0x103E0]  }
0x442: {  	[tilespmem:s1+$0xC380] =	vst.add.f32.msk $0xffff, v1  }
.Ltmp33:
0x443: {  	[tilespmem:s1+$0xC390] =	vst.add.f32.msk $0xffff, v2;
	(pc) =	sbr.rel @p0 .LBB2_65-.Ltmp33, $4  }
0x444: {  	[tilespmem:s1+$0xC3A0] =	vst.add.f32.msk $0xffff, v3  }
0x445: {  	[tilespmem:s1+$0xC3B0] =	vst.add.f32.msk $0xffff, v4  }
0x446: {  	[tilespmem:s1+$0xC3C0] =	vst.add.f32.msk $0xffff, v5  }
0x447: {  	s15 =	sadd.s32 $0x1000, s15;
	[tilespmem:s1+$0xC3D0] =	vst.add.f32.msk $0xffff, v6  }
0x448: {  	[tilespmem:s1+$0xC3E0] =	vst.add.f32.msk $0xffff, v0;
	s10 =	sadd.s32 s4, s10;
	p0 =	seq.s32 s17, $0xF  }
0x449: {  	[hbm4b:s10+s5] =	stream.linear.scatter [tilespmem:s24], [sflag:$0x8], $0x4000, $0x38;
	[tilespmem:$0x18000] =	vst v63  }
0x44a: {  	s1 =	sadd.s32 @!p0 s9, s14  }
0x44b: {  	s10 =	sshll.u32 @!p0 s1, $0x8;
	s1 =	rddreg [dreg:$0x1]  }
0x44c: {  	s3 =	simm.s32 @!p0 $0x0;
	s15 =	simm.s32 @!p0 $0x10000;
	s1 =	sadd.s32 @!p0 s1, s10  }
0x44d: {  	[tilespmem:s15], [sflag:$0x9] =	stream.linear.gather @!p0 [hbm4b:s1+s3], $0x4000, $0x38;
	[tilespmem:$0x18000] =	vst v63  }
0x44e: {  	_ =	swait.ge [sflag:s20], $0x4000  }
0x44f: {  	[sflag:s20] =	ssyncset.done $0x0  }
0x450: {  	[sflag:s20] =	ssyncadd.s32 $0xFFFFC000  }
0x451: {  	_ =	swait.ge [sflag:s30], $0x4000  }
0x452: {  	[sflag:s30] =	ssyncset.done $0x0  }
0x453: {  	[sflag:s30] =	ssyncadd.s32 $0xFFFFC000  }
0x454: {  	_ =	swait.ge [sflag:s31], $0x4000  }
0x455: {  	s1 =	sor.u32 $0x400800, s12;
	[sflag:s31] =	ssyncset.done $0x0  }
0x456: {  	s18 =	simm.s32 $0x0;
	s15 =	sadd.s32 s2, s1;
	[sflag:s31] =	ssyncadd.s32 $0xFFFFC000  }
0x457: {  	[tilespmem:s22], [sflag:$0x3] =	stream.linear.gather [hbm4b:s15+s18], $0x4000, $0x38;
	[tilespmem:$0x18000] =	vst v63  }
0x458: {  	s18 =	simm.s32 $0x0  }
0x459: {  	v0 =	vld [tilespmem:s18+$0x14070]  }
0x45a: {  	v1 =	vld [tilespmem:s18+$0x14000]  }
0x45b: {  	v2 =	vld [tilespmem:s18+$0x14010]  }
0x45c: {  	v3 =	vld [tilespmem:s18+$0x14020]  }
0x45d: {  	v4 =	vld [tilespmem:s18+$0x14030]  }
0x45e: {  	v5 =	vld [tilespmem:s18+$0x14040]  }
0x45f: {  	v6 =	vld [tilespmem:s18+$0x14050]  }
0x460: {  	[tilespmem:s18+$0x70] =	vst.add.f32.msk $0xffff, v0  }
0x461: {  	v0 =	vld [tilespmem:s18+$0x14060]  }
0x462: {  	[tilespmem:s18+$0x0] =	vst.add.f32.msk $0xffff, v1  }
0x463: {  	[tilespmem:s18+$0x10] =	vst.add.f32.msk $0xffff, v2  }
0x464: {  	[tilespmem:s18+$0x20] =	vst.add.f32.msk $0xffff, v3  }
0x465: {  	[tilespmem:s18+$0x30] =	vst.add.f32.msk $0xffff, v4  }
0x466: {  	[tilespmem:s18+$0x40] =	vst.add.f32.msk $0xffff, v5  }
0x467: {  	s3 =	simm.s32 $0x1000;
	s15 =	simm.s32 $0x0;
	[tilespmem:s18+$0x50] =	vst.add.f32.msk $0xffff, v6  }
.LBB2_67:
0x468: {  	s15 =	sadd.s32 $0x8, s15;
	[tilespmem:s18+$0x60] =	vst.add.f32.msk $0xffff, v0;
	s18 =	sshra.s32 s3, $0x2  }
0x469: {  	v0 =	vld [tilespmem:s18+$0x14070];
	p1 =	slt.u32 s15, $0x78  }
0x46a: {  	v1 =	vld [tilespmem:s18+$0x14000]  }
0x46b: {  	v2 =	vld [tilespmem:s18+$0x14010]  }
0x46c: {  	v3 =	vld [tilespmem:s18+$0x14020]  }
0x46d: {  	v4 =	vld [tilespmem:s18+$0x14030]  }
0x46e: {  	[tilespmem:s18+$0x70] =	vst.add.f32.msk $0xffff, v0  }
0x46f: {  	v5 =	vld [tilespmem:s18+$0x14040]  }
0x470: {  	v6 =	vld [tilespmem:s18+$0x14050]  }
0x471: {  	v0 =	vld [tilespmem:s18+$0x14060]  }
0x472: {  	[tilespmem:s18+$0x0] =	vst.add.f32.msk $0xffff, v1  }
.Ltmp34:
0x473: {  	[tilespmem:s18+$0x10] =	vst.add.f32.msk $0xffff, v2;
	(pc) =	sbr.rel @p1 .LBB2_67-.Ltmp34, $4  }
0x474: {  	[tilespmem:s18+$0x20] =	vst.add.f32.msk $0xffff, v3  }
0x475: {  	[tilespmem:s18+$0x30] =	vst.add.f32.msk $0xffff, v4  }
0x476: {  	[tilespmem:s18+$0x40] =	vst.add.f32.msk $0xffff, v5  }
0x477: {  	s3 =	sadd.s32 $0x1000, s3;
	[tilespmem:s18+$0x50] =	vst.add.f32.msk $0xffff, v6  }
0x478: {  	[tilespmem:s18+$0x60] =	vst.add.f32.msk $0xffff, v0;
	s18 =	simm.s32 $0x0  }
0x479: {  	v0 =	vld [tilespmem:s18+$0x140F0]  }
0x47a: {  	v1 =	vld [tilespmem:s18+$0x14080]  }
0x47b: {  	v2 =	vld [tilespmem:s18+$0x14090]  }
0x47c: {  	v3 =	vld [tilespmem:s18+$0x140A0]  }
0x47d: {  	v4 =	vld [tilespmem:s18+$0x140B0]  }
0x47e: {  	v5 =	vld [tilespmem:s18+$0x140C0]  }
0x47f: {  	v6 =	vld [tilespmem:s18+$0x140D0]  }
0x480: {  	[tilespmem:s18+$0xF0] =	vst.add.f32.msk $0xffff, v0  }
0x481: {  	v0 =	vld [tilespmem:s18+$0x140E0]  }
0x482: {  	[tilespmem:s18+$0x80] =	vst.add.f32.msk $0xffff, v1  }
0x483: {  	[tilespmem:s18+$0x90] =	vst.add.f32.msk $0xffff, v2  }
0x484: {  	[tilespmem:s18+$0xA0] =	vst.add.f32.msk $0xffff, v3  }
0x485: {  	[tilespmem:s18+$0xB0] =	vst.add.f32.msk $0xffff, v4  }
0x486: {  	[tilespmem:s18+$0xC0] =	vst.add.f32.msk $0xffff, v5  }
0x487: {  	s15 =	simm.s32 $0x0;
	s3 =	simm.s32 $0x1000;
	[tilespmem:s18+$0xD0] =	vst.add.f32.msk $0xffff, v6  }
.LBB2_69:
0x488: {  	s15 =	sadd.s32 $0x8, s15;
	[tilespmem:s18+$0xE0] =	vst.add.f32.msk $0xffff, v0;
	s18 =	sshra.s32 s3, $0x2  }
0x489: {  	v0 =	vld [tilespmem:s18+$0x140F0];
	p1 =	slt.u32 s15, $0x78  }
0x48a: {  	v1 =	vld [tilespmem:s18+$0x14080]  }
0x48b: {  	v2 =	vld [tilespmem:s18+$0x14090]  }
0x48c: {  	v3 =	vld [tilespmem:s18+$0x140A0]  }
0x48d: {  	v4 =	vld [tilespmem:s18+$0x140B0]  }
0x48e: {  	[tilespmem:s18+$0xF0] =	vst.add.f32.msk $0xffff, v0  }
0x48f: {  	v5 =	vld [tilespmem:s18+$0x140C0]  }
0x490: {  	v6 =	vld [tilespmem:s18+$0x140D0]  }
0x491: {  	v0 =	vld [tilespmem:s18+$0x140E0]  }
0x492: {  	[tilespmem:s18+$0x80] =	vst.add.f32.msk $0xffff, v1  }
.Ltmp35:
0x493: {  	[tilespmem:s18+$0x90] =	vst.add.f32.msk $0xffff, v2;
	(pc) =	sbr.rel @p1 .LBB2_69-.Ltmp35, $4  }
0x494: {  	[tilespmem:s18+$0xA0] =	vst.add.f32.msk $0xffff, v3  }
0x495: {  	[tilespmem:s18+$0xB0] =	vst.add.f32.msk $0xffff, v4  }
0x496: {  	[tilespmem:s18+$0xC0] =	vst.add.f32.msk $0xffff, v5  }
0x497: {  	s3 =	sadd.s32 $0x1000, s3;
	[tilespmem:s18+$0xD0] =	vst.add.f32.msk $0xffff, v6  }
0x498: {  	[tilespmem:s18+$0xE0] =	vst.add.f32.msk $0xffff, v0;
	s18 =	simm.s32 $0x0  }
0x499: {  	v0 =	vld [tilespmem:s18+$0x14170]  }
0x49a: {  	v1 =	vld [tilespmem:s18+$0x14100]  }
0x49b: {  	v2 =	vld [tilespmem:s18+$0x14110]  }
0x49c: {  	v3 =	vld [tilespmem:s18+$0x14120]  }
0x49d: {  	v4 =	vld [tilespmem:s18+$0x14130]  }
0x49e: {  	v5 =	vld [tilespmem:s18+$0x14140]  }
0x49f: {  	v6 =	vld [tilespmem:s18+$0x14150]  }
0x4a0: {  	[tilespmem:s18+$0x170] =	vst.add.f32.msk $0xffff, v0  }
0x4a1: {  	v0 =	vld [tilespmem:s18+$0x14160]  }
0x4a2: {  	[tilespmem:s18+$0x100] =	vst.add.f32.msk $0xffff, v1  }
0x4a3: {  	[tilespmem:s18+$0x110] =	vst.add.f32.msk $0xffff, v2  }
0x4a4: {  	[tilespmem:s18+$0x120] =	vst.add.f32.msk $0xffff, v3  }
0x4a5: {  	[tilespmem:s18+$0x130] =	vst.add.f32.msk $0xffff, v4  }
0x4a6: {  	[tilespmem:s18+$0x140] =	vst.add.f32.msk $0xffff, v5  }
0x4a7: {  	s15 =	simm.s32 $0x0;
	s3 =	simm.s32 $0x1000;
	[tilespmem:s18+$0x150] =	vst.add.f32.msk $0xffff, v6  }
.LBB2_71:
0x4a8: {  	s15 =	sadd.s32 $0x8, s15;
	[tilespmem:s18+$0x160] =	vst.add.f32.msk $0xffff, v0;
	s18 =	sshra.s32 s3, $0x2  }
0x4a9: {  	v0 =	vld [tilespmem:s18+$0x14170];
	p1 =	slt.u32 s15, $0x78  }
0x4aa: {  	v1 =	vld [tilespmem:s18+$0x14100]  }
0x4ab: {  	v2 =	vld [tilespmem:s18+$0x14110]  }
0x4ac: {  	v3 =	vld [tilespmem:s18+$0x14120]  }
0x4ad: {  	v4 =	vld [tilespmem:s18+$0x14130]  }
0x4ae: {  	[tilespmem:s18+$0x170] =	vst.add.f32.msk $0xffff, v0  }
0x4af: {  	v5 =	vld [tilespmem:s18+$0x14140]  }
0x4b0: {  	v6 =	vld [tilespmem:s18+$0x14150]  }
0x4b1: {  	v0 =	vld [tilespmem:s18+$0x14160]  }
0x4b2: {  	[tilespmem:s18+$0x100] =	vst.add.f32.msk $0xffff, v1  }
.Ltmp36:
0x4b3: {  	[tilespmem:s18+$0x110] =	vst.add.f32.msk $0xffff, v2;
	(pc) =	sbr.rel @p1 .LBB2_71-.Ltmp36, $4  }
0x4b4: {  	[tilespmem:s18+$0x120] =	vst.add.f32.msk $0xffff, v3  }
0x4b5: {  	[tilespmem:s18+$0x130] =	vst.add.f32.msk $0xffff, v4  }
0x4b6: {  	[tilespmem:s18+$0x140] =	vst.add.f32.msk $0xffff, v5  }
0x4b7: {  	s3 =	sadd.s32 $0x1000, s3;
	[tilespmem:s18+$0x150] =	vst.add.f32.msk $0xffff, v6  }
0x4b8: {  	[tilespmem:s18+$0x160] =	vst.add.f32.msk $0xffff, v0;
	s18 =	simm.s32 $0x0  }
0x4b9: {  	v0 =	vld [tilespmem:s18+$0x141F0]  }
0x4ba: {  	v1 =	vld [tilespmem:s18+$0x14180]  }
0x4bb: {  	v2 =	vld [tilespmem:s18+$0x14190]  }
0x4bc: {  	v3 =	vld [tilespmem:s18+$0x141A0]  }
0x4bd: {  	v4 =	vld [tilespmem:s18+$0x141B0]  }
0x4be: {  	v5 =	vld [tilespmem:s18+$0x141C0]  }
0x4bf: {  	v6 =	vld [tilespmem:s18+$0x141D0]  }
0x4c0: {  	[tilespmem:s18+$0x1F0] =	vst.add.f32.msk $0xffff, v0  }
0x4c1: {  	v0 =	vld [tilespmem:s18+$0x141E0]  }
0x4c2: {  	[tilespmem:s18+$0x180] =	vst.add.f32.msk $0xffff, v1  }
0x4c3: {  	[tilespmem:s18+$0x190] =	vst.add.f32.msk $0xffff, v2  }
0x4c4: {  	[tilespmem:s18+$0x1A0] =	vst.add.f32.msk $0xffff, v3  }
0x4c5: {  	[tilespmem:s18+$0x1B0] =	vst.add.f32.msk $0xffff, v4  }
0x4c6: {  	[tilespmem:s18+$0x1C0] =	vst.add.f32.msk $0xffff, v5  }
0x4c7: {  	s15 =	simm.s32 $0x0;
	s3 =	simm.s32 $0x1000;
	[tilespmem:s18+$0x1D0] =	vst.add.f32.msk $0xffff, v6  }
.LBB2_73:
0x4c8: {  	s15 =	sadd.s32 $0x8, s15;
	[tilespmem:s18+$0x1E0] =	vst.add.f32.msk $0xffff, v0;
	s18 =	sshra.s32 s3, $0x2  }
0x4c9: {  	v0 =	vld [tilespmem:s18+$0x141F0];
	p1 =	slt.u32 s15, $0x78  }
0x4ca: {  	v1 =	vld [tilespmem:s18+$0x14180]  }
0x4cb: {  	v2 =	vld [tilespmem:s18+$0x14190]  }
0x4cc: {  	v3 =	vld [tilespmem:s18+$0x141A0]  }
0x4cd: {  	v4 =	vld [tilespmem:s18+$0x141B0]  }
0x4ce: {  	[tilespmem:s18+$0x1F0] =	vst.add.f32.msk $0xffff, v0  }
0x4cf: {  	v5 =	vld [tilespmem:s18+$0x141C0]  }
0x4d0: {  	v6 =	vld [tilespmem:s18+$0x141D0]  }
0x4d1: {  	v0 =	vld [tilespmem:s18+$0x141E0]  }
0x4d2: {  	[tilespmem:s18+$0x180] =	vst.add.f32.msk $0xffff, v1  }
.Ltmp37:
0x4d3: {  	[tilespmem:s18+$0x190] =	vst.add.f32.msk $0xffff, v2;
	(pc) =	sbr.rel @p1 .LBB2_73-.Ltmp37, $4  }
0x4d4: {  	[tilespmem:s18+$0x1A0] =	vst.add.f32.msk $0xffff, v3  }
0x4d5: {  	[tilespmem:s18+$0x1B0] =	vst.add.f32.msk $0xffff, v4  }
0x4d6: {  	[tilespmem:s18+$0x1C0] =	vst.add.f32.msk $0xffff, v5  }
0x4d7: {  	s3 =	sadd.s32 $0x1000, s3;
	[tilespmem:s18+$0x1D0] =	vst.add.f32.msk $0xffff, v6  }
0x4d8: {  	[tilespmem:s18+$0x1E0] =	vst.add.f32.msk $0xffff, v0;
	s18 =	simm.s32 $0x0  }
0x4d9: {  	v0 =	vld [tilespmem:s18+$0x14270]  }
0x4da: {  	v1 =	vld [tilespmem:s18+$0x14200]  }
0x4db: {  	v2 =	vld [tilespmem:s18+$0x14210]  }
0x4dc: {  	v3 =	vld [tilespmem:s18+$0x14220]  }
0x4dd: {  	v4 =	vld [tilespmem:s18+$0x14230]  }
0x4de: {  	v5 =	vld [tilespmem:s18+$0x14240]  }
0x4df: {  	v6 =	vld [tilespmem:s18+$0x14250]  }
0x4e0: {  	[tilespmem:s18+$0x270] =	vst.add.f32.msk $0xffff, v0  }
0x4e1: {  	v0 =	vld [tilespmem:s18+$0x14260]  }
0x4e2: {  	[tilespmem:s18+$0x200] =	vst.add.f32.msk $0xffff, v1  }
0x4e3: {  	[tilespmem:s18+$0x210] =	vst.add.f32.msk $0xffff, v2  }
0x4e4: {  	[tilespmem:s18+$0x220] =	vst.add.f32.msk $0xffff, v3  }
0x4e5: {  	[tilespmem:s18+$0x230] =	vst.add.f32.msk $0xffff, v4  }
0x4e6: {  	[tilespmem:s18+$0x240] =	vst.add.f32.msk $0xffff, v5  }
0x4e7: {  	s15 =	simm.s32 $0x0;
	s3 =	simm.s32 $0x1000;
	[tilespmem:s18+$0x250] =	vst.add.f32.msk $0xffff, v6  }
.LBB2_75:
0x4e8: {  	s15 =	sadd.s32 $0x8, s15;
	[tilespmem:s18+$0x260] =	vst.add.f32.msk $0xffff, v0;
	s18 =	sshra.s32 s3, $0x2  }
0x4e9: {  	v0 =	vld [tilespmem:s18+$0x14270];
	p1 =	slt.u32 s15, $0x78  }
0x4ea: {  	v1 =	vld [tilespmem:s18+$0x14200]  }
0x4eb: {  	v2 =	vld [tilespmem:s18+$0x14210]  }
0x4ec: {  	v3 =	vld [tilespmem:s18+$0x14220]  }
0x4ed: {  	v4 =	vld [tilespmem:s18+$0x14230]  }
0x4ee: {  	[tilespmem:s18+$0x270] =	vst.add.f32.msk $0xffff, v0  }
0x4ef: {  	v5 =	vld [tilespmem:s18+$0x14240]  }
0x4f0: {  	v6 =	vld [tilespmem:s18+$0x14250]  }
0x4f1: {  	v0 =	vld [tilespmem:s18+$0x14260]  }
0x4f2: {  	[tilespmem:s18+$0x200] =	vst.add.f32.msk $0xffff, v1  }
.Ltmp38:
0x4f3: {  	[tilespmem:s18+$0x210] =	vst.add.f32.msk $0xffff, v2;
	(pc) =	sbr.rel @p1 .LBB2_75-.Ltmp38, $4  }
0x4f4: {  	[tilespmem:s18+$0x220] =	vst.add.f32.msk $0xffff, v3  }
0x4f5: {  	[tilespmem:s18+$0x230] =	vst.add.f32.msk $0xffff, v4  }
0x4f6: {  	[tilespmem:s18+$0x240] =	vst.add.f32.msk $0xffff, v5  }
0x4f7: {  	s3 =	sadd.s32 $0x1000, s3;
	[tilespmem:s18+$0x250] =	vst.add.f32.msk $0xffff, v6  }
0x4f8: {  	[tilespmem:s18+$0x260] =	vst.add.f32.msk $0xffff, v0;
	s18 =	simm.s32 $0x0  }
0x4f9: {  	v0 =	vld [tilespmem:s18+$0x142F0]  }
0x4fa: {  	v1 =	vld [tilespmem:s18+$0x14280]  }
0x4fb: {  	v2 =	vld [tilespmem:s18+$0x14290]  }
0x4fc: {  	v3 =	vld [tilespmem:s18+$0x142A0]  }
0x4fd: {  	v4 =	vld [tilespmem:s18+$0x142B0]  }
0x4fe: {  	v5 =	vld [tilespmem:s18+$0x142C0]  }
0x4ff: {  	v6 =	vld [tilespmem:s18+$0x142D0]  }
0x500: {  	[tilespmem:s18+$0x2F0] =	vst.add.f32.msk $0xffff, v0  }
0x501: {  	v0 =	vld [tilespmem:s18+$0x142E0]  }
0x502: {  	[tilespmem:s18+$0x280] =	vst.add.f32.msk $0xffff, v1  }
0x503: {  	[tilespmem:s18+$0x290] =	vst.add.f32.msk $0xffff, v2  }
0x504: {  	[tilespmem:s18+$0x2A0] =	vst.add.f32.msk $0xffff, v3  }
0x505: {  	[tilespmem:s18+$0x2B0] =	vst.add.f32.msk $0xffff, v4  }
0x506: {  	[tilespmem:s18+$0x2C0] =	vst.add.f32.msk $0xffff, v5  }
0x507: {  	s15 =	simm.s32 $0x0;
	s3 =	simm.s32 $0x1000;
	[tilespmem:s18+$0x2D0] =	vst.add.f32.msk $0xffff, v6  }
.LBB2_77:
0x508: {  	s15 =	sadd.s32 $0x8, s15;
	[tilespmem:s18+$0x2E0] =	vst.add.f32.msk $0xffff, v0;
	s18 =	sshra.s32 s3, $0x2  }
0x509: {  	v0 =	vld [tilespmem:s18+$0x142F0];
	p1 =	slt.u32 s15, $0x78  }
0x50a: {  	v1 =	vld [tilespmem:s18+$0x14280]  }
0x50b: {  	v2 =	vld [tilespmem:s18+$0x14290]  }
0x50c: {  	v3 =	vld [tilespmem:s18+$0x142A0]  }
0x50d: {  	v4 =	vld [tilespmem:s18+$0x142B0]  }
0x50e: {  	[tilespmem:s18+$0x2F0] =	vst.add.f32.msk $0xffff, v0  }
0x50f: {  	v5 =	vld [tilespmem:s18+$0x142C0]  }
0x510: {  	v6 =	vld [tilespmem:s18+$0x142D0]  }
0x511: {  	v0 =	vld [tilespmem:s18+$0x142E0]  }
0x512: {  	[tilespmem:s18+$0x280] =	vst.add.f32.msk $0xffff, v1  }
.Ltmp39:
0x513: {  	[tilespmem:s18+$0x290] =	vst.add.f32.msk $0xffff, v2;
	(pc) =	sbr.rel @p1 .LBB2_77-.Ltmp39, $4  }
0x514: {  	[tilespmem:s18+$0x2A0] =	vst.add.f32.msk $0xffff, v3  }
0x515: {  	[tilespmem:s18+$0x2B0] =	vst.add.f32.msk $0xffff, v4  }
0x516: {  	[tilespmem:s18+$0x2C0] =	vst.add.f32.msk $0xffff, v5  }
0x517: {  	s3 =	sadd.s32 $0x1000, s3;
	[tilespmem:s18+$0x2D0] =	vst.add.f32.msk $0xffff, v6  }
0x518: {  	[tilespmem:s18+$0x2E0] =	vst.add.f32.msk $0xffff, v0;
	s18 =	simm.s32 $0x0  }
0x519: {  	v0 =	vld [tilespmem:s18+$0x14370]  }
0x51a: {  	v1 =	vld [tilespmem:s18+$0x14300]  }
0x51b: {  	v2 =	vld [tilespmem:s18+$0x14310]  }
0x51c: {  	v3 =	vld [tilespmem:s18+$0x14320]  }
0x51d: {  	v4 =	vld [tilespmem:s18+$0x14330]  }
0x51e: {  	v5 =	vld [tilespmem:s18+$0x14340]  }
0x51f: {  	v6 =	vld [tilespmem:s18+$0x14350]  }
0x520: {  	[tilespmem:s18+$0x370] =	vst.add.f32.msk $0xffff, v0  }
0x521: {  	v0 =	vld [tilespmem:s18+$0x14360]  }
0x522: {  	[tilespmem:s18+$0x300] =	vst.add.f32.msk $0xffff, v1  }
0x523: {  	[tilespmem:s18+$0x310] =	vst.add.f32.msk $0xffff, v2  }
0x524: {  	[tilespmem:s18+$0x320] =	vst.add.f32.msk $0xffff, v3  }
0x525: {  	[tilespmem:s18+$0x330] =	vst.add.f32.msk $0xffff, v4  }
0x526: {  	[tilespmem:s18+$0x340] =	vst.add.f32.msk $0xffff, v5  }
0x527: {  	s15 =	simm.s32 $0x0;
	s3 =	simm.s32 $0x1000;
	[tilespmem:s18+$0x350] =	vst.add.f32.msk $0xffff, v6  }
.LBB2_79:
0x528: {  	s15 =	sadd.s32 $0x8, s15;
	[tilespmem:s18+$0x360] =	vst.add.f32.msk $0xffff, v0;
	s18 =	sshra.s32 s3, $0x2  }
0x529: {  	v0 =	vld [tilespmem:s18+$0x14370];
	p1 =	slt.u32 s15, $0x78  }
0x52a: {  	v1 =	vld [tilespmem:s18+$0x14300]  }
0x52b: {  	v2 =	vld [tilespmem:s18+$0x14310]  }
0x52c: {  	v3 =	vld [tilespmem:s18+$0x14320]  }
0x52d: {  	v4 =	vld [tilespmem:s18+$0x14330]  }
0x52e: {  	[tilespmem:s18+$0x370] =	vst.add.f32.msk $0xffff, v0  }
0x52f: {  	v5 =	vld [tilespmem:s18+$0x14340]  }
0x530: {  	v6 =	vld [tilespmem:s18+$0x14350]  }
0x531: {  	v0 =	vld [tilespmem:s18+$0x14360]  }
0x532: {  	[tilespmem:s18+$0x300] =	vst.add.f32.msk $0xffff, v1  }
.Ltmp40:
0x533: {  	[tilespmem:s18+$0x310] =	vst.add.f32.msk $0xffff, v2;
	(pc) =	sbr.rel @p1 .LBB2_79-.Ltmp40, $4  }
0x534: {  	[tilespmem:s18+$0x320] =	vst.add.f32.msk $0xffff, v3  }
0x535: {  	[tilespmem:s18+$0x330] =	vst.add.f32.msk $0xffff, v4  }
0x536: {  	[tilespmem:s18+$0x340] =	vst.add.f32.msk $0xffff, v5  }
0x537: {  	s3 =	sadd.s32 $0x1000, s3;
	[tilespmem:s18+$0x350] =	vst.add.f32.msk $0xffff, v6  }
0x538: {  	[tilespmem:s18+$0x360] =	vst.add.f32.msk $0xffff, v0;
	s18 =	simm.s32 $0x0  }
0x539: {  	v0 =	vld [tilespmem:s18+$0x143F0]  }
0x53a: {  	v1 =	vld [tilespmem:s18+$0x14380]  }
0x53b: {  	v2 =	vld [tilespmem:s18+$0x14390]  }
0x53c: {  	v3 =	vld [tilespmem:s18+$0x143A0]  }
0x53d: {  	v4 =	vld [tilespmem:s18+$0x143B0]  }
0x53e: {  	v5 =	vld [tilespmem:s18+$0x143C0]  }
0x53f: {  	v6 =	vld [tilespmem:s18+$0x143D0]  }
0x540: {  	[tilespmem:s18+$0x3F0] =	vst.add.f32.msk $0xffff, v0  }
0x541: {  	v0 =	vld [tilespmem:s18+$0x143E0]  }
0x542: {  	[tilespmem:s18+$0x380] =	vst.add.f32.msk $0xffff, v1  }
0x543: {  	[tilespmem:s18+$0x390] =	vst.add.f32.msk $0xffff, v2  }
0x544: {  	[tilespmem:s18+$0x3A0] =	vst.add.f32.msk $0xffff, v3  }
0x545: {  	[tilespmem:s18+$0x3B0] =	vst.add.f32.msk $0xffff, v4  }
0x546: {  	[tilespmem:s18+$0x3C0] =	vst.add.f32.msk $0xffff, v5  }
0x547: {  	s15 =	simm.s32 $0x0;
	s3 =	simm.s32 $0x1000;
	[tilespmem:s18+$0x3D0] =	vst.add.f32.msk $0xffff, v6  }
.LBB2_81:
0x548: {  	s15 =	sadd.s32 $0x8, s15;
	[tilespmem:s18+$0x3E0] =	vst.add.f32.msk $0xffff, v0;
	s18 =	sshra.s32 s3, $0x2  }
0x549: {  	v0 =	vld [tilespmem:s18+$0x143F0];
	p1 =	slt.u32 s15, $0x78  }
0x54a: {  	v1 =	vld [tilespmem:s18+$0x14380]  }
0x54b: {  	v2 =	vld [tilespmem:s18+$0x14390]  }
0x54c: {  	v3 =	vld [tilespmem:s18+$0x143A0]  }
0x54d: {  	v4 =	vld [tilespmem:s18+$0x143B0]  }
0x54e: {  	[tilespmem:s18+$0x3F0] =	vst.add.f32.msk $0xffff, v0  }
0x54f: {  	v5 =	vld [tilespmem:s18+$0x143C0]  }
0x550: {  	v6 =	vld [tilespmem:s18+$0x143D0]  }
0x551: {  	v0 =	vld [tilespmem:s18+$0x143E0]  }
0x552: {  	[tilespmem:s18+$0x380] =	vst.add.f32.msk $0xffff, v1  }
.Ltmp41:
0x553: {  	[tilespmem:s18+$0x390] =	vst.add.f32.msk $0xffff, v2;
	(pc) =	sbr.rel @p1 .LBB2_81-.Ltmp41, $4  }
0x554: {  	[tilespmem:s18+$0x3A0] =	vst.add.f32.msk $0xffff, v3  }
0x555: {  	[tilespmem:s18+$0x3B0] =	vst.add.f32.msk $0xffff, v4  }
0x556: {  	[tilespmem:s18+$0x3C0] =	vst.add.f32.msk $0xffff, v5  }
0x557: {  	s3 =	sadd.s32 $0x1000, s3;
	[tilespmem:s18+$0x3D0] =	vst.add.f32.msk $0xffff, v6  }
0x558: {  	[tilespmem:s18+$0x3E0] =	vst.add.f32.msk $0xffff, v0;
	s3 =	sadd.s32 s4, s16;
	s15 =	simm.s32 $0x0  }
0x559: {  	[hbm4b:s3+s15] =	stream.linear.scatter [tilespmem:s15], [sflag:$0x5], $0x4000, $0x38;
	[tilespmem:$0x18000] =	vst v63  }
0x55a: {  	_ =	swait.ge [sflag:s23], $0x4000  }
0x55b: {  	[sflag:s23] =	ssyncset.done $0x0  }
0x55c: {  	[sflag:s23] =	ssyncadd.s32 $0xFFFFC000  }
0x55d: {  	_ =	swait.ge [sflag:s0], $0x4000  }
0x55e: {  	s12 =	sor.u32 $0x600800, s12;
	[sflag:s0] =	ssyncset.done $0x0  }
0x55f: {  	s16 =	simm.s32 $0x0;
	s18 =	sadd.s32 s2, s12;
	[sflag:s0] =	ssyncadd.s32 $0xFFFFC000  }
0x560: {  	[tilespmem:s24], [sflag:$0x4] =	stream.linear.gather [hbm4b:s18+s15], $0x4000, $0x38;
	[tilespmem:$0x18000] =	vst v63  }
0x561: {  	v0 =	vld [tilespmem:s16+$0x14070]  }
0x562: {  	v1 =	vld [tilespmem:s16+$0x14000]  }
0x563: {  	v2 =	vld [tilespmem:s16+$0x14010]  }
0x564: {  	v3 =	vld [tilespmem:s16+$0x14020]  }
0x565: {  	v4 =	vld [tilespmem:s16+$0x14030]  }
0x566: {  	v5 =	vld [tilespmem:s16+$0x14040]  }
0x567: {  	v6 =	vld [tilespmem:s16+$0x14050]  }
0x568: {  	[tilespmem:s16+$0x4070] =	vst.add.f32.msk $0xffff, v0  }
0x569: {  	v0 =	vld [tilespmem:s16+$0x14060]  }
0x56a: {  	[tilespmem:s16+$0x4000] =	vst.add.f32.msk $0xffff, v1  }
0x56b: {  	[tilespmem:s16+$0x4010] =	vst.add.f32.msk $0xffff, v2  }
0x56c: {  	[tilespmem:s16+$0x4020] =	vst.add.f32.msk $0xffff, v3  }
0x56d: {  	[tilespmem:s16+$0x4030] =	vst.add.f32.msk $0xffff, v4  }
0x56e: {  	[tilespmem:s16+$0x4040] =	vst.add.f32.msk $0xffff, v5  }
0x56f: {  	s3 =	simm.s32 $0x1000;
	s15 =	simm.s32 $0x0;
	[tilespmem:s16+$0x4050] =	vst.add.f32.msk $0xffff, v6  }
.LBB2_83:
0x570: {  	s15 =	sadd.s32 $0x8, s15;
	[tilespmem:s16+$0x4060] =	vst.add.f32.msk $0xffff, v0;
	s16 =	sshra.s32 s3, $0x2  }
0x571: {  	v0 =	vld [tilespmem:s16+$0x14070];
	p1 =	slt.u32 s15, $0x78  }
0x572: {  	v1 =	vld [tilespmem:s16+$0x14000]  }
0x573: {  	v2 =	vld [tilespmem:s16+$0x14010]  }
0x574: {  	v3 =	vld [tilespmem:s16+$0x14020]  }
0x575: {  	v4 =	vld [tilespmem:s16+$0x14030]  }
0x576: {  	[tilespmem:s16+$0x4070] =	vst.add.f32.msk $0xffff, v0  }
0x577: {  	v5 =	vld [tilespmem:s16+$0x14040]  }
0x578: {  	v6 =	vld [tilespmem:s16+$0x14050]  }
0x579: {  	v0 =	vld [tilespmem:s16+$0x14060]  }
0x57a: {  	[tilespmem:s16+$0x4000] =	vst.add.f32.msk $0xffff, v1  }
.Ltmp42:
0x57b: {  	[tilespmem:s16+$0x4010] =	vst.add.f32.msk $0xffff, v2;
	(pc) =	sbr.rel @p1 .LBB2_83-.Ltmp42, $4  }
0x57c: {  	[tilespmem:s16+$0x4020] =	vst.add.f32.msk $0xffff, v3  }
0x57d: {  	[tilespmem:s16+$0x4030] =	vst.add.f32.msk $0xffff, v4  }
0x57e: {  	[tilespmem:s16+$0x4040] =	vst.add.f32.msk $0xffff, v5  }
0x57f: {  	s3 =	sadd.s32 $0x1000, s3;
	[tilespmem:s16+$0x4050] =	vst.add.f32.msk $0xffff, v6  }
0x580: {  	[tilespmem:s16+$0x4060] =	vst.add.f32.msk $0xffff, v0;
	s16 =	simm.s32 $0x0  }
0x581: {  	v0 =	vld [tilespmem:s16+$0x140F0]  }
0x582: {  	v1 =	vld [tilespmem:s16+$0x14080]  }
0x583: {  	v2 =	vld [tilespmem:s16+$0x14090]  }
0x584: {  	v3 =	vld [tilespmem:s16+$0x140A0]  }
0x585: {  	v4 =	vld [tilespmem:s16+$0x140B0]  }
0x586: {  	v5 =	vld [tilespmem:s16+$0x140C0]  }
0x587: {  	v6 =	vld [tilespmem:s16+$0x140D0]  }
0x588: {  	[tilespmem:s16+$0x40F0] =	vst.add.f32.msk $0xffff, v0  }
0x589: {  	v0 =	vld [tilespmem:s16+$0x140E0]  }
0x58a: {  	[tilespmem:s16+$0x4080] =	vst.add.f32.msk $0xffff, v1  }
0x58b: {  	[tilespmem:s16+$0x4090] =	vst.add.f32.msk $0xffff, v2  }
0x58c: {  	[tilespmem:s16+$0x40A0] =	vst.add.f32.msk $0xffff, v3  }
0x58d: {  	[tilespmem:s16+$0x40B0] =	vst.add.f32.msk $0xffff, v4  }
0x58e: {  	[tilespmem:s16+$0x40C0] =	vst.add.f32.msk $0xffff, v5  }
0x58f: {  	s15 =	simm.s32 $0x0;
	s3 =	simm.s32 $0x1000;
	[tilespmem:s16+$0x40D0] =	vst.add.f32.msk $0xffff, v6  }
.LBB2_85:
0x590: {  	s15 =	sadd.s32 $0x8, s15;
	[tilespmem:s16+$0x40E0] =	vst.add.f32.msk $0xffff, v0;
	s16 =	sshra.s32 s3, $0x2  }
0x591: {  	v0 =	vld [tilespmem:s16+$0x140F0];
	p1 =	slt.u32 s15, $0x78  }
0x592: {  	v1 =	vld [tilespmem:s16+$0x14080]  }
0x593: {  	v2 =	vld [tilespmem:s16+$0x14090]  }
0x594: {  	v3 =	vld [tilespmem:s16+$0x140A0]  }
0x595: {  	v4 =	vld [tilespmem:s16+$0x140B0]  }
0x596: {  	[tilespmem:s16+$0x40F0] =	vst.add.f32.msk $0xffff, v0  }
0x597: {  	v5 =	vld [tilespmem:s16+$0x140C0]  }
0x598: {  	v6 =	vld [tilespmem:s16+$0x140D0]  }
0x599: {  	v0 =	vld [tilespmem:s16+$0x140E0]  }
0x59a: {  	[tilespmem:s16+$0x4080] =	vst.add.f32.msk $0xffff, v1  }
.Ltmp43:
0x59b: {  	[tilespmem:s16+$0x4090] =	vst.add.f32.msk $0xffff, v2;
	(pc) =	sbr.rel @p1 .LBB2_85-.Ltmp43, $4  }
0x59c: {  	[tilespmem:s16+$0x40A0] =	vst.add.f32.msk $0xffff, v3  }
0x59d: {  	[tilespmem:s16+$0x40B0] =	vst.add.f32.msk $0xffff, v4  }
0x59e: {  	[tilespmem:s16+$0x40C0] =	vst.add.f32.msk $0xffff, v5  }
0x59f: {  	s3 =	sadd.s32 $0x1000, s3;
	[tilespmem:s16+$0x40D0] =	vst.add.f32.msk $0xffff, v6  }
0x5a0: {  	[tilespmem:s16+$0x40E0] =	vst.add.f32.msk $0xffff, v0;
	s16 =	simm.s32 $0x0  }
0x5a1: {  	v0 =	vld [tilespmem:s16+$0x14170]  }
0x5a2: {  	v1 =	vld [tilespmem:s16+$0x14100]  }
0x5a3: {  	v2 =	vld [tilespmem:s16+$0x14110]  }
0x5a4: {  	v3 =	vld [tilespmem:s16+$0x14120]  }
0x5a5: {  	v4 =	vld [tilespmem:s16+$0x14130]  }
0x5a6: {  	v5 =	vld [tilespmem:s16+$0x14140]  }
0x5a7: {  	v6 =	vld [tilespmem:s16+$0x14150]  }
0x5a8: {  	[tilespmem:s16+$0x4170] =	vst.add.f32.msk $0xffff, v0  }
0x5a9: {  	v0 =	vld [tilespmem:s16+$0x14160]  }
0x5aa: {  	[tilespmem:s16+$0x4100] =	vst.add.f32.msk $0xffff, v1  }
0x5ab: {  	[tilespmem:s16+$0x4110] =	vst.add.f32.msk $0xffff, v2  }
0x5ac: {  	[tilespmem:s16+$0x4120] =	vst.add.f32.msk $0xffff, v3  }
0x5ad: {  	[tilespmem:s16+$0x4130] =	vst.add.f32.msk $0xffff, v4  }
0x5ae: {  	[tilespmem:s16+$0x4140] =	vst.add.f32.msk $0xffff, v5  }
0x5af: {  	s15 =	simm.s32 $0x0;
	s3 =	simm.s32 $0x1000;
	[tilespmem:s16+$0x4150] =	vst.add.f32.msk $0xffff, v6  }
.LBB2_87:
0x5b0: {  	s15 =	sadd.s32 $0x8, s15;
	[tilespmem:s16+$0x4160] =	vst.add.f32.msk $0xffff, v0;
	s16 =	sshra.s32 s3, $0x2  }
0x5b1: {  	v0 =	vld [tilespmem:s16+$0x14170];
	p1 =	slt.u32 s15, $0x78  }
0x5b2: {  	v1 =	vld [tilespmem:s16+$0x14100]  }
0x5b3: {  	v2 =	vld [tilespmem:s16+$0x14110]  }
0x5b4: {  	v3 =	vld [tilespmem:s16+$0x14120]  }
0x5b5: {  	v4 =	vld [tilespmem:s16+$0x14130]  }
0x5b6: {  	[tilespmem:s16+$0x4170] =	vst.add.f32.msk $0xffff, v0  }
0x5b7: {  	v5 =	vld [tilespmem:s16+$0x14140]  }
0x5b8: {  	v6 =	vld [tilespmem:s16+$0x14150]  }
0x5b9: {  	v0 =	vld [tilespmem:s16+$0x14160]  }
0x5ba: {  	[tilespmem:s16+$0x4100] =	vst.add.f32.msk $0xffff, v1  }
.Ltmp44:
0x5bb: {  	[tilespmem:s16+$0x4110] =	vst.add.f32.msk $0xffff, v2;
	(pc) =	sbr.rel @p1 .LBB2_87-.Ltmp44, $4  }
0x5bc: {  	[tilespmem:s16+$0x4120] =	vst.add.f32.msk $0xffff, v3  }
0x5bd: {  	[tilespmem:s16+$0x4130] =	vst.add.f32.msk $0xffff, v4  }
0x5be: {  	[tilespmem:s16+$0x4140] =	vst.add.f32.msk $0xffff, v5  }
0x5bf: {  	s3 =	sadd.s32 $0x1000, s3;
	[tilespmem:s16+$0x4150] =	vst.add.f32.msk $0xffff, v6  }
0x5c0: {  	[tilespmem:s16+$0x4160] =	vst.add.f32.msk $0xffff, v0;
	s16 =	simm.s32 $0x0  }
0x5c1: {  	v0 =	vld [tilespmem:s16+$0x141F0]  }
0x5c2: {  	v1 =	vld [tilespmem:s16+$0x14180]  }
0x5c3: {  	v2 =	vld [tilespmem:s16+$0x14190]  }
0x5c4: {  	v3 =	vld [tilespmem:s16+$0x141A0]  }
0x5c5: {  	v4 =	vld [tilespmem:s16+$0x141B0]  }
0x5c6: {  	v5 =	vld [tilespmem:s16+$0x141C0]  }
0x5c7: {  	v6 =	vld [tilespmem:s16+$0x141D0]  }
0x5c8: {  	[tilespmem:s16+$0x41F0] =	vst.add.f32.msk $0xffff, v0  }
0x5c9: {  	v0 =	vld [tilespmem:s16+$0x141E0]  }
0x5ca: {  	[tilespmem:s16+$0x4180] =	vst.add.f32.msk $0xffff, v1  }
0x5cb: {  	[tilespmem:s16+$0x4190] =	vst.add.f32.msk $0xffff, v2  }
0x5cc: {  	[tilespmem:s16+$0x41A0] =	vst.add.f32.msk $0xffff, v3  }
0x5cd: {  	[tilespmem:s16+$0x41B0] =	vst.add.f32.msk $0xffff, v4  }
0x5ce: {  	[tilespmem:s16+$0x41C0] =	vst.add.f32.msk $0xffff, v5  }
0x5cf: {  	s15 =	simm.s32 $0x0;
	s3 =	simm.s32 $0x1000;
	[tilespmem:s16+$0x41D0] =	vst.add.f32.msk $0xffff, v6  }
.LBB2_89:
0x5d0: {  	s15 =	sadd.s32 $0x8, s15;
	[tilespmem:s16+$0x41E0] =	vst.add.f32.msk $0xffff, v0;
	s16 =	sshra.s32 s3, $0x2  }
0x5d1: {  	v0 =	vld [tilespmem:s16+$0x141F0];
	p1 =	slt.u32 s15, $0x78  }
0x5d2: {  	v1 =	vld [tilespmem:s16+$0x14180]  }
0x5d3: {  	v2 =	vld [tilespmem:s16+$0x14190]  }
0x5d4: {  	v3 =	vld [tilespmem:s16+$0x141A0]  }
0x5d5: {  	v4 =	vld [tilespmem:s16+$0x141B0]  }
0x5d6: {  	[tilespmem:s16+$0x41F0] =	vst.add.f32.msk $0xffff, v0  }
0x5d7: {  	v5 =	vld [tilespmem:s16+$0x141C0]  }
0x5d8: {  	v6 =	vld [tilespmem:s16+$0x141D0]  }
0x5d9: {  	v0 =	vld [tilespmem:s16+$0x141E0]  }
0x5da: {  	[tilespmem:s16+$0x4180] =	vst.add.f32.msk $0xffff, v1  }
.Ltmp45:
0x5db: {  	[tilespmem:s16+$0x4190] =	vst.add.f32.msk $0xffff, v2;
	(pc) =	sbr.rel @p1 .LBB2_89-.Ltmp45, $4  }
0x5dc: {  	[tilespmem:s16+$0x41A0] =	vst.add.f32.msk $0xffff, v3  }
0x5dd: {  	[tilespmem:s16+$0x41B0] =	vst.add.f32.msk $0xffff, v4  }
0x5de: {  	[tilespmem:s16+$0x41C0] =	vst.add.f32.msk $0xffff, v5  }
0x5df: {  	s3 =	sadd.s32 $0x1000, s3;
	[tilespmem:s16+$0x41D0] =	vst.add.f32.msk $0xffff, v6  }
0x5e0: {  	[tilespmem:s16+$0x41E0] =	vst.add.f32.msk $0xffff, v0;
	s16 =	simm.s32 $0x0  }
0x5e1: {  	v0 =	vld [tilespmem:s16+$0x14270]  }
0x5e2: {  	v1 =	vld [tilespmem:s16+$0x14200]  }
0x5e3: {  	v2 =	vld [tilespmem:s16+$0x14210]  }
0x5e4: {  	v3 =	vld [tilespmem:s16+$0x14220]  }
0x5e5: {  	v4 =	vld [tilespmem:s16+$0x14230]  }
0x5e6: {  	v5 =	vld [tilespmem:s16+$0x14240]  }
0x5e7: {  	v6 =	vld [tilespmem:s16+$0x14250]  }
0x5e8: {  	[tilespmem:s16+$0x4270] =	vst.add.f32.msk $0xffff, v0  }
0x5e9: {  	v0 =	vld [tilespmem:s16+$0x14260]  }
0x5ea: {  	[tilespmem:s16+$0x4200] =	vst.add.f32.msk $0xffff, v1  }
0x5eb: {  	[tilespmem:s16+$0x4210] =	vst.add.f32.msk $0xffff, v2  }
0x5ec: {  	[tilespmem:s16+$0x4220] =	vst.add.f32.msk $0xffff, v3  }
0x5ed: {  	[tilespmem:s16+$0x4230] =	vst.add.f32.msk $0xffff, v4  }
0x5ee: {  	[tilespmem:s16+$0x4240] =	vst.add.f32.msk $0xffff, v5  }
0x5ef: {  	s15 =	simm.s32 $0x0;
	s3 =	simm.s32 $0x1000;
	[tilespmem:s16+$0x4250] =	vst.add.f32.msk $0xffff, v6  }
.LBB2_91:
0x5f0: {  	s15 =	sadd.s32 $0x8, s15;
	[tilespmem:s16+$0x4260] =	vst.add.f32.msk $0xffff, v0;
	s16 =	sshra.s32 s3, $0x2  }
0x5f1: {  	v0 =	vld [tilespmem:s16+$0x14270];
	p1 =	slt.u32 s15, $0x78  }
0x5f2: {  	v1 =	vld [tilespmem:s16+$0x14200]  }
0x5f3: {  	v2 =	vld [tilespmem:s16+$0x14210]  }
0x5f4: {  	v3 =	vld [tilespmem:s16+$0x14220]  }
0x5f5: {  	v4 =	vld [tilespmem:s16+$0x14230]  }
0x5f6: {  	[tilespmem:s16+$0x4270] =	vst.add.f32.msk $0xffff, v0  }
0x5f7: {  	v5 =	vld [tilespmem:s16+$0x14240]  }
0x5f8: {  	v6 =	vld [tilespmem:s16+$0x14250]  }
0x5f9: {  	v0 =	vld [tilespmem:s16+$0x14260]  }
0x5fa: {  	[tilespmem:s16+$0x4200] =	vst.add.f32.msk $0xffff, v1  }
.Ltmp46:
0x5fb: {  	[tilespmem:s16+$0x4210] =	vst.add.f32.msk $0xffff, v2;
	(pc) =	sbr.rel @p1 .LBB2_91-.Ltmp46, $4  }
0x5fc: {  	[tilespmem:s16+$0x4220] =	vst.add.f32.msk $0xffff, v3  }
0x5fd: {  	[tilespmem:s16+$0x4230] =	vst.add.f32.msk $0xffff, v4  }
0x5fe: {  	[tilespmem:s16+$0x4240] =	vst.add.f32.msk $0xffff, v5  }
0x5ff: {  	s3 =	sadd.s32 $0x1000, s3;
	[tilespmem:s16+$0x4250] =	vst.add.f32.msk $0xffff, v6  }
0x600: {  	[tilespmem:s16+$0x4260] =	vst.add.f32.msk $0xffff, v0;
	s16 =	simm.s32 $0x0  }
0x601: {  	v0 =	vld [tilespmem:s16+$0x142F0]  }
0x602: {  	v1 =	vld [tilespmem:s16+$0x14280]  }
0x603: {  	v2 =	vld [tilespmem:s16+$0x14290]  }
0x604: {  	v3 =	vld [tilespmem:s16+$0x142A0]  }
0x605: {  	v4 =	vld [tilespmem:s16+$0x142B0]  }
0x606: {  	v5 =	vld [tilespmem:s16+$0x142C0]  }
0x607: {  	v6 =	vld [tilespmem:s16+$0x142D0]  }
0x608: {  	[tilespmem:s16+$0x42F0] =	vst.add.f32.msk $0xffff, v0  }
0x609: {  	v0 =	vld [tilespmem:s16+$0x142E0]  }
0x60a: {  	[tilespmem:s16+$0x4280] =	vst.add.f32.msk $0xffff, v1  }
0x60b: {  	[tilespmem:s16+$0x4290] =	vst.add.f32.msk $0xffff, v2  }
0x60c: {  	[tilespmem:s16+$0x42A0] =	vst.add.f32.msk $0xffff, v3  }
0x60d: {  	[tilespmem:s16+$0x42B0] =	vst.add.f32.msk $0xffff, v4  }
0x60e: {  	[tilespmem:s16+$0x42C0] =	vst.add.f32.msk $0xffff, v5  }
0x60f: {  	s15 =	simm.s32 $0x0;
	s3 =	simm.s32 $0x1000;
	[tilespmem:s16+$0x42D0] =	vst.add.f32.msk $0xffff, v6  }
.LBB2_93:
0x610: {  	s15 =	sadd.s32 $0x8, s15;
	[tilespmem:s16+$0x42E0] =	vst.add.f32.msk $0xffff, v0;
	s16 =	sshra.s32 s3, $0x2  }
0x611: {  	v0 =	vld [tilespmem:s16+$0x142F0];
	p1 =	slt.u32 s15, $0x78  }
0x612: {  	v1 =	vld [tilespmem:s16+$0x14280]  }
0x613: {  	v2 =	vld [tilespmem:s16+$0x14290]  }
0x614: {  	v3 =	vld [tilespmem:s16+$0x142A0]  }
0x615: {  	v4 =	vld [tilespmem:s16+$0x142B0]  }
0x616: {  	[tilespmem:s16+$0x42F0] =	vst.add.f32.msk $0xffff, v0  }
0x617: {  	v5 =	vld [tilespmem:s16+$0x142C0]  }
0x618: {  	v6 =	vld [tilespmem:s16+$0x142D0]  }
0x619: {  	v0 =	vld [tilespmem:s16+$0x142E0]  }
0x61a: {  	[tilespmem:s16+$0x4280] =	vst.add.f32.msk $0xffff, v1  }
.Ltmp47:
0x61b: {  	[tilespmem:s16+$0x4290] =	vst.add.f32.msk $0xffff, v2;
	(pc) =	sbr.rel @p1 .LBB2_93-.Ltmp47, $4  }
0x61c: {  	[tilespmem:s16+$0x42A0] =	vst.add.f32.msk $0xffff, v3  }
0x61d: {  	[tilespmem:s16+$0x42B0] =	vst.add.f32.msk $0xffff, v4  }
0x61e: {  	[tilespmem:s16+$0x42C0] =	vst.add.f32.msk $0xffff, v5  }
0x61f: {  	s3 =	sadd.s32 $0x1000, s3;
	[tilespmem:s16+$0x42D0] =	vst.add.f32.msk $0xffff, v6  }
0x620: {  	[tilespmem:s16+$0x42E0] =	vst.add.f32.msk $0xffff, v0;
	s16 =	simm.s32 $0x0  }
0x621: {  	v0 =	vld [tilespmem:s16+$0x14370]  }
0x622: {  	v1 =	vld [tilespmem:s16+$0x14300]  }
0x623: {  	v2 =	vld [tilespmem:s16+$0x14310]  }
0x624: {  	v3 =	vld [tilespmem:s16+$0x14320]  }
0x625: {  	v4 =	vld [tilespmem:s16+$0x14330]  }
0x626: {  	v5 =	vld [tilespmem:s16+$0x14340]  }
0x627: {  	v6 =	vld [tilespmem:s16+$0x14350]  }
0x628: {  	[tilespmem:s16+$0x4370] =	vst.add.f32.msk $0xffff, v0  }
0x629: {  	v0 =	vld [tilespmem:s16+$0x14360]  }
0x62a: {  	[tilespmem:s16+$0x4300] =	vst.add.f32.msk $0xffff, v1  }
0x62b: {  	[tilespmem:s16+$0x4310] =	vst.add.f32.msk $0xffff, v2  }
0x62c: {  	[tilespmem:s16+$0x4320] =	vst.add.f32.msk $0xffff, v3  }
0x62d: {  	[tilespmem:s16+$0x4330] =	vst.add.f32.msk $0xffff, v4  }
0x62e: {  	[tilespmem:s16+$0x4340] =	vst.add.f32.msk $0xffff, v5  }
0x62f: {  	s15 =	simm.s32 $0x0;
	s3 =	simm.s32 $0x1000;
	[tilespmem:s16+$0x4350] =	vst.add.f32.msk $0xffff, v6  }
.LBB2_95:
0x630: {  	s15 =	sadd.s32 $0x8, s15;
	[tilespmem:s16+$0x4360] =	vst.add.f32.msk $0xffff, v0;
	s16 =	sshra.s32 s3, $0x2  }
0x631: {  	v0 =	vld [tilespmem:s16+$0x14370];
	p1 =	slt.u32 s15, $0x78  }
0x632: {  	v1 =	vld [tilespmem:s16+$0x14300]  }
0x633: {  	v2 =	vld [tilespmem:s16+$0x14310]  }
0x634: {  	v3 =	vld [tilespmem:s16+$0x14320]  }
0x635: {  	v4 =	vld [tilespmem:s16+$0x14330]  }
0x636: {  	[tilespmem:s16+$0x4370] =	vst.add.f32.msk $0xffff, v0  }
0x637: {  	v5 =	vld [tilespmem:s16+$0x14340]  }
0x638: {  	v6 =	vld [tilespmem:s16+$0x14350]  }
0x639: {  	v0 =	vld [tilespmem:s16+$0x14360]  }
0x63a: {  	[tilespmem:s16+$0x4300] =	vst.add.f32.msk $0xffff, v1  }
.Ltmp48:
0x63b: {  	[tilespmem:s16+$0x4310] =	vst.add.f32.msk $0xffff, v2;
	(pc) =	sbr.rel @p1 .LBB2_95-.Ltmp48, $4  }
0x63c: {  	[tilespmem:s16+$0x4320] =	vst.add.f32.msk $0xffff, v3  }
0x63d: {  	[tilespmem:s16+$0x4330] =	vst.add.f32.msk $0xffff, v4  }
0x63e: {  	[tilespmem:s16+$0x4340] =	vst.add.f32.msk $0xffff, v5  }
0x63f: {  	s3 =	sadd.s32 $0x1000, s3;
	[tilespmem:s16+$0x4350] =	vst.add.f32.msk $0xffff, v6  }
0x640: {  	[tilespmem:s16+$0x4360] =	vst.add.f32.msk $0xffff, v0;
	s16 =	simm.s32 $0x0  }
0x641: {  	v0 =	vld [tilespmem:s16+$0x143F0]  }
0x642: {  	v1 =	vld [tilespmem:s16+$0x14380]  }
0x643: {  	v2 =	vld [tilespmem:s16+$0x14390]  }
0x644: {  	v3 =	vld [tilespmem:s16+$0x143A0]  }
0x645: {  	v4 =	vld [tilespmem:s16+$0x143B0]  }
0x646: {  	v5 =	vld [tilespmem:s16+$0x143C0]  }
0x647: {  	v6 =	vld [tilespmem:s16+$0x143D0]  }
0x648: {  	[tilespmem:s16+$0x43F0] =	vst.add.f32.msk $0xffff, v0  }
0x649: {  	v0 =	vld [tilespmem:s16+$0x143E0]  }
0x64a: {  	[tilespmem:s16+$0x4380] =	vst.add.f32.msk $0xffff, v1  }
0x64b: {  	[tilespmem:s16+$0x4390] =	vst.add.f32.msk $0xffff, v2  }
0x64c: {  	[tilespmem:s16+$0x43A0] =	vst.add.f32.msk $0xffff, v3  }
0x64d: {  	[tilespmem:s16+$0x43B0] =	vst.add.f32.msk $0xffff, v4  }
0x64e: {  	[tilespmem:s16+$0x43C0] =	vst.add.f32.msk $0xffff, v5  }
0x64f: {  	s15 =	simm.s32 $0x0;
	s3 =	simm.s32 $0x1000;
	[tilespmem:s16+$0x43D0] =	vst.add.f32.msk $0xffff, v6  }
.LBB2_97:
0x650: {  	s15 =	sadd.s32 $0x8, s15;
	[tilespmem:s16+$0x43E0] =	vst.add.f32.msk $0xffff, v0;
	s16 =	sshra.s32 s3, $0x2  }
0x651: {  	v0 =	vld [tilespmem:s16+$0x143F0];
	p1 =	slt.u32 s15, $0x78  }
0x652: {  	v1 =	vld [tilespmem:s16+$0x14380]  }
0x653: {  	v2 =	vld [tilespmem:s16+$0x14390]  }
0x654: {  	v3 =	vld [tilespmem:s16+$0x143A0]  }
0x655: {  	v4 =	vld [tilespmem:s16+$0x143B0]  }
0x656: {  	[tilespmem:s16+$0x43F0] =	vst.add.f32.msk $0xffff, v0  }
0x657: {  	v5 =	vld [tilespmem:s16+$0x143C0]  }
0x658: {  	v6 =	vld [tilespmem:s16+$0x143D0]  }
0x659: {  	v0 =	vld [tilespmem:s16+$0x143E0]  }
0x65a: {  	[tilespmem:s16+$0x4380] =	vst.add.f32.msk $0xffff, v1  }
.Ltmp49:
0x65b: {  	[tilespmem:s16+$0x4390] =	vst.add.f32.msk $0xffff, v2;
	(pc) =	sbr.rel @p1 .LBB2_97-.Ltmp49, $4  }
0x65c: {  	[tilespmem:s16+$0x43A0] =	vst.add.f32.msk $0xffff, v3  }
0x65d: {  	[tilespmem:s16+$0x43B0] =	vst.add.f32.msk $0xffff, v4  }
0x65e: {  	[tilespmem:s16+$0x43C0] =	vst.add.f32.msk $0xffff, v5  }
0x65f: {  	s3 =	sadd.s32 $0x1000, s3;
	[tilespmem:s16+$0x43D0] =	vst.add.f32.msk $0xffff, v6  }
0x660: {  	[tilespmem:s16+$0x43E0] =	vst.add.f32.msk $0xffff, v0;
	s3 =	sadd.s32 s4, s8  }
0x661: {  	[hbm4b:s3+s5] =	stream.linear.scatter [tilespmem:s19], [sflag:$0x6], $0x4000, $0x38;
	[tilespmem:$0x18000] =	vst v63  }
0x662: {  	_ =	swait.ge [sflag:s25], $0x4000  }
0x663: {  	[sflag:s25] =	ssyncset.done $0x0  }
0x664: {  	[sflag:s25] =	ssyncadd.s32 $0xFFFFC000  }
0x665: {  	_ =	swait.ge [sflag:s26], $0x4000  }
0x666: {  	[sflag:s26] =	ssyncset.done $0x0  }
0x667: {  	s8 =	simm.s32 @!p0 $0x0;
	s3 =	sadd.s32 @!p0 s2, s10;
	[sflag:s26] =	ssyncadd.s32 $0xFFFFC000  }
0x668: {  	[tilespmem:s8], [sflag:$0x1] =	stream.linear.gather @!p0 [hbm4b:s3+s8], $0x4000, $0x38;
	[tilespmem:$0x18000] =	vst v63  }
0x669: {  	s8 =	simm.s32 $0x0  }
0x66a: {  	v0 =	vld [tilespmem:s8+$0x14070]  }
0x66b: {  	v1 =	vld [tilespmem:s8+$0x14000]  }
0x66c: {  	v2 =	vld [tilespmem:s8+$0x14010]  }
0x66d: {  	v3 =	vld [tilespmem:s8+$0x14020]  }
0x66e: {  	v4 =	vld [tilespmem:s8+$0x14030]  }
0x66f: {  	v5 =	vld [tilespmem:s8+$0x14040]  }
0x670: {  	v6 =	vld [tilespmem:s8+$0x14050]  }
0x671: {  	[tilespmem:s8+$0x8070] =	vst.add.f32.msk $0xffff, v0  }
0x672: {  	v0 =	vld [tilespmem:s8+$0x14060]  }
0x673: {  	[tilespmem:s8+$0x8000] =	vst.add.f32.msk $0xffff, v1  }
0x674: {  	[tilespmem:s8+$0x8010] =	vst.add.f32.msk $0xffff, v2  }
0x675: {  	[tilespmem:s8+$0x8020] =	vst.add.f32.msk $0xffff, v3  }
0x676: {  	[tilespmem:s8+$0x8030] =	vst.add.f32.msk $0xffff, v4  }
0x677: {  	[tilespmem:s8+$0x8040] =	vst.add.f32.msk $0xffff, v5  }
0x678: {  	s15 =	simm.s32 $0x0;
	s3 =	simm.s32 $0x1000;
	[tilespmem:s8+$0x8050] =	vst.add.f32.msk $0xffff, v6  }
.LBB2_99:
0x679: {  	s15 =	sadd.s32 $0x8, s15;
	[tilespmem:s8+$0x8060] =	vst.add.f32.msk $0xffff, v0;
	s8 =	sshra.s32 s3, $0x2  }
0x67a: {  	v0 =	vld [tilespmem:s8+$0x14070];
	p1 =	slt.u32 s15, $0x78  }
0x67b: {  	v1 =	vld [tilespmem:s8+$0x14000]  }
0x67c: {  	v2 =	vld [tilespmem:s8+$0x14010]  }
0x67d: {  	v3 =	vld [tilespmem:s8+$0x14020]  }
0x67e: {  	v4 =	vld [tilespmem:s8+$0x14030]  }
0x67f: {  	[tilespmem:s8+$0x8070] =	vst.add.f32.msk $0xffff, v0  }
0x680: {  	v5 =	vld [tilespmem:s8+$0x14040]  }
0x681: {  	v6 =	vld [tilespmem:s8+$0x14050]  }
0x682: {  	v0 =	vld [tilespmem:s8+$0x14060]  }
0x683: {  	[tilespmem:s8+$0x8000] =	vst.add.f32.msk $0xffff, v1  }
.Ltmp50:
0x684: {  	[tilespmem:s8+$0x8010] =	vst.add.f32.msk $0xffff, v2;
	(pc) =	sbr.rel @p1 .LBB2_99-.Ltmp50, $4  }
0x685: {  	[tilespmem:s8+$0x8020] =	vst.add.f32.msk $0xffff, v3  }
0x686: {  	[tilespmem:s8+$0x8030] =	vst.add.f32.msk $0xffff, v4  }
0x687: {  	[tilespmem:s8+$0x8040] =	vst.add.f32.msk $0xffff, v5  }
0x688: {  	s3 =	sadd.s32 $0x1000, s3;
	[tilespmem:s8+$0x8050] =	vst.add.f32.msk $0xffff, v6  }
0x689: {  	[tilespmem:s8+$0x8060] =	vst.add.f32.msk $0xffff, v0;
	s8 =	simm.s32 $0x0  }
0x68a: {  	v0 =	vld [tilespmem:s8+$0x140F0]  }
0x68b: {  	v1 =	vld [tilespmem:s8+$0x14080]  }
0x68c: {  	v2 =	vld [tilespmem:s8+$0x14090]  }
0x68d: {  	v3 =	vld [tilespmem:s8+$0x140A0]  }
0x68e: {  	v4 =	vld [tilespmem:s8+$0x140B0]  }
0x68f: {  	v5 =	vld [tilespmem:s8+$0x140C0]  }
0x690: {  	v6 =	vld [tilespmem:s8+$0x140D0]  }
0x691: {  	[tilespmem:s8+$0x80F0] =	vst.add.f32.msk $0xffff, v0  }
0x692: {  	v0 =	vld [tilespmem:s8+$0x140E0]  }
0x693: {  	[tilespmem:s8+$0x8080] =	vst.add.f32.msk $0xffff, v1  }
0x694: {  	[tilespmem:s8+$0x8090] =	vst.add.f32.msk $0xffff, v2  }
0x695: {  	[tilespmem:s8+$0x80A0] =	vst.add.f32.msk $0xffff, v3  }
0x696: {  	[tilespmem:s8+$0x80B0] =	vst.add.f32.msk $0xffff, v4  }
0x697: {  	[tilespmem:s8+$0x80C0] =	vst.add.f32.msk $0xffff, v5  }
0x698: {  	s15 =	simm.s32 $0x0;
	s3 =	simm.s32 $0x1000;
	[tilespmem:s8+$0x80D0] =	vst.add.f32.msk $0xffff, v6  }
.LBB2_101:
0x699: {  	s15 =	sadd.s32 $0x8, s15;
	[tilespmem:s8+$0x80E0] =	vst.add.f32.msk $0xffff, v0;
	s8 =	sshra.s32 s3, $0x2  }
0x69a: {  	v0 =	vld [tilespmem:s8+$0x140F0];
	p1 =	slt.u32 s15, $0x78  }
0x69b: {  	v1 =	vld [tilespmem:s8+$0x14080]  }
0x69c: {  	v2 =	vld [tilespmem:s8+$0x14090]  }
0x69d: {  	v3 =	vld [tilespmem:s8+$0x140A0]  }
0x69e: {  	v4 =	vld [tilespmem:s8+$0x140B0]  }
0x69f: {  	[tilespmem:s8+$0x80F0] =	vst.add.f32.msk $0xffff, v0  }
0x6a0: {  	v5 =	vld [tilespmem:s8+$0x140C0]  }
0x6a1: {  	v6 =	vld [tilespmem:s8+$0x140D0]  }
0x6a2: {  	v0 =	vld [tilespmem:s8+$0x140E0]  }
0x6a3: {  	[tilespmem:s8+$0x8080] =	vst.add.f32.msk $0xffff, v1  }
.Ltmp51:
0x6a4: {  	[tilespmem:s8+$0x8090] =	vst.add.f32.msk $0xffff, v2;
	(pc) =	sbr.rel @p1 .LBB2_101-.Ltmp51, $4  }
0x6a5: {  	[tilespmem:s8+$0x80A0] =	vst.add.f32.msk $0xffff, v3  }
0x6a6: {  	[tilespmem:s8+$0x80B0] =	vst.add.f32.msk $0xffff, v4  }
0x6a7: {  	[tilespmem:s8+$0x80C0] =	vst.add.f32.msk $0xffff, v5  }
0x6a8: {  	s3 =	sadd.s32 $0x1000, s3;
	[tilespmem:s8+$0x80D0] =	vst.add.f32.msk $0xffff, v6  }
0x6a9: {  	[tilespmem:s8+$0x80E0] =	vst.add.f32.msk $0xffff, v0;
	s8 =	simm.s32 $0x0  }
0x6aa: {  	v0 =	vld [tilespmem:s8+$0x14170]  }
0x6ab: {  	v1 =	vld [tilespmem:s8+$0x14100]  }
0x6ac: {  	v2 =	vld [tilespmem:s8+$0x14110]  }
0x6ad: {  	v3 =	vld [tilespmem:s8+$0x14120]  }
0x6ae: {  	v4 =	vld [tilespmem:s8+$0x14130]  }
0x6af: {  	v5 =	vld [tilespmem:s8+$0x14140]  }
0x6b0: {  	v6 =	vld [tilespmem:s8+$0x14150]  }
0x6b1: {  	[tilespmem:s8+$0x8170] =	vst.add.f32.msk $0xffff, v0  }
0x6b2: {  	v0 =	vld [tilespmem:s8+$0x14160]  }
0x6b3: {  	[tilespmem:s8+$0x8100] =	vst.add.f32.msk $0xffff, v1  }
0x6b4: {  	[tilespmem:s8+$0x8110] =	vst.add.f32.msk $0xffff, v2  }
0x6b5: {  	[tilespmem:s8+$0x8120] =	vst.add.f32.msk $0xffff, v3  }
0x6b6: {  	[tilespmem:s8+$0x8130] =	vst.add.f32.msk $0xffff, v4  }
0x6b7: {  	[tilespmem:s8+$0x8140] =	vst.add.f32.msk $0xffff, v5  }
0x6b8: {  	s15 =	simm.s32 $0x0;
	s3 =	simm.s32 $0x1000;
	[tilespmem:s8+$0x8150] =	vst.add.f32.msk $0xffff, v6  }
.LBB2_103:
0x6b9: {  	s15 =	sadd.s32 $0x8, s15;
	[tilespmem:s8+$0x8160] =	vst.add.f32.msk $0xffff, v0;
	s8 =	sshra.s32 s3, $0x2  }
0x6ba: {  	v0 =	vld [tilespmem:s8+$0x14170];
	p1 =	slt.u32 s15, $0x78  }
0x6bb: {  	v1 =	vld [tilespmem:s8+$0x14100]  }
0x6bc: {  	v2 =	vld [tilespmem:s8+$0x14110]  }
0x6bd: {  	v3 =	vld [tilespmem:s8+$0x14120]  }
0x6be: {  	v4 =	vld [tilespmem:s8+$0x14130]  }
0x6bf: {  	[tilespmem:s8+$0x8170] =	vst.add.f32.msk $0xffff, v0  }
0x6c0: {  	v5 =	vld [tilespmem:s8+$0x14140]  }
0x6c1: {  	v6 =	vld [tilespmem:s8+$0x14150]  }
0x6c2: {  	v0 =	vld [tilespmem:s8+$0x14160]  }
0x6c3: {  	[tilespmem:s8+$0x8100] =	vst.add.f32.msk $0xffff, v1  }
.Ltmp52:
0x6c4: {  	[tilespmem:s8+$0x8110] =	vst.add.f32.msk $0xffff, v2;
	(pc) =	sbr.rel @p1 .LBB2_103-.Ltmp52, $4  }
0x6c5: {  	[tilespmem:s8+$0x8120] =	vst.add.f32.msk $0xffff, v3  }
0x6c6: {  	[tilespmem:s8+$0x8130] =	vst.add.f32.msk $0xffff, v4  }
0x6c7: {  	[tilespmem:s8+$0x8140] =	vst.add.f32.msk $0xffff, v5  }
0x6c8: {  	s3 =	sadd.s32 $0x1000, s3;
	[tilespmem:s8+$0x8150] =	vst.add.f32.msk $0xffff, v6  }
0x6c9: {  	[tilespmem:s8+$0x8160] =	vst.add.f32.msk $0xffff, v0;
	s8 =	simm.s32 $0x0  }
0x6ca: {  	v0 =	vld [tilespmem:s8+$0x141F0]  }
0x6cb: {  	v1 =	vld [tilespmem:s8+$0x14180]  }
0x6cc: {  	v2 =	vld [tilespmem:s8+$0x14190]  }
0x6cd: {  	v3 =	vld [tilespmem:s8+$0x141A0]  }
0x6ce: {  	v4 =	vld [tilespmem:s8+$0x141B0]  }
0x6cf: {  	v5 =	vld [tilespmem:s8+$0x141C0]  }
0x6d0: {  	v6 =	vld [tilespmem:s8+$0x141D0]  }
0x6d1: {  	[tilespmem:s8+$0x81F0] =	vst.add.f32.msk $0xffff, v0  }
0x6d2: {  	v0 =	vld [tilespmem:s8+$0x141E0]  }
0x6d3: {  	[tilespmem:s8+$0x8180] =	vst.add.f32.msk $0xffff, v1  }
0x6d4: {  	[tilespmem:s8+$0x8190] =	vst.add.f32.msk $0xffff, v2  }
0x6d5: {  	[tilespmem:s8+$0x81A0] =	vst.add.f32.msk $0xffff, v3  }
0x6d6: {  	[tilespmem:s8+$0x81B0] =	vst.add.f32.msk $0xffff, v4  }
0x6d7: {  	[tilespmem:s8+$0x81C0] =	vst.add.f32.msk $0xffff, v5  }
0x6d8: {  	s15 =	simm.s32 $0x0;
	s3 =	simm.s32 $0x1000;
	[tilespmem:s8+$0x81D0] =	vst.add.f32.msk $0xffff, v6  }
.LBB2_105:
0x6d9: {  	s15 =	sadd.s32 $0x8, s15;
	[tilespmem:s8+$0x81E0] =	vst.add.f32.msk $0xffff, v0;
	s8 =	sshra.s32 s3, $0x2  }
0x6da: {  	v0 =	vld [tilespmem:s8+$0x141F0];
	p1 =	slt.u32 s15, $0x78  }
0x6db: {  	v1 =	vld [tilespmem:s8+$0x14180]  }
0x6dc: {  	v2 =	vld [tilespmem:s8+$0x14190]  }
0x6dd: {  	v3 =	vld [tilespmem:s8+$0x141A0]  }
0x6de: {  	v4 =	vld [tilespmem:s8+$0x141B0]  }
0x6df: {  	[tilespmem:s8+$0x81F0] =	vst.add.f32.msk $0xffff, v0  }
0x6e0: {  	v5 =	vld [tilespmem:s8+$0x141C0]  }
0x6e1: {  	v6 =	vld [tilespmem:s8+$0x141D0]  }
0x6e2: {  	v0 =	vld [tilespmem:s8+$0x141E0]  }
0x6e3: {  	[tilespmem:s8+$0x8180] =	vst.add.f32.msk $0xffff, v1  }
.Ltmp53:
0x6e4: {  	[tilespmem:s8+$0x8190] =	vst.add.f32.msk $0xffff, v2;
	(pc) =	sbr.rel @p1 .LBB2_105-.Ltmp53, $4  }
0x6e5: {  	[tilespmem:s8+$0x81A0] =	vst.add.f32.msk $0xffff, v3  }
0x6e6: {  	[tilespmem:s8+$0x81B0] =	vst.add.f32.msk $0xffff, v4  }
0x6e7: {  	[tilespmem:s8+$0x81C0] =	vst.add.f32.msk $0xffff, v5  }
0x6e8: {  	s3 =	sadd.s32 $0x1000, s3;
	[tilespmem:s8+$0x81D0] =	vst.add.f32.msk $0xffff, v6  }
0x6e9: {  	[tilespmem:s8+$0x81E0] =	vst.add.f32.msk $0xffff, v0;
	s8 =	simm.s32 $0x0  }
0x6ea: {  	v0 =	vld [tilespmem:s8+$0x14270]  }
0x6eb: {  	v1 =	vld [tilespmem:s8+$0x14200]  }
0x6ec: {  	v2 =	vld [tilespmem:s8+$0x14210]  }
0x6ed: {  	v3 =	vld [tilespmem:s8+$0x14220]  }
0x6ee: {  	v4 =	vld [tilespmem:s8+$0x14230]  }
0x6ef: {  	v5 =	vld [tilespmem:s8+$0x14240]  }
0x6f0: {  	v6 =	vld [tilespmem:s8+$0x14250]  }
0x6f1: {  	[tilespmem:s8+$0x8270] =	vst.add.f32.msk $0xffff, v0  }
0x6f2: {  	v0 =	vld [tilespmem:s8+$0x14260]  }
0x6f3: {  	[tilespmem:s8+$0x8200] =	vst.add.f32.msk $0xffff, v1  }
0x6f4: {  	[tilespmem:s8+$0x8210] =	vst.add.f32.msk $0xffff, v2  }
0x6f5: {  	[tilespmem:s8+$0x8220] =	vst.add.f32.msk $0xffff, v3  }
0x6f6: {  	[tilespmem:s8+$0x8230] =	vst.add.f32.msk $0xffff, v4  }
0x6f7: {  	[tilespmem:s8+$0x8240] =	vst.add.f32.msk $0xffff, v5  }
0x6f8: {  	s15 =	simm.s32 $0x0;
	s3 =	simm.s32 $0x1000;
	[tilespmem:s8+$0x8250] =	vst.add.f32.msk $0xffff, v6  }
.LBB2_107:
0x6f9: {  	s15 =	sadd.s32 $0x8, s15;
	[tilespmem:s8+$0x8260] =	vst.add.f32.msk $0xffff, v0;
	s8 =	sshra.s32 s3, $0x2  }
0x6fa: {  	v0 =	vld [tilespmem:s8+$0x14270];
	p1 =	slt.u32 s15, $0x78  }
0x6fb: {  	v1 =	vld [tilespmem:s8+$0x14200]  }
0x6fc: {  	v2 =	vld [tilespmem:s8+$0x14210]  }
0x6fd: {  	v3 =	vld [tilespmem:s8+$0x14220]  }
0x6fe: {  	v4 =	vld [tilespmem:s8+$0x14230]  }
0x6ff: {  	[tilespmem:s8+$0x8270] =	vst.add.f32.msk $0xffff, v0  }
0x700: {  	v5 =	vld [tilespmem:s8+$0x14240]  }
0x701: {  	v6 =	vld [tilespmem:s8+$0x14250]  }
0x702: {  	v0 =	vld [tilespmem:s8+$0x14260]  }
0x703: {  	[tilespmem:s8+$0x8200] =	vst.add.f32.msk $0xffff, v1  }
.Ltmp54:
0x704: {  	[tilespmem:s8+$0x8210] =	vst.add.f32.msk $0xffff, v2;
	(pc) =	sbr.rel @p1 .LBB2_107-.Ltmp54, $4  }
0x705: {  	[tilespmem:s8+$0x8220] =	vst.add.f32.msk $0xffff, v3  }
0x706: {  	[tilespmem:s8+$0x8230] =	vst.add.f32.msk $0xffff, v4  }
0x707: {  	[tilespmem:s8+$0x8240] =	vst.add.f32.msk $0xffff, v5  }
0x708: {  	s3 =	sadd.s32 $0x1000, s3;
	[tilespmem:s8+$0x8250] =	vst.add.f32.msk $0xffff, v6  }
0x709: {  	[tilespmem:s8+$0x8260] =	vst.add.f32.msk $0xffff, v0;
	s8 =	simm.s32 $0x0  }
0x70a: {  	v0 =	vld [tilespmem:s8+$0x142F0]  }
0x70b: {  	v1 =	vld [tilespmem:s8+$0x14280]  }
0x70c: {  	v2 =	vld [tilespmem:s8+$0x14290]  }
0x70d: {  	v3 =	vld [tilespmem:s8+$0x142A0]  }
0x70e: {  	v4 =	vld [tilespmem:s8+$0x142B0]  }
0x70f: {  	v5 =	vld [tilespmem:s8+$0x142C0]  }
0x710: {  	v6 =	vld [tilespmem:s8+$0x142D0]  }
0x711: {  	[tilespmem:s8+$0x82F0] =	vst.add.f32.msk $0xffff, v0  }
0x712: {  	v0 =	vld [tilespmem:s8+$0x142E0]  }
0x713: {  	[tilespmem:s8+$0x8280] =	vst.add.f32.msk $0xffff, v1  }
0x714: {  	[tilespmem:s8+$0x8290] =	vst.add.f32.msk $0xffff, v2  }
0x715: {  	[tilespmem:s8+$0x82A0] =	vst.add.f32.msk $0xffff, v3  }
0x716: {  	[tilespmem:s8+$0x82B0] =	vst.add.f32.msk $0xffff, v4  }
0x717: {  	[tilespmem:s8+$0x82C0] =	vst.add.f32.msk $0xffff, v5  }
0x718: {  	s15 =	simm.s32 $0x0;
	s3 =	simm.s32 $0x1000;
	[tilespmem:s8+$0x82D0] =	vst.add.f32.msk $0xffff, v6  }
.LBB2_109:
0x719: {  	s15 =	sadd.s32 $0x8, s15;
	[tilespmem:s8+$0x82E0] =	vst.add.f32.msk $0xffff, v0;
	s8 =	sshra.s32 s3, $0x2  }
0x71a: {  	v0 =	vld [tilespmem:s8+$0x142F0];
	p1 =	slt.u32 s15, $0x78  }
0x71b: {  	v1 =	vld [tilespmem:s8+$0x14280]  }
0x71c: {  	v2 =	vld [tilespmem:s8+$0x14290]  }
0x71d: {  	v3 =	vld [tilespmem:s8+$0x142A0]  }
0x71e: {  	v4 =	vld [tilespmem:s8+$0x142B0]  }
0x71f: {  	[tilespmem:s8+$0x82F0] =	vst.add.f32.msk $0xffff, v0  }
0x720: {  	v5 =	vld [tilespmem:s8+$0x142C0]  }
0x721: {  	v6 =	vld [tilespmem:s8+$0x142D0]  }
0x722: {  	v0 =	vld [tilespmem:s8+$0x142E0]  }
0x723: {  	[tilespmem:s8+$0x8280] =	vst.add.f32.msk $0xffff, v1  }
.Ltmp55:
0x724: {  	[tilespmem:s8+$0x8290] =	vst.add.f32.msk $0xffff, v2;
	(pc) =	sbr.rel @p1 .LBB2_109-.Ltmp55, $4  }
0x725: {  	[tilespmem:s8+$0x82A0] =	vst.add.f32.msk $0xffff, v3  }
0x726: {  	[tilespmem:s8+$0x82B0] =	vst.add.f32.msk $0xffff, v4  }
0x727: {  	[tilespmem:s8+$0x82C0] =	vst.add.f32.msk $0xffff, v5  }
0x728: {  	s3 =	sadd.s32 $0x1000, s3;
	[tilespmem:s8+$0x82D0] =	vst.add.f32.msk $0xffff, v6  }
0x729: {  	[tilespmem:s8+$0x82E0] =	vst.add.f32.msk $0xffff, v0;
	s8 =	simm.s32 $0x0  }
0x72a: {  	v0 =	vld [tilespmem:s8+$0x14370]  }
0x72b: {  	v1 =	vld [tilespmem:s8+$0x14300]  }
0x72c: {  	v2 =	vld [tilespmem:s8+$0x14310]  }
0x72d: {  	v3 =	vld [tilespmem:s8+$0x14320]  }
0x72e: {  	v4 =	vld [tilespmem:s8+$0x14330]  }
0x72f: {  	v5 =	vld [tilespmem:s8+$0x14340]  }
0x730: {  	v6 =	vld [tilespmem:s8+$0x14350]  }
0x731: {  	[tilespmem:s8+$0x8370] =	vst.add.f32.msk $0xffff, v0  }
0x732: {  	v0 =	vld [tilespmem:s8+$0x14360]  }
0x733: {  	[tilespmem:s8+$0x8300] =	vst.add.f32.msk $0xffff, v1  }
0x734: {  	[tilespmem:s8+$0x8310] =	vst.add.f32.msk $0xffff, v2  }
0x735: {  	[tilespmem:s8+$0x8320] =	vst.add.f32.msk $0xffff, v3  }
0x736: {  	[tilespmem:s8+$0x8330] =	vst.add.f32.msk $0xffff, v4  }
0x737: {  	[tilespmem:s8+$0x8340] =	vst.add.f32.msk $0xffff, v5  }
0x738: {  	s15 =	simm.s32 $0x0;
	s3 =	simm.s32 $0x1000;
	[tilespmem:s8+$0x8350] =	vst.add.f32.msk $0xffff, v6  }
.LBB2_111:
0x739: {  	s15 =	sadd.s32 $0x8, s15;
	[tilespmem:s8+$0x8360] =	vst.add.f32.msk $0xffff, v0;
	s8 =	sshra.s32 s3, $0x2  }
0x73a: {  	v0 =	vld [tilespmem:s8+$0x14370];
	p1 =	slt.u32 s15, $0x78  }
0x73b: {  	v1 =	vld [tilespmem:s8+$0x14300]  }
0x73c: {  	v2 =	vld [tilespmem:s8+$0x14310]  }
0x73d: {  	v3 =	vld [tilespmem:s8+$0x14320]  }
0x73e: {  	v4 =	vld [tilespmem:s8+$0x14330]  }
0x73f: {  	[tilespmem:s8+$0x8370] =	vst.add.f32.msk $0xffff, v0  }
0x740: {  	v5 =	vld [tilespmem:s8+$0x14340]  }
0x741: {  	v6 =	vld [tilespmem:s8+$0x14350]  }
0x742: {  	v0 =	vld [tilespmem:s8+$0x14360]  }
0x743: {  	[tilespmem:s8+$0x8300] =	vst.add.f32.msk $0xffff, v1  }
.Ltmp56:
0x744: {  	[tilespmem:s8+$0x8310] =	vst.add.f32.msk $0xffff, v2;
	(pc) =	sbr.rel @p1 .LBB2_111-.Ltmp56, $4  }
0x745: {  	[tilespmem:s8+$0x8320] =	vst.add.f32.msk $0xffff, v3  }
0x746: {  	[tilespmem:s8+$0x8330] =	vst.add.f32.msk $0xffff, v4  }
0x747: {  	[tilespmem:s8+$0x8340] =	vst.add.f32.msk $0xffff, v5  }
0x748: {  	s3 =	sadd.s32 $0x1000, s3;
	[tilespmem:s8+$0x8350] =	vst.add.f32.msk $0xffff, v6  }
0x749: {  	[tilespmem:s8+$0x8360] =	vst.add.f32.msk $0xffff, v0;
	s8 =	simm.s32 $0x0  }
0x74a: {  	v0 =	vld [tilespmem:s8+$0x143F0]  }
0x74b: {  	v1 =	vld [tilespmem:s8+$0x14380]  }
0x74c: {  	v2 =	vld [tilespmem:s8+$0x14390]  }
0x74d: {  	v3 =	vld [tilespmem:s8+$0x143A0]  }
0x74e: {  	v4 =	vld [tilespmem:s8+$0x143B0]  }
0x74f: {  	v5 =	vld [tilespmem:s8+$0x143C0]  }
0x750: {  	v6 =	vld [tilespmem:s8+$0x143D0]  }
0x751: {  	[tilespmem:s8+$0x83F0] =	vst.add.f32.msk $0xffff, v0  }
0x752: {  	v0 =	vld [tilespmem:s8+$0x143E0]  }
0x753: {  	[tilespmem:s8+$0x8380] =	vst.add.f32.msk $0xffff, v1  }
0x754: {  	[tilespmem:s8+$0x8390] =	vst.add.f32.msk $0xffff, v2  }
0x755: {  	[tilespmem:s8+$0x83A0] =	vst.add.f32.msk $0xffff, v3  }
0x756: {  	[tilespmem:s8+$0x83B0] =	vst.add.f32.msk $0xffff, v4  }
0x757: {  	[tilespmem:s8+$0x83C0] =	vst.add.f32.msk $0xffff, v5  }
0x758: {  	s15 =	simm.s32 $0x0;
	s3 =	simm.s32 $0x1000;
	[tilespmem:s8+$0x83D0] =	vst.add.f32.msk $0xffff, v6  }
.LBB2_113:
0x759: {  	s15 =	sadd.s32 $0x8, s15;
	[tilespmem:s8+$0x83E0] =	vst.add.f32.msk $0xffff, v0;
	s8 =	sshra.s32 s3, $0x2  }
0x75a: {  	v0 =	vld [tilespmem:s8+$0x143F0];
	p1 =	slt.u32 s15, $0x78  }
0x75b: {  	v1 =	vld [tilespmem:s8+$0x14380]  }
0x75c: {  	v2 =	vld [tilespmem:s8+$0x14390]  }
0x75d: {  	v3 =	vld [tilespmem:s8+$0x143A0]  }
0x75e: {  	v4 =	vld [tilespmem:s8+$0x143B0]  }
0x75f: {  	[tilespmem:s8+$0x83F0] =	vst.add.f32.msk $0xffff, v0  }
0x760: {  	v5 =	vld [tilespmem:s8+$0x143C0]  }
0x761: {  	v6 =	vld [tilespmem:s8+$0x143D0]  }
0x762: {  	v0 =	vld [tilespmem:s8+$0x143E0]  }
0x763: {  	[tilespmem:s8+$0x8380] =	vst.add.f32.msk $0xffff, v1  }
.Ltmp57:
0x764: {  	[tilespmem:s8+$0x8390] =	vst.add.f32.msk $0xffff, v2;
	(pc) =	sbr.rel @p1 .LBB2_113-.Ltmp57, $4  }
0x765: {  	[tilespmem:s8+$0x83A0] =	vst.add.f32.msk $0xffff, v3  }
0x766: {  	[tilespmem:s8+$0x83B0] =	vst.add.f32.msk $0xffff, v4  }
0x767: {  	[tilespmem:s8+$0x83C0] =	vst.add.f32.msk $0xffff, v5  }
0x768: {  	s3 =	sadd.s32 $0x1000, s3;
	[tilespmem:s8+$0x83D0] =	vst.add.f32.msk $0xffff, v6  }
0x769: {  	[tilespmem:s8+$0x83E0] =	vst.add.f32.msk $0xffff, v0;
	s1 =	sadd.s32 s4, s1  }
0x76a: {  	[hbm4b:s1+s5] =	stream.linear.scatter [tilespmem:s22], [sflag:$0x7], $0x4000, $0x38;
	[tilespmem:$0x18000] =	vst v63  }
0x76b: {  	_ =	swait.ge [sflag:s28], $0x4000  }
0x76c: {  	[sflag:s28] =	ssyncset.done $0x0  }
0x76d: {  	[sflag:s28] =	ssyncadd.s32 $0xFFFFC000  }
0x76e: {  	_ =	swait.ge [sflag:s29], $0x4000  }
0x76f: {  	s3 =	simm.s32 @!p0 $0x0;
	[sflag:s29] =	ssyncset.done $0x0  }
0x770: {  	s8 =	simm.s32 @!p0 $0x4000;
	s1 =	sadd.s32 @!p0 s10, s11;
	[sflag:s29] =	ssyncadd.s32 $0xFFFFC000  }
0x771: {  	[tilespmem:s8], [sflag:$0x2] =	stream.linear.gather @!p0 [hbm4b:s1+s3], $0x4000, $0x38;
	[tilespmem:$0x18000] =	vst v63  }
0x772: {  	s1 =	simm.s32 $0x0  }
0x773: {  	v0 =	vld [tilespmem:s1+$0x14070]  }
0x774: {  	v1 =	vld [tilespmem:s1+$0x14000]  }
0x775: {  	v2 =	vld [tilespmem:s1+$0x14010]  }
0x776: {  	v3 =	vld [tilespmem:s1+$0x14020]  }
0x777: {  	v4 =	vld [tilespmem:s1+$0x14030]  }
0x778: {  	v5 =	vld [tilespmem:s1+$0x14040]  }
0x779: {  	v6 =	vld [tilespmem:s1+$0x14050]  }
0x77a: {  	[tilespmem:s1+$0xC070] =	vst.add.f32.msk $0xffff, v0  }
0x77b: {  	v0 =	vld [tilespmem:s1+$0x14060]  }
0x77c: {  	[tilespmem:s1+$0xC000] =	vst.add.f32.msk $0xffff, v1  }
0x77d: {  	[tilespmem:s1+$0xC010] =	vst.add.f32.msk $0xffff, v2  }
0x77e: {  	[tilespmem:s1+$0xC020] =	vst.add.f32.msk $0xffff, v3  }
0x77f: {  	[tilespmem:s1+$0xC030] =	vst.add.f32.msk $0xffff, v4  }
0x780: {  	[tilespmem:s1+$0xC040] =	vst.add.f32.msk $0xffff, v5  }
0x781: {  	s8 =	simm.s32 $0x0;
	s3 =	simm.s32 $0x1000;
	[tilespmem:s1+$0xC050] =	vst.add.f32.msk $0xffff, v6  }
.LBB2_115:
0x782: {  	s8 =	sadd.s32 $0x8, s8;
	[tilespmem:s1+$0xC060] =	vst.add.f32.msk $0xffff, v0;
	s1 =	sshra.s32 s3, $0x2  }
0x783: {  	v0 =	vld [tilespmem:s1+$0x14070];
	p1 =	slt.u32 s8, $0x78  }
0x784: {  	v1 =	vld [tilespmem:s1+$0x14000]  }
0x785: {  	v2 =	vld [tilespmem:s1+$0x14010]  }
0x786: {  	v3 =	vld [tilespmem:s1+$0x14020]  }
0x787: {  	v4 =	vld [tilespmem:s1+$0x14030]  }
0x788: {  	[tilespmem:s1+$0xC070] =	vst.add.f32.msk $0xffff, v0  }
0x789: {  	v5 =	vld [tilespmem:s1+$0x14040]  }
0x78a: {  	v6 =	vld [tilespmem:s1+$0x14050]  }
0x78b: {  	v0 =	vld [tilespmem:s1+$0x14060]  }
0x78c: {  	[tilespmem:s1+$0xC000] =	vst.add.f32.msk $0xffff, v1  }
.Ltmp58:
0x78d: {  	[tilespmem:s1+$0xC010] =	vst.add.f32.msk $0xffff, v2;
	(pc) =	sbr.rel @p1 .LBB2_115-.Ltmp58, $4  }
0x78e: {  	[tilespmem:s1+$0xC020] =	vst.add.f32.msk $0xffff, v3  }
0x78f: {  	[tilespmem:s1+$0xC030] =	vst.add.f32.msk $0xffff, v4  }
0x790: {  	[tilespmem:s1+$0xC040] =	vst.add.f32.msk $0xffff, v5  }
0x791: {  	s3 =	sadd.s32 $0x1000, s3;
	[tilespmem:s1+$0xC050] =	vst.add.f32.msk $0xffff, v6  }
0x792: {  	[tilespmem:s1+$0xC060] =	vst.add.f32.msk $0xffff, v0;
	s1 =	simm.s32 $0x0  }
0x793: {  	v0 =	vld [tilespmem:s1+$0x140F0]  }
0x794: {  	v1 =	vld [tilespmem:s1+$0x14080]  }
0x795: {  	v2 =	vld [tilespmem:s1+$0x14090]  }
0x796: {  	v3 =	vld [tilespmem:s1+$0x140A0]  }
0x797: {  	v4 =	vld [tilespmem:s1+$0x140B0]  }
0x798: {  	v5 =	vld [tilespmem:s1+$0x140C0]  }
0x799: {  	v6 =	vld [tilespmem:s1+$0x140D0]  }
0x79a: {  	[tilespmem:s1+$0xC0F0] =	vst.add.f32.msk $0xffff, v0  }
0x79b: {  	v0 =	vld [tilespmem:s1+$0x140E0]  }
0x79c: {  	[tilespmem:s1+$0xC080] =	vst.add.f32.msk $0xffff, v1  }
0x79d: {  	[tilespmem:s1+$0xC090] =	vst.add.f32.msk $0xffff, v2  }
0x79e: {  	[tilespmem:s1+$0xC0A0] =	vst.add.f32.msk $0xffff, v3  }
0x79f: {  	[tilespmem:s1+$0xC0B0] =	vst.add.f32.msk $0xffff, v4  }
0x7a0: {  	[tilespmem:s1+$0xC0C0] =	vst.add.f32.msk $0xffff, v5  }
0x7a1: {  	s8 =	simm.s32 $0x0;
	s3 =	simm.s32 $0x1000;
	[tilespmem:s1+$0xC0D0] =	vst.add.f32.msk $0xffff, v6  }
.LBB2_117:
0x7a2: {  	s8 =	sadd.s32 $0x8, s8;
	[tilespmem:s1+$0xC0E0] =	vst.add.f32.msk $0xffff, v0;
	s1 =	sshra.s32 s3, $0x2  }
0x7a3: {  	v0 =	vld [tilespmem:s1+$0x140F0];
	p1 =	slt.u32 s8, $0x78  }
0x7a4: {  	v1 =	vld [tilespmem:s1+$0x14080]  }
0x7a5: {  	v2 =	vld [tilespmem:s1+$0x14090]  }
0x7a6: {  	v3 =	vld [tilespmem:s1+$0x140A0]  }
0x7a7: {  	v4 =	vld [tilespmem:s1+$0x140B0]  }
0x7a8: {  	[tilespmem:s1+$0xC0F0] =	vst.add.f32.msk $0xffff, v0  }
0x7a9: {  	v5 =	vld [tilespmem:s1+$0x140C0]  }
0x7aa: {  	v6 =	vld [tilespmem:s1+$0x140D0]  }
0x7ab: {  	v0 =	vld [tilespmem:s1+$0x140E0]  }
0x7ac: {  	[tilespmem:s1+$0xC080] =	vst.add.f32.msk $0xffff, v1  }
.Ltmp59:
0x7ad: {  	[tilespmem:s1+$0xC090] =	vst.add.f32.msk $0xffff, v2;
	(pc) =	sbr.rel @p1 .LBB2_117-.Ltmp59, $4  }
0x7ae: {  	[tilespmem:s1+$0xC0A0] =	vst.add.f32.msk $0xffff, v3  }
0x7af: {  	[tilespmem:s1+$0xC0B0] =	vst.add.f32.msk $0xffff, v4  }
0x7b0: {  	[tilespmem:s1+$0xC0C0] =	vst.add.f32.msk $0xffff, v5  }
0x7b1: {  	s3 =	sadd.s32 $0x1000, s3;
	[tilespmem:s1+$0xC0D0] =	vst.add.f32.msk $0xffff, v6  }
0x7b2: {  	[tilespmem:s1+$0xC0E0] =	vst.add.f32.msk $0xffff, v0;
	s1 =	simm.s32 $0x0  }
0x7b3: {  	v0 =	vld [tilespmem:s1+$0x14170]  }
0x7b4: {  	v1 =	vld [tilespmem:s1+$0x14100]  }
0x7b5: {  	v2 =	vld [tilespmem:s1+$0x14110]  }
0x7b6: {  	v3 =	vld [tilespmem:s1+$0x14120]  }
0x7b7: {  	v4 =	vld [tilespmem:s1+$0x14130]  }
0x7b8: {  	v5 =	vld [tilespmem:s1+$0x14140]  }
0x7b9: {  	v6 =	vld [tilespmem:s1+$0x14150]  }
0x7ba: {  	[tilespmem:s1+$0xC170] =	vst.add.f32.msk $0xffff, v0  }
0x7bb: {  	v0 =	vld [tilespmem:s1+$0x14160]  }
0x7bc: {  	[tilespmem:s1+$0xC100] =	vst.add.f32.msk $0xffff, v1  }
0x7bd: {  	[tilespmem:s1+$0xC110] =	vst.add.f32.msk $0xffff, v2  }
0x7be: {  	[tilespmem:s1+$0xC120] =	vst.add.f32.msk $0xffff, v3  }
0x7bf: {  	[tilespmem:s1+$0xC130] =	vst.add.f32.msk $0xffff, v4  }
0x7c0: {  	[tilespmem:s1+$0xC140] =	vst.add.f32.msk $0xffff, v5  }
0x7c1: {  	s8 =	simm.s32 $0x0;
	s3 =	simm.s32 $0x1000;
	[tilespmem:s1+$0xC150] =	vst.add.f32.msk $0xffff, v6  }
.LBB2_119:
0x7c2: {  	s8 =	sadd.s32 $0x8, s8;
	[tilespmem:s1+$0xC160] =	vst.add.f32.msk $0xffff, v0;
	s1 =	sshra.s32 s3, $0x2  }
0x7c3: {  	v0 =	vld [tilespmem:s1+$0x14170];
	p1 =	slt.u32 s8, $0x78  }
0x7c4: {  	v1 =	vld [tilespmem:s1+$0x14100]  }
0x7c5: {  	v2 =	vld [tilespmem:s1+$0x14110]  }
0x7c6: {  	v3 =	vld [tilespmem:s1+$0x14120]  }
0x7c7: {  	v4 =	vld [tilespmem:s1+$0x14130]  }
0x7c8: {  	[tilespmem:s1+$0xC170] =	vst.add.f32.msk $0xffff, v0  }
0x7c9: {  	v5 =	vld [tilespmem:s1+$0x14140]  }
0x7ca: {  	v6 =	vld [tilespmem:s1+$0x14150]  }
0x7cb: {  	v0 =	vld [tilespmem:s1+$0x14160]  }
0x7cc: {  	[tilespmem:s1+$0xC100] =	vst.add.f32.msk $0xffff, v1  }
.Ltmp60:
0x7cd: {  	[tilespmem:s1+$0xC110] =	vst.add.f32.msk $0xffff, v2;
	(pc) =	sbr.rel @p1 .LBB2_119-.Ltmp60, $4  }
0x7ce: {  	[tilespmem:s1+$0xC120] =	vst.add.f32.msk $0xffff, v3  }
0x7cf: {  	[tilespmem:s1+$0xC130] =	vst.add.f32.msk $0xffff, v4  }
0x7d0: {  	[tilespmem:s1+$0xC140] =	vst.add.f32.msk $0xffff, v5  }
0x7d1: {  	s3 =	sadd.s32 $0x1000, s3;
	[tilespmem:s1+$0xC150] =	vst.add.f32.msk $0xffff, v6  }
0x7d2: {  	[tilespmem:s1+$0xC160] =	vst.add.f32.msk $0xffff, v0;
	s1 =	simm.s32 $0x0  }
0x7d3: {  	v0 =	vld [tilespmem:s1+$0x141F0]  }
0x7d4: {  	v1 =	vld [tilespmem:s1+$0x14180]  }
0x7d5: {  	v2 =	vld [tilespmem:s1+$0x14190]  }
0x7d6: {  	v3 =	vld [tilespmem:s1+$0x141A0]  }
0x7d7: {  	v4 =	vld [tilespmem:s1+$0x141B0]  }
0x7d8: {  	v5 =	vld [tilespmem:s1+$0x141C0]  }
0x7d9: {  	v6 =	vld [tilespmem:s1+$0x141D0]  }
0x7da: {  	[tilespmem:s1+$0xC1F0] =	vst.add.f32.msk $0xffff, v0  }
0x7db: {  	v0 =	vld [tilespmem:s1+$0x141E0]  }
0x7dc: {  	[tilespmem:s1+$0xC180] =	vst.add.f32.msk $0xffff, v1  }
0x7dd: {  	[tilespmem:s1+$0xC190] =	vst.add.f32.msk $0xffff, v2  }
0x7de: {  	[tilespmem:s1+$0xC1A0] =	vst.add.f32.msk $0xffff, v3  }
0x7df: {  	[tilespmem:s1+$0xC1B0] =	vst.add.f32.msk $0xffff, v4  }
0x7e0: {  	[tilespmem:s1+$0xC1C0] =	vst.add.f32.msk $0xffff, v5  }
0x7e1: {  	s8 =	simm.s32 $0x0;
	s3 =	simm.s32 $0x1000;
	[tilespmem:s1+$0xC1D0] =	vst.add.f32.msk $0xffff, v6  }
.LBB2_121:
0x7e2: {  	s8 =	sadd.s32 $0x8, s8;
	[tilespmem:s1+$0xC1E0] =	vst.add.f32.msk $0xffff, v0;
	s1 =	sshra.s32 s3, $0x2  }
0x7e3: {  	v0 =	vld [tilespmem:s1+$0x141F0];
	p1 =	slt.u32 s8, $0x78  }
0x7e4: {  	v1 =	vld [tilespmem:s1+$0x14180]  }
0x7e5: {  	v2 =	vld [tilespmem:s1+$0x14190]  }
0x7e6: {  	v3 =	vld [tilespmem:s1+$0x141A0]  }
0x7e7: {  	v4 =	vld [tilespmem:s1+$0x141B0]  }
0x7e8: {  	[tilespmem:s1+$0xC1F0] =	vst.add.f32.msk $0xffff, v0  }
0x7e9: {  	v5 =	vld [tilespmem:s1+$0x141C0]  }
0x7ea: {  	v6 =	vld [tilespmem:s1+$0x141D0]  }
0x7eb: {  	v0 =	vld [tilespmem:s1+$0x141E0]  }
0x7ec: {  	[tilespmem:s1+$0xC180] =	vst.add.f32.msk $0xffff, v1  }
.Ltmp61:
0x7ed: {  	[tilespmem:s1+$0xC190] =	vst.add.f32.msk $0xffff, v2;
	(pc) =	sbr.rel @p1 .LBB2_121-.Ltmp61, $4  }
0x7ee: {  	[tilespmem:s1+$0xC1A0] =	vst.add.f32.msk $0xffff, v3  }
0x7ef: {  	[tilespmem:s1+$0xC1B0] =	vst.add.f32.msk $0xffff, v4  }
0x7f0: {  	[tilespmem:s1+$0xC1C0] =	vst.add.f32.msk $0xffff, v5  }
0x7f1: {  	s3 =	sadd.s32 $0x1000, s3;
	[tilespmem:s1+$0xC1D0] =	vst.add.f32.msk $0xffff, v6  }
0x7f2: {  	[tilespmem:s1+$0xC1E0] =	vst.add.f32.msk $0xffff, v0;
	s1 =	simm.s32 $0x0  }
0x7f3: {  	v0 =	vld [tilespmem:s1+$0x14270]  }
0x7f4: {  	v1 =	vld [tilespmem:s1+$0x14200]  }
0x7f5: {  	v2 =	vld [tilespmem:s1+$0x14210]  }
0x7f6: {  	v3 =	vld [tilespmem:s1+$0x14220]  }
0x7f7: {  	v4 =	vld [tilespmem:s1+$0x14230]  }
0x7f8: {  	v5 =	vld [tilespmem:s1+$0x14240]  }
0x7f9: {  	v6 =	vld [tilespmem:s1+$0x14250]  }
0x7fa: {  	[tilespmem:s1+$0xC270] =	vst.add.f32.msk $0xffff, v0  }
0x7fb: {  	v0 =	vld [tilespmem:s1+$0x14260]  }
0x7fc: {  	[tilespmem:s1+$0xC200] =	vst.add.f32.msk $0xffff, v1  }
0x7fd: {  	[tilespmem:s1+$0xC210] =	vst.add.f32.msk $0xffff, v2  }
0x7fe: {  	[tilespmem:s1+$0xC220] =	vst.add.f32.msk $0xffff, v3  }
0x7ff: {  	[tilespmem:s1+$0xC230] =	vst.add.f32.msk $0xffff, v4  }
0x800: {  	[tilespmem:s1+$0xC240] =	vst.add.f32.msk $0xffff, v5  }
0x801: {  	s8 =	simm.s32 $0x0;
	s3 =	simm.s32 $0x1000;
	[tilespmem:s1+$0xC250] =	vst.add.f32.msk $0xffff, v6  }
.LBB2_123:
0x802: {  	s8 =	sadd.s32 $0x8, s8;
	[tilespmem:s1+$0xC260] =	vst.add.f32.msk $0xffff, v0;
	s1 =	sshra.s32 s3, $0x2  }
0x803: {  	v0 =	vld [tilespmem:s1+$0x14270];
	p1 =	slt.u32 s8, $0x78  }
0x804: {  	v1 =	vld [tilespmem:s1+$0x14200]  }
0x805: {  	v2 =	vld [tilespmem:s1+$0x14210]  }
0x806: {  	v3 =	vld [tilespmem:s1+$0x14220]  }
0x807: {  	v4 =	vld [tilespmem:s1+$0x14230]  }
0x808: {  	[tilespmem:s1+$0xC270] =	vst.add.f32.msk $0xffff, v0  }
0x809: {  	v5 =	vld [tilespmem:s1+$0x14240]  }
0x80a: {  	v6 =	vld [tilespmem:s1+$0x14250]  }
0x80b: {  	v0 =	vld [tilespmem:s1+$0x14260]  }
0x80c: {  	[tilespmem:s1+$0xC200] =	vst.add.f32.msk $0xffff, v1  }
.Ltmp62:
0x80d: {  	[tilespmem:s1+$0xC210] =	vst.add.f32.msk $0xffff, v2;
	(pc) =	sbr.rel @p1 .LBB2_123-.Ltmp62, $4  }
0x80e: {  	[tilespmem:s1+$0xC220] =	vst.add.f32.msk $0xffff, v3  }
0x80f: {  	[tilespmem:s1+$0xC230] =	vst.add.f32.msk $0xffff, v4  }
0x810: {  	[tilespmem:s1+$0xC240] =	vst.add.f32.msk $0xffff, v5  }
0x811: {  	s3 =	sadd.s32 $0x1000, s3;
	[tilespmem:s1+$0xC250] =	vst.add.f32.msk $0xffff, v6  }
0x812: {  	[tilespmem:s1+$0xC260] =	vst.add.f32.msk $0xffff, v0;
	s1 =	simm.s32 $0x0  }
0x813: {  	v0 =	vld [tilespmem:s1+$0x142F0]  }
0x814: {  	v1 =	vld [tilespmem:s1+$0x14280]  }
0x815: {  	v2 =	vld [tilespmem:s1+$0x14290]  }
0x816: {  	v3 =	vld [tilespmem:s1+$0x142A0]  }
0x817: {  	v4 =	vld [tilespmem:s1+$0x142B0]  }
0x818: {  	v5 =	vld [tilespmem:s1+$0x142C0]  }
0x819: {  	v6 =	vld [tilespmem:s1+$0x142D0]  }
0x81a: {  	[tilespmem:s1+$0xC2F0] =	vst.add.f32.msk $0xffff, v0  }
0x81b: {  	v0 =	vld [tilespmem:s1+$0x142E0]  }
0x81c: {  	[tilespmem:s1+$0xC280] =	vst.add.f32.msk $0xffff, v1  }
0x81d: {  	[tilespmem:s1+$0xC290] =	vst.add.f32.msk $0xffff, v2  }
0x81e: {  	[tilespmem:s1+$0xC2A0] =	vst.add.f32.msk $0xffff, v3  }
0x81f: {  	[tilespmem:s1+$0xC2B0] =	vst.add.f32.msk $0xffff, v4  }
0x820: {  	[tilespmem:s1+$0xC2C0] =	vst.add.f32.msk $0xffff, v5  }
0x821: {  	s8 =	simm.s32 $0x0;
	s3 =	simm.s32 $0x1000;
	[tilespmem:s1+$0xC2D0] =	vst.add.f32.msk $0xffff, v6  }
.LBB2_125:
0x822: {  	s8 =	sadd.s32 $0x8, s8;
	[tilespmem:s1+$0xC2E0] =	vst.add.f32.msk $0xffff, v0;
	s1 =	sshra.s32 s3, $0x2  }
0x823: {  	v0 =	vld [tilespmem:s1+$0x142F0];
	p1 =	slt.u32 s8, $0x78  }
0x824: {  	v1 =	vld [tilespmem:s1+$0x14280]  }
0x825: {  	v2 =	vld [tilespmem:s1+$0x14290]  }
0x826: {  	v3 =	vld [tilespmem:s1+$0x142A0]  }
0x827: {  	v4 =	vld [tilespmem:s1+$0x142B0]  }
0x828: {  	[tilespmem:s1+$0xC2F0] =	vst.add.f32.msk $0xffff, v0  }
0x829: {  	v5 =	vld [tilespmem:s1+$0x142C0]  }
0x82a: {  	v6 =	vld [tilespmem:s1+$0x142D0]  }
0x82b: {  	v0 =	vld [tilespmem:s1+$0x142E0]  }
0x82c: {  	[tilespmem:s1+$0xC280] =	vst.add.f32.msk $0xffff, v1  }
.Ltmp63:
0x82d: {  	[tilespmem:s1+$0xC290] =	vst.add.f32.msk $0xffff, v2;
	(pc) =	sbr.rel @p1 .LBB2_125-.Ltmp63, $4  }
0x82e: {  	[tilespmem:s1+$0xC2A0] =	vst.add.f32.msk $0xffff, v3  }
0x82f: {  	[tilespmem:s1+$0xC2B0] =	vst.add.f32.msk $0xffff, v4  }
0x830: {  	[tilespmem:s1+$0xC2C0] =	vst.add.f32.msk $0xffff, v5  }
0x831: {  	s3 =	sadd.s32 $0x1000, s3;
	[tilespmem:s1+$0xC2D0] =	vst.add.f32.msk $0xffff, v6  }
0x832: {  	[tilespmem:s1+$0xC2E0] =	vst.add.f32.msk $0xffff, v0;
	s1 =	simm.s32 $0x0  }
0x833: {  	v0 =	vld [tilespmem:s1+$0x14370]  }
0x834: {  	v1 =	vld [tilespmem:s1+$0x14300]  }
0x835: {  	v2 =	vld [tilespmem:s1+$0x14310]  }
0x836: {  	v3 =	vld [tilespmem:s1+$0x14320]  }
0x837: {  	v4 =	vld [tilespmem:s1+$0x14330]  }
0x838: {  	v5 =	vld [tilespmem:s1+$0x14340]  }
0x839: {  	v6 =	vld [tilespmem:s1+$0x14350]  }
0x83a: {  	[tilespmem:s1+$0xC370] =	vst.add.f32.msk $0xffff, v0  }
0x83b: {  	v0 =	vld [tilespmem:s1+$0x14360]  }
0x83c: {  	[tilespmem:s1+$0xC300] =	vst.add.f32.msk $0xffff, v1  }
0x83d: {  	[tilespmem:s1+$0xC310] =	vst.add.f32.msk $0xffff, v2  }
0x83e: {  	[tilespmem:s1+$0xC320] =	vst.add.f32.msk $0xffff, v3  }
0x83f: {  	[tilespmem:s1+$0xC330] =	vst.add.f32.msk $0xffff, v4  }
0x840: {  	[tilespmem:s1+$0xC340] =	vst.add.f32.msk $0xffff, v5  }
0x841: {  	s8 =	simm.s32 $0x0;
	s3 =	simm.s32 $0x1000;
	[tilespmem:s1+$0xC350] =	vst.add.f32.msk $0xffff, v6  }
.LBB2_127:
0x842: {  	s8 =	sadd.s32 $0x8, s8;
	[tilespmem:s1+$0xC360] =	vst.add.f32.msk $0xffff, v0;
	s1 =	sshra.s32 s3, $0x2  }
0x843: {  	v0 =	vld [tilespmem:s1+$0x14370];
	p1 =	slt.u32 s8, $0x78  }
0x844: {  	v1 =	vld [tilespmem:s1+$0x14300]  }
0x845: {  	v2 =	vld [tilespmem:s1+$0x14310]  }
0x846: {  	v3 =	vld [tilespmem:s1+$0x14320]  }
0x847: {  	v4 =	vld [tilespmem:s1+$0x14330]  }
0x848: {  	[tilespmem:s1+$0xC370] =	vst.add.f32.msk $0xffff, v0  }
0x849: {  	v5 =	vld [tilespmem:s1+$0x14340]  }
0x84a: {  	v6 =	vld [tilespmem:s1+$0x14350]  }
0x84b: {  	v0 =	vld [tilespmem:s1+$0x14360]  }
0x84c: {  	[tilespmem:s1+$0xC300] =	vst.add.f32.msk $0xffff, v1  }
.Ltmp64:
0x84d: {  	[tilespmem:s1+$0xC310] =	vst.add.f32.msk $0xffff, v2;
	(pc) =	sbr.rel @p1 .LBB2_127-.Ltmp64, $4  }
0x84e: {  	[tilespmem:s1+$0xC320] =	vst.add.f32.msk $0xffff, v3  }
0x84f: {  	[tilespmem:s1+$0xC330] =	vst.add.f32.msk $0xffff, v4  }
0x850: {  	[tilespmem:s1+$0xC340] =	vst.add.f32.msk $0xffff, v5  }
0x851: {  	s3 =	sadd.s32 $0x1000, s3;
	[tilespmem:s1+$0xC350] =	vst.add.f32.msk $0xffff, v6  }
0x852: {  	[tilespmem:s1+$0xC360] =	vst.add.f32.msk $0xffff, v0;
	s1 =	simm.s32 $0x0  }
0x853: {  	v0 =	vld [tilespmem:s1+$0x143F0]  }
0x854: {  	v1 =	vld [tilespmem:s1+$0x14380]  }
0x855: {  	v2 =	vld [tilespmem:s1+$0x14390]  }
0x856: {  	v3 =	vld [tilespmem:s1+$0x143A0]  }
0x857: {  	v4 =	vld [tilespmem:s1+$0x143B0]  }
0x858: {  	v5 =	vld [tilespmem:s1+$0x143C0]  }
0x859: {  	v6 =	vld [tilespmem:s1+$0x143D0]  }
0x85a: {  	[tilespmem:s1+$0xC3F0] =	vst.add.f32.msk $0xffff, v0  }
0x85b: {  	v0 =	vld [tilespmem:s1+$0x143E0]  }
0x85c: {  	[tilespmem:s1+$0xC380] =	vst.add.f32.msk $0xffff, v1  }
0x85d: {  	[tilespmem:s1+$0xC390] =	vst.add.f32.msk $0xffff, v2  }
0x85e: {  	[tilespmem:s1+$0xC3A0] =	vst.add.f32.msk $0xffff, v3  }
0x85f: {  	[tilespmem:s1+$0xC3B0] =	vst.add.f32.msk $0xffff, v4  }
0x860: {  	[tilespmem:s1+$0xC3C0] =	vst.add.f32.msk $0xffff, v5  }
0x861: {  	s8 =	simm.s32 $0x0;
	s3 =	simm.s32 $0x1000;
	[tilespmem:s1+$0xC3D0] =	vst.add.f32.msk $0xffff, v6  }
.LBB2_129:
0x862: {  	s8 =	sadd.s32 $0x8, s8;
	[tilespmem:s1+$0xC3E0] =	vst.add.f32.msk $0xffff, v0;
	s1 =	sshra.s32 s3, $0x2  }
0x863: {  	v0 =	vld [tilespmem:s1+$0x143F0];
	p1 =	slt.u32 s8, $0x78  }
0x864: {  	v1 =	vld [tilespmem:s1+$0x14380]  }
0x865: {  	v2 =	vld [tilespmem:s1+$0x14390]  }
0x866: {  	v3 =	vld [tilespmem:s1+$0x143A0]  }
0x867: {  	v4 =	vld [tilespmem:s1+$0x143B0]  }
0x868: {  	[tilespmem:s1+$0xC3F0] =	vst.add.f32.msk $0xffff, v0  }
0x869: {  	v5 =	vld [tilespmem:s1+$0x143C0]  }
0x86a: {  	v6 =	vld [tilespmem:s1+$0x143D0]  }
0x86b: {  	v0 =	vld [tilespmem:s1+$0x143E0]  }
0x86c: {  	[tilespmem:s1+$0xC380] =	vst.add.f32.msk $0xffff, v1  }
.Ltmp65:
0x86d: {  	[tilespmem:s1+$0xC390] =	vst.add.f32.msk $0xffff, v2;
	(pc) =	sbr.rel @p1 .LBB2_129-.Ltmp65, $4  }
0x86e: {  	[tilespmem:s1+$0xC3A0] =	vst.add.f32.msk $0xffff, v3  }
0x86f: {  	[tilespmem:s1+$0xC3B0] =	vst.add.f32.msk $0xffff, v4  }
0x870: {  	[tilespmem:s1+$0xC3C0] =	vst.add.f32.msk $0xffff, v5  }
0x871: {  	s3 =	sadd.s32 $0x1000, s3;
	[tilespmem:s1+$0xC3D0] =	vst.add.f32.msk $0xffff, v6  }
.Ltmp66:
0x872: {  	(pc) =	sbr.rel @p0 .LBB2_132-.Ltmp66, $3  }
0x873: {  	_ =	sdelay $0x1  }
0x874: {  	[tilespmem:s1+$0xC3E0] =	vst.add.f32.msk $0xffff, v0;
	s18 =	sadd.s32 s4, s12  }
0x875: {  	[hbm4b:s18+s5] =	stream.linear.scatter [tilespmem:s24], [sflag:$0x8], $0x4000, $0x38;
	[tilespmem:$0x18000] =	vst v63  }
.Ltmp67:
0x876: {  	s1 =	rddreg [dreg:$0x8];
	(pc) =	sbr.rel .LBB2_2-.Ltmp67, $4  }
0x877: {  	s1 =	sadd.s32 s9, s1  }
0x878: {  	s3 =	rddreg [dreg:$0x1];
	s1 =	sshll.u32 s1, $0x8  }
0x879: {  	s18 =	simm.s32 $0x14000;
	s17 =	sadd.s32 $0x1, s17;
	s1 =	sadd.s32 s3, s1  }
0x87a: {  	[tilespmem:s18], [sflag:$0xA] =	stream.linear.gather [hbm4b:s1+s5], $0x4000, $0x38;
	[tilespmem:$0x18000] =	vst v63  }
.LBB2_133:
0x87b: {  	_ =	sfence.sel $0x180000  }
0x87c: {  	[bflag:$0x0] =	sbarrier.arrive $0xFFFF  }
0x87d: {  	_ =	strace $0x90000047  }
0x87e: {  	s0 =	stileid.u32;
	[bflag:$0x2] =	sbarrier.arrive $0xFFFF  }
0x87f: {  	p0 =	sne.s32 s0, $0x0;
	s0 =	rddreg [dreg:$0x3]  }
0x880: {  	s0 =	sadd.s32 @!p0 $0x100000, s0  }
0x881: {  	[sflag:s0] =	ssyncadd.tile.s32 @!p0 $0x1;
	_ =	shalt  }
.Lfunc_end2:
_tile_overlayer_lowered:
.L_overlay_start_2:
0x882: {  	(tag) =	ssettag $0x2  }
0x883: {  	s0 =	rddreg [dreg:$0x0];
	s2 =	stileid.u32  }
0x884: {  	s1 =	rddreg [dreg:$0x1];
	p0 =	sne.s32 s2, $0x0  }
0x885: {  	s3 =	rddreg [dreg:$0x2];
	[bflag:$0x3] =	sbarrier.arrive $0xFFFF;
	s2 =	simm.s32 @!p0 $0x1C0B  }
0x886: {  	[timem:s3], [sflag:s2] =	dma.local @!p0 [hbm:s0], s1  }
0x887: {  	s0 =	simm.s32 @!p0 $0xB  }
0x888: {  	_ =	swait.ge @!p0 [sflag:s0], s1  }
0x889: {  	s1 =	ssub.s32 @!p0 $0x0, s1;
	[sflag:s0] =	ssyncset.done @!p0 $0x0  }
0x88a: {  	[sflag:s0] =	ssyncadd.s32 @!p0 s1  }
0x88b: {  	[bflag:$0x3] =	sbarrier.arrive $0xFFFF  }
0x88c: {  	_ =	shalt  }

</sc_bundles>
